<compile_context>
chip_gen: v7x
topology: tpu7x:2x2x1
jax: 0.10.2.dev20260603
libtpu: 0.0.44.dev20260713+nightly
codegen_flags: <defaults>
</compile_context>

<pallas_src>
import functools

import jax
import jax.numpy as jnp
from jax import lax
from jax.experimental import pallas as pl
from jax.experimental.pallas import tpu as pltpu
from jax.experimental.pallas import tpu_sc as plsc

N = 10000
E = 320000
D = 128
DE = 16
H = 256
EPS = 1e-5

NC = 2
NS = 16
NW = NC * NS
EPW = E // NW
BLK = 80
NBLK = EPW // BLK
BLK2 = 80
NBLK2 = EPW // BLK2
RPS = 624

_HI = lax.Precision.HIGHEST
_F = jnp.float32


def _dot(a, b):
    return jnp.dot(a, b, preferred_element_type=_F, precision=_HI)



_BN_ROWS = 2000

def _node_mm_body(x_ref, w1_ref, w2_ref, o1_ref, o2_ref):
    x = x_ref[...]
    o1_ref[...] = _dot(x, w1_ref[...])
    o2_ref[...] = _dot(x, w2_ref[...])


def _node_mm(x, w1, w2):
    return pl.pallas_call(
        _node_mm_body,
        grid=(N // _BN_ROWS,),
        in_specs=[
            pl.BlockSpec((_BN_ROWS, D), lambda i: (i, 0)),
            pl.BlockSpec((D, D), lambda i: (0, 0)),
            pl.BlockSpec((D, D), lambda i: (0, 0)),
        ],
        out_specs=(pl.BlockSpec((_BN_ROWS, D), lambda i: (i, 0)),
                   pl.BlockSpec((_BN_ROWS, D), lambda i: (i, 0))),
        out_shape=(jax.ShapeDtypeStruct((N, D), _F),
                   jax.ShapeDtypeStruct((N, D), _F)),
    )(x, w1, w2)



_BE = 6400

def _edge_mm_body(er_ref, eat_ref, w3_ref, we_ref, o_ref):
    ea_part = lax.dot_general(eat_ref[...], we_ref[...],
                              (((0,), (0,)), ((), ())),
                              preferred_element_type=_F,
                              precision=lax.Precision.DEFAULT)
    ed = jnp.dot(er_ref[...], w3_ref[...], preferred_element_type=_F,
                 precision=lax.Precision.DEFAULT) + ea_part
    edp = ed.reshape(_BE // 2, 2, D)
    lo = lax.bitcast_convert_type(edp[:, 0, :].astype(jnp.bfloat16), jnp.uint16)
    hi = lax.bitcast_convert_type(edp[:, 1, :].astype(jnp.bfloat16), jnp.uint16)
    o_ref[...] = lo.astype(jnp.int32) | (hi.astype(jnp.int32) << 16)


def _edge_mm(edge_rep, edge_attr_t, w3, we):
    return pl.pallas_call(
        _edge_mm_body,
        grid=(E // _BE,),
        in_specs=[
            pl.BlockSpec((_BE, D), lambda i: (i, 0)),
            pl.BlockSpec((DE, _BE), lambda i: (0, i)),
            pl.BlockSpec((D, D), lambda i: (0, 0)),
            pl.BlockSpec((DE, D), lambda i: (0, 0)),
        ],
        out_specs=pl.BlockSpec((_BE // 2, D), lambda i: (i, 0)),
        out_shape=jax.ShapeDtypeStruct((E // 2, D), jnp.int32),
    )(edge_rep, edge_attr_t, w3, we)



_mesh = plsc.VectorSubcoreMesh(core_axis_name="c", subcore_axis_name="s")


def _bf16_unpack2(w):
    f0 = lax.bitcast_convert_type(w << 16, _F)
    f1 = lax.bitcast_convert_type(w & jnp.int32(-65536), _F)
    return f0, f1


@functools.partial(
    pl.kernel,
    mesh=_mesh,
    out_type=(jax.ShapeDtypeStruct((E, D), _F),
              jax.ShapeDtypeStruct((NW, 2, D), _F)),
    scratch_types=[
        (pltpu.VMEM((BLK,), jnp.int32),) * 2,
        (pltpu.VMEM((BLK,), jnp.int32),) * 2,
        (pltpu.VMEM((BLK, D), _F),) * 2,
        (pltpu.VMEM((BLK, D), _F),) * 2,
        (pltpu.VMEM((BLK // 2, D), jnp.int32),) * 2,
        pltpu.VMEM((2, D), _F),
        (pltpu.SemaphoreType.DMA,) * 2,
        (pltpu.SemaphoreType.DMA,) * 2,
        (pltpu.SemaphoreType.DMA,) * 2,
    ],
)
def _sc_pass1(xw1, xw2, edense, src_hbm, dst_hbm, msg_out, acc_out,
              src_v, dst_v, g1_v, g2_v, ed_v, st_v, sem_i, sem_g, sem_o):
    c = lax.axis_index("c")
    s = lax.axis_index("s")
    wid = s * NC + c
    base = wid * EPW

    def idx_copies(j, b):
        off = base + j * BLK
        return (pltpu.make_async_copy(src_hbm.at[pl.ds(off, BLK)], src_v[b], sem_i[b]),
                pltpu.make_async_copy(dst_hbm.at[pl.ds(off, BLK)], dst_v[b], sem_i[b]))

    def gat_copies(j, b):
        offp = wid * (EPW // 2) + j * (BLK // 2)
        return (pltpu.make_async_copy(xw1.at[src_v[b]], g1_v[b], sem_g[b]),
                pltpu.make_async_copy(xw2.at[dst_v[b]], g2_v[b], sem_g[b]),
                pltpu.make_async_copy(edense.at[pl.ds(offp, BLK // 2)], ed_v[b], sem_g[b]))

    def out_copy(j, b):
        off = base + j * BLK
        return pltpu.make_async_copy(g1_v[b], msg_out.at[pl.ds(off, BLK)], sem_o[b])

    for cp in idx_copies(0, 0) + idx_copies(1, 1):
        cp.start()
    for cp in idx_copies(0, 0):
        cp.wait()
    for cp in gat_copies(0, 0):
        cp.start()

    def step(j, b, carry):
        q = 1 - b
        for cp in gat_copies(j, b):
            cp.wait()

        @pl.when(j + 1 < NBLK)
        def _launch_next():
            for cp in idx_copies(j + 1, q):
                cp.wait()

            @pl.when(j >= 1)
            def _drain_prev_out():
                out_copy(j - 1, q).wait()

            for cp in gat_copies(j + 1, q):
                cp.start()

        @pl.when(j + 2 < NBLK)
        def _prefetch_idx():
            for cp in idx_copies(j + 2, b):
                cp.start()

        def rowpair(t, acc):
            r0 = 2 * t
            r1 = r0 + 1
            new = list(acc)
            for f in range(8):
                sl = pl.ds(f * 16, 16)
                e0, e1 = _bf16_unpack2(ed_v[b][t, sl])
                v0 = g1_v[b][r0, sl] + g2_v[b][r0, sl] + e0
                v1 = g1_v[b][r1, sl] + g2_v[b][r1, sl] + e1
                g1_v[b][r0, sl] = v0
                g1_v[b][r1, sl] = v1
                new[f] = acc[f] + (v0 + v1)
                new[8 + f] = acc[8 + f] + (v0 * v0 + v1 * v1)
            return tuple(new)

        carry = lax.fori_loop(0, BLK // 2, rowpair, carry)
        out_copy(j, b).start()
        return carry

    def pair(io, carry):
        carry = step(2 * io, 0, carry)
        return step(2 * io + 1, 1, carry)

    zero = jnp.zeros((16,), _F)
    acc = lax.fori_loop(0, NBLK // 2, pair, tuple(zero for _ in range(16)))
    acc = step(NBLK - 1, 0, acc)
    out_copy(NBLK - 2, 1).wait()
    out_copy(NBLK - 1, 0).wait()
    for f in range(8):
        st_v[0, pl.ds(f * 16, 16)] = acc[f]
        st_v[1, pl.ds(f * 16, 16)] = acc[8 + f]
    pltpu.sync_copy(st_v, acc_out.at[wid])



@functools.partial(
    pl.kernel,
    mesh=_mesh,
    out_type=jax.ShapeDtypeStruct((NC, N, D), _F),
    scratch_types=[
        (pltpu.VMEM((BLK2,), jnp.int32),) * 3,
        (pltpu.VMEM((BLK2, D), _F),) * 3,
        pltpu.VMEM((2, D), _F),
        pltpu.VMEM((104, D), _F),
        pltpu.VMEM_SHARED((N, D), _F),
        (pltpu.SemaphoreType.DMA,) * 3,
        (pltpu.SemaphoreType.DMA,) * 3,
    ],
)
def _sc_pass2(msg_hbm, dst_hbm, ab_hbm, y_out,
              idx_v, m_v, ab_v, z_v, ysh, sem_i, sem_s):
    c = lax.axis_index("c")
    s = lax.axis_index("s")
    wid = s * NC + c
    base = wid * EPW

    pltpu.sync_copy(ab_hbm, ab_v)
    a = [ab_v[0, pl.ds(f * 16, 16)] for f in range(8)]
    b = [ab_v[1, pl.ds(f * 16, 16)] for f in range(8)]

    zero = jnp.zeros((16,), _F)

    def zrow(r, _):
        for f in range(8):
            z_v[r, pl.ds(f * 16, 16)] = zero
        return 0

    lax.fori_loop(0, 104, zrow, 0)

    def zchunk(k, _):
        pltpu.sync_copy(z_v, ysh.at[pl.ds(s * RPS + k * 104, 104)])
        return 0

    lax.fori_loop(0, RPS // 104, zchunk, 0)

    @pl.when(s == NS - 1)
    def _zero_tail():
        pltpu.sync_copy(z_v.at[pl.ds(0, 16)], ysh.at[pl.ds(NS * RPS, 16)])

    plsc.subcore_barrier()

    def in_copies(j, p):
        off = base + j * BLK2
        return (pltpu.make_async_copy(dst_hbm.at[pl.ds(off, BLK2)], idx_v[p], sem_i[p]),
                pltpu.make_async_copy(msg_hbm.at[pl.ds(off, BLK2)], m_v[p], sem_i[p]))

    def sc_copy(p):
        return pltpu.async_copy(m_v[p], ysh.at[idx_v[p]], sem_s[p], add=True)

    def sc_wait(p):
        pltpu.make_async_copy(m_v[p], ysh.at[idx_v[p]], sem_s[p]).wait()

    for cp in in_copies(0, 0) + in_copies(1, 1):
        cp.start()

    def step(j, p):
        for cp in in_copies(j, p):
            cp.wait()

        def row(r, _2):
            for f in range(8):
                sl = pl.ds(f * 16, 16)
                m_v[p][r, sl] = jnp.maximum(m_v[p][r, sl] * a[f] + b[f], 0.0)
            return 0

        lax.fori_loop(0, BLK2, row, 0)

        @pl.when(j >= 1)
        def _drain_prev_scatter():
            sc_wait((p + 2) % 3)

        @pl.when(j + 2 < NBLK2)
        def _prefetch_in():
            for cp in in_copies(j + 2, (p + 2) % 3):
                cp.start()

        sc_copy(p)

    def triple(io, _):
        step(3 * io, 0)
        step(3 * io + 1, 1)
        step(3 * io + 2, 2)
        return 0

    lax.fori_loop(0, NBLK2 // 3, triple, 0)
    step(NBLK2 - 2, 0)
    step(NBLK2 - 1, 1)
    sc_wait(1)
    plsc.subcore_barrier()
    pltpu.sync_copy(ysh.at[pl.ds(s * RPS, RPS)],
                    y_out.at[c, pl.ds(s * RPS, RPS)])

    @pl.when(s == NS - 1)
    def _out_tail():
        pltpu.sync_copy(ysh.at[pl.ds(NS * RPS, 16)],
                        y_out.at[c, pl.ds(NS * RPS, 16)])



_BR = 2000
_MG = N // _BR


def _stats(t):
    s0 = jnp.sum(t, axis=0, keepdims=True)
    s1 = jnp.sum(t * t, axis=0, keepdims=True)
    return jnp.concatenate([s0, s1], axis=0)


def _mlp_a_body(y2_ref, m1_ref, t1_ref, st_ref):
    y = y2_ref[0] + y2_ref[1]
    t = _dot(y, m1_ref[...])
    t1_ref[...] = t
    st_ref[0] = _stats(t)


def _mlp_a(y2, m1):
    return pl.pallas_call(
        _mlp_a_body,
        grid=(_MG,),
        in_specs=[
            pl.BlockSpec((NC, _BR, D), lambda i: (0, i, 0)),
            pl.BlockSpec((D, H), lambda i: (0, 0)),
        ],
        out_specs=(pl.BlockSpec((_BR, H), lambda i: (i, 0)),
                   pl.BlockSpec((1, 2, H), lambda i: (i, 0, 0))),
        out_shape=(jax.ShapeDtypeStruct((N, H), _F),
                   jax.ShapeDtypeStruct((_MG, 2, H), _F)),
    )(y2, m1)


def _mlp_b_body(t1_ref, a_ref, b_ref, m2_ref, t2_ref, st_ref):
    h = jnp.maximum(t1_ref[...] * a_ref[...] + b_ref[...], 0.0)
    t = _dot(h, m2_ref[...])
    t2_ref[...] = t
    st_ref[0] = _stats(t)


def _mlp_b(t1, a, b, m2):
    return pl.pallas_call(
        _mlp_b_body,
        grid=(_MG,),
        in_specs=[
            pl.BlockSpec((_BR, H), lambda i: (i, 0)),
            pl.BlockSpec((H,), lambda i: (0,)),
            pl.BlockSpec((H,), lambda i: (0,)),
            pl.BlockSpec((H, H), lambda i: (0, 0)),
        ],
        out_specs=(pl.BlockSpec((_BR, H), lambda i: (i, 0)),
                   pl.BlockSpec((1, 2, H), lambda i: (i, 0, 0))),
        out_shape=(jax.ShapeDtypeStruct((N, H), _F),
                   jax.ShapeDtypeStruct((_MG, 2, H), _F)),
    )(t1, a, b, m2)


def _mlp_c_body(t2_ref, a_ref, b_ref, m3_ref, bias_ref, o_ref):
    h = jnp.maximum(t2_ref[...] * a_ref[...] + b_ref[...], 0.0)
    o_ref[...] = _dot(h, m3_ref[...]) + bias_ref[...]


def _mlp_c(t2, a, b, m3, bias3):
    return pl.pallas_call(
        _mlp_c_body,
        grid=(_MG,),
        in_specs=[
            pl.BlockSpec((_BR, H), lambda i: (i, 0)),
            pl.BlockSpec((H,), lambda i: (0,)),
            pl.BlockSpec((H,), lambda i: (0,)),
            pl.BlockSpec((H, D), lambda i: (0, 0)),
            pl.BlockSpec((D,), lambda i: (0,)),
        ],
        out_specs=pl.BlockSpec((_BR, D), lambda i: (i, 0)),
        out_shape=jax.ShapeDtypeStruct((N, D), _F),
    )(t2, a, b, m3, bias3)



def _bn_ab(st, g, b, n):
    ssum = jnp.sum(st[:, 0, :], axis=0)
    ssq = jnp.sum(st[:, 1, :], axis=0)
    mean = ssum / n
    var = ssq / n - mean * mean
    scale = g * lax.rsqrt(var + EPS)
    return scale, b - mean * scale


def kernel(node_rep, edge_rep, edge_attr, edge_index, W1, W2, W3, We,
           bn_g, bn_b, M1, g1, b1, M2, g2, b2, M3, bias3):
    src = edge_index[0].astype(jnp.int32)
    dst = edge_index[1].astype(jnp.int32)

    xw1, xw2 = _node_mm(node_rep, W1, W2)
    edense = _edge_mm(edge_rep, edge_attr.T, W3, We)

    msgs, acc = _sc_pass1(xw1, xw2, edense, src, dst)

    scale, shift = _bn_ab(acc, bn_g, bn_b, E)
    ab = jnp.stack([scale, shift])

    y2 = _sc_pass2(msgs, dst, ab)

    t1, st1 = _mlp_a(y2, M1)
    a1, s1 = _bn_ab(st1, g1, b1, N)
    t2, st2 = _mlp_b(t1, a1, s1, M2)
    a2, s2 = _bn_ab(st2, g2, b2, N)
    return _mlp_c(t2, a2, s2, M3, bias3)

# --- scband reference (transcript-rebuilt; emitter-appended) ---
"""Pipeline reference for scband-conv-zero-12017318494892 (READ-ONLY COPY).

The authoritative reference and input builder live on the scoring server;
editing this copy changes nothing except your own understanding.
"""

import jax, jax.numpy as jnp
import numpy as np

N = 10000
E = 320000
D = 128
DE = 16
H = 256  # mlp hidden = 2*out


def _bn(x, gamma, beta, eps=1e-5):
    mean = jnp.mean(x, axis=0)
    var = jnp.var(x, axis=0)
    return (x - mean) / jnp.sqrt(var + eps) * gamma + beta


def setup_inputs(seed: int = 0) -> dict:
    key = jax.random.key(seed)
    ks = [jax.random.fold_in(key, i) for i in range(20)]
    inp = {}
    inp['node_rep'] = jax.random.normal(ks[0], (N, D), dtype=jnp.float32)
    inp['edge_rep'] = jax.random.normal(ks[1], (E, D), dtype=jnp.float32)
    inp['edge_attr'] = jax.random.normal(ks[2], (E, DE), dtype=jnp.float32)
    inp['edge_index'] = jax.random.randint(ks[3], (2, E), 0, N, dtype=jnp.int64)
    s = 1.0 / np.sqrt(D)
    inp['W1'] = jax.random.uniform(ks[4], (D, D), jnp.float32, -s, s)
    inp['W2'] = jax.random.uniform(ks[5], (D, D), jnp.float32, -s, s)
    inp['W3'] = jax.random.uniform(ks[6], (D, D), jnp.float32, -s, s)
    se = 1.0 / np.sqrt(DE)
    inp['We'] = jax.random.uniform(ks[7], (DE, D), jnp.float32, -se, se)
    inp['bn_g'] = jnp.ones((D,), jnp.float32)
    inp['bn_b'] = jnp.zeros((D,), jnp.float32)
    inp['M1'] = jax.random.uniform(ks[8], (D, H), jnp.float32, -s, s)
    inp['g1'] = jnp.ones((H,), jnp.float32)
    inp['b1'] = jnp.zeros((H,), jnp.float32)
    sh = 1.0 / np.sqrt(H)
    inp['M2'] = jax.random.uniform(ks[9], (H, H), jnp.float32, -sh, sh)
    inp['g2'] = jnp.ones((H,), jnp.float32)
    inp['b2'] = jnp.zeros((H,), jnp.float32)
    inp['M3'] = jax.random.uniform(ks[10], (H, D), jnp.float32, -sh, sh)
    inp['bias3'] = jax.random.uniform(ks[11], (D,), jnp.float32, -sh, sh)
    return inp


def reference(node_rep, edge_rep, edge_attr, edge_index, W1, W2, W3, We, bn_g, bn_b, M1, g1, b1, M2, g2, b2, M3, bias3):
    src = edge_index[0]
    dst = edge_index[1]
    messages = (node_rep @ W1)[src] + (node_rep @ W2)[dst] + edge_attr @ We + edge_rep @ W3
    messages = jax.nn.relu(_bn(messages, bn_g, bn_b))
    y = jax.ops.segment_sum(messages, dst, num_segments=node_rep.shape[0])
    h = jax.nn.relu(_bn(y @ M1, g1, b1))
    h = jax.nn.relu(_bn(h @ M2, g2, b2))
    out = h @ M3 + bias3
    return out

if __name__ == "__main__":
    import jax
    _d = setup_inputs()
    print(jax.jit(kernel)(*tuple(_d.values())))

</pallas_src>

<mosaic_0001>
#map = affine_map<(d0, d1) -> (0, 0)>
#map1 = affine_map<(d0, d1) -> (0)>
#map2 = affine_map<(d0, d1) -> (0, 0, 0)>
module attributes {stable_mosaic.version = 14 : i64} {
  func.func @_sc_pass2(%arg0: i32, %arg1: i32, %arg2: memref<320000x128xf32, #tpu.memory_space<hbm>>, %arg3: memref<320000xi32, #tpu.memory_space<hbm>>, %arg4: memref<2x128xf32, #tpu.memory_space<hbm>>, %arg5: memref<2x10000x128xf32, #tpu.memory_space<hbm>>, %arg6: memref<80xi32, #tpu.memory_space<vmem>>, %arg7: memref<80xi32, #tpu.memory_space<vmem>>, %arg8: memref<80xi32, #tpu.memory_space<vmem>>, %arg9: memref<80x128xf32, #tpu.memory_space<vmem>>, %arg10: memref<80x128xf32, #tpu.memory_space<vmem>>, %arg11: memref<80x128xf32, #tpu.memory_space<vmem>>, %arg12: memref<2x128xf32, #tpu.memory_space<vmem>>, %arg13: memref<104x128xf32, #tpu.memory_space<vmem>>, %arg14: memref<10000x128xf32, #tpu.memory_space<vmem_shared>>, %arg15: memref<!tpu.dma_semaphore, #tpu.memory_space<semaphore_mem>>, %arg16: memref<!tpu.dma_semaphore, #tpu.memory_space<semaphore_mem>>, %arg17: memref<!tpu.dma_semaphore, #tpu.memory_space<semaphore_mem>>, %arg18: memref<!tpu.dma_semaphore, #tpu.memory_space<semaphore_mem>>, %arg19: memref<!tpu.dma_semaphore, #tpu.memory_space<semaphore_mem>>, %arg20: memref<!tpu.dma_semaphore, #tpu.memory_space<semaphore_mem>>) attributes {dimension_semantics = [#tpu.dimension_semantics<core_parallel>, #tpu.dimension_semantics<subcore_parallel>], iteration_bounds = array<i64: 2, 16>, scalar_prefetch = 0 : i64, scratch_operands = 15 : i64, tpu.core_type = #tpu.core_type<sc_vector_subcore>, window_params = [{transform_indices = #map}, {transform_indices = #map1}, {transform_indices = #map}, {transform_indices = #map2}]} {
    %mul3A = arith.constant 2 : i32
    %mul3A_0 = arith.muli %arg1, %mul3A : i32
    %add3A = arith.addi %mul3A_0, %arg0 : i32
    %mul3A_1 = arith.constant 10000 : i32
    %mul3A_2 = arith.muli %add3A, %mul3A_1 : i32
    "tpu.region"() ({
      %run_scoped3A = tpu.sem_alloc : memref<!tpu.dma_semaphore, #tpu.memory_space<semaphore_mem>>
      tpu.enqueue_dma source(%arg4 : memref<2x128xf32, #tpu.memory_space<hbm>>) target(%arg12 : memref<2x128xf32, #tpu.memory_space<vmem>>) target_semaphore(%run_scoped3A : memref<!tpu.dma_semaphore, #tpu.memory_space<semaphore_mem>>)
      tpu.wait_dma2 semaphore(%run_scoped3A : memref<!tpu.dma_semaphore, #tpu.memory_space<semaphore_mem>>) src(%arg4 : memref<2x128xf32, #tpu.memory_space<hbm>>) dst(%arg12 : memref<2x128xf32, #tpu.memory_space<vmem>>)
      tpu.yield
    }) : () -> ()
    %get3A = arith.constant 0 : i32
    %get3A_3 = arith.index_cast %get3A : i32 to index
    %get3A_4 = arith.constant 0 : index
    %get3A_5 = tpu.vector_load %arg12[%get3A_3, %get3A_4] {strides = array<i32>} : memref<2x128xf32, #tpu.memory_space<vmem>>, vector<1x16xf32>,
    %get3A_6 = vector.shape_cast %get3A_5 : vector<1x16xf32> to vector<16xf32>
    %get3A_7 = arith.constant 0 : i32
    %get3A_8 = arith.index_cast %get3A_7 : i32 to index
    %get3A_9 = arith.constant 16 : index
    %get3A_10 = tpu.vector_load %arg12[%get3A_8, %get3A_9] {strides = array<i32>} : memref<2x128xf32, #tpu.memory_space<vmem>>, vector<1x16xf32>,
    %get3A_11 = vector.shape_cast %get3A_10 : vector<1x16xf32> to vector<16xf32>
    %get3A_12 = arith.constant 0 : i32
    %get3A_13 = arith.index_cast %get3A_12 : i32 to index
    %get3A_14 = arith.constant 32 : index
    %get3A_15 = tpu.vector_load %arg12[%get3A_13, %get3A_14] {strides = array<i32>} : memref<2x128xf32, #tpu.memory_space<vmem>>, vector<1x16xf32>,
    %get3A_16 = vector.shape_cast %get3A_15 : vector<1x16xf32> to vector<16xf32>
    %get3A_17 = arith.constant 0 : i32
    %get3A_18 = arith.index_cast %get3A_17 : i32 to index
    %get3A_19 = arith.constant 48 : index
    %get3A_20 = tpu.vector_load %arg12[%get3A_18, %get3A_19] {strides = array<i32>} : memref<2x128xf32, #tpu.memory_space<vmem>>, vector<1x16xf32>,
    %get3A_21 = vector.shape_cast %get3A_20 : vector<1x16xf32> to vector<16xf32>
    %get3A_22 = arith.constant 0 : i32
    %get3A_23 = arith.index_cast %get3A_22 : i32 to index
    %get3A_24 = arith.constant 64 : index
    %get3A_25 = tpu.vector_load %arg12[%get3A_23, %get3A_24] {strides = array<i32>} : memref<2x128xf32, #tpu.memory_space<vmem>>, vector<1x16xf32>,
    %get3A_26 = vector.shape_cast %get3A_25 : vector<1x16xf32> to vector<16xf32>
    %get3A_27 = arith.constant 0 : i32
    %get3A_28 = arith.index_cast %get3A_27 : i32 to index
    %get3A_29 = arith.constant 80 : index
    %get3A_30 = tpu.vector_load %arg12[%get3A_28, %get3A_29] {strides = array<i32>} : memref<2x128xf32, #tpu.memory_space<vmem>>, vector<1x16xf32>,
    %get3A_31 = vector.shape_cast %get3A_30 : vector<1x16xf32> to vector<16xf32>
    %get3A_32 = arith.constant 0 : i32
    %get3A_33 = arith.index_cast %get3A_32 : i32 to index
    %get3A_34 = arith.constant 96 : index
    %get3A_35 = tpu.vector_load %arg12[%get3A_33, %get3A_34] {strides = array<i32>} : memref<2x128xf32, #tpu.memory_space<vmem>>, vector<1x16xf32>,
    %get3A_36 = vector.shape_cast %get3A_35 : vector<1x16xf32> to vector<16xf32>
    %get3A_37 = arith.constant 0 : i32
    %get3A_38 = arith.index_cast %get3A_37 : i32 to index
    %get3A_39 = arith.constant 112 : index
    %get3A_40 = tpu.vector_load %arg12[%get3A_38, %get3A_39] {strides = array<i32>} : memref<2x128xf32, #tpu.memory_space<vmem>>, vector<1x16xf32>,
    %get3A_41 = vector.shape_cast %get3A_40 : vector<1x16xf32> to vector<16xf32>
    %get3A_42 = arith.constant 1 : i32
    %get3A_43 = arith.index_cast %get3A_42 : i32 to index
    %get3A_44 = arith.constant 0 : index
    %get3A_45 = tpu.vector_load %arg12[%get3A_43, %get3A_44] {strides = array<i32>} : memref<2x128xf32, #tpu.memory_space<vmem>>, vector<1x16xf32>,
    %get3A_46 = vector.shape_cast %get3A_45 : vector<1x16xf32> to vector<16xf32>
    %get3A_47 = arith.constant 1 : i32
    %get3A_48 = arith.index_cast %get3A_47 : i32 to index
    %get3A_49 = arith.constant 16 : index
    %get3A_50 = tpu.vector_load %arg12[%get3A_48, %get3A_49] {strides = array<i32>} : memref<2x128xf32, #tpu.memory_space<vmem>>, vector<1x16xf32>,
    %get3A_51 = vector.shape_cast %get3A_50 : vector<1x16xf32> to vector<16xf32>
    %get3A_52 = arith.constant 1 : i32
    %get3A_53 = arith.index_cast %get3A_52 : i32 to index
    %get3A_54 = arith.constant 32 : index
    %get3A_55 = tpu.vector_load %arg12[%get3A_53, %get3A_54] {strides = array<i32>} : memref<2x128xf32, #tpu.memory_space<vmem>>, vector<1x16xf32>,
    %get3A_56 = vector.shape_cast %get3A_55 : vector<1x16xf32> to vector<16xf32>
    %get3A_57 = arith.constant 1 : i32
    %get3A_58 = arith.index_cast %get3A_57 : i32 to index
    %get3A_59 = arith.constant 48 : index
    %get3A_60 = tpu.vector_load %arg12[%get3A_58, %get3A_59] {strides = array<i32>} : memref<2x128xf32, #tpu.memory_space<vmem>>, vector<1x16xf32>,
    %get3A_61 = vector.shape_cast %get3A_60 : vector<1x16xf32> to vector<16xf32>
    %get3A_62 = arith.constant 1 : i32
    %get3A_63 = arith.index_cast %get3A_62 : i32 to index
    %get3A_64 = arith.constant 64 : index
    %get3A_65 = tpu.vector_load %arg12[%get3A_63, %get3A_64] {strides = array<i32>} : memref<2x128xf32, #tpu.memory_space<vmem>>, vector<1x16xf32>,
    %get3A_66 = vector.shape_cast %get3A_65 : vector<1x16xf32> to vector<16xf32>
    %get3A_67 = arith.constant 1 : i32
    %get3A_68 = arith.index_cast %get3A_67 : i32 to index
    %get3A_69 = arith.constant 80 : index
    %get3A_70 = tpu.vector_load %arg12[%get3A_68, %get3A_69] {strides = array<i32>} : memref<2x128xf32, #tpu.memory_space<vmem>>, vector<1x16xf32>,
    %get3A_71 = vector.shape_cast %get3A_70 : vector<1x16xf32> to vector<16xf32>
    %get3A_72 = arith.constant 1 : i32
    %get3A_73 = arith.index_cast %get3A_72 : i32 to index
    %get3A_74 = arith.constant 96 : index
    %get3A_75 = tpu.vector_load %arg12[%get3A_73, %get3A_74] {strides = array<i32>} : memref<2x128xf32, #tpu.memory_space<vmem>>, vector<1x16xf32>,
    %get3A_76 = vector.shape_cast %get3A_75 : vector<1x16xf32> to vector<16xf32>
    %get3A_77 = arith.constant 1 : i32
    %get3A_78 = arith.index_cast %get3A_77 : i32 to index
    %get3A_79 = arith.constant 112 : index
    %get3A_80 = tpu.vector_load %arg12[%get3A_78, %get3A_79] {strides = array<i32>} : memref<2x128xf32, #tpu.memory_space<vmem>>, vector<1x16xf32>,
    %get3A_81 = vector.shape_cast %get3A_80 : vector<1x16xf32> to vector<16xf32>
    %broadcast_in_dim3A = arith.constant 0.000000e+00 : f32
    %broadcast_in_dim3A_82 = vector.broadcast %broadcast_in_dim3A : f32 to vector<16xf32>
    %scan3A = arith.constant 0 : i32
    %scan3A_83 = arith.constant 0 : i32
    %scan3A_84 = arith.constant 104 : i32
    %scan3A_85 = arith.addi %scan3A_83, %scan3A_84 : i32
    %scan3A_86 = arith.constant 1 : i32
    %scan3A_87 = scf.for %scan3A_174 = %scan3A_83 to %scan3A_85 step %scan3A_86 iter_args(%scan3A_175 = %scan3A) -> (i32)  : i32 {
      %swap3A = arith.index_cast %scan3A_174 : i32 to index
      %swap3A_176 = arith.constant 0 : index
      %swap3A_177 = tpu.vector_load %arg13[%swap3A, %swap3A_176] {strides = array<i32>} : memref<104x128xf32, #tpu.memory_space<vmem>>, vector<1x16xf32>,
      %swap3A_178 = vector.shape_cast %swap3A_177 : vector<1x16xf32> to vector<16xf32>
      %swap3A_179 = vector.shape_cast %broadcast_in_dim3A_82 : vector<16xf32> to vector<1x16xf32>
      tpu.vector_store %arg13[%swap3A, %swap3A_176], %swap3A_179 {strides = array<i32>} : memref<104x128xf32, #tpu.memory_space<vmem>>, vector<1x16xf32>,
      %swap3A_180 = arith.index_cast %scan3A_174 : i32 to index
      %swap3A_181 = arith.constant 16 : index
      %swap3A_182 = tpu.vector_load %arg13[%swap3A_180, %swap3A_181] {strides = array<i32>} : memref<104x128xf32, #tpu.memory_space<vmem>>, vector<1x16xf32>,
      %swap3A_183 = vector.shape_cast %swap3A_182 : vector<1x16xf32> to vector<16xf32>
      %swap3A_184 = vector.shape_cast %broadcast_in_dim3A_82 : vector<16xf32> to vector<1x16xf32>
      tpu.vector_store %arg13[%swap3A_180, %swap3A_181], %swap3A_184 {strides = array<i32>} : memref<104x128xf32, #tpu.memory_space<vmem>>, vector<1x16xf32>,
      %swap3A_185 = arith.index_cast %scan3A_174 : i32 to index
      %swap3A_186 = arith.constant 32 : index
      %swap3A_187 = tpu.vector_load %arg13[%swap3A_185, %swap3A_186] {strides = array<i32>} : memref<104x128xf32, #tpu.memory_space<vmem>>, vector<1x16xf32>,
      %swap3A_188 = vector.shape_cast %swap3A_187 : vector<1x16xf32> to vector<16xf32>
      %swap3A_189 = vector.shape_cast %broadcast_in_dim3A_82 : vector<16xf32> to vector<1x16xf32>
      tpu.vector_store %arg13[%swap3A_185, %swap3A_186], %swap3A_189 {strides = array<i32>} : memref<104x128xf32, #tpu.memory_space<vmem>>, vector<1x16xf32>,
      %swap3A_190 = arith.index_cast %scan3A_174 : i32 to index
      %swap3A_191 = arith.constant 48 : index
      %swap3A_192 = tpu.vector_load %arg13[%swap3A_190, %swap3A_191] {strides = array<i32>} : memref<104x128xf32, #tpu.memory_space<vmem>>, vector<1x16xf32>,
      %swap3A_193 = vector.shape_cast %swap3A_192 : vector<1x16xf32> to vector<16xf32>
      %swap3A_194 = vector.shape_cast %broadcast_in_dim3A_82 : vector<16xf32> to vector<1x16xf32>
      tpu.vector_store %arg13[%swap3A_190, %swap3A_191], %swap3A_194 {strides = array<i32>} : memref<104x128xf32, #tpu.memory_space<vmem>>, vector<1x16xf32>,
      %swap3A_195 = arith.index_cast %scan3A_174 : i32 to index
      %swap3A_196 = arith.constant 64 : index
      %swap3A_197 = tpu.vector_load %arg13[%swap3A_195, %swap3A_196] {strides = array<i32>} : memref<104x128xf32, #tpu.memory_space<vmem>>, vector<1x16xf32>,
      %swap3A_198 = vector.shape_cast %swap3A_197 : vector<1x16xf32> to vector<16xf32>
      %swap3A_199 = vector.shape_cast %broadcast_in_dim3A_82 : vector<16xf32> to vector<1x16xf32>
      tpu.vector_store %arg13[%swap3A_195, %swap3A_196], %swap3A_199 {strides = array<i32>} : memref<104x128xf32, #tpu.memory_space<vmem>>, vector<1x16xf32>,
      %swap3A_200 = arith.index_cast %scan3A_174 : i32 to index
      %swap3A_201 = arith.constant 80 : index
      %swap3A_202 = tpu.vector_load %arg13[%swap3A_200, %swap3A_201] {strides = array<i32>} : memref<104x128xf32, #tpu.memory_space<vmem>>, vector<1x16xf32>,
      %swap3A_203 = vector.shape_cast %swap3A_202 : vector<1x16xf32> to vector<16xf32>
      %swap3A_204 = vector.shape_cast %broadcast_in_dim3A_82 : vector<16xf32> to vector<1x16xf32>
      tpu.vector_store %arg13[%swap3A_200, %swap3A_201], %swap3A_204 {strides = array<i32>} : memref<104x128xf32, #tpu.memory_space<vmem>>, vector<1x16xf32>,
      %swap3A_205 = arith.index_cast %scan3A_174 : i32 to index
      %swap3A_206 = arith.constant 96 : index
      %swap3A_207 = tpu.vector_load %arg13[%swap3A_205, %swap3A_206] {strides = array<i32>} : memref<104x128xf32, #tpu.memory_space<vmem>>, vector<1x16xf32>,
      %swap3A_208 = vector.shape_cast %swap3A_207 : vector<1x16xf32> to vector<16xf32>
      %swap3A_209 = vector.shape_cast %broadcast_in_dim3A_82 : vector<16xf32> to vector<1x16xf32>
      tpu.vector_store %arg13[%swap3A_205, %swap3A_206], %swap3A_209 {strides = array<i32>} : memref<104x128xf32, #tpu.memory_space<vmem>>, vector<1x16xf32>,
      %swap3A_210 = arith.index_cast %scan3A_174 : i32 to index
      %swap3A_211 = arith.constant 112 : index
      %swap3A_212 = tpu.vector_load %arg13[%swap3A_210, %swap3A_211] {strides = array<i32>} : memref<104x128xf32, #tpu.memory_space<vmem>>, vector<1x16xf32>,
      %swap3A_213 = vector.shape_cast %swap3A_212 : vector<1x16xf32> to vector<16xf32>
      %swap3A_214 = vector.shape_cast %broadcast_in_dim3A_82 : vector<16xf32> to vector<1x16xf32>
      tpu.vector_store %arg13[%swap3A_210, %swap3A_211], %swap3A_214 {strides = array<i32>} : memref<104x128xf32, #tpu.memory_space<vmem>>, vector<1x16xf32>,
      %scan3A_215 = arith.constant 0 : i32
      scf.yield %scan3A_215 : i32
    }
    %scan3A_88 = arith.constant 104 : i32
    %scan3A_89 = arith.constant 0 : i32
    %scan3A_90 = arith.constant 0 : i32
    %scan3A_91 = arith.constant 6 : i32
    %scan3A_92 = arith.addi %scan3A_90, %scan3A_91 : i32
    %scan3A_93 = arith.constant 1 : i32
    %scan3A_94 = scf.for %scan3A_174 = %scan3A_90 to %scan3A_92 step %scan3A_93 iter_args(%scan3A_175 = %scan3A_89) -> (i32)  : i32 {
      %mul3A_176 = arith.constant 624 : i32
      %mul3A_177 = arith.muli %arg1, %mul3A_176 : i32
      %mul3A_178 = arith.constant 104 : i32
      %mul3A_179 = arith.muli %scan3A_174, %mul3A_178 : i32
      %add3A_180 = arith.addi %mul3A_177, %mul3A_179 : i32
      "tpu.region"() ({
        %run_scoped3A = tpu.sem_alloc : memref<!tpu.dma_semaphore, #tpu.memory_space<semaphore_mem>>
        %dma_start3A_182 = arith.constant 0 : i32
        %dma_start3A_183 = tpu.memref_slice %arg14[%add3A_180, %dma_start3A_182] : memref<10000x128xf32, #tpu.memory_space<vmem_shared>> -> memref<104x128xf32, #tpu.memory_space<vmem_shared>>
        %dma_start3A_184 = arith.constant 0 : i32
        %dma_start3A_185 = tpu.memref_slice %arg14[%add3A_180, %dma_start3A_184] : memref<10000x128xf32, #tpu.memory_space<vmem_shared>> -> memref<104x128xf32, #tpu.memory_space<vmem_shared>>
        tpu.enqueue_dma source(%arg13 : memref<104x128xf32, #tpu.memory_space<vmem>>) target(%dma_start3A_185 : memref<104x128xf32, #tpu.memory_space<vmem_shared>>) target_semaphore(%run_scoped3A : memref<!tpu.dma_semaphore, #tpu.memory_space<semaphore_mem>>)
        %dma_wait3A_186 = arith.constant 0 : i32
        %dma_wait3A_187 = tpu.memref_slice %arg14[%add3A_180, %dma_wait3A_186] : memref<10000x128xf32, #tpu.memory_space<vmem_shared>> -> memref<104x128xf32, #tpu.memory_space<vmem_shared>>
        %dma_wait3A_188 = arith.constant 0 : i32
        %dma_wait3A_189 = tpu.memref_slice %arg14[%add3A_180, %dma_wait3A_188] : memref<10000x128xf32, #tpu.memory_space<vmem_shared>> -> memref<104x128xf32, #tpu.memory_space<vmem_shared>>
        tpu.wait_dma2 semaphore(%run_scoped3A : memref<!tpu.dma_semaphore, #tpu.memory_space<semaphore_mem>>) src(%arg13 : memref<104x128xf32, #tpu.memory_space<vmem>>) dst(%dma_wait3A_189 : memref<104x128xf32, #tpu.memory_space<vmem_shared>>)
        tpu.yield
      }) : () -> ()
      %scan3A_181 = arith.constant 0 : i32
      scf.yield %scan3A_181 : i32
    }
    %scan3A_95 = arith.constant 6 : i32
    %eq3A = arith.constant 15 : i32
    %eq3A_96 = arith.cmpi eq, %arg1, %eq3A : i32
    %convert_element_type3A = arith.extui %eq3A_96 : i1 to i32
    %cond3A = arith.constant 0 : i32
    %cond3A_97 = arith.cmpi ne, %convert_element_type3A, %cond3A : i32
    scf.if %cond3A_97 {
      "tpu.region"() ({
        %run_scoped3A = tpu.sem_alloc : memref<!tpu.dma_semaphore, #tpu.memory_space<semaphore_mem>>
        %dma_start3A_174 = arith.constant 0 : i32
        %dma_start3A_175 = arith.constant 0 : i32
        %dma_start3A_176 = tpu.memref_slice %arg13[%dma_start3A_174, %dma_start3A_175] : memref<104x128xf32, #tpu.memory_space<vmem>> -> memref<16x128xf32, #tpu.memory_space<vmem>>
        %dma_start3A_177 = arith.constant 9984 : i32
        %dma_start3A_178 = arith.constant 0 : i32
        %dma_start3A_179 = tpu.memref_slice %arg14[%dma_start3A_177, %dma_start3A_178] : memref<10000x128xf32, #tpu.memory_space<vmem_shared>> -> memref<16x128xf32, #tpu.memory_space<vmem_shared>>
        %dma_start3A_180 = arith.constant 9984 : i32
        %dma_start3A_181 = arith.constant 0 : i32
        %dma_start3A_182 = tpu.memref_slice %arg14[%dma_start3A_180, %dma_start3A_181] : memref<10000x128xf32, #tpu.memory_space<vmem_shared>> -> memref<16x128xf32, #tpu.memory_space<vmem_shared>>
        %dma_start3A_183 = arith.constant 0 : i32
        %dma_start3A_184 = arith.constant 0 : i32
        %dma_start3A_185 = tpu.memref_slice %arg13[%dma_start3A_183, %dma_start3A_184] : memref<104x128xf32, #tpu.memory_space<vmem>> -> memref<16x128xf32, #tpu.memory_space<vmem>>
        tpu.enqueue_dma source(%dma_start3A_185 : memref<16x128xf32, #tpu.memory_space<vmem>>) target(%dma_start3A_182 : memref<16x128xf32, #tpu.memory_space<vmem_shared>>) target_semaphore(%run_scoped3A : memref<!tpu.dma_semaphore, #tpu.memory_space<semaphore_mem>>)
        %dma_wait3A_186 = arith.constant 0 : i32
        %dma_wait3A_187 = arith.constant 0 : i32
        %dma_wait3A_188 = tpu.memref_slice %arg13[%dma_wait3A_186, %dma_wait3A_187] : memref<104x128xf32, #tpu.memory_space<vmem>> -> memref<16x128xf32, #tpu.memory_space<vmem>>
        %dma_wait3A_189 = arith.constant 9984 : i32
        %dma_wait3A_190 = arith.constant 0 : i32
        %dma_wait3A_191 = tpu.memref_slice %arg14[%dma_wait3A_189, %dma_wait3A_190] : memref<10000x128xf32, #tpu.memory_space<vmem_shared>> -> memref<16x128xf32, #tpu.memory_space<vmem_shared>>
        %dma_wait3A_192 = arith.constant 9984 : i32
        %dma_wait3A_193 = arith.constant 0 : i32
        %dma_wait3A_194 = tpu.memref_slice %arg14[%dma_wait3A_192, %dma_wait3A_193] : memref<10000x128xf32, #tpu.memory_space<vmem_shared>> -> memref<16x128xf32, #tpu.memory_space<vmem_shared>>
        %dma_wait3A_195 = arith.constant 0 : i32
        %dma_wait3A_196 = arith.constant 0 : i32
        %dma_wait3A_197 = tpu.memref_slice %arg13[%dma_wait3A_195, %dma_wait3A_196] : memref<104x128xf32, #tpu.memory_space<vmem>> -> memref<16x128xf32, #tpu.memory_space<vmem>>
        tpu.wait_dma2 semaphore(%run_scoped3A : memref<!tpu.dma_semaphore, #tpu.memory_space<semaphore_mem>>) src(%dma_wait3A_197 : memref<16x128xf32, #tpu.memory_space<vmem>>) dst(%dma_wait3A_194 : memref<16x128xf32, #tpu.memory_space<vmem_shared>>)
        tpu.yield
      }) : () -> ()
    } else {
    }
    %barrier3A = arith.constant 0 : index
    tpu.barrier barrier_id(%barrier3A)
    %add3A_98 = arith.constant 0 : i32
    %add3A_99 = arith.addi %mul3A_2, %add3A_98 : i32
    %add3A_100 = arith.constant 80 : i32
    %add3A_101 = arith.addi %mul3A_2, %add3A_100 : i32
    %dma_start3A = tpu.memref_slice %arg3[%add3A_99] : memref<320000xi32, #tpu.memory_space<hbm>> -> memref<80xi32, #tpu.memory_space<hbm>>
    %dma_start3A_102 = tpu.memref_slice %arg3[%add3A_99] : memref<320000xi32, #tpu.memory_space<hbm>> -> memref<80xi32, #tpu.memory_space<hbm>>
    tpu.enqueue_dma source(%dma_start3A_102 : memref<80xi32, #tpu.memory_space<hbm>>) target(%arg6 : memref<80xi32, #tpu.memory_space<vmem>>) target_semaphore(%arg15 : memref<!tpu.dma_semaphore, #tpu.memory_space<semaphore_mem>>)
    %dma_start3A_103 = arith.constant 0 : i32
    %dma_start3A_104 = tpu.memref_slice %arg2[%add3A_99, %dma_start3A_103] : memref<320000x128xf32, #tpu.memory_space<hbm>> -> memref<80x128xf32, #tpu.memory_space<hbm>>
    %dma_start3A_105 = arith.constant 0 : i32
    %dma_start3A_106 = tpu.memref_slice %arg2[%add3A_99, %dma_start3A_105] : memref<320000x128xf32, #tpu.memory_space<hbm>> -> memref<80x128xf32, #tpu.memory_space<hbm>>
    tpu.enqueue_dma source(%dma_start3A_106 : memref<80x128xf32, #tpu.memory_space<hbm>>) target(%arg9 : memref<80x128xf32, #tpu.memory_space<vmem>>) target_semaphore(%arg15 : memref<!tpu.dma_semaphore, #tpu.memory_space<semaphore_mem>>)
    %dma_start3A_107 = tpu.memref_slice %arg3[%add3A_101] : memref<320000xi32, #tpu.memory_space<hbm>> -> memref<80xi32, #tpu.memory_space<hbm>>
    %dma_start3A_108 = tpu.memref_slice %arg3[%add3A_101] : memref<320000xi32, #tpu.memory_space<hbm>> -> memref<80xi32, #tpu.memory_space<hbm>>
    tpu.enqueue_dma source(%dma_start3A_108 : memref<80xi32, #tpu.memory_space<hbm>>) target(%arg7 : memref<80xi32, #tpu.memory_space<vmem>>) target_semaphore(%arg16 : memref<!tpu.dma_semaphore, #tpu.memory_space<semaphore_mem>>)
    %dma_start3A_109 = arith.constant 0 : i32
    %dma_start3A_110 = tpu.memref_slice %arg2[%add3A_101, %dma_start3A_109] : memref<320000x128xf32, #tpu.memory_space<hbm>> -> memref<80x128xf32, #tpu.memory_space<hbm>>
    %dma_start3A_111 = arith.constant 0 : i32
    %dma_start3A_112 = tpu.memref_slice %arg2[%add3A_101, %dma_start3A_111] : memref<320000x128xf32, #tpu.memory_space<hbm>> -> memref<80x128xf32, #tpu.memory_space<hbm>>
    tpu.enqueue_dma source(%dma_start3A_112 : memref<80x128xf32, #tpu.memory_space<hbm>>) target(%arg10 : memref<80x128xf32, #tpu.memory_space<vmem>>) target_semaphore(%arg16 : memref<!tpu.dma_semaphore, #tpu.memory_space<semaphore_mem>>)
    %scan3A_113 = arith.constant 0 : i32
    %scan3A_114 = arith.constant 0 : i32
    %scan3A_115 = arith.constant 41 : i32
    %scan3A_116 = arith.addi %scan3A_114, %scan3A_115 : i32
    %scan3A_117 = arith.constant 1 : i32
    %scan3A_118 = scf.for %scan3A_174 = %scan3A_114 to %scan3A_116 step %scan3A_117 iter_args(%scan3A_175 = %scan3A_113) -> (i32)  : i32 {
      %mul3A_176 = arith.constant 3 : i32
      %mul3A_177 = arith.muli %mul3A_176, %scan3A_174 : i32
      %mul3A_178 = arith.constant 80 : i32
      %mul3A_179 = arith.muli %mul3A_177, %mul3A_178 : i32
      %add3A_180 = arith.addi %mul3A_2, %mul3A_179 : i32
      %dma_wait3A_181 = tpu.memref_slice %arg3[%add3A_180] : memref<320000xi32, #tpu.memory_space<hbm>> -> memref<80xi32, #tpu.memory_space<hbm>>
      %dma_wait3A_182 = tpu.memref_slice %arg3[%add3A_180] : memref<320000xi32, #tpu.memory_space<hbm>> -> memref<80xi32, #tpu.memory_space<hbm>>
      tpu.wait_dma2 semaphore(%arg15 : memref<!tpu.dma_semaphore, #tpu.memory_space<semaphore_mem>>) src(%dma_wait3A_182 : memref<80xi32, #tpu.memory_space<hbm>>) dst(%arg6 : memref<80xi32, #tpu.memory_space<vmem>>)
      %dma_wait3A_183 = arith.constant 0 : i32
      %dma_wait3A_184 = tpu.memref_slice %arg2[%add3A_180, %dma_wait3A_183] : memref<320000x128xf32, #tpu.memory_space<hbm>> -> memref<80x128xf32, #tpu.memory_space<hbm>>
      %dma_wait3A_185 = arith.constant 0 : i32
      %dma_wait3A_186 = tpu.memref_slice %arg2[%add3A_180, %dma_wait3A_185] : memref<320000x128xf32, #tpu.memory_space<hbm>> -> memref<80x128xf32, #tpu.memory_space<hbm>>
      tpu.wait_dma2 semaphore(%arg15 : memref<!tpu.dma_semaphore, #tpu.memory_space<semaphore_mem>>) src(%dma_wait3A_186 : memref<80x128xf32, #tpu.memory_space<hbm>>) dst(%arg9 : memref<80x128xf32, #tpu.memory_space<vmem>>)
      %scan3A_187 = arith.constant 0 : i32
      %scan3A_188 = arith.constant 0 : i32
      %scan3A_189 = arith.constant 80 : i32
      %scan3A_190 = arith.addi %scan3A_188, %scan3A_189 : i32
      %scan3A_191 = arith.constant 1 : i32
      %scan3A_192 = scf.for %scan3A_278 = %scan3A_188 to %scan3A_190 step %scan3A_191 iter_args(%scan3A_279 = %scan3A_187) -> (i32)  : i32 {
        %get3A_280 = arith.index_cast %scan3A_278 : i32 to index
        %get3A_281 = arith.constant 0 : index
        %get3A_282 = tpu.vector_load %arg9[%get3A_280, %get3A_281] {strides = array<i32>} : memref<80x128xf32, #tpu.memory_space<vmem>>, vector<1x16xf32>,
        %get3A_283 = vector.shape_cast %get3A_282 : vector<1x16xf32> to vector<16xf32>
        %mul3A_284 = arith.mulf %get3A_283, %get3A_6 : vector<16xf32>
        %add3A_285 = arith.addf %mul3A_284, %get3A_46 : vector<16xf32>
        %max3A = arith.constant 0.000000e+00 : f32
        %max3A_286 = vector.broadcast %max3A : f32 to vector<16xf32>
        %max3A_287 = arith.maximumf %add3A_285, %max3A_286 : vector<16xf32>
        %swap3A = arith.index_cast %scan3A_278 : i32 to index
        %swap3A_288 = arith.constant 0 : index
        %swap3A_289 = tpu.vector_load %arg9[%swap3A, %swap3A_288] {strides = array<i32>} : memref<80x128xf32, #tpu.memory_space<vmem>>, vector<1x16xf32>,
        %swap3A_290 = vector.shape_cast %swap3A_289 : vector<1x16xf32> to vector<16xf32>
        %swap3A_291 = vector.shape_cast %max3A_287 : vector<16xf32> to vector<1x16xf32>
        tpu.vector_store %arg9[%swap3A, %swap3A_288], %swap3A_291 {strides = array<i32>} : memref<80x128xf32, #tpu.memory_space<vmem>>, vector<1x16xf32>,
        %get3A_292 = arith.index_cast %scan3A_278 : i32 to index
        %get3A_293 = arith.constant 16 : index
        %get3A_294 = tpu.vector_load %arg9[%get3A_292, %get3A_293] {strides = array<i32>} : memref<80x128xf32, #tpu.memory_space<vmem>>, vector<1x16xf32>,
        %get3A_295 = vector.shape_cast %get3A_294 : vector<1x16xf32> to vector<16xf32>
        %mul3A_296 = arith.mulf %get3A_295, %get3A_11 : vector<16xf32>
        %add3A_297 = arith.addf %mul3A_296, %get3A_51 : vector<16xf32>
        %max3A_298 = arith.constant 0.000000e+00 : f32
        %max3A_299 = vector.broadcast %max3A_298 : f32 to vector<16xf32>
        %max3A_300 = arith.maximumf %add3A_297, %max3A_299 : vector<16xf32>
        %swap3A_301 = arith.index_cast %scan3A_278 : i32 to index
        %swap3A_302 = arith.constant 16 : index
        %swap3A_303 = tpu.vector_load %arg9[%swap3A_301, %swap3A_302] {strides = array<i32>} : memref<80x128xf32, #tpu.memory_space<vmem>>, vector<1x16xf32>,
        %swap3A_304 = vector.shape_cast %swap3A_303 : vector<1x16xf32> to vector<16xf32>
        %swap3A_305 = vector.shape_cast %max3A_300 : vector<16xf32> to vector<1x16xf32>
        tpu.vector_store %arg9[%swap3A_301, %swap3A_302], %swap3A_305 {strides = array<i32>} : memref<80x128xf32, #tpu.memory_space<vmem>>, vector<1x16xf32>,
        %get3A_306 = arith.index_cast %scan3A_278 : i32 to index
        %get3A_307 = arith.constant 32 : index
        %get3A_308 = tpu.vector_load %arg9[%get3A_306, %get3A_307] {strides = array<i32>} : memref<80x128xf32, #tpu.memory_space<vmem>>, vector<1x16xf32>,
        %get3A_309 = vector.shape_cast %get3A_308 : vector<1x16xf32> to vector<16xf32>
        %mul3A_310 = arith.mulf %get3A_309, %get3A_16 : vector<16xf32>
        %add3A_311 = arith.addf %mul3A_310, %get3A_56 : vector<16xf32>
        %max3A_312 = arith.constant 0.000000e+00 : f32
        %max3A_313 = vector.broadcast %max3A_312 : f32 to vector<16xf32>
        %max3A_314 = arith.maximumf %add3A_311, %max3A_313 : vector<16xf32>
        %swap3A_315 = arith.index_cast %scan3A_278 : i32 to index
        %swap3A_316 = arith.constant 32 : index
        %swap3A_317 = tpu.vector_load %arg9[%swap3A_315, %swap3A_316] {strides = array<i32>} : memref<80x128xf32, #tpu.memory_space<vmem>>, vector<1x16xf32>,
        %swap3A_318 = vector.shape_cast %swap3A_317 : vector<1x16xf32> to vector<16xf32>
        %swap3A_319 = vector.shape_cast %max3A_314 : vector<16xf32> to vector<1x16xf32>
        tpu.vector_store %arg9[%swap3A_315, %swap3A_316], %swap3A_319 {strides = array<i32>} : memref<80x128xf32, #tpu.memory_space<vmem>>, vector<1x16xf32>,
        %get3A_320 = arith.index_cast %scan3A_278 : i32 to index
        %get3A_321 = arith.constant 48 : index
        %get3A_322 = tpu.vector_load %arg9[%get3A_320, %get3A_321] {strides = array<i32>} : memref<80x128xf32, #tpu.memory_space<vmem>>, vector<1x16xf32>,
        %get3A_323 = vector.shape_cast %get3A_322 : vector<1x16xf32> to vector<16xf32>
        %mul3A_324 = arith.mulf %get3A_323, %get3A_21 : vector<16xf32>
        %add3A_325 = arith.addf %mul3A_324, %get3A_61 : vector<16xf32>
        %max3A_326 = arith.constant 0.000000e+00 : f32
        %max3A_327 = vector.broadcast %max3A_326 : f32 to vector<16xf32>
        %max3A_328 = arith.maximumf %add3A_325, %max3A_327 : vector<16xf32>
        %swap3A_329 = arith.index_cast %scan3A_278 : i32 to index
        %swap3A_330 = arith.constant 48 : index
        %swap3A_331 = tpu.vector_load %arg9[%swap3A_329, %swap3A_330] {strides = array<i32>} : memref<80x128xf32, #tpu.memory_space<vmem>>, vector<1x16xf32>,
        %swap3A_332 = vector.shape_cast %swap3A_331 : vector<1x16xf32> to vector<16xf32>
        %swap3A_333 = vector.shape_cast %max3A_328 : vector<16xf32> to vector<1x16xf32>
        tpu.vector_store %arg9[%swap3A_329, %swap3A_330], %swap3A_333 {strides = array<i32>} : memref<80x128xf32, #tpu.memory_space<vmem>>, vector<1x16xf32>,
        %get3A_334 = arith.index_cast %scan3A_278 : i32 to index
        %get3A_335 = arith.constant 64 : index
        %get3A_336 = tpu.vector_load %arg9[%get3A_334, %get3A_335] {strides = array<i32>} : memref<80x128xf32, #tpu.memory_space<vmem>>, vector<1x16xf32>,
        %get3A_337 = vector.shape_cast %get3A_336 : vector<1x16xf32> to vector<16xf32>
        %mul3A_338 = arith.mulf %get3A_337, %get3A_26 : vector<16xf32>
        %add3A_339 = arith.addf %mul3A_338, %get3A_66 : vector<16xf32>
        %max3A_340 = arith.constant 0.000000e+00 : f32
        %max3A_341 = vector.broadcast %max3A_340 : f32 to vector<16xf32>
        %max3A_342 = arith.maximumf %add3A_339, %max3A_341 : vector<16xf32>
        %swap3A_343 = arith.index_cast %scan3A_278 : i32 to index
        %swap3A_344 = arith.constant 64 : index
        %swap3A_345 = tpu.vector_load %arg9[%swap3A_343, %swap3A_344] {strides = array<i32>} : memref<80x128xf32, #tpu.memory_space<vmem>>, vector<1x16xf32>,
        %swap3A_346 = vector.shape_cast %swap3A_345 : vector<1x16xf32> to vector<16xf32>
        %swap3A_347 = vector.shape_cast %max3A_342 : vector<16xf32> to vector<1x16xf32>
        tpu.vector_store %arg9[%swap3A_343, %swap3A_344], %swap3A_347 {strides = array<i32>} : memref<80x128xf32, #tpu.memory_space<vmem>>, vector<1x16xf32>,
        %get3A_348 = arith.index_cast %scan3A_278 : i32 to index
        %get3A_349 = arith.constant 80 : index
        %get3A_350 = tpu.vector_load %arg9[%get3A_348, %get3A_349] {strides = array<i32>} : memref<80x128xf32, #tpu.memory_space<vmem>>, vector<1x16xf32>,
        %get3A_351 = vector.shape_cast %get3A_350 : vector<1x16xf32> to vector<16xf32>
        %mul3A_352 = arith.mulf %get3A_351, %get3A_31 : vector<16xf32>
        %add3A_353 = arith.addf %mul3A_352, %get3A_71 : vector<16xf32>
        %max3A_354 = arith.constant 0.000000e+00 : f32
        %max3A_355 = vector.broadcast %max3A_354 : f32 to vector<16xf32>
        %max3A_356 = arith.maximumf %add3A_353, %max3A_355 : vector<16xf32>
        %swap3A_357 = arith.index_cast %scan3A_278 : i32 to index
        %swap3A_358 = arith.constant 80 : index
        %swap3A_359 = tpu.vector_load %arg9[%swap3A_357, %swap3A_358] {strides = array<i32>} : memref<80x128xf32, #tpu.memory_space<vmem>>, vector<1x16xf32>,
        %swap3A_360 = vector.shape_cast %swap3A_359 : vector<1x16xf32> to vector<16xf32>
        %swap3A_361 = vector.shape_cast %max3A_356 : vector<16xf32> to vector<1x16xf32>
        tpu.vector_store %arg9[%swap3A_357, %swap3A_358], %swap3A_361 {strides = array<i32>} : memref<80x128xf32, #tpu.memory_space<vmem>>, vector<1x16xf32>,
        %get3A_362 = arith.index_cast %scan3A_278 : i32 to index
        %get3A_363 = arith.constant 96 : index
        %get3A_364 = tpu.vector_load %arg9[%get3A_362, %get3A_363] {strides = array<i32>} : memref<80x128xf32, #tpu.memory_space<vmem>>, vector<1x16xf32>,
        %get3A_365 = vector.shape_cast %get3A_364 : vector<1x16xf32> to vector<16xf32>
        %mul3A_366 = arith.mulf %get3A_365, %get3A_36 : vector<16xf32>
        %add3A_367 = arith.addf %mul3A_366, %get3A_76 : vector<16xf32>
        %max3A_368 = arith.constant 0.000000e+00 : f32
        %max3A_369 = vector.broadcast %max3A_368 : f32 to vector<16xf32>
        %max3A_370 = arith.maximumf %add3A_367, %max3A_369 : vector<16xf32>
        %swap3A_371 = arith.index_cast %scan3A_278 : i32 to index
        %swap3A_372 = arith.constant 96 : index
        %swap3A_373 = tpu.vector_load %arg9[%swap3A_371, %swap3A_372] {strides = array<i32>} : memref<80x128xf32, #tpu.memory_space<vmem>>, vector<1x16xf32>,
        %swap3A_374 = vector.shape_cast %swap3A_373 : vector<1x16xf32> to vector<16xf32>
        %swap3A_375 = vector.shape_cast %max3A_370 : vector<16xf32> to vector<1x16xf32>
        tpu.vector_store %arg9[%swap3A_371, %swap3A_372], %swap3A_375 {strides = array<i32>} : memref<80x128xf32, #tpu.memory_space<vmem>>, vector<1x16xf32>,
        %get3A_376 = arith.index_cast %scan3A_278 : i32 to index
        %get3A_377 = arith.constant 112 : index
        %get3A_378 = tpu.vector_load %arg9[%get3A_376, %get3A_377] {strides = array<i32>} : memref<80x128xf32, #tpu.memory_space<vmem>>, vector<1x16xf32>,
        %get3A_379 = vector.shape_cast %get3A_378 : vector<1x16xf32> to vector<16xf32>
        %mul3A_380 = arith.mulf %get3A_379, %get3A_41 : vector<16xf32>
        %add3A_381 = arith.addf %mul3A_380, %get3A_81 : vector<16xf32>
        %max3A_382 = arith.constant 0.000000e+00 : f32
        %max3A_383 = vector.broadcast %max3A_382 : f32 to vector<16xf32>
        %max3A_384 = arith.maximumf %add3A_381, %max3A_383 : vector<16xf32>
        %swap3A_385 = arith.index_cast %scan3A_278 : i32 to index
        %swap3A_386 = arith.constant 112 : index
        %swap3A_387 = tpu.vector_load %arg9[%swap3A_385, %swap3A_386] {strides = array<i32>} : memref<80x128xf32, #tpu.memory_space<vmem>>, vector<1x16xf32>,
        %swap3A_388 = vector.shape_cast %swap3A_387 : vector<1x16xf32> to vector<16xf32>
        %swap3A_389 = vector.shape_cast %max3A_384 : vector<16xf32> to vector<1x16xf32>
        tpu.vector_store %arg9[%swap3A_385, %swap3A_386], %swap3A_389 {strides = array<i32>} : memref<80x128xf32, #tpu.memory_space<vmem>>, vector<1x16xf32>,
        %scan3A_390 = arith.constant 0 : i32
        scf.yield %scan3A_390 : i32
      }
      %scan3A_193 = arith.constant 80 : i32
      %ge3A = arith.constant 1 : i32
      %ge3A_194 = arith.cmpi sge, %mul3A_177, %ge3A : i32
      %convert_element_type3A_195 = arith.extui %ge3A_194 : i1 to i32
      %cond3A_196 = arith.constant 0 : i32
      %cond3A_197 = arith.cmpi ne, %convert_element_type3A_195, %cond3A_196 : i32
      scf.if %cond3A_197 {
        %dma_wait3A_278 = arith.constant 0 : i32
        %dma_wait3A_279 = arith.constant 0 : i32
        %dma_wait3A_280 = tpu.memref_slice %arg14[%dma_wait3A_278, %dma_wait3A_279] : memref<10000x128xf32, #tpu.memory_space<vmem_shared>> -> memref<10000x128xf32, #tpu.memory_space<vmem_shared>>
        tpu.wait_indirect_dma semaphore(%arg20 : memref<!tpu.dma_semaphore, #tpu.memory_space<semaphore_mem>>) src(%arg11 : memref<80x128xf32, #tpu.memory_space<vmem>>) dst(%dma_wait3A_280 : memref<10000x128xf32, #tpu.memory_space<vmem_shared>>)
      } else {
      }
      %add3A_198 = arith.constant 2 : i32
      %add3A_199 = arith.addi %mul3A_177, %add3A_198 : i32
      %lt3A = arith.constant 125 : i32
      %lt3A_200 = arith.cmpi slt, %add3A_199, %lt3A : i32
      %convert_element_type3A_201 = arith.extui %lt3A_200 : i1 to i32
      %cond3A_202 = arith.constant 0 : i32
      %cond3A_203 = arith.cmpi ne, %convert_element_type3A_201, %cond3A_202 : i32
      scf.if %cond3A_203 {
        %add3A_278 = arith.constant 2 : i32
        %add3A_279 = arith.addi %mul3A_177, %add3A_278 : i32
        %mul3A_280 = arith.constant 80 : i32
        %mul3A_281 = arith.muli %add3A_279, %mul3A_280 : i32
        %add3A_282 = arith.addi %mul3A_2, %mul3A_281 : i32
        %dma_start3A_283 = tpu.memref_slice %arg3[%add3A_282] : memref<320000xi32, #tpu.memory_space<hbm>> -> memref<80xi32, #tpu.memory_space<hbm>>
        %dma_start3A_284 = tpu.memref_slice %arg3[%add3A_282] : memref<320000xi32, #tpu.memory_space<hbm>> -> memref<80xi32, #tpu.memory_space<hbm>>
        tpu.enqueue_dma source(%dma_start3A_284 : memref<80xi32, #tpu.memory_space<hbm>>) target(%arg8 : memref<80xi32, #tpu.memory_space<vmem>>) target_semaphore(%arg17 : memref<!tpu.dma_semaphore, #tpu.memory_space<semaphore_mem>>)
        %dma_start3A_285 = arith.constant 0 : i32
        %dma_start3A_286 = tpu.memref_slice %arg2[%add3A_282, %dma_start3A_285] : memref<320000x128xf32, #tpu.memory_space<hbm>> -> memref<80x128xf32, #tpu.memory_space<hbm>>
        %dma_start3A_287 = arith.constant 0 : i32
        %dma_start3A_288 = tpu.memref_slice %arg2[%add3A_282, %dma_start3A_287] : memref<320000x128xf32, #tpu.memory_space<hbm>> -> memref<80x128xf32, #tpu.memory_space<hbm>>
        tpu.enqueue_dma source(%dma_start3A_288 : memref<80x128xf32, #tpu.memory_space<hbm>>) target(%arg11 : memref<80x128xf32, #tpu.memory_space<vmem>>) target_semaphore(%arg17 : memref<!tpu.dma_semaphore, #tpu.memory_space<semaphore_mem>>)
      } else {
      }
      %dma_start3A_204 = arith.constant 0 : i32
      %dma_start3A_205 = arith.constant 0 : i32
      %dma_start3A_206 = tpu.memref_slice %arg14[%dma_start3A_204, %dma_start3A_205] : memref<10000x128xf32, #tpu.memory_space<vmem_shared>> -> memref<10000x128xf32, #tpu.memory_space<vmem_shared>>
      tpu.enqueue_indirect_dma source(%arg9 : memref<80x128xf32, #tpu.memory_space<vmem>>) target(%dma_start3A_206 : memref<10000x128xf32, #tpu.memory_space<vmem_shared>>) offsets(%arg6 : memref<80xi32, #tpu.memory_space<vmem>>) semaphore(%arg18 : memref<!tpu.dma_semaphore, #tpu.memory_space<semaphore_mem>>) {add = true}
      %mul3A_207 = arith.constant 3 : i32
      %mul3A_208 = arith.muli %mul3A_207, %scan3A_174 : i32
      %add3A_209 = arith.constant 1 : i32
      %add3A_210 = arith.addi %mul3A_208, %add3A_209 : i32
      %mul3A_211 = arith.constant 80 : i32
      %mul3A_212 = arith.muli %add3A_210, %mul3A_211 : i32
      %add3A_213 = arith.addi %mul3A_2, %mul3A_212 : i32
      %dma_wait3A_214 = tpu.memref_slice %arg3[%add3A_213] : memref<320000xi32, #tpu.memory_space<hbm>> -> memref<80xi32, #tpu.memory_space<hbm>>
      %dma_wait3A_215 = tpu.memref_slice %arg3[%add3A_213] : memref<320000xi32, #tpu.memory_space<hbm>> -> memref<80xi32, #tpu.memory_space<hbm>>
      tpu.wait_dma2 semaphore(%arg16 : memref<!tpu.dma_semaphore, #tpu.memory_space<semaphore_mem>>) src(%dma_wait3A_215 : memref<80xi32, #tpu.memory_space<hbm>>) dst(%arg7 : memref<80xi32, #tpu.memory_space<vmem>>)
      %dma_wait3A_216 = arith.constant 0 : i32
      %dma_wait3A_217 = tpu.memref_slice %arg2[%add3A_213, %dma_wait3A_216] : memref<320000x128xf32, #tpu.memory_space<hbm>> -> memref<80x128xf32, #tpu.memory_space<hbm>>
      %dma_wait3A_218 = arith.constant 0 : i32
      %dma_wait3A_219 = tpu.memref_slice %arg2[%add3A_213, %dma_wait3A_218] : memref<320000x128xf32, #tpu.memory_space<hbm>> -> memref<80x128xf32, #tpu.memory_space<hbm>>
      tpu.wait_dma2 semaphore(%arg16 : memref<!tpu.dma_semaphore, #tpu.memory_space<semaphore_mem>>) src(%dma_wait3A_219 : memref<80x128xf32, #tpu.memory_space<hbm>>) dst(%arg10 : memref<80x128xf32, #tpu.memory_space<vmem>>)
      %scan3A_220 = arith.constant 0 : i32
      %scan3A_221 = arith.constant 0 : i32
      %scan3A_222 = arith.constant 80 : i32
      %scan3A_223 = arith.addi %scan3A_221, %scan3A_222 : i32
      %scan3A_224 = arith.constant 1 : i32
      %scan3A_225 = scf.for %scan3A_278 = %scan3A_221 to %scan3A_223 step %scan3A_224 iter_args(%scan3A_279 = %scan3A_220) -> (i32)  : i32 {
        %get3A_280 = arith.index_cast %scan3A_278 : i32 to index
        %get3A_281 = arith.constant 0 : index
        %get3A_282 = tpu.vector_load %arg10[%get3A_280, %get3A_281] {strides = array<i32>} : memref<80x128xf32, #tpu.memory_space<vmem>>, vector<1x16xf32>,
        %get3A_283 = vector.shape_cast %get3A_282 : vector<1x16xf32> to vector<16xf32>
        %mul3A_284 = arith.mulf %get3A_283, %get3A_6 : vector<16xf32>
        %add3A_285 = arith.addf %mul3A_284, %get3A_46 : vector<16xf32>
        %max3A = arith.constant 0.000000e+00 : f32
        %max3A_286 = vector.broadcast %max3A : f32 to vector<16xf32>
        %max3A_287 = arith.maximumf %add3A_285, %max3A_286 : vector<16xf32>
        %swap3A = arith.index_cast %scan3A_278 : i32 to index
        %swap3A_288 = arith.constant 0 : index
        %swap3A_289 = tpu.vector_load %arg10[%swap3A, %swap3A_288] {strides = array<i32>} : memref<80x128xf32, #tpu.memory_space<vmem>>, vector<1x16xf32>,
        %swap3A_290 = vector.shape_cast %swap3A_289 : vector<1x16xf32> to vector<16xf32>
        %swap3A_291 = vector.shape_cast %max3A_287 : vector<16xf32> to vector<1x16xf32>
        tpu.vector_store %arg10[%swap3A, %swap3A_288], %swap3A_291 {strides = array<i32>} : memref<80x128xf32, #tpu.memory_space<vmem>>, vector<1x16xf32>,
        %get3A_292 = arith.index_cast %scan3A_278 : i32 to index
        %get3A_293 = arith.constant 16 : index
        %get3A_294 = tpu.vector_load %arg10[%get3A_292, %get3A_293] {strides = array<i32>} : memref<80x128xf32, #tpu.memory_space<vmem>>, vector<1x16xf32>,
        %get3A_295 = vector.shape_cast %get3A_294 : vector<1x16xf32> to vector<16xf32>
        %mul3A_296 = arith.mulf %get3A_295, %get3A_11 : vector<16xf32>
        %add3A_297 = arith.addf %mul3A_296, %get3A_51 : vector<16xf32>
        %max3A_298 = arith.constant 0.000000e+00 : f32
        %max3A_299 = vector.broadcast %max3A_298 : f32 to vector<16xf32>
        %max3A_300 = arith.maximumf %add3A_297, %max3A_299 : vector<16xf32>
        %swap3A_301 = arith.index_cast %scan3A_278 : i32 to index
        %swap3A_302 = arith.constant 16 : index
        %swap3A_303 = tpu.vector_load %arg10[%swap3A_301, %swap3A_302] {strides = array<i32>} : memref<80x128xf32, #tpu.memory_space<vmem>>, vector<1x16xf32>,
        %swap3A_304 = vector.shape_cast %swap3A_303 : vector<1x16xf32> to vector<16xf32>
        %swap3A_305 = vector.shape_cast %max3A_300 : vector<16xf32> to vector<1x16xf32>
        tpu.vector_store %arg10[%swap3A_301, %swap3A_302], %swap3A_305 {strides = array<i32>} : memref<80x128xf32, #tpu.memory_space<vmem>>, vector<1x16xf32>,
        %get3A_306 = arith.index_cast %scan3A_278 : i32 to index
        %get3A_307 = arith.constant 32 : index
        %get3A_308 = tpu.vector_load %arg10[%get3A_306, %get3A_307] {strides = array<i32>} : memref<80x128xf32, #tpu.memory_space<vmem>>, vector<1x16xf32>,
        %get3A_309 = vector.shape_cast %get3A_308 : vector<1x16xf32> to vector<16xf32>
        %mul3A_310 = arith.mulf %get3A_309, %get3A_16 : vector<16xf32>
        %add3A_311 = arith.addf %mul3A_310, %get3A_56 : vector<16xf32>
        %max3A_312 = arith.constant 0.000000e+00 : f32
        %max3A_313 = vector.broadcast %max3A_312 : f32 to vector<16xf32>
        %max3A_314 = arith.maximumf %add3A_311, %max3A_313 : vector<16xf32>
        %swap3A_315 = arith.index_cast %scan3A_278 : i32 to index
        %swap3A_316 = arith.constant 32 : index
        %swap3A_317 = tpu.vector_load %arg10[%swap3A_315, %swap3A_316] {strides = array<i32>} : memref<80x128xf32, #tpu.memory_space<vmem>>, vector<1x16xf32>,
        %swap3A_318 = vector.shape_cast %swap3A_317 : vector<1x16xf32> to vector<16xf32>
        %swap3A_319 = vector.shape_cast %max3A_314 : vector<16xf32> to vector<1x16xf32>
        tpu.vector_store %arg10[%swap3A_315, %swap3A_316], %swap3A_319 {strides = array<i32>} : memref<80x128xf32, #tpu.memory_space<vmem>>, vector<1x16xf32>,
        %get3A_320 = arith.index_cast %scan3A_278 : i32 to index
        %get3A_321 = arith.constant 48 : index
        %get3A_322 = tpu.vector_load %arg10[%get3A_320, %get3A_321] {strides = array<i32>} : memref<80x128xf32, #tpu.memory_space<vmem>>, vector<1x16xf32>,
        %get3A_323 = vector.shape_cast %get3A_322 : vector<1x16xf32> to vector<16xf32>
        %mul3A_324 = arith.mulf %get3A_323, %get3A_21 : vector<16xf32>
        %add3A_325 = arith.addf %mul3A_324, %get3A_61 : vector<16xf32>
        %max3A_326 = arith.constant 0.000000e+00 : f32
        %max3A_327 = vector.broadcast %max3A_326 : f32 to vector<16xf32>
        %max3A_328 = arith.maximumf %add3A_325, %max3A_327 : vector<16xf32>
        %swap3A_329 = arith.index_cast %scan3A_278 : i32 to index
        %swap3A_330 = arith.constant 48 : index
        %swap3A_331 = tpu.vector_load %arg10[%swap3A_329, %swap3A_330] {strides = array<i32>} : memref<80x128xf32, #tpu.memory_space<vmem>>, vector<1x16xf32>,
        %swap3A_332 = vector.shape_cast %swap3A_331 : vector<1x16xf32> to vector<16xf32>
        %swap3A_333 = vector.shape_cast %max3A_328 : vector<16xf32> to vector<1x16xf32>
        tpu.vector_store %arg10[%swap3A_329, %swap3A_330], %swap3A_333 {strides = array<i32>} : memref<80x128xf32, #tpu.memory_space<vmem>>, vector<1x16xf32>,
        %get3A_334 = arith.index_cast %scan3A_278 : i32 to index
        %get3A_335 = arith.constant 64 : index
        %get3A_336 = tpu.vector_load %arg10[%get3A_334, %get3A_335] {strides = array<i32>} : memref<80x128xf32, #tpu.memory_space<vmem>>, vector<1x16xf32>,
        %get3A_337 = vector.shape_cast %get3A_336 : vector<1x16xf32> to vector<16xf32>
        %mul3A_338 = arith.mulf %get3A_337, %get3A_26 : vector<16xf32>
        %add3A_339 = arith.addf %mul3A_338, %get3A_66 : vector<16xf32>
        %max3A_340 = arith.constant 0.000000e+00 : f32
        %max3A_341 = vector.broadcast %max3A_340 : f32 to vector<16xf32>
        %max3A_342 = arith.maximumf %add3A_339, %max3A_341 : vector<16xf32>
        %swap3A_343 = arith.index_cast %scan3A_278 : i32 to index
        %swap3A_344 = arith.constant 64 : index
        %swap3A_345 = tpu.vector_load %arg10[%swap3A_343, %swap3A_344] {strides = array<i32>} : memref<80x128xf32, #tpu.memory_space<vmem>>, vector<1x16xf32>,
        %swap3A_346 = vector.shape_cast %swap3A_345 : vector<1x16xf32> to vector<16xf32>
        %swap3A_347 = vector.shape_cast %max3A_342 : vector<16xf32> to vector<1x16xf32>
        tpu.vector_store %arg10[%swap3A_343, %swap3A_344], %swap3A_347 {strides = array<i32>} : memref<80x128xf32, #tpu.memory_space<vmem>>, vector<1x16xf32>,
        %get3A_348 = arith.index_cast %scan3A_278 : i32 to index
        %get3A_349 = arith.constant 80 : index
        %get3A_350 = tpu.vector_load %arg10[%get3A_348, %get3A_349] {strides = array<i32>} : memref<80x128xf32, #tpu.memory_space<vmem>>, vector<1x16xf32>,
        %get3A_351 = vector.shape_cast %get3A_350 : vector<1x16xf32> to vector<16xf32>
        %mul3A_352 = arith.mulf %get3A_351, %get3A_31 : vector<16xf32>
        %add3A_353 = arith.addf %mul3A_352, %get3A_71 : vector<16xf32>
        %max3A_354 = arith.constant 0.000000e+00 : f32
        %max3A_355 = vector.broadcast %max3A_354 : f32 to vector<16xf32>
        %max3A_356 = arith.maximumf %add3A_353, %max3A_355 : vector<16xf32>
        %swap3A_357 = arith.index_cast %scan3A_278 : i32 to index
        %swap3A_358 = arith.constant 80 : index
        %swap3A_359 = tpu.vector_load %arg10[%swap3A_357, %swap3A_358] {strides = array<i32>} : memref<80x128xf32, #tpu.memory_space<vmem>>, vector<1x16xf32>,
        %swap3A_360 = vector.shape_cast %swap3A_359 : vector<1x16xf32> to vector<16xf32>
        %swap3A_361 = vector.shape_cast %max3A_356 : vector<16xf32> to vector<1x16xf32>
        tpu.vector_store %arg10[%swap3A_357, %swap3A_358], %swap3A_361 {strides = array<i32>} : memref<80x128xf32, #tpu.memory_space<vmem>>, vector<1x16xf32>,
        %get3A_362 = arith.index_cast %scan3A_278 : i32 to index
        %get3A_363 = arith.constant 96 : index
        %get3A_364 = tpu.vector_load %arg10[%get3A_362, %get3A_363] {strides = array<i32>} : memref<80x128xf32, #tpu.memory_space<vmem>>, vector<1x16xf32>,
        %get3A_365 = vector.shape_cast %get3A_364 : vector<1x16xf32> to vector<16xf32>
        %mul3A_366 = arith.mulf %get3A_365, %get3A_36 : vector<16xf32>
        %add3A_367 = arith.addf %mul3A_366, %get3A_76 : vector<16xf32>
        %max3A_368 = arith.constant 0.000000e+00 : f32
        %max3A_369 = vector.broadcast %max3A_368 : f32 to vector<16xf32>
        %max3A_370 = arith.maximumf %add3A_367, %max3A_369 : vector<16xf32>
        %swap3A_371 = arith.index_cast %scan3A_278 : i32 to index
        %swap3A_372 = arith.constant 96 : index
        %swap3A_373 = tpu.vector_load %arg10[%swap3A_371, %swap3A_372] {strides = array<i32>} : memref<80x128xf32, #tpu.memory_space<vmem>>, vector<1x16xf32>,
        %swap3A_374 = vector.shape_cast %swap3A_373 : vector<1x16xf32> to vector<16xf32>
        %swap3A_375 = vector.shape_cast %max3A_370 : vector<16xf32> to vector<1x16xf32>
        tpu.vector_store %arg10[%swap3A_371, %swap3A_372], %swap3A_375 {strides = array<i32>} : memref<80x128xf32, #tpu.memory_space<vmem>>, vector<1x16xf32>,
        %get3A_376 = arith.index_cast %scan3A_278 : i32 to index
        %get3A_377 = arith.constant 112 : index
        %get3A_378 = tpu.vector_load %arg10[%get3A_376, %get3A_377] {strides = array<i32>} : memref<80x128xf32, #tpu.memory_space<vmem>>, vector<1x16xf32>,
        %get3A_379 = vector.shape_cast %get3A_378 : vector<1x16xf32> to vector<16xf32>
        %mul3A_380 = arith.mulf %get3A_379, %get3A_41 : vector<16xf32>
        %add3A_381 = arith.addf %mul3A_380, %get3A_81 : vector<16xf32>
        %max3A_382 = arith.constant 0.000000e+00 : f32
        %max3A_383 = vector.broadcast %max3A_382 : f32 to vector<16xf32>
        %max3A_384 = arith.maximumf %add3A_381, %max3A_383 : vector<16xf32>
        %swap3A_385 = arith.index_cast %scan3A_278 : i32 to index
        %swap3A_386 = arith.constant 112 : index
        %swap3A_387 = tpu.vector_load %arg10[%swap3A_385, %swap3A_386] {strides = array<i32>} : memref<80x128xf32, #tpu.memory_space<vmem>>, vector<1x16xf32>,
        %swap3A_388 = vector.shape_cast %swap3A_387 : vector<1x16xf32> to vector<16xf32>
        %swap3A_389 = vector.shape_cast %max3A_384 : vector<16xf32> to vector<1x16xf32>
        tpu.vector_store %arg10[%swap3A_385, %swap3A_386], %swap3A_389 {strides = array<i32>} : memref<80x128xf32, #tpu.memory_space<vmem>>, vector<1x16xf32>,
        %scan3A_390 = arith.constant 0 : i32
        scf.yield %scan3A_390 : i32
      }
      %scan3A_226 = arith.constant 80 : i32
      %ge3A_227 = arith.constant 1 : i32
      %ge3A_228 = arith.cmpi sge, %add3A_210, %ge3A_227 : i32
      %convert_element_type3A_229 = arith.extui %ge3A_228 : i1 to i32
      %cond3A_230 = arith.constant 0 : i32
      %cond3A_231 = arith.cmpi ne, %convert_element_type3A_229, %cond3A_230 : i32
      scf.if %cond3A_231 {
        %dma_wait3A_278 = arith.constant 0 : i32
        %dma_wait3A_279 = arith.constant 0 : i32
        %dma_wait3A_280 = tpu.memref_slice %arg14[%dma_wait3A_278, %dma_wait3A_279] : memref<10000x128xf32, #tpu.memory_space<vmem_shared>> -> memref<10000x128xf32, #tpu.memory_space<vmem_shared>>
        tpu.wait_indirect_dma semaphore(%arg18 : memref<!tpu.dma_semaphore, #tpu.memory_space<semaphore_mem>>) src(%arg9 : memref<80x128xf32, #tpu.memory_space<vmem>>) dst(%dma_wait3A_280 : memref<10000x128xf32, #tpu.memory_space<vmem_shared>>)
      } else {
      }
      %add3A_232 = arith.constant 2 : i32
      %add3A_233 = arith.addi %add3A_210, %add3A_232 : i32
      %lt3A_234 = arith.constant 125 : i32
      %lt3A_235 = arith.cmpi slt, %add3A_233, %lt3A_234 : i32
      %convert_element_type3A_236 = arith.extui %lt3A_235 : i1 to i32
      %cond3A_237 = arith.constant 0 : i32
      %cond3A_238 = arith.cmpi ne, %convert_element_type3A_236, %cond3A_237 : i32
      scf.if %cond3A_238 {
        %add3A_278 = arith.constant 2 : i32
        %add3A_279 = arith.addi %add3A_210, %add3A_278 : i32
        %mul3A_280 = arith.constant 80 : i32
        %mul3A_281 = arith.muli %add3A_279, %mul3A_280 : i32
        %add3A_282 = arith.addi %mul3A_2, %mul3A_281 : i32
        %dma_start3A_283 = tpu.memref_slice %arg3[%add3A_282] : memref<320000xi32, #tpu.memory_space<hbm>> -> memref<80xi32, #tpu.memory_space<hbm>>
        %dma_start3A_284 = tpu.memref_slice %arg3[%add3A_282] : memref<320000xi32, #tpu.memory_space<hbm>> -> memref<80xi32, #tpu.memory_space<hbm>>
        tpu.enqueue_dma source(%dma_start3A_284 : memref<80xi32, #tpu.memory_space<hbm>>) target(%arg6 : memref<80xi32, #tpu.memory_space<vmem>>) target_semaphore(%arg15 : memref<!tpu.dma_semaphore, #tpu.memory_space<semaphore_mem>>)
        %dma_start3A_285 = arith.constant 0 : i32
        %dma_start3A_286 = tpu.memref_slice %arg2[%add3A_282, %dma_start3A_285] : memref<320000x128xf32, #tpu.memory_space<hbm>> -> memref<80x128xf32, #tpu.memory_space<hbm>>
        %dma_start3A_287 = arith.constant 0 : i32
        %dma_start3A_288 = tpu.memref_slice %arg2[%add3A_282, %dma_start3A_287] : memref<320000x128xf32, #tpu.memory_space<hbm>> -> memref<80x128xf32, #tpu.memory_space<hbm>>
        tpu.enqueue_dma source(%dma_start3A_288 : memref<80x128xf32, #tpu.memory_space<hbm>>) target(%arg9 : memref<80x128xf32, #tpu.memory_space<vmem>>) target_semaphore(%arg15 : memref<!tpu.dma_semaphore, #tpu.memory_space<semaphore_mem>>)
      } else {
      }
      %dma_start3A_239 = arith.constant 0 : i32
      %dma_start3A_240 = arith.constant 0 : i32
      %dma_start3A_241 = tpu.memref_slice %arg14[%dma_start3A_239, %dma_start3A_240] : memref<10000x128xf32, #tpu.memory_space<vmem_shared>> -> memref<10000x128xf32, #tpu.memory_space<vmem_shared>>
      tpu.enqueue_indirect_dma source(%arg10 : memref<80x128xf32, #tpu.memory_space<vmem>>) target(%dma_start3A_241 : memref<10000x128xf32, #tpu.memory_space<vmem_shared>>) offsets(%arg7 : memref<80xi32, #tpu.memory_space<vmem>>) semaphore(%arg19 : memref<!tpu.dma_semaphore, #tpu.memory_space<semaphore_mem>>) {add = true}
      %mul3A_242 = arith.constant 3 : i32
      %mul3A_243 = arith.muli %mul3A_242, %scan3A_174 : i32
      %add3A_244 = arith.constant 2 : i32
      %add3A_245 = arith.addi %mul3A_243, %add3A_244 : i32
      %mul3A_246 = arith.constant 80 : i32
      %mul3A_247 = arith.muli %add3A_245, %mul3A_246 : i32
      %add3A_248 = arith.addi %mul3A_2, %mul3A_247 : i32
      %dma_wait3A_249 = tpu.memref_slice %arg3[%add3A_248] : memref<320000xi32, #tpu.memory_space<hbm>> -> memref<80xi32, #tpu.memory_space<hbm>>
      %dma_wait3A_250 = tpu.memref_slice %arg3[%add3A_248] : memref<320000xi32, #tpu.memory_space<hbm>> -> memref<80xi32, #tpu.memory_space<hbm>>
      tpu.wait_dma2 semaphore(%arg17 : memref<!tpu.dma_semaphore, #tpu.memory_space<semaphore_mem>>) src(%dma_wait3A_250 : memref<80xi32, #tpu.memory_space<hbm>>) dst(%arg8 : memref<80xi32, #tpu.memory_space<vmem>>)
      %dma_wait3A_251 = arith.constant 0 : i32
      %dma_wait3A_252 = tpu.memref_slice %arg2[%add3A_248, %dma_wait3A_251] : memref<320000x128xf32, #tpu.memory_space<hbm>> -> memref<80x128xf32, #tpu.memory_space<hbm>>
      %dma_wait3A_253 = arith.constant 0 : i32
      %dma_wait3A_254 = tpu.memref_slice %arg2[%add3A_248, %dma_wait3A_253] : memref<320000x128xf32, #tpu.memory_space<hbm>> -> memref<80x128xf32, #tpu.memory_space<hbm>>
      tpu.wait_dma2 semaphore(%arg17 : memref<!tpu.dma_semaphore, #tpu.memory_space<semaphore_mem>>) src(%dma_wait3A_254 : memref<80x128xf32, #tpu.memory_space<hbm>>) dst(%arg11 : memref<80x128xf32, #tpu.memory_space<vmem>>)
      %scan3A_255 = arith.constant 0 : i32
      %scan3A_256 = arith.constant 0 : i32
      %scan3A_257 = arith.constant 80 : i32
      %scan3A_258 = arith.addi %scan3A_256, %scan3A_257 : i32
      %scan3A_259 = arith.constant 1 : i32
      %scan3A_260 = scf.for %scan3A_278 = %scan3A_256 to %scan3A_258 step %scan3A_259 iter_args(%scan3A_279 = %scan3A_255) -> (i32)  : i32 {
        %get3A_280 = arith.index_cast %scan3A_278 : i32 to index
        %get3A_281 = arith.constant 0 : index
        %get3A_282 = tpu.vector_load %arg11[%get3A_280, %get3A_281] {strides = array<i32>} : memref<80x128xf32, #tpu.memory_space<vmem>>, vector<1x16xf32>,
        %get3A_283 = vector.shape_cast %get3A_282 : vector<1x16xf32> to vector<16xf32>
        %mul3A_284 = arith.mulf %get3A_283, %get3A_6 : vector<16xf32>
        %add3A_285 = arith.addf %mul3A_284, %get3A_46 : vector<16xf32>
        %max3A = arith.constant 0.000000e+00 : f32
        %max3A_286 = vector.broadcast %max3A : f32 to vector<16xf32>
        %max3A_287 = arith.maximumf %add3A_285, %max3A_286 : vector<16xf32>
        %swap3A = arith.index_cast %scan3A_278 : i32 to index
        %swap3A_288 = arith.constant 0 : index
        %swap3A_289 = tpu.vector_load %arg11[%swap3A, %swap3A_288] {strides = array<i32>} : memref<80x128xf32, #tpu.memory_space<vmem>>, vector<1x16xf32>,
        %swap3A_290 = vector.shape_cast %swap3A_289 : vector<1x16xf32> to vector<16xf32>
        %swap3A_291 = vector.shape_cast %max3A_287 : vector<16xf32> to vector<1x16xf32>
        tpu.vector_store %arg11[%swap3A, %swap3A_288], %swap3A_291 {strides = array<i32>} : memref<80x128xf32, #tpu.memory_space<vmem>>, vector<1x16xf32>,
        %get3A_292 = arith.index_cast %scan3A_278 : i32 to index
        %get3A_293 = arith.constant 16 : index
        %get3A_294 = tpu.vector_load %arg11[%get3A_292, %get3A_293] {strides = array<i32>} : memref<80x128xf32, #tpu.memory_space<vmem>>, vector<1x16xf32>,
        %get3A_295 = vector.shape_cast %get3A_294 : vector<1x16xf32> to vector<16xf32>
        %mul3A_296 = arith.mulf %get3A_295, %get3A_11 : vector<16xf32>
        %add3A_297 = arith.addf %mul3A_296, %get3A_51 : vector<16xf32>
        %max3A_298 = arith.constant 0.000000e+00 : f32
        %max3A_299 = vector.broadcast %max3A_298 : f32 to vector<16xf32>
        %max3A_300 = arith.maximumf %add3A_297, %max3A_299 : vector<16xf32>
        %swap3A_301 = arith.index_cast %scan3A_278 : i32 to index
        %swap3A_302 = arith.constant 16 : index
        %swap3A_303 = tpu.vector_load %arg11[%swap3A_301, %swap3A_302] {strides = array<i32>} : memref<80x128xf32, #tpu.memory_space<vmem>>, vector<1x16xf32>,
        %swap3A_304 = vector.shape_cast %swap3A_303 : vector<1x16xf32> to vector<16xf32>
        %swap3A_305 = vector.shape_cast %max3A_300 : vector<16xf32> to vector<1x16xf32>
        tpu.vector_store %arg11[%swap3A_301, %swap3A_302], %swap3A_305 {strides = array<i32>} : memref<80x128xf32, #tpu.memory_space<vmem>>, vector<1x16xf32>,
        %get3A_306 = arith.index_cast %scan3A_278 : i32 to index
        %get3A_307 = arith.constant 32 : index
        %get3A_308 = tpu.vector_load %arg11[%get3A_306, %get3A_307] {strides = array<i32>} : memref<80x128xf32, #tpu.memory_space<vmem>>, vector<1x16xf32>,
        %get3A_309 = vector.shape_cast %get3A_308 : vector<1x16xf32> to vector<16xf32>
        %mul3A_310 = arith.mulf %get3A_309, %get3A_16 : vector<16xf32>
        %add3A_311 = arith.addf %mul3A_310, %get3A_56 : vector<16xf32>
        %max3A_312 = arith.constant 0.000000e+00 : f32
        %max3A_313 = vector.broadcast %max3A_312 : f32 to vector<16xf32>
        %max3A_314 = arith.maximumf %add3A_311, %max3A_313 : vector<16xf32>
        %swap3A_315 = arith.index_cast %scan3A_278 : i32 to index
        %swap3A_316 = arith.constant 32 : index
        %swap3A_317 = tpu.vector_load %arg11[%swap3A_315, %swap3A_316] {strides = array<i32>} : memref<80x128xf32, #tpu.memory_space<vmem>>, vector<1x16xf32>,
        %swap3A_318 = vector.shape_cast %swap3A_317 : vector<1x16xf32> to vector<16xf32>
        %swap3A_319 = vector.shape_cast %max3A_314 : vector<16xf32> to vector<1x16xf32>
        tpu.vector_store %arg11[%swap3A_315, %swap3A_316], %swap3A_319 {strides = array<i32>} : memref<80x128xf32, #tpu.memory_space<vmem>>, vector<1x16xf32>,
        %get3A_320 = arith.index_cast %scan3A_278 : i32 to index
        %get3A_321 = arith.constant 48 : index
        %get3A_322 = tpu.vector_load %arg11[%get3A_320, %get3A_321] {strides = array<i32>} : memref<80x128xf32, #tpu.memory_space<vmem>>, vector<1x16xf32>,
        %get3A_323 = vector.shape_cast %get3A_322 : vector<1x16xf32> to vector<16xf32>
        %mul3A_324 = arith.mulf %get3A_323, %get3A_21 : vector<16xf32>
        %add3A_325 = arith.addf %mul3A_324, %get3A_61 : vector<16xf32>
        %max3A_326 = arith.constant 0.000000e+00 : f32
        %max3A_327 = vector.broadcast %max3A_326 : f32 to vector<16xf32>
        %max3A_328 = arith.maximumf %add3A_325, %max3A_327 : vector<16xf32>
        %swap3A_329 = arith.index_cast %scan3A_278 : i32 to index
        %swap3A_330 = arith.constant 48 : index
        %swap3A_331 = tpu.vector_load %arg11[%swap3A_329, %swap3A_330] {strides = array<i32>} : memref<80x128xf32, #tpu.memory_space<vmem>>, vector<1x16xf32>,
        %swap3A_332 = vector.shape_cast %swap3A_331 : vector<1x16xf32> to vector<16xf32>
        %swap3A_333 = vector.shape_cast %max3A_328 : vector<16xf32> to vector<1x16xf32>
        tpu.vector_store %arg11[%swap3A_329, %swap3A_330], %swap3A_333 {strides = array<i32>} : memref<80x128xf32, #tpu.memory_space<vmem>>, vector<1x16xf32>,
        %get3A_334 = arith.index_cast %scan3A_278 : i32 to index
        %get3A_335 = arith.constant 64 : index
        %get3A_336 = tpu.vector_load %arg11[%get3A_334, %get3A_335] {strides = array<i32>} : memref<80x128xf32, #tpu.memory_space<vmem>>, vector<1x16xf32>,
        %get3A_337 = vector.shape_cast %get3A_336 : vector<1x16xf32> to vector<16xf32>
        %mul3A_338 = arith.mulf %get3A_337, %get3A_26 : vector<16xf32>
        %add3A_339 = arith.addf %mul3A_338, %get3A_66 : vector<16xf32>
        %max3A_340 = arith.constant 0.000000e+00 : f32
        %max3A_341 = vector.broadcast %max3A_340 : f32 to vector<16xf32>
        %max3A_342 = arith.maximumf %add3A_339, %max3A_341 : vector<16xf32>
        %swap3A_343 = arith.index_cast %scan3A_278 : i32 to index
        %swap3A_344 = arith.constant 64 : index
        %swap3A_345 = tpu.vector_load %arg11[%swap3A_343, %swap3A_344] {strides = array<i32>} : memref<80x128xf32, #tpu.memory_space<vmem>>, vector<1x16xf32>,
        %swap3A_346 = vector.shape_cast %swap3A_345 : vector<1x16xf32> to vector<16xf32>
        %swap3A_347 = vector.shape_cast %max3A_342 : vector<16xf32> to vector<1x16xf32>
        tpu.vector_store %arg11[%swap3A_343, %swap3A_344], %swap3A_347 {strides = array<i32>} : memref<80x128xf32, #tpu.memory_space<vmem>>, vector<1x16xf32>,
        %get3A_348 = arith.index_cast %scan3A_278 : i32 to index
        %get3A_349 = arith.constant 80 : index
        %get3A_350 = tpu.vector_load %arg11[%get3A_348, %get3A_349] {strides = array<i32>} : memref<80x128xf32, #tpu.memory_space<vmem>>, vector<1x16xf32>,
        %get3A_351 = vector.shape_cast %get3A_350 : vector<1x16xf32> to vector<16xf32>
        %mul3A_352 = arith.mulf %get3A_351, %get3A_31 : vector<16xf32>
        %add3A_353 = arith.addf %mul3A_352, %get3A_71 : vector<16xf32>
        %max3A_354 = arith.constant 0.000000e+00 : f32
        %max3A_355 = vector.broadcast %max3A_354 : f32 to vector<16xf32>
        %max3A_356 = arith.maximumf %add3A_353, %max3A_355 : vector<16xf32>
        %swap3A_357 = arith.index_cast %scan3A_278 : i32 to index
        %swap3A_358 = arith.constant 80 : index
        %swap3A_359 = tpu.vector_load %arg11[%swap3A_357, %swap3A_358] {strides = array<i32>} : memref<80x128xf32, #tpu.memory_space<vmem>>, vector<1x16xf32>,
        %swap3A_360 = vector.shape_cast %swap3A_359 : vector<1x16xf32> to vector<16xf32>
        %swap3A_361 = vector.shape_cast %max3A_356 : vector<16xf32> to vector<1x16xf32>
        tpu.vector_store %arg11[%swap3A_357, %swap3A_358], %swap3A_361 {strides = array<i32>} : memref<80x128xf32, #tpu.memory_space<vmem>>, vector<1x16xf32>,
        %get3A_362 = arith.index_cast %scan3A_278 : i32 to index
        %get3A_363 = arith.constant 96 : index
        %get3A_364 = tpu.vector_load %arg11[%get3A_362, %get3A_363] {strides = array<i32>} : memref<80x128xf32, #tpu.memory_space<vmem>>, vector<1x16xf32>,
        %get3A_365 = vector.shape_cast %get3A_364 : vector<1x16xf32> to vector<16xf32>
        %mul3A_366 = arith.mulf %get3A_365, %get3A_36 : vector<16xf32>
        %add3A_367 = arith.addf %mul3A_366, %get3A_76 : vector<16xf32>
        %max3A_368 = arith.constant 0.000000e+00 : f32
        %max3A_369 = vector.broadcast %max3A_368 : f32 to vector<16xf32>
        %max3A_370 = arith.maximumf %add3A_367, %max3A_369 : vector<16xf32>
        %swap3A_371 = arith.index_cast %scan3A_278 : i32 to index
        %swap3A_372 = arith.constant 96 : index
        %swap3A_373 = tpu.vector_load %arg11[%swap3A_371, %swap3A_372] {strides = array<i32>} : memref<80x128xf32, #tpu.memory_space<vmem>>, vector<1x16xf32>,
        %swap3A_374 = vector.shape_cast %swap3A_373 : vector<1x16xf32> to vector<16xf32>
        %swap3A_375 = vector.shape_cast %max3A_370 : vector<16xf32> to vector<1x16xf32>
        tpu.vector_store %arg11[%swap3A_371, %swap3A_372], %swap3A_375 {strides = array<i32>} : memref<80x128xf32, #tpu.memory_space<vmem>>, vector<1x16xf32>,
        %get3A_376 = arith.index_cast %scan3A_278 : i32 to index
        %get3A_377 = arith.constant 112 : index
        %get3A_378 = tpu.vector_load %arg11[%get3A_376, %get3A_377] {strides = array<i32>} : memref<80x128xf32, #tpu.memory_space<vmem>>, vector<1x16xf32>,
        %get3A_379 = vector.shape_cast %get3A_378 : vector<1x16xf32> to vector<16xf32>
        %mul3A_380 = arith.mulf %get3A_379, %get3A_41 : vector<16xf32>
        %add3A_381 = arith.addf %mul3A_380, %get3A_81 : vector<16xf32>
        %max3A_382 = arith.constant 0.000000e+00 : f32
        %max3A_383 = vector.broadcast %max3A_382 : f32 to vector<16xf32>
        %max3A_384 = arith.maximumf %add3A_381, %max3A_383 : vector<16xf32>
        %swap3A_385 = arith.index_cast %scan3A_278 : i32 to index
        %swap3A_386 = arith.constant 112 : index
        %swap3A_387 = tpu.vector_load %arg11[%swap3A_385, %swap3A_386] {strides = array<i32>} : memref<80x128xf32, #tpu.memory_space<vmem>>, vector<1x16xf32>,
        %swap3A_388 = vector.shape_cast %swap3A_387 : vector<1x16xf32> to vector<16xf32>
        %swap3A_389 = vector.shape_cast %max3A_384 : vector<16xf32> to vector<1x16xf32>
        tpu.vector_store %arg11[%swap3A_385, %swap3A_386], %swap3A_389 {strides = array<i32>} : memref<80x128xf32, #tpu.memory_space<vmem>>, vector<1x16xf32>,
        %scan3A_390 = arith.constant 0 : i32
        scf.yield %scan3A_390 : i32
      }
      %scan3A_261 = arith.constant 80 : i32
      %ge3A_262 = arith.constant 1 : i32
      %ge3A_263 = arith.cmpi sge, %add3A_245, %ge3A_262 : i32
      %convert_element_type3A_264 = arith.extui %ge3A_263 : i1 to i32
      %cond3A_265 = arith.constant 0 : i32
      %cond3A_266 = arith.cmpi ne, %convert_element_type3A_264, %cond3A_265 : i32
      scf.if %cond3A_266 {
        %dma_wait3A_278 = arith.constant 0 : i32
        %dma_wait3A_279 = arith.constant 0 : i32
        %dma_wait3A_280 = tpu.memref_slice %arg14[%dma_wait3A_278, %dma_wait3A_279] : memref<10000x128xf32, #tpu.memory_space<vmem_shared>> -> memref<10000x128xf32, #tpu.memory_space<vmem_shared>>
        tpu.wait_indirect_dma semaphore(%arg19 : memref<!tpu.dma_semaphore, #tpu.memory_space<semaphore_mem>>) src(%arg10 : memref<80x128xf32, #tpu.memory_space<vmem>>) dst(%dma_wait3A_280 : memref<10000x128xf32, #tpu.memory_space<vmem_shared>>)
      } else {
      }
      %add3A_267 = arith.constant 2 : i32
      %add3A_268 = arith.addi %add3A_245, %add3A_267 : i32
      %lt3A_269 = arith.constant 125 : i32
      %lt3A_270 = arith.cmpi slt, %add3A_268, %lt3A_269 : i32
      %convert_element_type3A_271 = arith.extui %lt3A_270 : i1 to i32
      %cond3A_272 = arith.constant 0 : i32
      %cond3A_273 = arith.cmpi ne, %convert_element_type3A_271, %cond3A_272 : i32
      scf.if %cond3A_273 {
        %add3A_278 = arith.constant 2 : i32
        %add3A_279 = arith.addi %add3A_245, %add3A_278 : i32
        %mul3A_280 = arith.constant 80 : i32
        %mul3A_281 = arith.muli %add3A_279, %mul3A_280 : i32
        %add3A_282 = arith.addi %mul3A_2, %mul3A_281 : i32
        %dma_start3A_283 = tpu.memref_slice %arg3[%add3A_282] : memref<320000xi32, #tpu.memory_space<hbm>> -> memref<80xi32, #tpu.memory_space<hbm>>
        %dma_start3A_284 = tpu.memref_slice %arg3[%add3A_282] : memref<320000xi32, #tpu.memory_space<hbm>> -> memref<80xi32, #tpu.memory_space<hbm>>
        tpu.enqueue_dma source(%dma_start3A_284 : memref<80xi32, #tpu.memory_space<hbm>>) target(%arg7 : memref<80xi32, #tpu.memory_space<vmem>>) target_semaphore(%arg16 : memref<!tpu.dma_semaphore, #tpu.memory_space<semaphore_mem>>)
        %dma_start3A_285 = arith.constant 0 : i32
        %dma_start3A_286 = tpu.memref_slice %arg2[%add3A_282, %dma_start3A_285] : memref<320000x128xf32, #tpu.memory_space<hbm>> -> memref<80x128xf32, #tpu.memory_space<hbm>>
        %dma_start3A_287 = arith.constant 0 : i32
        %dma_start3A_288 = tpu.memref_slice %arg2[%add3A_282, %dma_start3A_287] : memref<320000x128xf32, #tpu.memory_space<hbm>> -> memref<80x128xf32, #tpu.memory_space<hbm>>
        tpu.enqueue_dma source(%dma_start3A_288 : memref<80x128xf32, #tpu.memory_space<hbm>>) target(%arg10 : memref<80x128xf32, #tpu.memory_space<vmem>>) target_semaphore(%arg16 : memref<!tpu.dma_semaphore, #tpu.memory_space<semaphore_mem>>)
      } else {
      }
      %dma_start3A_274 = arith.constant 0 : i32
      %dma_start3A_275 = arith.constant 0 : i32
      %dma_start3A_276 = tpu.memref_slice %arg14[%dma_start3A_274, %dma_start3A_275] : memref<10000x128xf32, #tpu.memory_space<vmem_shared>> -> memref<10000x128xf32, #tpu.memory_space<vmem_shared>>
      tpu.enqueue_indirect_dma source(%arg11 : memref<80x128xf32, #tpu.memory_space<vmem>>) target(%dma_start3A_276 : memref<10000x128xf32, #tpu.memory_space<vmem_shared>>) offsets(%arg8 : memref<80xi32, #tpu.memory_space<vmem>>) semaphore(%arg20 : memref<!tpu.dma_semaphore, #tpu.memory_space<semaphore_mem>>) {add = true}
      %scan3A_277 = arith.constant 0 : i32
      scf.yield %scan3A_277 : i32
    }
    %scan3A_119 = arith.constant 41 : i32
    %add3A_120 = arith.constant 9840 : i32
    %add3A_121 = arith.addi %mul3A_2, %add3A_120 : i32
    %dma_wait3A = tpu.memref_slice %arg3[%add3A_121] : memref<320000xi32, #tpu.memory_space<hbm>> -> memref<80xi32, #tpu.memory_space<hbm>>
    %dma_wait3A_122 = tpu.memref_slice %arg3[%add3A_121] : memref<320000xi32, #tpu.memory_space<hbm>> -> memref<80xi32, #tpu.memory_space<hbm>>
    tpu.wait_dma2 semaphore(%arg15 : memref<!tpu.dma_semaphore, #tpu.memory_space<semaphore_mem>>) src(%dma_wait3A_122 : memref<80xi32, #tpu.memory_space<hbm>>) dst(%arg6 : memref<80xi32, #tpu.memory_space<vmem>>)
    %dma_wait3A_123 = arith.constant 0 : i32
    %dma_wait3A_124 = tpu.memref_slice %arg2[%add3A_121, %dma_wait3A_123] : memref<320000x128xf32, #tpu.memory_space<hbm>> -> memref<80x128xf32, #tpu.memory_space<hbm>>
    %dma_wait3A_125 = arith.constant 0 : i32
    %dma_wait3A_126 = tpu.memref_slice %arg2[%add3A_121, %dma_wait3A_125] : memref<320000x128xf32, #tpu.memory_space<hbm>> -> memref<80x128xf32, #tpu.memory_space<hbm>>
    tpu.wait_dma2 semaphore(%arg15 : memref<!tpu.dma_semaphore, #tpu.memory_space<semaphore_mem>>) src(%dma_wait3A_126 : memref<80x128xf32, #tpu.memory_space<hbm>>) dst(%arg9 : memref<80x128xf32, #tpu.memory_space<vmem>>)
    %scan3A_127 = arith.constant 0 : i32
    %scan3A_128 = arith.constant 0 : i32
    %scan3A_129 = arith.constant 80 : i32
    %scan3A_130 = arith.addi %scan3A_128, %scan3A_129 : i32
    %scan3A_131 = arith.constant 1 : i32
    %scan3A_132 = scf.for %scan3A_174 = %scan3A_128 to %scan3A_130 step %scan3A_131 iter_args(%scan3A_175 = %scan3A_127) -> (i32)  : i32 {
      %get3A_176 = arith.index_cast %scan3A_174 : i32 to index
      %get3A_177 = arith.constant 0 : index
      %get3A_178 = tpu.vector_load %arg9[%get3A_176, %get3A_177] {strides = array<i32>} : memref<80x128xf32, #tpu.memory_space<vmem>>, vector<1x16xf32>,
      %get3A_179 = vector.shape_cast %get3A_178 : vector<1x16xf32> to vector<16xf32>
      %mul3A_180 = arith.mulf %get3A_179, %get3A_6 : vector<16xf32>
      %add3A_181 = arith.addf %mul3A_180, %get3A_46 : vector<16xf32>
      %max3A = arith.constant 0.000000e+00 : f32
      %max3A_182 = vector.broadcast %max3A : f32 to vector<16xf32>
      %max3A_183 = arith.maximumf %add3A_181, %max3A_182 : vector<16xf32>
      %swap3A = arith.index_cast %scan3A_174 : i32 to index
      %swap3A_184 = arith.constant 0 : index
      %swap3A_185 = tpu.vector_load %arg9[%swap3A, %swap3A_184] {strides = array<i32>} : memref<80x128xf32, #tpu.memory_space<vmem>>, vector<1x16xf32>,
      %swap3A_186 = vector.shape_cast %swap3A_185 : vector<1x16xf32> to vector<16xf32>
      %swap3A_187 = vector.shape_cast %max3A_183 : vector<16xf32> to vector<1x16xf32>
      tpu.vector_store %arg9[%swap3A, %swap3A_184], %swap3A_187 {strides = array<i32>} : memref<80x128xf32, #tpu.memory_space<vmem>>, vector<1x16xf32>,
      %get3A_188 = arith.index_cast %scan3A_174 : i32 to index
      %get3A_189 = arith.constant 16 : index
      %get3A_190 = tpu.vector_load %arg9[%get3A_188, %get3A_189] {strides = array<i32>} : memref<80x128xf32, #tpu.memory_space<vmem>>, vector<1x16xf32>,
      %get3A_191 = vector.shape_cast %get3A_190 : vector<1x16xf32> to vector<16xf32>
      %mul3A_192 = arith.mulf %get3A_191, %get3A_11 : vector<16xf32>
      %add3A_193 = arith.addf %mul3A_192, %get3A_51 : vector<16xf32>
      %max3A_194 = arith.constant 0.000000e+00 : f32
      %max3A_195 = vector.broadcast %max3A_194 : f32 to vector<16xf32>
      %max3A_196 = arith.maximumf %add3A_193, %max3A_195 : vector<16xf32>
      %swap3A_197 = arith.index_cast %scan3A_174 : i32 to index
      %swap3A_198 = arith.constant 16 : index
      %swap3A_199 = tpu.vector_load %arg9[%swap3A_197, %swap3A_198] {strides = array<i32>} : memref<80x128xf32, #tpu.memory_space<vmem>>, vector<1x16xf32>,
      %swap3A_200 = vector.shape_cast %swap3A_199 : vector<1x16xf32> to vector<16xf32>
      %swap3A_201 = vector.shape_cast %max3A_196 : vector<16xf32> to vector<1x16xf32>
      tpu.vector_store %arg9[%swap3A_197, %swap3A_198], %swap3A_201 {strides = array<i32>} : memref<80x128xf32, #tpu.memory_space<vmem>>, vector<1x16xf32>,
      %get3A_202 = arith.index_cast %scan3A_174 : i32 to index
      %get3A_203 = arith.constant 32 : index
      %get3A_204 = tpu.vector_load %arg9[%get3A_202, %get3A_203] {strides = array<i32>} : memref<80x128xf32, #tpu.memory_space<vmem>>, vector<1x16xf32>,
      %get3A_205 = vector.shape_cast %get3A_204 : vector<1x16xf32> to vector<16xf32>
      %mul3A_206 = arith.mulf %get3A_205, %get3A_16 : vector<16xf32>
      %add3A_207 = arith.addf %mul3A_206, %get3A_56 : vector<16xf32>
      %max3A_208 = arith.constant 0.000000e+00 : f32
      %max3A_209 = vector.broadcast %max3A_208 : f32 to vector<16xf32>
      %max3A_210 = arith.maximumf %add3A_207, %max3A_209 : vector<16xf32>
      %swap3A_211 = arith.index_cast %scan3A_174 : i32 to index
      %swap3A_212 = arith.constant 32 : index
      %swap3A_213 = tpu.vector_load %arg9[%swap3A_211, %swap3A_212] {strides = array<i32>} : memref<80x128xf32, #tpu.memory_space<vmem>>, vector<1x16xf32>,
      %swap3A_214 = vector.shape_cast %swap3A_213 : vector<1x16xf32> to vector<16xf32>
      %swap3A_215 = vector.shape_cast %max3A_210 : vector<16xf32> to vector<1x16xf32>
      tpu.vector_store %arg9[%swap3A_211, %swap3A_212], %swap3A_215 {strides = array<i32>} : memref<80x128xf32, #tpu.memory_space<vmem>>, vector<1x16xf32>,
      %get3A_216 = arith.index_cast %scan3A_174 : i32 to index
      %get3A_217 = arith.constant 48 : index
      %get3A_218 = tpu.vector_load %arg9[%get3A_216, %get3A_217] {strides = array<i32>} : memref<80x128xf32, #tpu.memory_space<vmem>>, vector<1x16xf32>,
      %get3A_219 = vector.shape_cast %get3A_218 : vector<1x16xf32> to vector<16xf32>
      %mul3A_220 = arith.mulf %get3A_219, %get3A_21 : vector<16xf32>
      %add3A_221 = arith.addf %mul3A_220, %get3A_61 : vector<16xf32>
      %max3A_222 = arith.constant 0.000000e+00 : f32
      %max3A_223 = vector.broadcast %max3A_222 : f32 to vector<16xf32>
      %max3A_224 = arith.maximumf %add3A_221, %max3A_223 : vector<16xf32>
      %swap3A_225 = arith.index_cast %scan3A_174 : i32 to index
      %swap3A_226 = arith.constant 48 : index
      %swap3A_227 = tpu.vector_load %arg9[%swap3A_225, %swap3A_226] {strides = array<i32>} : memref<80x128xf32, #tpu.memory_space<vmem>>, vector<1x16xf32>,
      %swap3A_228 = vector.shape_cast %swap3A_227 : vector<1x16xf32> to vector<16xf32>
      %swap3A_229 = vector.shape_cast %max3A_224 : vector<16xf32> to vector<1x16xf32>
      tpu.vector_store %arg9[%swap3A_225, %swap3A_226], %swap3A_229 {strides = array<i32>} : memref<80x128xf32, #tpu.memory_space<vmem>>, vector<1x16xf32>,
      %get3A_230 = arith.index_cast %scan3A_174 : i32 to index
      %get3A_231 = arith.constant 64 : index
      %get3A_232 = tpu.vector_load %arg9[%get3A_230, %get3A_231] {strides = array<i32>} : memref<80x128xf32, #tpu.memory_space<vmem>>, vector<1x16xf32>,
      %get3A_233 = vector.shape_cast %get3A_232 : vector<1x16xf32> to vector<16xf32>
      %mul3A_234 = arith.mulf %get3A_233, %get3A_26 : vector<16xf32>
      %add3A_235 = arith.addf %mul3A_234, %get3A_66 : vector<16xf32>
      %max3A_236 = arith.constant 0.000000e+00 : f32
      %max3A_237 = vector.broadcast %max3A_236 : f32 to vector<16xf32>
      %max3A_238 = arith.maximumf %add3A_235, %max3A_237 : vector<16xf32>
      %swap3A_239 = arith.index_cast %scan3A_174 : i32 to index
      %swap3A_240 = arith.constant 64 : index
      %swap3A_241 = tpu.vector_load %arg9[%swap3A_239, %swap3A_240] {strides = array<i32>} : memref<80x128xf32, #tpu.memory_space<vmem>>, vector<1x16xf32>,
      %swap3A_242 = vector.shape_cast %swap3A_241 : vector<1x16xf32> to vector<16xf32>
      %swap3A_243 = vector.shape_cast %max3A_238 : vector<16xf32> to vector<1x16xf32>
      tpu.vector_store %arg9[%swap3A_239, %swap3A_240], %swap3A_243 {strides = array<i32>} : memref<80x128xf32, #tpu.memory_space<vmem>>, vector<1x16xf32>,
      %get3A_244 = arith.index_cast %scan3A_174 : i32 to index
      %get3A_245 = arith.constant 80 : index
      %get3A_246 = tpu.vector_load %arg9[%get3A_244, %get3A_245] {strides = array<i32>} : memref<80x128xf32, #tpu.memory_space<vmem>>, vector<1x16xf32>,
      %get3A_247 = vector.shape_cast %get3A_246 : vector<1x16xf32> to vector<16xf32>
      %mul3A_248 = arith.mulf %get3A_247, %get3A_31 : vector<16xf32>
      %add3A_249 = arith.addf %mul3A_248, %get3A_71 : vector<16xf32>
      %max3A_250 = arith.constant 0.000000e+00 : f32
      %max3A_251 = vector.broadcast %max3A_250 : f32 to vector<16xf32>
      %max3A_252 = arith.maximumf %add3A_249, %max3A_251 : vector<16xf32>
      %swap3A_253 = arith.index_cast %scan3A_174 : i32 to index
      %swap3A_254 = arith.constant 80 : index
      %swap3A_255 = tpu.vector_load %arg9[%swap3A_253, %swap3A_254] {strides = array<i32>} : memref<80x128xf32, #tpu.memory_space<vmem>>, vector<1x16xf32>,
      %swap3A_256 = vector.shape_cast %swap3A_255 : vector<1x16xf32> to vector<16xf32>
      %swap3A_257 = vector.shape_cast %max3A_252 : vector<16xf32> to vector<1x16xf32>
      tpu.vector_store %arg9[%swap3A_253, %swap3A_254], %swap3A_257 {strides = array<i32>} : memref<80x128xf32, #tpu.memory_space<vmem>>, vector<1x16xf32>,
      %get3A_258 = arith.index_cast %scan3A_174 : i32 to index
      %get3A_259 = arith.constant 96 : index
      %get3A_260 = tpu.vector_load %arg9[%get3A_258, %get3A_259] {strides = array<i32>} : memref<80x128xf32, #tpu.memory_space<vmem>>, vector<1x16xf32>,
      %get3A_261 = vector.shape_cast %get3A_260 : vector<1x16xf32> to vector<16xf32>
      %mul3A_262 = arith.mulf %get3A_261, %get3A_36 : vector<16xf32>
      %add3A_263 = arith.addf %mul3A_262, %get3A_76 : vector<16xf32>
      %max3A_264 = arith.constant 0.000000e+00 : f32
      %max3A_265 = vector.broadcast %max3A_264 : f32 to vector<16xf32>
      %max3A_266 = arith.maximumf %add3A_263, %max3A_265 : vector<16xf32>
      %swap3A_267 = arith.index_cast %scan3A_174 : i32 to index
      %swap3A_268 = arith.constant 96 : index
      %swap3A_269 = tpu.vector_load %arg9[%swap3A_267, %swap3A_268] {strides = array<i32>} : memref<80x128xf32, #tpu.memory_space<vmem>>, vector<1x16xf32>,
      %swap3A_270 = vector.shape_cast %swap3A_269 : vector<1x16xf32> to vector<16xf32>
      %swap3A_271 = vector.shape_cast %max3A_266 : vector<16xf32> to vector<1x16xf32>
      tpu.vector_store %arg9[%swap3A_267, %swap3A_268], %swap3A_271 {strides = array<i32>} : memref<80x128xf32, #tpu.memory_space<vmem>>, vector<1x16xf32>,
      %get3A_272 = arith.index_cast %scan3A_174 : i32 to index
      %get3A_273 = arith.constant 112 : index
      %get3A_274 = tpu.vector_load %arg9[%get3A_272, %get3A_273] {strides = array<i32>} : memref<80x128xf32, #tpu.memory_space<vmem>>, vector<1x16xf32>,
      %get3A_275 = vector.shape_cast %get3A_274 : vector<1x16xf32> to vector<16xf32>
      %mul3A_276 = arith.mulf %get3A_275, %get3A_41 : vector<16xf32>
      %add3A_277 = arith.addf %mul3A_276, %get3A_81 : vector<16xf32>
      %max3A_278 = arith.constant 0.000000e+00 : f32
      %max3A_279 = vector.broadcast %max3A_278 : f32 to vector<16xf32>
      %max3A_280 = arith.maximumf %add3A_277, %max3A_279 : vector<16xf32>
      %swap3A_281 = arith.index_cast %scan3A_174 : i32 to index
      %swap3A_282 = arith.constant 112 : index
      %swap3A_283 = tpu.vector_load %arg9[%swap3A_281, %swap3A_282] {strides = array<i32>} : memref<80x128xf32, #tpu.memory_space<vmem>>, vector<1x16xf32>,
      %swap3A_284 = vector.shape_cast %swap3A_283 : vector<1x16xf32> to vector<16xf32>
      %swap3A_285 = vector.shape_cast %max3A_280 : vector<16xf32> to vector<1x16xf32>
      tpu.vector_store %arg9[%swap3A_281, %swap3A_282], %swap3A_285 {strides = array<i32>} : memref<80x128xf32, #tpu.memory_space<vmem>>, vector<1x16xf32>,
      %scan3A_286 = arith.constant 0 : i32
      scf.yield %scan3A_286 : i32
    }
    %scan3A_133 = arith.constant 80 : i32
    %dma_wait3A_134 = arith.constant 0 : i32
    %dma_wait3A_135 = arith.constant 0 : i32
    %dma_wait3A_136 = tpu.memref_slice %arg14[%dma_wait3A_134, %dma_wait3A_135] : memref<10000x128xf32, #tpu.memory_space<vmem_shared>> -> memref<10000x128xf32, #tpu.memory_space<vmem_shared>>
    tpu.wait_indirect_dma semaphore(%arg20 : memref<!tpu.dma_semaphore, #tpu.memory_space<semaphore_mem>>) src(%arg11 : memref<80x128xf32, #tpu.memory_space<vmem>>) dst(%dma_wait3A_136 : memref<10000x128xf32, #tpu.memory_space<vmem_shared>>)
    %dma_start3A_137 = arith.constant 0 : i32
    %dma_start3A_138 = arith.constant 0 : i32
    %dma_start3A_139 = tpu.memref_slice %arg14[%dma_start3A_137, %dma_start3A_138] : memref<10000x128xf32, #tpu.memory_space<vmem_shared>> -> memref<10000x128xf32, #tpu.memory_space<vmem_shared>>
    tpu.enqueue_indirect_dma source(%arg9 : memref<80x128xf32, #tpu.memory_space<vmem>>) target(%dma_start3A_139 : memref<10000x128xf32, #tpu.memory_space<vmem_shared>>) offsets(%arg6 : memref<80xi32, #tpu.memory_space<vmem>>) semaphore(%arg18 : memref<!tpu.dma_semaphore, #tpu.memory_space<semaphore_mem>>) {add = true}
    %add3A_140 = arith.constant 9920 : i32
    %add3A_141 = arith.addi %mul3A_2, %add3A_140 : i32
    %dma_wait3A_142 = tpu.memref_slice %arg3[%add3A_141] : memref<320000xi32, #tpu.memory_space<hbm>> -> memref<80xi32, #tpu.memory_space<hbm>>
    %dma_wait3A_143 = tpu.memref_slice %arg3[%add3A_141] : memref<320000xi32, #tpu.memory_space<hbm>> -> memref<80xi32, #tpu.memory_space<hbm>>
    tpu.wait_dma2 semaphore(%arg16 : memref<!tpu.dma_semaphore, #tpu.memory_space<semaphore_mem>>) src(%dma_wait3A_143 : memref<80xi32, #tpu.memory_space<hbm>>) dst(%arg7 : memref<80xi32, #tpu.memory_space<vmem>>)
    %dma_wait3A_144 = arith.constant 0 : i32
    %dma_wait3A_145 = tpu.memref_slice %arg2[%add3A_141, %dma_wait3A_144] : memref<320000x128xf32, #tpu.memory_space<hbm>> -> memref<80x128xf32, #tpu.memory_space<hbm>>
    %dma_wait3A_146 = arith.constant 0 : i32
    %dma_wait3A_147 = tpu.memref_slice %arg2[%add3A_141, %dma_wait3A_146] : memref<320000x128xf32, #tpu.memory_space<hbm>> -> memref<80x128xf32, #tpu.memory_space<hbm>>
    tpu.wait_dma2 semaphore(%arg16 : memref<!tpu.dma_semaphore, #tpu.memory_space<semaphore_mem>>) src(%dma_wait3A_147 : memref<80x128xf32, #tpu.memory_space<hbm>>) dst(%arg10 : memref<80x128xf32, #tpu.memory_space<vmem>>)
    %scan3A_148 = arith.constant 0 : i32
    %scan3A_149 = arith.constant 0 : i32
    %scan3A_150 = arith.constant 80 : i32
    %scan3A_151 = arith.addi %scan3A_149, %scan3A_150 : i32
    %scan3A_152 = arith.constant 1 : i32
    %scan3A_153 = scf.for %scan3A_174 = %scan3A_149 to %scan3A_151 step %scan3A_152 iter_args(%scan3A_175 = %scan3A_148) -> (i32)  : i32 {
      %get3A_176 = arith.index_cast %scan3A_174 : i32 to index
      %get3A_177 = arith.constant 0 : index
      %get3A_178 = tpu.vector_load %arg10[%get3A_176, %get3A_177] {strides = array<i32>} : memref<80x128xf32, #tpu.memory_space<vmem>>, vector<1x16xf32>,
      %get3A_179 = vector.shape_cast %get3A_178 : vector<1x16xf32> to vector<16xf32>
      %mul3A_180 = arith.mulf %get3A_179, %get3A_6 : vector<16xf32>
      %add3A_181 = arith.addf %mul3A_180, %get3A_46 : vector<16xf32>
      %max3A = arith.constant 0.000000e+00 : f32
      %max3A_182 = vector.broadcast %max3A : f32 to vector<16xf32>
      %max3A_183 = arith.maximumf %add3A_181, %max3A_182 : vector<16xf32>
      %swap3A = arith.index_cast %scan3A_174 : i32 to index
      %swap3A_184 = arith.constant 0 : index
      %swap3A_185 = tpu.vector_load %arg10[%swap3A, %swap3A_184] {strides = array<i32>} : memref<80x128xf32, #tpu.memory_space<vmem>>, vector<1x16xf32>,
      %swap3A_186 = vector.shape_cast %swap3A_185 : vector<1x16xf32> to vector<16xf32>
      %swap3A_187 = vector.shape_cast %max3A_183 : vector<16xf32> to vector<1x16xf32>
      tpu.vector_store %arg10[%swap3A, %swap3A_184], %swap3A_187 {strides = array<i32>} : memref<80x128xf32, #tpu.memory_space<vmem>>, vector<1x16xf32>,
      %get3A_188 = arith.index_cast %scan3A_174 : i32 to index
      %get3A_189 = arith.constant 16 : index
      %get3A_190 = tpu.vector_load %arg10[%get3A_188, %get3A_189] {strides = array<i32>} : memref<80x128xf32, #tpu.memory_space<vmem>>, vector<1x16xf32>,
      %get3A_191 = vector.shape_cast %get3A_190 : vector<1x16xf32> to vector<16xf32>
      %mul3A_192 = arith.mulf %get3A_191, %get3A_11 : vector<16xf32>
      %add3A_193 = arith.addf %mul3A_192, %get3A_51 : vector<16xf32>
      %max3A_194 = arith.constant 0.000000e+00 : f32
      %max3A_195 = vector.broadcast %max3A_194 : f32 to vector<16xf32>
      %max3A_196 = arith.maximumf %add3A_193, %max3A_195 : vector<16xf32>
      %swap3A_197 = arith.index_cast %scan3A_174 : i32 to index
      %swap3A_198 = arith.constant 16 : index
      %swap3A_199 = tpu.vector_load %arg10[%swap3A_197, %swap3A_198] {strides = array<i32>} : memref<80x128xf32, #tpu.memory_space<vmem>>, vector<1x16xf32>,
      %swap3A_200 = vector.shape_cast %swap3A_199 : vector<1x16xf32> to vector<16xf32>
      %swap3A_201 = vector.shape_cast %max3A_196 : vector<16xf32> to vector<1x16xf32>
      tpu.vector_store %arg10[%swap3A_197, %swap3A_198], %swap3A_201 {strides = array<i32>} : memref<80x128xf32, #tpu.memory_space<vmem>>, vector<1x16xf32>,
      %get3A_202 = arith.index_cast %scan3A_174 : i32 to index
      %get3A_203 = arith.constant 32 : index
      %get3A_204 = tpu.vector_load %arg10[%get3A_202, %get3A_203] {strides = array<i32>} : memref<80x128xf32, #tpu.memory_space<vmem>>, vector<1x16xf32>,
      %get3A_205 = vector.shape_cast %get3A_204 : vector<1x16xf32> to vector<16xf32>
      %mul3A_206 = arith.mulf %get3A_205, %get3A_16 : vector<16xf32>
      %add3A_207 = arith.addf %mul3A_206, %get3A_56 : vector<16xf32>
      %max3A_208 = arith.constant 0.000000e+00 : f32
      %max3A_209 = vector.broadcast %max3A_208 : f32 to vector<16xf32>
      %max3A_210 = arith.maximumf %add3A_207, %max3A_209 : vector<16xf32>
      %swap3A_211 = arith.index_cast %scan3A_174 : i32 to index
      %swap3A_212 = arith.constant 32 : index
      %swap3A_213 = tpu.vector_load %arg10[%swap3A_211, %swap3A_212] {strides = array<i32>} : memref<80x128xf32, #tpu.memory_space<vmem>>, vector<1x16xf32>,
      %swap3A_214 = vector.shape_cast %swap3A_213 : vector<1x16xf32> to vector<16xf32>
      %swap3A_215 = vector.shape_cast %max3A_210 : vector<16xf32> to vector<1x16xf32>
      tpu.vector_store %arg10[%swap3A_211, %swap3A_212], %swap3A_215 {strides = array<i32>} : memref<80x128xf32, #tpu.memory_space<vmem>>, vector<1x16xf32>,
      %get3A_216 = arith.index_cast %scan3A_174 : i32 to index
      %get3A_217 = arith.constant 48 : index
      %get3A_218 = tpu.vector_load %arg10[%get3A_216, %get3A_217] {strides = array<i32>} : memref<80x128xf32, #tpu.memory_space<vmem>>, vector<1x16xf32>,
      %get3A_219 = vector.shape_cast %get3A_218 : vector<1x16xf32> to vector<16xf32>
      %mul3A_220 = arith.mulf %get3A_219, %get3A_21 : vector<16xf32>
      %add3A_221 = arith.addf %mul3A_220, %get3A_61 : vector<16xf32>
      %max3A_222 = arith.constant 0.000000e+00 : f32
      %max3A_223 = vector.broadcast %max3A_222 : f32 to vector<16xf32>
      %max3A_224 = arith.maximumf %add3A_221, %max3A_223 : vector<16xf32>
      %swap3A_225 = arith.index_cast %scan3A_174 : i32 to index
      %swap3A_226 = arith.constant 48 : index
      %swap3A_227 = tpu.vector_load %arg10[%swap3A_225, %swap3A_226] {strides = array<i32>} : memref<80x128xf32, #tpu.memory_space<vmem>>, vector<1x16xf32>,
      %swap3A_228 = vector.shape_cast %swap3A_227 : vector<1x16xf32> to vector<16xf32>
      %swap3A_229 = vector.shape_cast %max3A_224 : vector<16xf32> to vector<1x16xf32>
      tpu.vector_store %arg10[%swap3A_225, %swap3A_226], %swap3A_229 {strides = array<i32>} : memref<80x128xf32, #tpu.memory_space<vmem>>, vector<1x16xf32>,
      %get3A_230 = arith.index_cast %scan3A_174 : i32 to index
      %get3A_231 = arith.constant 64 : index
      %get3A_232 = tpu.vector_load %arg10[%get3A_230, %get3A_231] {strides = array<i32>} : memref<80x128xf32, #tpu.memory_space<vmem>>, vector<1x16xf32>,
      %get3A_233 = vector.shape_cast %get3A_232 : vector<1x16xf32> to vector<16xf32>
      %mul3A_234 = arith.mulf %get3A_233, %get3A_26 : vector<16xf32>
      %add3A_235 = arith.addf %mul3A_234, %get3A_66 : vector<16xf32>
      %max3A_236 = arith.constant 0.000000e+00 : f32
      %max3A_237 = vector.broadcast %max3A_236 : f32 to vector<16xf32>
      %max3A_238 = arith.maximumf %add3A_235, %max3A_237 : vector<16xf32>
      %swap3A_239 = arith.index_cast %scan3A_174 : i32 to index
      %swap3A_240 = arith.constant 64 : index
      %swap3A_241 = tpu.vector_load %arg10[%swap3A_239, %swap3A_240] {strides = array<i32>} : memref<80x128xf32, #tpu.memory_space<vmem>>, vector<1x16xf32>,
      %swap3A_242 = vector.shape_cast %swap3A_241 : vector<1x16xf32> to vector<16xf32>
      %swap3A_243 = vector.shape_cast %max3A_238 : vector<16xf32> to vector<1x16xf32>
      tpu.vector_store %arg10[%swap3A_239, %swap3A_240], %swap3A_243 {strides = array<i32>} : memref<80x128xf32, #tpu.memory_space<vmem>>, vector<1x16xf32>,
      %get3A_244 = arith.index_cast %scan3A_174 : i32 to index
      %get3A_245 = arith.constant 80 : index
      %get3A_246 = tpu.vector_load %arg10[%get3A_244, %get3A_245] {strides = array<i32>} : memref<80x128xf32, #tpu.memory_space<vmem>>, vector<1x16xf32>,
      %get3A_247 = vector.shape_cast %get3A_246 : vector<1x16xf32> to vector<16xf32>
      %mul3A_248 = arith.mulf %get3A_247, %get3A_31 : vector<16xf32>
      %add3A_249 = arith.addf %mul3A_248, %get3A_71 : vector<16xf32>
      %max3A_250 = arith.constant 0.000000e+00 : f32
      %max3A_251 = vector.broadcast %max3A_250 : f32 to vector<16xf32>
      %max3A_252 = arith.maximumf %add3A_249, %max3A_251 : vector<16xf32>
      %swap3A_253 = arith.index_cast %scan3A_174 : i32 to index
      %swap3A_254 = arith.constant 80 : index
      %swap3A_255 = tpu.vector_load %arg10[%swap3A_253, %swap3A_254] {strides = array<i32>} : memref<80x128xf32, #tpu.memory_space<vmem>>, vector<1x16xf32>,
      %swap3A_256 = vector.shape_cast %swap3A_255 : vector<1x16xf32> to vector<16xf32>
      %swap3A_257 = vector.shape_cast %max3A_252 : vector<16xf32> to vector<1x16xf32>
      tpu.vector_store %arg10[%swap3A_253, %swap3A_254], %swap3A_257 {strides = array<i32>} : memref<80x128xf32, #tpu.memory_space<vmem>>, vector<1x16xf32>,
      %get3A_258 = arith.index_cast %scan3A_174 : i32 to index
      %get3A_259 = arith.constant 96 : index
      %get3A_260 = tpu.vector_load %arg10[%get3A_258, %get3A_259] {strides = array<i32>} : memref<80x128xf32, #tpu.memory_space<vmem>>, vector<1x16xf32>,
      %get3A_261 = vector.shape_cast %get3A_260 : vector<1x16xf32> to vector<16xf32>
      %mul3A_262 = arith.mulf %get3A_261, %get3A_36 : vector<16xf32>
      %add3A_263 = arith.addf %mul3A_262, %get3A_76 : vector<16xf32>
      %max3A_264 = arith.constant 0.000000e+00 : f32
      %max3A_265 = vector.broadcast %max3A_264 : f32 to vector<16xf32>
      %max3A_266 = arith.maximumf %add3A_263, %max3A_265 : vector<16xf32>
      %swap3A_267 = arith.index_cast %scan3A_174 : i32 to index
      %swap3A_268 = arith.constant 96 : index
      %swap3A_269 = tpu.vector_load %arg10[%swap3A_267, %swap3A_268] {strides = array<i32>} : memref<80x128xf32, #tpu.memory_space<vmem>>, vector<1x16xf32>,
      %swap3A_270 = vector.shape_cast %swap3A_269 : vector<1x16xf32> to vector<16xf32>
      %swap3A_271 = vector.shape_cast %max3A_266 : vector<16xf32> to vector<1x16xf32>
      tpu.vector_store %arg10[%swap3A_267, %swap3A_268], %swap3A_271 {strides = array<i32>} : memref<80x128xf32, #tpu.memory_space<vmem>>, vector<1x16xf32>,
      %get3A_272 = arith.index_cast %scan3A_174 : i32 to index
      %get3A_273 = arith.constant 112 : index
      %get3A_274 = tpu.vector_load %arg10[%get3A_272, %get3A_273] {strides = array<i32>} : memref<80x128xf32, #tpu.memory_space<vmem>>, vector<1x16xf32>,
      %get3A_275 = vector.shape_cast %get3A_274 : vector<1x16xf32> to vector<16xf32>
      %mul3A_276 = arith.mulf %get3A_275, %get3A_41 : vector<16xf32>
      %add3A_277 = arith.addf %mul3A_276, %get3A_81 : vector<16xf32>
      %max3A_278 = arith.constant 0.000000e+00 : f32
      %max3A_279 = vector.broadcast %max3A_278 : f32 to vector<16xf32>
      %max3A_280 = arith.maximumf %add3A_277, %max3A_279 : vector<16xf32>
      %swap3A_281 = arith.index_cast %scan3A_174 : i32 to index
      %swap3A_282 = arith.constant 112 : index
      %swap3A_283 = tpu.vector_load %arg10[%swap3A_281, %swap3A_282] {strides = array<i32>} : memref<80x128xf32, #tpu.memory_space<vmem>>, vector<1x16xf32>,
      %swap3A_284 = vector.shape_cast %swap3A_283 : vector<1x16xf32> to vector<16xf32>
      %swap3A_285 = vector.shape_cast %max3A_280 : vector<16xf32> to vector<1x16xf32>
      tpu.vector_store %arg10[%swap3A_281, %swap3A_282], %swap3A_285 {strides = array<i32>} : memref<80x128xf32, #tpu.memory_space<vmem>>, vector<1x16xf32>,
      %scan3A_286 = arith.constant 0 : i32
      scf.yield %scan3A_286 : i32
    }
    %scan3A_154 = arith.constant 80 : i32
    %dma_wait3A_155 = arith.constant 0 : i32
    %dma_wait3A_156 = arith.constant 0 : i32
    %dma_wait3A_157 = tpu.memref_slice %arg14[%dma_wait3A_155, %dma_wait3A_156] : memref<10000x128xf32, #tpu.memory_space<vmem_shared>> -> memref<10000x128xf32, #tpu.memory_space<vmem_shared>>
    tpu.wait_indirect_dma semaphore(%arg18 : memref<!tpu.dma_semaphore, #tpu.memory_space<semaphore_mem>>) src(%arg9 : memref<80x128xf32, #tpu.memory_space<vmem>>) dst(%dma_wait3A_157 : memref<10000x128xf32, #tpu.memory_space<vmem_shared>>)
    %dma_start3A_158 = arith.constant 0 : i32
    %dma_start3A_159 = arith.constant 0 : i32
    %dma_start3A_160 = tpu.memref_slice %arg14[%dma_start3A_158, %dma_start3A_159] : memref<10000x128xf32, #tpu.memory_space<vmem_shared>> -> memref<10000x128xf32, #tpu.memory_space<vmem_shared>>
    tpu.enqueue_indirect_dma source(%arg10 : memref<80x128xf32, #tpu.memory_space<vmem>>) target(%dma_start3A_160 : memref<10000x128xf32, #tpu.memory_space<vmem_shared>>) offsets(%arg7 : memref<80xi32, #tpu.memory_space<vmem>>) semaphore(%arg19 : memref<!tpu.dma_semaphore, #tpu.memory_space<semaphore_mem>>) {add = true}
    %dma_wait3A_161 = arith.constant 0 : i32
    %dma_wait3A_162 = arith.constant 0 : i32
    %dma_wait3A_163 = tpu.memref_slice %arg14[%dma_wait3A_161, %dma_wait3A_162] : memref<10000x128xf32, #tpu.memory_space<vmem_shared>> -> memref<10000x128xf32, #tpu.memory_space<vmem_shared>>
    tpu.wait_indirect_dma semaphore(%arg19 : memref<!tpu.dma_semaphore, #tpu.memory_space<semaphore_mem>>) src(%arg10 : memref<80x128xf32, #tpu.memory_space<vmem>>) dst(%dma_wait3A_163 : memref<10000x128xf32, #tpu.memory_space<vmem_shared>>)
    %barrier3A_164 = arith.constant 0 : index
    tpu.barrier barrier_id(%barrier3A_164)
    %mul3A_165 = arith.constant 624 : i32
    %mul3A_166 = arith.muli %arg1, %mul3A_165 : i32
    %mul3A_167 = arith.constant 624 : i32
    %mul3A_168 = arith.muli %arg1, %mul3A_167 : i32
    "tpu.region"() ({
      %run_scoped3A = tpu.sem_alloc : memref<!tpu.dma_semaphore, #tpu.memory_space<semaphore_mem>>
      %dma_start3A_174 = arith.constant 0 : i32
      %dma_start3A_175 = tpu.memref_slice %arg5[%arg0, %mul3A_168, %dma_start3A_174] : memref<2x10000x128xf32, #tpu.memory_space<hbm>> -> memref<1x624x128xf32, #tpu.memory_space<hbm>>
      %dma_start3A_176 = tpu.memref_squeeze %dma_start3A_175 : memref<1x624x128xf32, #tpu.memory_space<hbm>> -> memref<624x128xf32, #tpu.memory_space<hbm>>
      %dma_start3A_177 = arith.constant 0 : i32
      %dma_start3A_178 = tpu.memref_slice %arg14[%mul3A_166, %dma_start3A_177] : memref<10000x128xf32, #tpu.memory_space<vmem_shared>> -> memref<624x128xf32, #tpu.memory_space<vmem_shared>>
      tpu.enqueue_dma source(%dma_start3A_178 : memref<624x128xf32, #tpu.memory_space<vmem_shared>>) target(%dma_start3A_176 : memref<624x128xf32, #tpu.memory_space<hbm>>) target_semaphore(%run_scoped3A : memref<!tpu.dma_semaphore, #tpu.memory_space<semaphore_mem>>)
      %dma_wait3A_179 = arith.constant 0 : i32
      %dma_wait3A_180 = tpu.memref_slice %arg5[%arg0, %mul3A_168, %dma_wait3A_179] : memref<2x10000x128xf32, #tpu.memory_space<hbm>> -> memref<1x624x128xf32, #tpu.memory_space<hbm>>
      %dma_wait3A_181 = tpu.memref_squeeze %dma_wait3A_180 : memref<1x624x128xf32, #tpu.memory_space<hbm>> -> memref<624x128xf32, #tpu.memory_space<hbm>>
      %dma_wait3A_182 = arith.constant 0 : i32
      %dma_wait3A_183 = tpu.memref_slice %arg14[%mul3A_166, %dma_wait3A_182] : memref<10000x128xf32, #tpu.memory_space<vmem_shared>> -> memref<624x128xf32, #tpu.memory_space<vmem_shared>>
      tpu.wait_dma2 semaphore(%run_scoped3A : memref<!tpu.dma_semaphore, #tpu.memory_space<semaphore_mem>>) src(%dma_wait3A_183 : memref<624x128xf32, #tpu.memory_space<vmem_shared>>) dst(%dma_wait3A_181 : memref<624x128xf32, #tpu.memory_space<hbm>>)
      tpu.yield
    }) : () -> ()
    %eq3A_169 = arith.constant 15 : i32
    %eq3A_170 = arith.cmpi eq, %arg1, %eq3A_169 : i32
    %convert_element_type3A_171 = arith.extui %eq3A_170 : i1 to i32
    %cond3A_172 = arith.constant 0 : i32
    %cond3A_173 = arith.cmpi ne, %convert_element_type3A_171, %cond3A_172 : i32
    scf.if %cond3A_173 {
      "tpu.region"() ({
        %run_scoped3A = tpu.sem_alloc : memref<!tpu.dma_semaphore, #tpu.memory_space<semaphore_mem>>
        %dma_start3A_174 = arith.constant 9984 : i32
        %dma_start3A_175 = arith.constant 0 : i32
        %dma_start3A_176 = tpu.memref_slice %arg5[%arg0, %dma_start3A_174, %dma_start3A_175] : memref<2x10000x128xf32, #tpu.memory_space<hbm>> -> memref<1x16x128xf32, #tpu.memory_space<hbm>>
        %dma_start3A_177 = tpu.memref_squeeze %dma_start3A_176 : memref<1x16x128xf32, #tpu.memory_space<hbm>> -> memref<16x128xf32, #tpu.memory_space<hbm>>
        %dma_start3A_178 = arith.constant 9984 : i32
        %dma_start3A_179 = arith.constant 0 : i32
        %dma_start3A_180 = tpu.memref_slice %arg14[%dma_start3A_178, %dma_start3A_179] : memref<10000x128xf32, #tpu.memory_space<vmem_shared>> -> memref<16x128xf32, #tpu.memory_space<vmem_shared>>
        tpu.enqueue_dma source(%dma_start3A_180 : memref<16x128xf32, #tpu.memory_space<vmem_shared>>) target(%dma_start3A_177 : memref<16x128xf32, #tpu.memory_space<hbm>>) target_semaphore(%run_scoped3A : memref<!tpu.dma_semaphore, #tpu.memory_space<semaphore_mem>>)
        %dma_wait3A_181 = arith.constant 9984 : i32
        %dma_wait3A_182 = arith.constant 0 : i32
        %dma_wait3A_183 = tpu.memref_slice %arg5[%arg0, %dma_wait3A_181, %dma_wait3A_182] : memref<2x10000x128xf32, #tpu.memory_space<hbm>> -> memref<1x16x128xf32, #tpu.memory_space<hbm>>
        %dma_wait3A_184 = tpu.memref_squeeze %dma_wait3A_183 : memref<1x16x128xf32, #tpu.memory_space<hbm>> -> memref<16x128xf32, #tpu.memory_space<hbm>>
        %dma_wait3A_185 = arith.constant 9984 : i32
        %dma_wait3A_186 = arith.constant 0 : i32
        %dma_wait3A_187 = tpu.memref_slice %arg14[%dma_wait3A_185, %dma_wait3A_186] : memref<10000x128xf32, #tpu.memory_space<vmem_shared>> -> memref<16x128xf32, #tpu.memory_space<vmem_shared>>
        tpu.wait_dma2 semaphore(%run_scoped3A : memref<!tpu.dma_semaphore, #tpu.memory_space<semaphore_mem>>) src(%dma_wait3A_187 : memref<16x128xf32, #tpu.memory_space<vmem_shared>>) dst(%dma_wait3A_184 : memref<16x128xf32, #tpu.memory_space<hbm>>)
        tpu.yield
      }) : () -> ()
    } else {
    }
    return
  }
}

#map = affine_map<(d0, d1) -> (0, 0)>
#map1 = affine_map<(d0, d1) -> (0)>
#map2 = affine_map<(d0, d1) -> (0, 0, 0)>
module attributes {stable_mosaic.version = 14 : i64} {
  func.func @_sc_pass1(%arg0: i32, %arg1: i32, %arg2: memref<10000x128xf32, #tpu.memory_space<hbm>>, %arg3: memref<10000x128xf32, #tpu.memory_space<hbm>>, %arg4: memref<160000x128xi32, #tpu.memory_space<hbm>>, %arg5: memref<320000xi32, #tpu.memory_space<hbm>>, %arg6: memref<320000xi32, #tpu.memory_space<hbm>>, %arg7: memref<320000x128xf32, #tpu.memory_space<hbm>>, %arg8: memref<32x2x128xf32, #tpu.memory_space<hbm>>, %arg9: memref<80xi32, #tpu.memory_space<vmem>>, %arg10: memref<80xi32, #tpu.memory_space<vmem>>, %arg11: memref<80xi32, #tpu.memory_space<vmem>>, %arg12: memref<80xi32, #tpu.memory_space<vmem>>, %arg13: memref<80x128xf32, #tpu.memory_space<vmem>>, %arg14: memref<80x128xf32, #tpu.memory_space<vmem>>, %arg15: memref<80x128xf32, #tpu.memory_space<vmem>>, %arg16: memref<80x128xf32, #tpu.memory_space<vmem>>, %arg17: memref<40x128xi32, #tpu.memory_space<vmem>>, %arg18: memref<40x128xi32, #tpu.memory_space<vmem>>, %arg19: memref<2x128xf32, #tpu.memory_space<vmem>>, %arg20: memref<!tpu.dma_semaphore, #tpu.memory_space<semaphore_mem>>, %arg21: memref<!tpu.dma_semaphore, #tpu.memory_space<semaphore_mem>>, %arg22: memref<!tpu.dma_semaphore, #tpu.memory_space<semaphore_mem>>, %arg23: memref<!tpu.dma_semaphore, #tpu.memory_space<semaphore_mem>>, %arg24: memref<!tpu.dma_semaphore, #tpu.memory_space<semaphore_mem>>, %arg25: memref<!tpu.dma_semaphore, #tpu.memory_space<semaphore_mem>>) attributes {dimension_semantics = [#tpu.dimension_semantics<core_parallel>, #tpu.dimension_semantics<subcore_parallel>], iteration_bounds = array<i64: 2, 16>, scalar_prefetch = 0 : i64, scratch_operands = 17 : i64, tpu.core_type = #tpu.core_type<sc_vector_subcore>, window_params = [{transform_indices = #map}, {transform_indices = #map}, {transform_indices = #map}, {transform_indices = #map1}, {transform_indices = #map1}, {transform_indices = #map}, {transform_indices = #map2}]} {
    %mul3A = arith.constant 2 : i32
    %mul3A_0 = arith.muli %arg1, %mul3A : i32
    %add3A = arith.addi %mul3A_0, %arg0 : i32
    %mul3A_1 = arith.constant 10000 : i32
    %mul3A_2 = arith.muli %add3A, %mul3A_1 : i32
    %add3A_3 = arith.constant 0 : i32
    %add3A_4 = arith.addi %mul3A_2, %add3A_3 : i32
    %add3A_5 = arith.constant 80 : i32
    %add3A_6 = arith.addi %mul3A_2, %add3A_5 : i32
    %dma_start3A = tpu.memref_slice %arg5[%add3A_4] : memref<320000xi32, #tpu.memory_space<hbm>> -> memref<80xi32, #tpu.memory_space<hbm>>
    %dma_start3A_7 = tpu.memref_slice %arg5[%add3A_4] : memref<320000xi32, #tpu.memory_space<hbm>> -> memref<80xi32, #tpu.memory_space<hbm>>
    tpu.enqueue_dma source(%dma_start3A_7 : memref<80xi32, #tpu.memory_space<hbm>>) target(%arg9 : memref<80xi32, #tpu.memory_space<vmem>>) target_semaphore(%arg20 : memref<!tpu.dma_semaphore, #tpu.memory_space<semaphore_mem>>)
    %dma_start3A_8 = tpu.memref_slice %arg6[%add3A_4] : memref<320000xi32, #tpu.memory_space<hbm>> -> memref<80xi32, #tpu.memory_space<hbm>>
    %dma_start3A_9 = tpu.memref_slice %arg6[%add3A_4] : memref<320000xi32, #tpu.memory_space<hbm>> -> memref<80xi32, #tpu.memory_space<hbm>>
    tpu.enqueue_dma source(%dma_start3A_9 : memref<80xi32, #tpu.memory_space<hbm>>) target(%arg11 : memref<80xi32, #tpu.memory_space<vmem>>) target_semaphore(%arg20 : memref<!tpu.dma_semaphore, #tpu.memory_space<semaphore_mem>>)
    %dma_start3A_10 = tpu.memref_slice %arg5[%add3A_6] : memref<320000xi32, #tpu.memory_space<hbm>> -> memref<80xi32, #tpu.memory_space<hbm>>
    %dma_start3A_11 = tpu.memref_slice %arg5[%add3A_6] : memref<320000xi32, #tpu.memory_space<hbm>> -> memref<80xi32, #tpu.memory_space<hbm>>
    tpu.enqueue_dma source(%dma_start3A_11 : memref<80xi32, #tpu.memory_space<hbm>>) target(%arg10 : memref<80xi32, #tpu.memory_space<vmem>>) target_semaphore(%arg21 : memref<!tpu.dma_semaphore, #tpu.memory_space<semaphore_mem>>)
    %dma_start3A_12 = tpu.memref_slice %arg6[%add3A_6] : memref<320000xi32, #tpu.memory_space<hbm>> -> memref<80xi32, #tpu.memory_space<hbm>>
    %dma_start3A_13 = tpu.memref_slice %arg6[%add3A_6] : memref<320000xi32, #tpu.memory_space<hbm>> -> memref<80xi32, #tpu.memory_space<hbm>>
    tpu.enqueue_dma source(%dma_start3A_13 : memref<80xi32, #tpu.memory_space<hbm>>) target(%arg12 : memref<80xi32, #tpu.memory_space<vmem>>) target_semaphore(%arg21 : memref<!tpu.dma_semaphore, #tpu.memory_space<semaphore_mem>>)
    %add3A_14 = arith.constant 0 : i32
    %add3A_15 = arith.addi %mul3A_2, %add3A_14 : i32
    %dma_wait3A = tpu.memref_slice %arg5[%add3A_15] : memref<320000xi32, #tpu.memory_space<hbm>> -> memref<80xi32, #tpu.memory_space<hbm>>
    %dma_wait3A_16 = tpu.memref_slice %arg5[%add3A_15] : memref<320000xi32, #tpu.memory_space<hbm>> -> memref<80xi32, #tpu.memory_space<hbm>>
    tpu.wait_dma2 semaphore(%arg20 : memref<!tpu.dma_semaphore, #tpu.memory_space<semaphore_mem>>) src(%dma_wait3A_16 : memref<80xi32, #tpu.memory_space<hbm>>) dst(%arg9 : memref<80xi32, #tpu.memory_space<vmem>>)
    %dma_wait3A_17 = tpu.memref_slice %arg6[%add3A_15] : memref<320000xi32, #tpu.memory_space<hbm>> -> memref<80xi32, #tpu.memory_space<hbm>>
    %dma_wait3A_18 = tpu.memref_slice %arg6[%add3A_15] : memref<320000xi32, #tpu.memory_space<hbm>> -> memref<80xi32, #tpu.memory_space<hbm>>
    tpu.wait_dma2 semaphore(%arg20 : memref<!tpu.dma_semaphore, #tpu.memory_space<semaphore_mem>>) src(%dma_wait3A_18 : memref<80xi32, #tpu.memory_space<hbm>>) dst(%arg11 : memref<80xi32, #tpu.memory_space<vmem>>)
    %mul3A_19 = arith.constant 5000 : i32
    %mul3A_20 = arith.muli %add3A, %mul3A_19 : i32
    %add3A_21 = arith.constant 0 : i32
    %add3A_22 = arith.addi %mul3A_20, %add3A_21 : i32
    %dma_start3A_23 = arith.constant 0 : i32
    %dma_start3A_24 = arith.constant 0 : i32
    %dma_start3A_25 = tpu.memref_slice %arg2[%dma_start3A_23, %dma_start3A_24] : memref<10000x128xf32, #tpu.memory_space<hbm>> -> memref<10000x128xf32, #tpu.memory_space<hbm>>
    tpu.enqueue_indirect_dma source(%dma_start3A_25 : memref<10000x128xf32, #tpu.memory_space<hbm>>) target(%arg13 : memref<80x128xf32, #tpu.memory_space<vmem>>) offsets(%arg9 : memref<80xi32, #tpu.memory_space<vmem>>) semaphore(%arg22 : memref<!tpu.dma_semaphore, #tpu.memory_space<semaphore_mem>>)
    %dma_start3A_26 = arith.constant 0 : i32
    %dma_start3A_27 = arith.constant 0 : i32
    %dma_start3A_28 = tpu.memref_slice %arg3[%dma_start3A_26, %dma_start3A_27] : memref<10000x128xf32, #tpu.memory_space<hbm>> -> memref<10000x128xf32, #tpu.memory_space<hbm>>
    tpu.enqueue_indirect_dma source(%dma_start3A_28 : memref<10000x128xf32, #tpu.memory_space<hbm>>) target(%arg15 : memref<80x128xf32, #tpu.memory_space<vmem>>) offsets(%arg11 : memref<80xi32, #tpu.memory_space<vmem>>) semaphore(%arg22 : memref<!tpu.dma_semaphore, #tpu.memory_space<semaphore_mem>>)
    %dma_start3A_29 = arith.constant 0 : i32
    %dma_start3A_30 = tpu.memref_slice %arg4[%add3A_22, %dma_start3A_29] : memref<160000x128xi32, #tpu.memory_space<hbm>> -> memref<40x128xi32, #tpu.memory_space<hbm>>
    %dma_start3A_31 = arith.constant 0 : i32
    %dma_start3A_32 = tpu.memref_slice %arg4[%add3A_22, %dma_start3A_31] : memref<160000x128xi32, #tpu.memory_space<hbm>> -> memref<40x128xi32, #tpu.memory_space<hbm>>
    tpu.enqueue_dma source(%dma_start3A_32 : memref<40x128xi32, #tpu.memory_space<hbm>>) target(%arg17 : memref<40x128xi32, #tpu.memory_space<vmem>>) target_semaphore(%arg22 : memref<!tpu.dma_semaphore, #tpu.memory_space<semaphore_mem>>)
    %broadcast_in_dim3A = arith.constant 0.000000e+00 : f32
    %broadcast_in_dim3A_33 = vector.broadcast %broadcast_in_dim3A : f32 to vector<16xf32>
    %scan3A = arith.constant 0 : i32
    %scan3A_34 = arith.constant 62 : i32
    %scan3A_35 = arith.addi %scan3A, %scan3A_34 : i32
    %scan3A_36 = arith.constant 1 : i32
    %scan3A_37:16 = scf.for %scan3A_172 = %scan3A to %scan3A_35 step %scan3A_36 iter_args(%scan3A_173 = %broadcast_in_dim3A_33, %scan3A_174 = %broadcast_in_dim3A_33, %scan3A_175 = %broadcast_in_dim3A_33, %scan3A_176 = %broadcast_in_dim3A_33, %scan3A_177 = %broadcast_in_dim3A_33, %scan3A_178 = %broadcast_in_dim3A_33, %scan3A_179 = %broadcast_in_dim3A_33, %scan3A_180 = %broadcast_in_dim3A_33, %scan3A_181 = %broadcast_in_dim3A_33, %scan3A_182 = %broadcast_in_dim3A_33, %scan3A_183 = %broadcast_in_dim3A_33, %scan3A_184 = %broadcast_in_dim3A_33, %scan3A_185 = %broadcast_in_dim3A_33, %scan3A_186 = %broadcast_in_dim3A_33, %scan3A_187 = %broadcast_in_dim3A_33, %scan3A_188 = %broadcast_in_dim3A_33) -> (vector<16xf32>, vector<16xf32>, vector<16xf32>, vector<16xf32>, vector<16xf32>, vector<16xf32>, vector<16xf32>, vector<16xf32>, vector<16xf32>, vector<16xf32>, vector<16xf32>, vector<16xf32>, vector<16xf32>, vector<16xf32>, vector<16xf32>, vector<16xf32>)  : i32 {
      %mul3A_189 = arith.constant 2 : i32
      %mul3A_190 = arith.muli %mul3A_189, %scan3A_172 : i32
      %mul3A_191 = arith.constant 5000 : i32
      %mul3A_192 = arith.muli %add3A, %mul3A_191 : i32
      %mul3A_193 = arith.constant 40 : i32
      %mul3A_194 = arith.muli %mul3A_190, %mul3A_193 : i32
      %add3A_195 = arith.addi %mul3A_192, %mul3A_194 : i32
      %dma_wait3A_196 = arith.constant 0 : i32
      %dma_wait3A_197 = arith.constant 0 : i32
      %dma_wait3A_198 = tpu.memref_slice %arg2[%dma_wait3A_196, %dma_wait3A_197] : memref<10000x128xf32, #tpu.memory_space<hbm>> -> memref<10000x128xf32, #tpu.memory_space<hbm>>
      tpu.wait_indirect_dma semaphore(%arg22 : memref<!tpu.dma_semaphore, #tpu.memory_space<semaphore_mem>>) src(%dma_wait3A_198 : memref<10000x128xf32, #tpu.memory_space<hbm>>) dst(%arg13 : memref<80x128xf32, #tpu.memory_space<vmem>>)
      %dma_wait3A_199 = arith.constant 0 : i32
      %dma_wait3A_200 = arith.constant 0 : i32
      %dma_wait3A_201 = tpu.memref_slice %arg3[%dma_wait3A_199, %dma_wait3A_200] : memref<10000x128xf32, #tpu.memory_space<hbm>> -> memref<10000x128xf32, #tpu.memory_space<hbm>>
      tpu.wait_indirect_dma semaphore(%arg22 : memref<!tpu.dma_semaphore, #tpu.memory_space<semaphore_mem>>) src(%dma_wait3A_201 : memref<10000x128xf32, #tpu.memory_space<hbm>>) dst(%arg15 : memref<80x128xf32, #tpu.memory_space<vmem>>)
      %dma_wait3A_202 = arith.constant 0 : i32
      %dma_wait3A_203 = tpu.memref_slice %arg4[%add3A_195, %dma_wait3A_202] : memref<160000x128xi32, #tpu.memory_space<hbm>> -> memref<40x128xi32, #tpu.memory_space<hbm>>
      %dma_wait3A_204 = arith.constant 0 : i32
      %dma_wait3A_205 = tpu.memref_slice %arg4[%add3A_195, %dma_wait3A_204] : memref<160000x128xi32, #tpu.memory_space<hbm>> -> memref<40x128xi32, #tpu.memory_space<hbm>>
      tpu.wait_dma2 semaphore(%arg22 : memref<!tpu.dma_semaphore, #tpu.memory_space<semaphore_mem>>) src(%dma_wait3A_205 : memref<40x128xi32, #tpu.memory_space<hbm>>) dst(%arg17 : memref<40x128xi32, #tpu.memory_space<vmem>>)
      %add3A_206 = arith.constant 1 : i32
      %add3A_207 = arith.addi %mul3A_190, %add3A_206 : i32
      %lt3A = arith.constant 125 : i32
      %lt3A_208 = arith.cmpi slt, %add3A_207, %lt3A : i32
      %convert_element_type3A = arith.extui %lt3A_208 : i1 to i32
      %cond3A = arith.constant 0 : i32
      %cond3A_209 = arith.cmpi ne, %convert_element_type3A, %cond3A : i32
      scf.if %cond3A_209 {
        %add3A_276 = arith.constant 1 : i32
        %add3A_277 = arith.addi %mul3A_190, %add3A_276 : i32
        %mul3A_278 = arith.constant 80 : i32
        %mul3A_279 = arith.muli %add3A_277, %mul3A_278 : i32
        %add3A_280 = arith.addi %mul3A_2, %mul3A_279 : i32
        %dma_wait3A_281 = tpu.memref_slice %arg5[%add3A_280] : memref<320000xi32, #tpu.memory_space<hbm>> -> memref<80xi32, #tpu.memory_space<hbm>>
        %dma_wait3A_282 = tpu.memref_slice %arg5[%add3A_280] : memref<320000xi32, #tpu.memory_space<hbm>> -> memref<80xi32, #tpu.memory_space<hbm>>
        tpu.wait_dma2 semaphore(%arg21 : memref<!tpu.dma_semaphore, #tpu.memory_space<semaphore_mem>>) src(%dma_wait3A_282 : memref<80xi32, #tpu.memory_space<hbm>>) dst(%arg10 : memref<80xi32, #tpu.memory_space<vmem>>)
        %dma_wait3A_283 = tpu.memref_slice %arg6[%add3A_280] : memref<320000xi32, #tpu.memory_space<hbm>> -> memref<80xi32, #tpu.memory_space<hbm>>
        %dma_wait3A_284 = tpu.memref_slice %arg6[%add3A_280] : memref<320000xi32, #tpu.memory_space<hbm>> -> memref<80xi32, #tpu.memory_space<hbm>>
        tpu.wait_dma2 semaphore(%arg21 : memref<!tpu.dma_semaphore, #tpu.memory_space<semaphore_mem>>) src(%dma_wait3A_284 : memref<80xi32, #tpu.memory_space<hbm>>) dst(%arg12 : memref<80xi32, #tpu.memory_space<vmem>>)
        %ge3A = arith.constant 1 : i32
        %ge3A_285 = arith.cmpi sge, %mul3A_190, %ge3A : i32
        %convert_element_type3A_286 = arith.extui %ge3A_285 : i1 to i32
        %cond3A_287 = arith.constant 0 : i32
        %cond3A_288 = arith.cmpi ne, %convert_element_type3A_286, %cond3A_287 : i32
        scf.if %cond3A_288 {
          %sub3A = arith.constant 1 : i32
          %sub3A_306 = arith.subi %mul3A_190, %sub3A : i32
          %mul3A_307 = arith.constant 80 : i32
          %mul3A_308 = arith.muli %sub3A_306, %mul3A_307 : i32
          %add3A_309 = arith.addi %mul3A_2, %mul3A_308 : i32
          %dma_wait3A_310 = arith.constant 0 : i32
          %dma_wait3A_311 = tpu.memref_slice %arg7[%add3A_309, %dma_wait3A_310] : memref<320000x128xf32, #tpu.memory_space<hbm>> -> memref<80x128xf32, #tpu.memory_space<hbm>>
          %dma_wait3A_312 = arith.constant 0 : i32
          %dma_wait3A_313 = tpu.memref_slice %arg7[%add3A_309, %dma_wait3A_312] : memref<320000x128xf32, #tpu.memory_space<hbm>> -> memref<80x128xf32, #tpu.memory_space<hbm>>
          tpu.wait_dma2 semaphore(%arg25 : memref<!tpu.dma_semaphore, #tpu.memory_space<semaphore_mem>>) src(%arg14 : memref<80x128xf32, #tpu.memory_space<vmem>>) dst(%dma_wait3A_313 : memref<80x128xf32, #tpu.memory_space<hbm>>)
        } else {
        }
        %add3A_289 = arith.constant 1 : i32
        %add3A_290 = arith.addi %mul3A_190, %add3A_289 : i32
        %mul3A_291 = arith.constant 5000 : i32
        %mul3A_292 = arith.muli %add3A, %mul3A_291 : i32
        %mul3A_293 = arith.constant 40 : i32
        %mul3A_294 = arith.muli %add3A_290, %mul3A_293 : i32
        %add3A_295 = arith.addi %mul3A_292, %mul3A_294 : i32
        %dma_start3A_296 = arith.constant 0 : i32
        %dma_start3A_297 = arith.constant 0 : i32
        %dma_start3A_298 = tpu.memref_slice %arg2[%dma_start3A_296, %dma_start3A_297] : memref<10000x128xf32, #tpu.memory_space<hbm>> -> memref<10000x128xf32, #tpu.memory_space<hbm>>
        tpu.enqueue_indirect_dma source(%dma_start3A_298 : memref<10000x128xf32, #tpu.memory_space<hbm>>) target(%arg14 : memref<80x128xf32, #tpu.memory_space<vmem>>) offsets(%arg10 : memref<80xi32, #tpu.memory_space<vmem>>) semaphore(%arg23 : memref<!tpu.dma_semaphore, #tpu.memory_space<semaphore_mem>>)
        %dma_start3A_299 = arith.constant 0 : i32
        %dma_start3A_300 = arith.constant 0 : i32
        %dma_start3A_301 = tpu.memref_slice %arg3[%dma_start3A_299, %dma_start3A_300] : memref<10000x128xf32, #tpu.memory_space<hbm>> -> memref<10000x128xf32, #tpu.memory_space<hbm>>
        tpu.enqueue_indirect_dma source(%dma_start3A_301 : memref<10000x128xf32, #tpu.memory_space<hbm>>) target(%arg16 : memref<80x128xf32, #tpu.memory_space<vmem>>) offsets(%arg12 : memref<80xi32, #tpu.memory_space<vmem>>) semaphore(%arg23 : memref<!tpu.dma_semaphore, #tpu.memory_space<semaphore_mem>>)
        %dma_start3A_302 = arith.constant 0 : i32
        %dma_start3A_303 = tpu.memref_slice %arg4[%add3A_295, %dma_start3A_302] : memref<160000x128xi32, #tpu.memory_space<hbm>> -> memref<40x128xi32, #tpu.memory_space<hbm>>
        %dma_start3A_304 = arith.constant 0 : i32
        %dma_start3A_305 = tpu.memref_slice %arg4[%add3A_295, %dma_start3A_304] : memref<160000x128xi32, #tpu.memory_space<hbm>> -> memref<40x128xi32, #tpu.memory_space<hbm>>
        tpu.enqueue_dma source(%dma_start3A_305 : memref<40x128xi32, #tpu.memory_space<hbm>>) target(%arg18 : memref<40x128xi32, #tpu.memory_space<vmem>>) target_semaphore(%arg23 : memref<!tpu.dma_semaphore, #tpu.memory_space<semaphore_mem>>)
      } else {
      }
      %add3A_210 = arith.constant 2 : i32
      %add3A_211 = arith.addi %mul3A_190, %add3A_210 : i32
      %lt3A_212 = arith.constant 125 : i32
      %lt3A_213 = arith.cmpi slt, %add3A_211, %lt3A_212 : i32
      %convert_element_type3A_214 = arith.extui %lt3A_213 : i1 to i32
      %cond3A_215 = arith.constant 0 : i32
      %cond3A_216 = arith.cmpi ne, %convert_element_type3A_214, %cond3A_215 : i32
      scf.if %cond3A_216 {
        %add3A_276 = arith.constant 2 : i32
        %add3A_277 = arith.addi %mul3A_190, %add3A_276 : i32
        %mul3A_278 = arith.constant 80 : i32
        %mul3A_279 = arith.muli %add3A_277, %mul3A_278 : i32
        %add3A_280 = arith.addi %mul3A_2, %mul3A_279 : i32
        %dma_start3A_281 = tpu.memref_slice %arg5[%add3A_280] : memref<320000xi32, #tpu.memory_space<hbm>> -> memref<80xi32, #tpu.memory_space<hbm>>
        %dma_start3A_282 = tpu.memref_slice %arg5[%add3A_280] : memref<320000xi32, #tpu.memory_space<hbm>> -> memref<80xi32, #tpu.memory_space<hbm>>
        tpu.enqueue_dma source(%dma_start3A_282 : memref<80xi32, #tpu.memory_space<hbm>>) target(%arg9 : memref<80xi32, #tpu.memory_space<vmem>>) target_semaphore(%arg20 : memref<!tpu.dma_semaphore, #tpu.memory_space<semaphore_mem>>)
        %dma_start3A_283 = tpu.memref_slice %arg6[%add3A_280] : memref<320000xi32, #tpu.memory_space<hbm>> -> memref<80xi32, #tpu.memory_space<hbm>>
        %dma_start3A_284 = tpu.memref_slice %arg6[%add3A_280] : memref<320000xi32, #tpu.memory_space<hbm>> -> memref<80xi32, #tpu.memory_space<hbm>>
        tpu.enqueue_dma source(%dma_start3A_284 : memref<80xi32, #tpu.memory_space<hbm>>) target(%arg11 : memref<80xi32, #tpu.memory_space<vmem>>) target_semaphore(%arg20 : memref<!tpu.dma_semaphore, #tpu.memory_space<semaphore_mem>>)
      } else {
      }
      %scan3A_217 = arith.constant 0 : i32
      %scan3A_218 = arith.constant 40 : i32
      %scan3A_219 = arith.addi %scan3A_217, %scan3A_218 : i32
      %scan3A_220 = arith.constant 1 : i32
      %scan3A_221:16 = scf.for %scan3A_276 = %scan3A_217 to %scan3A_219 step %scan3A_220 iter_args(%scan3A_277 = %scan3A_173, %scan3A_278 = %scan3A_174, %scan3A_279 = %scan3A_175, %scan3A_280 = %scan3A_176, %scan3A_281 = %scan3A_177, %scan3A_282 = %scan3A_178, %scan3A_283 = %scan3A_179, %scan3A_284 = %scan3A_180, %scan3A_285 = %scan3A_181, %scan3A_286 = %scan3A_182, %scan3A_287 = %scan3A_183, %scan3A_288 = %scan3A_184, %scan3A_289 = %scan3A_185, %scan3A_290 = %scan3A_186, %scan3A_291 = %scan3A_187, %scan3A_292 = %scan3A_188) -> (vector<16xf32>, vector<16xf32>, vector<16xf32>, vector<16xf32>, vector<16xf32>, vector<16xf32>, vector<16xf32>, vector<16xf32>, vector<16xf32>, vector<16xf32>, vector<16xf32>, vector<16xf32>, vector<16xf32>, vector<16xf32>, vector<16xf32>, vector<16xf32>)  : i32 {
        %mul3A_293 = arith.constant 2 : i32
        %mul3A_294 = arith.muli %mul3A_293, %scan3A_276 : i32
        %add3A_295 = arith.constant 1 : i32
        %add3A_296 = arith.addi %mul3A_294, %add3A_295 : i32
        %get3A = arith.index_cast %scan3A_276 : i32 to index
        %get3A_297 = arith.constant 0 : index
        %get3A_298 = tpu.vector_load %arg17[%get3A, %get3A_297] {strides = array<i32>} : memref<40x128xi32, #tpu.memory_space<vmem>>, vector<1x16xi32>,
        %get3A_299 = vector.shape_cast %get3A_298 : vector<1x16xi32> to vector<16xi32>
        %shift_left3A = arith.constant 16 : i32
        %shift_left3A_300 = vector.broadcast %shift_left3A : i32 to vector<16xi32>
        %shift_left3A_301 = arith.shli %get3A_299, %shift_left3A_300 : vector<16xi32>
        %bitcast_convert_type3A = tpu.bitcast %shift_left3A_301 : vector<16xi32> -> vector<16xf32>
        %and3A = arith.constant -65536 : i32
        %and3A_302 = vector.broadcast %and3A : i32 to vector<16xi32>
        %and3A_303 = arith.andi %get3A_299, %and3A_302 : vector<16xi32>
        %bitcast_convert_type3A_304 = tpu.bitcast %and3A_303 : vector<16xi32> -> vector<16xf32>
        %get3A_305 = arith.index_cast %mul3A_294 : i32 to index
        %get3A_306 = arith.constant 0 : index
        %get3A_307 = tpu.vector_load %arg13[%get3A_305, %get3A_306] {strides = array<i32>} : memref<80x128xf32, #tpu.memory_space<vmem>>, vector<1x16xf32>,
        %get3A_308 = vector.shape_cast %get3A_307 : vector<1x16xf32> to vector<16xf32>
        %get3A_309 = arith.index_cast %mul3A_294 : i32 to index
        %get3A_310 = arith.constant 0 : index
        %get3A_311 = tpu.vector_load %arg15[%get3A_309, %get3A_310] {strides = array<i32>} : memref<80x128xf32, #tpu.memory_space<vmem>>, vector<1x16xf32>,
        %get3A_312 = vector.shape_cast %get3A_311 : vector<1x16xf32> to vector<16xf32>
        %add3A_313 = arith.addf %get3A_308, %get3A_312 : vector<16xf32>
        %add3A_314 = arith.addf %add3A_313, %bitcast_convert_type3A : vector<16xf32>
        %get3A_315 = arith.index_cast %add3A_296 : i32 to index
        %get3A_316 = arith.constant 0 : index
        %get3A_317 = tpu.vector_load %arg13[%get3A_315, %get3A_316] {strides = array<i32>} : memref<80x128xf32, #tpu.memory_space<vmem>>, vector<1x16xf32>,
        %get3A_318 = vector.shape_cast %get3A_317 : vector<1x16xf32> to vector<16xf32>
        %get3A_319 = arith.index_cast %add3A_296 : i32 to index
        %get3A_320 = arith.constant 0 : index
        %get3A_321 = tpu.vector_load %arg15[%get3A_319, %get3A_320] {strides = array<i32>} : memref<80x128xf32, #tpu.memory_space<vmem>>, vector<1x16xf32>,
        %get3A_322 = vector.shape_cast %get3A_321 : vector<1x16xf32> to vector<16xf32>
        %add3A_323 = arith.addf %get3A_318, %get3A_322 : vector<16xf32>
        %add3A_324 = arith.addf %add3A_323, %bitcast_convert_type3A_304 : vector<16xf32>
        %swap3A_325 = arith.index_cast %mul3A_294 : i32 to index
        %swap3A_326 = arith.constant 0 : index
        %swap3A_327 = tpu.vector_load %arg13[%swap3A_325, %swap3A_326] {strides = array<i32>} : memref<80x128xf32, #tpu.memory_space<vmem>>, vector<1x16xf32>,
        %swap3A_328 = vector.shape_cast %swap3A_327 : vector<1x16xf32> to vector<16xf32>
        %swap3A_329 = vector.shape_cast %add3A_314 : vector<16xf32> to vector<1x16xf32>
        tpu.vector_store %arg13[%swap3A_325, %swap3A_326], %swap3A_329 {strides = array<i32>} : memref<80x128xf32, #tpu.memory_space<vmem>>, vector<1x16xf32>,
        %swap3A_330 = arith.index_cast %add3A_296 : i32 to index
        %swap3A_331 = arith.constant 0 : index
        %swap3A_332 = tpu.vector_load %arg13[%swap3A_330, %swap3A_331] {strides = array<i32>} : memref<80x128xf32, #tpu.memory_space<vmem>>, vector<1x16xf32>,
        %swap3A_333 = vector.shape_cast %swap3A_332 : vector<1x16xf32> to vector<16xf32>
        %swap3A_334 = vector.shape_cast %add3A_324 : vector<16xf32> to vector<1x16xf32>
        tpu.vector_store %arg13[%swap3A_330, %swap3A_331], %swap3A_334 {strides = array<i32>} : memref<80x128xf32, #tpu.memory_space<vmem>>, vector<1x16xf32>,
        %add3A_335 = arith.addf %add3A_314, %add3A_324 : vector<16xf32>
        %add3A_336 = arith.addf %scan3A_277, %add3A_335 : vector<16xf32>
        %mul3A_337 = arith.mulf %add3A_314, %add3A_314 : vector<16xf32>
        %mul3A_338 = arith.mulf %add3A_324, %add3A_324 : vector<16xf32>
        %add3A_339 = arith.addf %mul3A_337, %mul3A_338 : vector<16xf32>
        %add3A_340 = arith.addf %scan3A_285, %add3A_339 : vector<16xf32>
        %get3A_341 = arith.index_cast %scan3A_276 : i32 to index
        %get3A_342 = arith.constant 16 : index
        %get3A_343 = tpu.vector_load %arg17[%get3A_341, %get3A_342] {strides = array<i32>} : memref<40x128xi32, #tpu.memory_space<vmem>>, vector<1x16xi32>,
        %get3A_344 = vector.shape_cast %get3A_343 : vector<1x16xi32> to vector<16xi32>
        %shift_left3A_345 = arith.constant 16 : i32
        %shift_left3A_346 = vector.broadcast %shift_left3A_345 : i32 to vector<16xi32>
        %shift_left3A_347 = arith.shli %get3A_344, %shift_left3A_346 : vector<16xi32>
        %bitcast_convert_type3A_348 = tpu.bitcast %shift_left3A_347 : vector<16xi32> -> vector<16xf32>
        %and3A_349 = arith.constant -65536 : i32
        %and3A_350 = vector.broadcast %and3A_349 : i32 to vector<16xi32>
        %and3A_351 = arith.andi %get3A_344, %and3A_350 : vector<16xi32>
        %bitcast_convert_type3A_352 = tpu.bitcast %and3A_351 : vector<16xi32> -> vector<16xf32>
        %get3A_353 = arith.index_cast %mul3A_294 : i32 to index
        %get3A_354 = arith.constant 16 : index
        %get3A_355 = tpu.vector_load %arg13[%get3A_353, %get3A_354] {strides = array<i32>} : memref<80x128xf32, #tpu.memory_space<vmem>>, vector<1x16xf32>,
        %get3A_356 = vector.shape_cast %get3A_355 : vector<1x16xf32> to vector<16xf32>
        %get3A_357 = arith.index_cast %mul3A_294 : i32 to index
        %get3A_358 = arith.constant 16 : index
        %get3A_359 = tpu.vector_load %arg15[%get3A_357, %get3A_358] {strides = array<i32>} : memref<80x128xf32, #tpu.memory_space<vmem>>, vector<1x16xf32>,
        %get3A_360 = vector.shape_cast %get3A_359 : vector<1x16xf32> to vector<16xf32>
        %add3A_361 = arith.addf %get3A_356, %get3A_360 : vector<16xf32>
        %add3A_362 = arith.addf %add3A_361, %bitcast_convert_type3A_348 : vector<16xf32>
        %get3A_363 = arith.index_cast %add3A_296 : i32 to index
        %get3A_364 = arith.constant 16 : index
        %get3A_365 = tpu.vector_load %arg13[%get3A_363, %get3A_364] {strides = array<i32>} : memref<80x128xf32, #tpu.memory_space<vmem>>, vector<1x16xf32>,
        %get3A_366 = vector.shape_cast %get3A_365 : vector<1x16xf32> to vector<16xf32>
        %get3A_367 = arith.index_cast %add3A_296 : i32 to index
        %get3A_368 = arith.constant 16 : index
        %get3A_369 = tpu.vector_load %arg15[%get3A_367, %get3A_368] {strides = array<i32>} : memref<80x128xf32, #tpu.memory_space<vmem>>, vector<1x16xf32>,
        %get3A_370 = vector.shape_cast %get3A_369 : vector<1x16xf32> to vector<16xf32>
        %add3A_371 = arith.addf %get3A_366, %get3A_370 : vector<16xf32>
        %add3A_372 = arith.addf %add3A_371, %bitcast_convert_type3A_352 : vector<16xf32>
        %swap3A_373 = arith.index_cast %mul3A_294 : i32 to index
        %swap3A_374 = arith.constant 16 : index
        %swap3A_375 = tpu.vector_load %arg13[%swap3A_373, %swap3A_374] {strides = array<i32>} : memref<80x128xf32, #tpu.memory_space<vmem>>, vector<1x16xf32>,
        %swap3A_376 = vector.shape_cast %swap3A_375 : vector<1x16xf32> to vector<16xf32>
        %swap3A_377 = vector.shape_cast %add3A_362 : vector<16xf32> to vector<1x16xf32>
        tpu.vector_store %arg13[%swap3A_373, %swap3A_374], %swap3A_377 {strides = array<i32>} : memref<80x128xf32, #tpu.memory_space<vmem>>, vector<1x16xf32>,
        %swap3A_378 = arith.index_cast %add3A_296 : i32 to index
        %swap3A_379 = arith.constant 16 : index
        %swap3A_380 = tpu.vector_load %arg13[%swap3A_378, %swap3A_379] {strides = array<i32>} : memref<80x128xf32, #tpu.memory_space<vmem>>, vector<1x16xf32>,
        %swap3A_381 = vector.shape_cast %swap3A_380 : vector<1x16xf32> to vector<16xf32>
        %swap3A_382 = vector.shape_cast %add3A_372 : vector<16xf32> to vector<1x16xf32>
        tpu.vector_store %arg13[%swap3A_378, %swap3A_379], %swap3A_382 {strides = array<i32>} : memref<80x128xf32, #tpu.memory_space<vmem>>, vector<1x16xf32>,
        %add3A_383 = arith.addf %add3A_362, %add3A_372 : vector<16xf32>
        %add3A_384 = arith.addf %scan3A_278, %add3A_383 : vector<16xf32>
        %mul3A_385 = arith.mulf %add3A_362, %add3A_362 : vector<16xf32>
        %mul3A_386 = arith.mulf %add3A_372, %add3A_372 : vector<16xf32>
        %add3A_387 = arith.addf %mul3A_385, %mul3A_386 : vector<16xf32>
        %add3A_388 = arith.addf %scan3A_286, %add3A_387 : vector<16xf32>
        %get3A_389 = arith.index_cast %scan3A_276 : i32 to index
        %get3A_390 = arith.constant 32 : index
        %get3A_391 = tpu.vector_load %arg17[%get3A_389, %get3A_390] {strides = array<i32>} : memref<40x128xi32, #tpu.memory_space<vmem>>, vector<1x16xi32>,
        %get3A_392 = vector.shape_cast %get3A_391 : vector<1x16xi32> to vector<16xi32>
        %shift_left3A_393 = arith.constant 16 : i32
        %shift_left3A_394 = vector.broadcast %shift_left3A_393 : i32 to vector<16xi32>
        %shift_left3A_395 = arith.shli %get3A_392, %shift_left3A_394 : vector<16xi32>
        %bitcast_convert_type3A_396 = tpu.bitcast %shift_left3A_395 : vector<16xi32> -> vector<16xf32>
        %and3A_397 = arith.constant -65536 : i32
        %and3A_398 = vector.broadcast %and3A_397 : i32 to vector<16xi32>
        %and3A_399 = arith.andi %get3A_392, %and3A_398 : vector<16xi32>
        %bitcast_convert_type3A_400 = tpu.bitcast %and3A_399 : vector<16xi32> -> vector<16xf32>
        %get3A_401 = arith.index_cast %mul3A_294 : i32 to index
        %get3A_402 = arith.constant 32 : index
        %get3A_403 = tpu.vector_load %arg13[%get3A_401, %get3A_402] {strides = array<i32>} : memref<80x128xf32, #tpu.memory_space<vmem>>, vector<1x16xf32>,
        %get3A_404 = vector.shape_cast %get3A_403 : vector<1x16xf32> to vector<16xf32>
        %get3A_405 = arith.index_cast %mul3A_294 : i32 to index
        %get3A_406 = arith.constant 32 : index
        %get3A_407 = tpu.vector_load %arg15[%get3A_405, %get3A_406] {strides = array<i32>} : memref<80x128xf32, #tpu.memory_space<vmem>>, vector<1x16xf32>,
        %get3A_408 = vector.shape_cast %get3A_407 : vector<1x16xf32> to vector<16xf32>
        %add3A_409 = arith.addf %get3A_404, %get3A_408 : vector<16xf32>
        %add3A_410 = arith.addf %add3A_409, %bitcast_convert_type3A_396 : vector<16xf32>
        %get3A_411 = arith.index_cast %add3A_296 : i32 to index
        %get3A_412 = arith.constant 32 : index
        %get3A_413 = tpu.vector_load %arg13[%get3A_411, %get3A_412] {strides = array<i32>} : memref<80x128xf32, #tpu.memory_space<vmem>>, vector<1x16xf32>,
        %get3A_414 = vector.shape_cast %get3A_413 : vector<1x16xf32> to vector<16xf32>
        %get3A_415 = arith.index_cast %add3A_296 : i32 to index
        %get3A_416 = arith.constant 32 : index
        %get3A_417 = tpu.vector_load %arg15[%get3A_415, %get3A_416] {strides = array<i32>} : memref<80x128xf32, #tpu.memory_space<vmem>>, vector<1x16xf32>,
        %get3A_418 = vector.shape_cast %get3A_417 : vector<1x16xf32> to vector<16xf32>
        %add3A_419 = arith.addf %get3A_414, %get3A_418 : vector<16xf32>
        %add3A_420 = arith.addf %add3A_419, %bitcast_convert_type3A_400 : vector<16xf32>
        %swap3A_421 = arith.index_cast %mul3A_294 : i32 to index
        %swap3A_422 = arith.constant 32 : index
        %swap3A_423 = tpu.vector_load %arg13[%swap3A_421, %swap3A_422] {strides = array<i32>} : memref<80x128xf32, #tpu.memory_space<vmem>>, vector<1x16xf32>,
        %swap3A_424 = vector.shape_cast %swap3A_423 : vector<1x16xf32> to vector<16xf32>
        %swap3A_425 = vector.shape_cast %add3A_410 : vector<16xf32> to vector<1x16xf32>
        tpu.vector_store %arg13[%swap3A_421, %swap3A_422], %swap3A_425 {strides = array<i32>} : memref<80x128xf32, #tpu.memory_space<vmem>>, vector<1x16xf32>,
        %swap3A_426 = arith.index_cast %add3A_296 : i32 to index
        %swap3A_427 = arith.constant 32 : index
        %swap3A_428 = tpu.vector_load %arg13[%swap3A_426, %swap3A_427] {strides = array<i32>} : memref<80x128xf32, #tpu.memory_space<vmem>>, vector<1x16xf32>,
        %swap3A_429 = vector.shape_cast %swap3A_428 : vector<1x16xf32> to vector<16xf32>
        %swap3A_430 = vector.shape_cast %add3A_420 : vector<16xf32> to vector<1x16xf32>
        tpu.vector_store %arg13[%swap3A_426, %swap3A_427], %swap3A_430 {strides = array<i32>} : memref<80x128xf32, #tpu.memory_space<vmem>>, vector<1x16xf32>,
        %add3A_431 = arith.addf %add3A_410, %add3A_420 : vector<16xf32>
        %add3A_432 = arith.addf %scan3A_279, %add3A_431 : vector<16xf32>
        %mul3A_433 = arith.mulf %add3A_410, %add3A_410 : vector<16xf32>
        %mul3A_434 = arith.mulf %add3A_420, %add3A_420 : vector<16xf32>
        %add3A_435 = arith.addf %mul3A_433, %mul3A_434 : vector<16xf32>
        %add3A_436 = arith.addf %scan3A_287, %add3A_435 : vector<16xf32>
        %get3A_437 = arith.index_cast %scan3A_276 : i32 to index
        %get3A_438 = arith.constant 48 : index
        %get3A_439 = tpu.vector_load %arg17[%get3A_437, %get3A_438] {strides = array<i32>} : memref<40x128xi32, #tpu.memory_space<vmem>>, vector<1x16xi32>,
        %get3A_440 = vector.shape_cast %get3A_439 : vector<1x16xi32> to vector<16xi32>
        %shift_left3A_441 = arith.constant 16 : i32
        %shift_left3A_442 = vector.broadcast %shift_left3A_441 : i32 to vector<16xi32>
        %shift_left3A_443 = arith.shli %get3A_440, %shift_left3A_442 : vector<16xi32>
        %bitcast_convert_type3A_444 = tpu.bitcast %shift_left3A_443 : vector<16xi32> -> vector<16xf32>
        %and3A_445 = arith.constant -65536 : i32
        %and3A_446 = vector.broadcast %and3A_445 : i32 to vector<16xi32>
        %and3A_447 = arith.andi %get3A_440, %and3A_446 : vector<16xi32>
        %bitcast_convert_type3A_448 = tpu.bitcast %and3A_447 : vector<16xi32> -> vector<16xf32>
        %get3A_449 = arith.index_cast %mul3A_294 : i32 to index
        %get3A_450 = arith.constant 48 : index
        %get3A_451 = tpu.vector_load %arg13[%get3A_449, %get3A_450] {strides = array<i32>} : memref<80x128xf32, #tpu.memory_space<vmem>>, vector<1x16xf32>,
        %get3A_452 = vector.shape_cast %get3A_451 : vector<1x16xf32> to vector<16xf32>
        %get3A_453 = arith.index_cast %mul3A_294 : i32 to index
        %get3A_454 = arith.constant 48 : index
        %get3A_455 = tpu.vector_load %arg15[%get3A_453, %get3A_454] {strides = array<i32>} : memref<80x128xf32, #tpu.memory_space<vmem>>, vector<1x16xf32>,
        %get3A_456 = vector.shape_cast %get3A_455 : vector<1x16xf32> to vector<16xf32>
        %add3A_457 = arith.addf %get3A_452, %get3A_456 : vector<16xf32>
        %add3A_458 = arith.addf %add3A_457, %bitcast_convert_type3A_444 : vector<16xf32>
        %get3A_459 = arith.index_cast %add3A_296 : i32 to index
        %get3A_460 = arith.constant 48 : index
        %get3A_461 = tpu.vector_load %arg13[%get3A_459, %get3A_460] {strides = array<i32>} : memref<80x128xf32, #tpu.memory_space<vmem>>, vector<1x16xf32>,
        %get3A_462 = vector.shape_cast %get3A_461 : vector<1x16xf32> to vector<16xf32>
        %get3A_463 = arith.index_cast %add3A_296 : i32 to index
        %get3A_464 = arith.constant 48 : index
        %get3A_465 = tpu.vector_load %arg15[%get3A_463, %get3A_464] {strides = array<i32>} : memref<80x128xf32, #tpu.memory_space<vmem>>, vector<1x16xf32>,
        %get3A_466 = vector.shape_cast %get3A_465 : vector<1x16xf32> to vector<16xf32>
        %add3A_467 = arith.addf %get3A_462, %get3A_466 : vector<16xf32>
        %add3A_468 = arith.addf %add3A_467, %bitcast_convert_type3A_448 : vector<16xf32>
        %swap3A_469 = arith.index_cast %mul3A_294 : i32 to index
        %swap3A_470 = arith.constant 48 : index
        %swap3A_471 = tpu.vector_load %arg13[%swap3A_469, %swap3A_470] {strides = array<i32>} : memref<80x128xf32, #tpu.memory_space<vmem>>, vector<1x16xf32>,
        %swap3A_472 = vector.shape_cast %swap3A_471 : vector<1x16xf32> to vector<16xf32>
        %swap3A_473 = vector.shape_cast %add3A_458 : vector<16xf32> to vector<1x16xf32>
        tpu.vector_store %arg13[%swap3A_469, %swap3A_470], %swap3A_473 {strides = array<i32>} : memref<80x128xf32, #tpu.memory_space<vmem>>, vector<1x16xf32>,
        %swap3A_474 = arith.index_cast %add3A_296 : i32 to index
        %swap3A_475 = arith.constant 48 : index
        %swap3A_476 = tpu.vector_load %arg13[%swap3A_474, %swap3A_475] {strides = array<i32>} : memref<80x128xf32, #tpu.memory_space<vmem>>, vector<1x16xf32>,
        %swap3A_477 = vector.shape_cast %swap3A_476 : vector<1x16xf32> to vector<16xf32>
        %swap3A_478 = vector.shape_cast %add3A_468 : vector<16xf32> to vector<1x16xf32>
        tpu.vector_store %arg13[%swap3A_474, %swap3A_475], %swap3A_478 {strides = array<i32>} : memref<80x128xf32, #tpu.memory_space<vmem>>, vector<1x16xf32>,
        %add3A_479 = arith.addf %add3A_458, %add3A_468 : vector<16xf32>
        %add3A_480 = arith.addf %scan3A_280, %add3A_479 : vector<16xf32>
        %mul3A_481 = arith.mulf %add3A_458, %add3A_458 : vector<16xf32>
        %mul3A_482 = arith.mulf %add3A_468, %add3A_468 : vector<16xf32>
        %add3A_483 = arith.addf %mul3A_481, %mul3A_482 : vector<16xf32>
        %add3A_484 = arith.addf %scan3A_288, %add3A_483 : vector<16xf32>
        %get3A_485 = arith.index_cast %scan3A_276 : i32 to index
        %get3A_486 = arith.constant 64 : index
        %get3A_487 = tpu.vector_load %arg17[%get3A_485, %get3A_486] {strides = array<i32>} : memref<40x128xi32, #tpu.memory_space<vmem>>, vector<1x16xi32>,
        %get3A_488 = vector.shape_cast %get3A_487 : vector<1x16xi32> to vector<16xi32>
        %shift_left3A_489 = arith.constant 16 : i32
        %shift_left3A_490 = vector.broadcast %shift_left3A_489 : i32 to vector<16xi32>
        %shift_left3A_491 = arith.shli %get3A_488, %shift_left3A_490 : vector<16xi32>
        %bitcast_convert_type3A_492 = tpu.bitcast %shift_left3A_491 : vector<16xi32> -> vector<16xf32>
        %and3A_493 = arith.constant -65536 : i32
        %and3A_494 = vector.broadcast %and3A_493 : i32 to vector<16xi32>
        %and3A_495 = arith.andi %get3A_488, %and3A_494 : vector<16xi32>
        %bitcast_convert_type3A_496 = tpu.bitcast %and3A_495 : vector<16xi32> -> vector<16xf32>
        %get3A_497 = arith.index_cast %mul3A_294 : i32 to index
        %get3A_498 = arith.constant 64 : index
        %get3A_499 = tpu.vector_load %arg13[%get3A_497, %get3A_498] {strides = array<i32>} : memref<80x128xf32, #tpu.memory_space<vmem>>, vector<1x16xf32>,
        %get3A_500 = vector.shape_cast %get3A_499 : vector<1x16xf32> to vector<16xf32>
        %get3A_501 = arith.index_cast %mul3A_294 : i32 to index
        %get3A_502 = arith.constant 64 : index
        %get3A_503 = tpu.vector_load %arg15[%get3A_501, %get3A_502] {strides = array<i32>} : memref<80x128xf32, #tpu.memory_space<vmem>>, vector<1x16xf32>,
        %get3A_504 = vector.shape_cast %get3A_503 : vector<1x16xf32> to vector<16xf32>
        %add3A_505 = arith.addf %get3A_500, %get3A_504 : vector<16xf32>
        %add3A_506 = arith.addf %add3A_505, %bitcast_convert_type3A_492 : vector<16xf32>
        %get3A_507 = arith.index_cast %add3A_296 : i32 to index
        %get3A_508 = arith.constant 64 : index
        %get3A_509 = tpu.vector_load %arg13[%get3A_507, %get3A_508] {strides = array<i32>} : memref<80x128xf32, #tpu.memory_space<vmem>>, vector<1x16xf32>,
        %get3A_510 = vector.shape_cast %get3A_509 : vector<1x16xf32> to vector<16xf32>
        %get3A_511 = arith.index_cast %add3A_296 : i32 to index
        %get3A_512 = arith.constant 64 : index
        %get3A_513 = tpu.vector_load %arg15[%get3A_511, %get3A_512] {strides = array<i32>} : memref<80x128xf32, #tpu.memory_space<vmem>>, vector<1x16xf32>,
        %get3A_514 = vector.shape_cast %get3A_513 : vector<1x16xf32> to vector<16xf32>
        %add3A_515 = arith.addf %get3A_510, %get3A_514 : vector<16xf32>
        %add3A_516 = arith.addf %add3A_515, %bitcast_convert_type3A_496 : vector<16xf32>
        %swap3A_517 = arith.index_cast %mul3A_294 : i32 to index
        %swap3A_518 = arith.constant 64 : index
        %swap3A_519 = tpu.vector_load %arg13[%swap3A_517, %swap3A_518] {strides = array<i32>} : memref<80x128xf32, #tpu.memory_space<vmem>>, vector<1x16xf32>,
        %swap3A_520 = vector.shape_cast %swap3A_519 : vector<1x16xf32> to vector<16xf32>
        %swap3A_521 = vector.shape_cast %add3A_506 : vector<16xf32> to vector<1x16xf32>
        tpu.vector_store %arg13[%swap3A_517, %swap3A_518], %swap3A_521 {strides = array<i32>} : memref<80x128xf32, #tpu.memory_space<vmem>>, vector<1x16xf32>,
        %swap3A_522 = arith.index_cast %add3A_296 : i32 to index
        %swap3A_523 = arith.constant 64 : index
        %swap3A_524 = tpu.vector_load %arg13[%swap3A_522, %swap3A_523] {strides = array<i32>} : memref<80x128xf32, #tpu.memory_space<vmem>>, vector<1x16xf32>,
        %swap3A_525 = vector.shape_cast %swap3A_524 : vector<1x16xf32> to vector<16xf32>
        %swap3A_526 = vector.shape_cast %add3A_516 : vector<16xf32> to vector<1x16xf32>
        tpu.vector_store %arg13[%swap3A_522, %swap3A_523], %swap3A_526 {strides = array<i32>} : memref<80x128xf32, #tpu.memory_space<vmem>>, vector<1x16xf32>,
        %add3A_527 = arith.addf %add3A_506, %add3A_516 : vector<16xf32>
        %add3A_528 = arith.addf %scan3A_281, %add3A_527 : vector<16xf32>
        %mul3A_529 = arith.mulf %add3A_506, %add3A_506 : vector<16xf32>
        %mul3A_530 = arith.mulf %add3A_516, %add3A_516 : vector<16xf32>
        %add3A_531 = arith.addf %mul3A_529, %mul3A_530 : vector<16xf32>
        %add3A_532 = arith.addf %scan3A_289, %add3A_531 : vector<16xf32>
        %get3A_533 = arith.index_cast %scan3A_276 : i32 to index
        %get3A_534 = arith.constant 80 : index
        %get3A_535 = tpu.vector_load %arg17[%get3A_533, %get3A_534] {strides = array<i32>} : memref<40x128xi32, #tpu.memory_space<vmem>>, vector<1x16xi32>,
        %get3A_536 = vector.shape_cast %get3A_535 : vector<1x16xi32> to vector<16xi32>
        %shift_left3A_537 = arith.constant 16 : i32
        %shift_left3A_538 = vector.broadcast %shift_left3A_537 : i32 to vector<16xi32>
        %shift_left3A_539 = arith.shli %get3A_536, %shift_left3A_538 : vector<16xi32>
        %bitcast_convert_type3A_540 = tpu.bitcast %shift_left3A_539 : vector<16xi32> -> vector<16xf32>
        %and3A_541 = arith.constant -65536 : i32
        %and3A_542 = vector.broadcast %and3A_541 : i32 to vector<16xi32>
        %and3A_543 = arith.andi %get3A_536, %and3A_542 : vector<16xi32>
        %bitcast_convert_type3A_544 = tpu.bitcast %and3A_543 : vector<16xi32> -> vector<16xf32>
        %get3A_545 = arith.index_cast %mul3A_294 : i32 to index
        %get3A_546 = arith.constant 80 : index
        %get3A_547 = tpu.vector_load %arg13[%get3A_545, %get3A_546] {strides = array<i32>} : memref<80x128xf32, #tpu.memory_space<vmem>>, vector<1x16xf32>,
        %get3A_548 = vector.shape_cast %get3A_547 : vector<1x16xf32> to vector<16xf32>
        %get3A_549 = arith.index_cast %mul3A_294 : i32 to index
        %get3A_550 = arith.constant 80 : index
        %get3A_551 = tpu.vector_load %arg15[%get3A_549, %get3A_550] {strides = array<i32>} : memref<80x128xf32, #tpu.memory_space<vmem>>, vector<1x16xf32>,
        %get3A_552 = vector.shape_cast %get3A_551 : vector<1x16xf32> to vector<16xf32>
        %add3A_553 = arith.addf %get3A_548, %get3A_552 : vector<16xf32>
        %add3A_554 = arith.addf %add3A_553, %bitcast_convert_type3A_540 : vector<16xf32>
        %get3A_555 = arith.index_cast %add3A_296 : i32 to index
        %get3A_556 = arith.constant 80 : index
        %get3A_557 = tpu.vector_load %arg13[%get3A_555, %get3A_556] {strides = array<i32>} : memref<80x128xf32, #tpu.memory_space<vmem>>, vector<1x16xf32>,
        %get3A_558 = vector.shape_cast %get3A_557 : vector<1x16xf32> to vector<16xf32>
        %get3A_559 = arith.index_cast %add3A_296 : i32 to index
        %get3A_560 = arith.constant 80 : index
        %get3A_561 = tpu.vector_load %arg15[%get3A_559, %get3A_560] {strides = array<i32>} : memref<80x128xf32, #tpu.memory_space<vmem>>, vector<1x16xf32>,
        %get3A_562 = vector.shape_cast %get3A_561 : vector<1x16xf32> to vector<16xf32>
        %add3A_563 = arith.addf %get3A_558, %get3A_562 : vector<16xf32>
        %add3A_564 = arith.addf %add3A_563, %bitcast_convert_type3A_544 : vector<16xf32>
        %swap3A_565 = arith.index_cast %mul3A_294 : i32 to index
        %swap3A_566 = arith.constant 80 : index
        %swap3A_567 = tpu.vector_load %arg13[%swap3A_565, %swap3A_566] {strides = array<i32>} : memref<80x128xf32, #tpu.memory_space<vmem>>, vector<1x16xf32>,
        %swap3A_568 = vector.shape_cast %swap3A_567 : vector<1x16xf32> to vector<16xf32>
        %swap3A_569 = vector.shape_cast %add3A_554 : vector<16xf32> to vector<1x16xf32>
        tpu.vector_store %arg13[%swap3A_565, %swap3A_566], %swap3A_569 {strides = array<i32>} : memref<80x128xf32, #tpu.memory_space<vmem>>, vector<1x16xf32>,
        %swap3A_570 = arith.index_cast %add3A_296 : i32 to index
        %swap3A_571 = arith.constant 80 : index
        %swap3A_572 = tpu.vector_load %arg13[%swap3A_570, %swap3A_571] {strides = array<i32>} : memref<80x128xf32, #tpu.memory_space<vmem>>, vector<1x16xf32>,
        %swap3A_573 = vector.shape_cast %swap3A_572 : vector<1x16xf32> to vector<16xf32>
        %swap3A_574 = vector.shape_cast %add3A_564 : vector<16xf32> to vector<1x16xf32>
        tpu.vector_store %arg13[%swap3A_570, %swap3A_571], %swap3A_574 {strides = array<i32>} : memref<80x128xf32, #tpu.memory_space<vmem>>, vector<1x16xf32>,
        %add3A_575 = arith.addf %add3A_554, %add3A_564 : vector<16xf32>
        %add3A_576 = arith.addf %scan3A_282, %add3A_575 : vector<16xf32>
        %mul3A_577 = arith.mulf %add3A_554, %add3A_554 : vector<16xf32>
        %mul3A_578 = arith.mulf %add3A_564, %add3A_564 : vector<16xf32>
        %add3A_579 = arith.addf %mul3A_577, %mul3A_578 : vector<16xf32>
        %add3A_580 = arith.addf %scan3A_290, %add3A_579 : vector<16xf32>
        %get3A_581 = arith.index_cast %scan3A_276 : i32 to index
        %get3A_582 = arith.constant 96 : index
        %get3A_583 = tpu.vector_load %arg17[%get3A_581, %get3A_582] {strides = array<i32>} : memref<40x128xi32, #tpu.memory_space<vmem>>, vector<1x16xi32>,
        %get3A_584 = vector.shape_cast %get3A_583 : vector<1x16xi32> to vector<16xi32>
        %shift_left3A_585 = arith.constant 16 : i32
        %shift_left3A_586 = vector.broadcast %shift_left3A_585 : i32 to vector<16xi32>
        %shift_left3A_587 = arith.shli %get3A_584, %shift_left3A_586 : vector<16xi32>
        %bitcast_convert_type3A_588 = tpu.bitcast %shift_left3A_587 : vector<16xi32> -> vector<16xf32>
        %and3A_589 = arith.constant -65536 : i32
        %and3A_590 = vector.broadcast %and3A_589 : i32 to vector<16xi32>
        %and3A_591 = arith.andi %get3A_584, %and3A_590 : vector<16xi32>
        %bitcast_convert_type3A_592 = tpu.bitcast %and3A_591 : vector<16xi32> -> vector<16xf32>
        %get3A_593 = arith.index_cast %mul3A_294 : i32 to index
        %get3A_594 = arith.constant 96 : index
        %get3A_595 = tpu.vector_load %arg13[%get3A_593, %get3A_594] {strides = array<i32>} : memref<80x128xf32, #tpu.memory_space<vmem>>, vector<1x16xf32>,
        %get3A_596 = vector.shape_cast %get3A_595 : vector<1x16xf32> to vector<16xf32>
        %get3A_597 = arith.index_cast %mul3A_294 : i32 to index
        %get3A_598 = arith.constant 96 : index
        %get3A_599 = tpu.vector_load %arg15[%get3A_597, %get3A_598] {strides = array<i32>} : memref<80x128xf32, #tpu.memory_space<vmem>>, vector<1x16xf32>,
        %get3A_600 = vector.shape_cast %get3A_599 : vector<1x16xf32> to vector<16xf32>
        %add3A_601 = arith.addf %get3A_596, %get3A_600 : vector<16xf32>
        %add3A_602 = arith.addf %add3A_601, %bitcast_convert_type3A_588 : vector<16xf32>
        %get3A_603 = arith.index_cast %add3A_296 : i32 to index
        %get3A_604 = arith.constant 96 : index
        %get3A_605 = tpu.vector_load %arg13[%get3A_603, %get3A_604] {strides = array<i32>} : memref<80x128xf32, #tpu.memory_space<vmem>>, vector<1x16xf32>,
        %get3A_606 = vector.shape_cast %get3A_605 : vector<1x16xf32> to vector<16xf32>
        %get3A_607 = arith.index_cast %add3A_296 : i32 to index
        %get3A_608 = arith.constant 96 : index
        %get3A_609 = tpu.vector_load %arg15[%get3A_607, %get3A_608] {strides = array<i32>} : memref<80x128xf32, #tpu.memory_space<vmem>>, vector<1x16xf32>,
        %get3A_610 = vector.shape_cast %get3A_609 : vector<1x16xf32> to vector<16xf32>
        %add3A_611 = arith.addf %get3A_606, %get3A_610 : vector<16xf32>
        %add3A_612 = arith.addf %add3A_611, %bitcast_convert_type3A_592 : vector<16xf32>
        %swap3A_613 = arith.index_cast %mul3A_294 : i32 to index
        %swap3A_614 = arith.constant 96 : index
        %swap3A_615 = tpu.vector_load %arg13[%swap3A_613, %swap3A_614] {strides = array<i32>} : memref<80x128xf32, #tpu.memory_space<vmem>>, vector<1x16xf32>,
        %swap3A_616 = vector.shape_cast %swap3A_615 : vector<1x16xf32> to vector<16xf32>
        %swap3A_617 = vector.shape_cast %add3A_602 : vector<16xf32> to vector<1x16xf32>
        tpu.vector_store %arg13[%swap3A_613, %swap3A_614], %swap3A_617 {strides = array<i32>} : memref<80x128xf32, #tpu.memory_space<vmem>>, vector<1x16xf32>,
        %swap3A_618 = arith.index_cast %add3A_296 : i32 to index
        %swap3A_619 = arith.constant 96 : index
        %swap3A_620 = tpu.vector_load %arg13[%swap3A_618, %swap3A_619] {strides = array<i32>} : memref<80x128xf32, #tpu.memory_space<vmem>>, vector<1x16xf32>,
        %swap3A_621 = vector.shape_cast %swap3A_620 : vector<1x16xf32> to vector<16xf32>
        %swap3A_622 = vector.shape_cast %add3A_612 : vector<16xf32> to vector<1x16xf32>
        tpu.vector_store %arg13[%swap3A_618, %swap3A_619], %swap3A_622 {strides = array<i32>} : memref<80x128xf32, #tpu.memory_space<vmem>>, vector<1x16xf32>,
        %add3A_623 = arith.addf %add3A_602, %add3A_612 : vector<16xf32>
        %add3A_624 = arith.addf %scan3A_283, %add3A_623 : vector<16xf32>
        %mul3A_625 = arith.mulf %add3A_602, %add3A_602 : vector<16xf32>
        %mul3A_626 = arith.mulf %add3A_612, %add3A_612 : vector<16xf32>
        %add3A_627 = arith.addf %mul3A_625, %mul3A_626 : vector<16xf32>
        %add3A_628 = arith.addf %scan3A_291, %add3A_627 : vector<16xf32>
        %get3A_629 = arith.index_cast %scan3A_276 : i32 to index
        %get3A_630 = arith.constant 112 : index
        %get3A_631 = tpu.vector_load %arg17[%get3A_629, %get3A_630] {strides = array<i32>} : memref<40x128xi32, #tpu.memory_space<vmem>>, vector<1x16xi32>,
        %get3A_632 = vector.shape_cast %get3A_631 : vector<1x16xi32> to vector<16xi32>
        %shift_left3A_633 = arith.constant 16 : i32
        %shift_left3A_634 = vector.broadcast %shift_left3A_633 : i32 to vector<16xi32>
        %shift_left3A_635 = arith.shli %get3A_632, %shift_left3A_634 : vector<16xi32>
        %bitcast_convert_type3A_636 = tpu.bitcast %shift_left3A_635 : vector<16xi32> -> vector<16xf32>
        %and3A_637 = arith.constant -65536 : i32
        %and3A_638 = vector.broadcast %and3A_637 : i32 to vector<16xi32>
        %and3A_639 = arith.andi %get3A_632, %and3A_638 : vector<16xi32>
        %bitcast_convert_type3A_640 = tpu.bitcast %and3A_639 : vector<16xi32> -> vector<16xf32>
        %get3A_641 = arith.index_cast %mul3A_294 : i32 to index
        %get3A_642 = arith.constant 112 : index
        %get3A_643 = tpu.vector_load %arg13[%get3A_641, %get3A_642] {strides = array<i32>} : memref<80x128xf32, #tpu.memory_space<vmem>>, vector<1x16xf32>,
        %get3A_644 = vector.shape_cast %get3A_643 : vector<1x16xf32> to vector<16xf32>
        %get3A_645 = arith.index_cast %mul3A_294 : i32 to index
        %get3A_646 = arith.constant 112 : index
        %get3A_647 = tpu.vector_load %arg15[%get3A_645, %get3A_646] {strides = array<i32>} : memref<80x128xf32, #tpu.memory_space<vmem>>, vector<1x16xf32>,
        %get3A_648 = vector.shape_cast %get3A_647 : vector<1x16xf32> to vector<16xf32>
        %add3A_649 = arith.addf %get3A_644, %get3A_648 : vector<16xf32>
        %add3A_650 = arith.addf %add3A_649, %bitcast_convert_type3A_636 : vector<16xf32>
        %get3A_651 = arith.index_cast %add3A_296 : i32 to index
        %get3A_652 = arith.constant 112 : index
        %get3A_653 = tpu.vector_load %arg13[%get3A_651, %get3A_652] {strides = array<i32>} : memref<80x128xf32, #tpu.memory_space<vmem>>, vector<1x16xf32>,
        %get3A_654 = vector.shape_cast %get3A_653 : vector<1x16xf32> to vector<16xf32>
        %get3A_655 = arith.index_cast %add3A_296 : i32 to index
        %get3A_656 = arith.constant 112 : index
        %get3A_657 = tpu.vector_load %arg15[%get3A_655, %get3A_656] {strides = array<i32>} : memref<80x128xf32, #tpu.memory_space<vmem>>, vector<1x16xf32>,
        %get3A_658 = vector.shape_cast %get3A_657 : vector<1x16xf32> to vector<16xf32>
        %add3A_659 = arith.addf %get3A_654, %get3A_658 : vector<16xf32>
        %add3A_660 = arith.addf %add3A_659, %bitcast_convert_type3A_640 : vector<16xf32>
        %swap3A_661 = arith.index_cast %mul3A_294 : i32 to index
        %swap3A_662 = arith.constant 112 : index
        %swap3A_663 = tpu.vector_load %arg13[%swap3A_661, %swap3A_662] {strides = array<i32>} : memref<80x128xf32, #tpu.memory_space<vmem>>, vector<1x16xf32>,
        %swap3A_664 = vector.shape_cast %swap3A_663 : vector<1x16xf32> to vector<16xf32>
        %swap3A_665 = vector.shape_cast %add3A_650 : vector<16xf32> to vector<1x16xf32>
        tpu.vector_store %arg13[%swap3A_661, %swap3A_662], %swap3A_665 {strides = array<i32>} : memref<80x128xf32, #tpu.memory_space<vmem>>, vector<1x16xf32>,
        %swap3A_666 = arith.index_cast %add3A_296 : i32 to index
        %swap3A_667 = arith.constant 112 : index
        %swap3A_668 = tpu.vector_load %arg13[%swap3A_666, %swap3A_667] {strides = array<i32>} : memref<80x128xf32, #tpu.memory_space<vmem>>, vector<1x16xf32>,
        %swap3A_669 = vector.shape_cast %swap3A_668 : vector<1x16xf32> to vector<16xf32>
        %swap3A_670 = vector.shape_cast %add3A_660 : vector<16xf32> to vector<1x16xf32>
        tpu.vector_store %arg13[%swap3A_666, %swap3A_667], %swap3A_670 {strides = array<i32>} : memref<80x128xf32, #tpu.memory_space<vmem>>, vector<1x16xf32>,
        %add3A_671 = arith.addf %add3A_650, %add3A_660 : vector<16xf32>
        %add3A_672 = arith.addf %scan3A_284, %add3A_671 : vector<16xf32>
        %mul3A_673 = arith.mulf %add3A_650, %add3A_650 : vector<16xf32>
        %mul3A_674 = arith.mulf %add3A_660, %add3A_660 : vector<16xf32>
        %add3A_675 = arith.addf %mul3A_673, %mul3A_674 : vector<16xf32>
        %add3A_676 = arith.addf %scan3A_292, %add3A_675 : vector<16xf32>
        scf.yield %add3A_336, %add3A_384, %add3A_432, %add3A_480, %add3A_528, %add3A_576, %add3A_624, %add3A_672, %add3A_340, %add3A_388, %add3A_436, %add3A_484, %add3A_532, %add3A_580, %add3A_628, %add3A_676 : vector<16xf32>, vector<16xf32>, vector<16xf32>, vector<16xf32>, vector<16xf32>, vector<16xf32>, vector<16xf32>, vector<16xf32>, vector<16xf32>, vector<16xf32>, vector<16xf32>, vector<16xf32>, vector<16xf32>, vector<16xf32>, vector<16xf32>, vector<16xf32>
      }
      %scan3A_222 = arith.constant 40 : i32
      %mul3A_223 = arith.constant 80 : i32
      %mul3A_224 = arith.muli %mul3A_190, %mul3A_223 : i32
      %add3A_225 = arith.addi %mul3A_2, %mul3A_224 : i32
      %dma_start3A_226 = arith.constant 0 : i32
      %dma_start3A_227 = tpu.memref_slice %arg7[%add3A_225, %dma_start3A_226] : memref<320000x128xf32, #tpu.memory_space<hbm>> -> memref<80x128xf32, #tpu.memory_space<hbm>>
      %dma_start3A_228 = arith.constant 0 : i32
      %dma_start3A_229 = tpu.memref_slice %arg7[%add3A_225, %dma_start3A_228] : memref<320000x128xf32, #tpu.memory_space<hbm>> -> memref<80x128xf32, #tpu.memory_space<hbm>>
      tpu.enqueue_dma source(%arg13 : memref<80x128xf32, #tpu.memory_space<vmem>>) target(%dma_start3A_229 : memref<80x128xf32, #tpu.memory_space<hbm>>) target_semaphore(%arg24 : memref<!tpu.dma_semaphore, #tpu.memory_space<semaphore_mem>>)
      %mul3A_230 = arith.constant 2 : i32
      %mul3A_231 = arith.muli %mul3A_230, %scan3A_172 : i32
      %add3A_232 = arith.constant 1 : i32
      %add3A_233 = arith.addi %mul3A_231, %add3A_232 : i32
      %mul3A_234 = arith.constant 5000 : i32
      %mul3A_235 = arith.muli %add3A, %mul3A_234 : i32
      %mul3A_236 = arith.constant 40 : i32
      %mul3A_237 = arith.muli %add3A_233, %mul3A_236 : i32
      %add3A_238 = arith.addi %mul3A_235, %mul3A_237 : i32
      %dma_wait3A_239 = arith.constant 0 : i32
      %dma_wait3A_240 = arith.constant 0 : i32
      %dma_wait3A_241 = tpu.memref_slice %arg2[%dma_wait3A_239, %dma_wait3A_240] : memref<10000x128xf32, #tpu.memory_space<hbm>> -> memref<10000x128xf32, #tpu.memory_space<hbm>>
      tpu.wait_indirect_dma semaphore(%arg23 : memref<!tpu.dma_semaphore, #tpu.memory_space<semaphore_mem>>) src(%dma_wait3A_241 : memref<10000x128xf32, #tpu.memory_space<hbm>>) dst(%arg14 : memref<80x128xf32, #tpu.memory_space<vmem>>)
      %dma_wait3A_242 = arith.constant 0 : i32
      %dma_wait3A_243 = arith.constant 0 : i32
      %dma_wait3A_244 = tpu.memref_slice %arg3[%dma_wait3A_242, %dma_wait3A_243] : memref<10000x128xf32, #tpu.memory_space<hbm>> -> memref<10000x128xf32, #tpu.memory_space<hbm>>
      tpu.wait_indirect_dma semaphore(%arg23 : memref<!tpu.dma_semaphore, #tpu.memory_space<semaphore_mem>>) src(%dma_wait3A_244 : memref<10000x128xf32, #tpu.memory_space<hbm>>) dst(%arg16 : memref<80x128xf32, #tpu.memory_space<vmem>>)
      %dma_wait3A_245 = arith.constant 0 : i32
      %dma_wait3A_246 = tpu.memref_slice %arg4[%add3A_238, %dma_wait3A_245] : memref<160000x128xi32, #tpu.memory_space<hbm>> -> memref<40x128xi32, #tpu.memory_space<hbm>>
      %dma_wait3A_247 = arith.constant 0 : i32
      %dma_wait3A_248 = tpu.memref_slice %arg4[%add3A_238, %dma_wait3A_247] : memref<160000x128xi32, #tpu.memory_space<hbm>> -> memref<40x128xi32, #tpu.memory_space<hbm>>
      tpu.wait_dma2 semaphore(%arg23 : memref<!tpu.dma_semaphore, #tpu.memory_space<semaphore_mem>>) src(%dma_wait3A_248 : memref<40x128xi32, #tpu.memory_space<hbm>>) dst(%arg18 : memref<40x128xi32, #tpu.memory_space<vmem>>)
      %add3A_249 = arith.constant 1 : i32
      %add3A_250 = arith.addi %add3A_233, %add3A_249 : i32
      %lt3A_251 = arith.constant 125 : i32
      %lt3A_252 = arith.cmpi slt, %add3A_250, %lt3A_251 : i32
      %convert_element_type3A_253 = arith.extui %lt3A_252 : i1 to i32
      %cond3A_254 = arith.constant 0 : i32
      %cond3A_255 = arith.cmpi ne, %convert_element_type3A_253, %cond3A_254 : i32
      scf.if %cond3A_255 {
        %add3A_276 = arith.constant 1 : i32
        %add3A_277 = arith.addi %add3A_233, %add3A_276 : i32
        %mul3A_278 = arith.constant 80 : i32
        %mul3A_279 = arith.muli %add3A_277, %mul3A_278 : i32
        %add3A_280 = arith.addi %mul3A_2, %mul3A_279 : i32
        %dma_wait3A_281 = tpu.memref_slice %arg5[%add3A_280] : memref<320000xi32, #tpu.memory_space<hbm>> -> memref<80xi32, #tpu.memory_space<hbm>>
        %dma_wait3A_282 = tpu.memref_slice %arg5[%add3A_280] : memref<320000xi32, #tpu.memory_space<hbm>> -> memref<80xi32, #tpu.memory_space<hbm>>
        tpu.wait_dma2 semaphore(%arg20 : memref<!tpu.dma_semaphore, #tpu.memory_space<semaphore_mem>>) src(%dma_wait3A_282 : memref<80xi32, #tpu.memory_space<hbm>>) dst(%arg9 : memref<80xi32, #tpu.memory_space<vmem>>)
        %dma_wait3A_283 = tpu.memref_slice %arg6[%add3A_280] : memref<320000xi32, #tpu.memory_space<hbm>> -> memref<80xi32, #tpu.memory_space<hbm>>
        %dma_wait3A_284 = tpu.memref_slice %arg6[%add3A_280] : memref<320000xi32, #tpu.memory_space<hbm>> -> memref<80xi32, #tpu.memory_space<hbm>>
        tpu.wait_dma2 semaphore(%arg20 : memref<!tpu.dma_semaphore, #tpu.memory_space<semaphore_mem>>) src(%dma_wait3A_284 : memref<80xi32, #tpu.memory_space<hbm>>) dst(%arg11 : memref<80xi32, #tpu.memory_space<vmem>>)
        %ge3A = arith.constant 1 : i32
        %ge3A_285 = arith.cmpi sge, %add3A_233, %ge3A : i32
        %convert_element_type3A_286 = arith.extui %ge3A_285 : i1 to i32
        %cond3A_287 = arith.constant 0 : i32
        %cond3A_288 = arith.cmpi ne, %convert_element_type3A_286, %cond3A_287 : i32
        scf.if %cond3A_288 {
          %sub3A = arith.constant 1 : i32
          %sub3A_306 = arith.subi %add3A_233, %sub3A : i32
          %mul3A_307 = arith.constant 80 : i32
          %mul3A_308 = arith.muli %sub3A_306, %mul3A_307 : i32
          %add3A_309 = arith.addi %mul3A_2, %mul3A_308 : i32
          %dma_wait3A_310 = arith.constant 0 : i32
          %dma_wait3A_311 = tpu.memref_slice %arg7[%add3A_309, %dma_wait3A_310] : memref<320000x128xf32, #tpu.memory_space<hbm>> -> memref<80x128xf32, #tpu.memory_space<hbm>>
          %dma_wait3A_312 = arith.constant 0 : i32
          %dma_wait3A_313 = tpu.memref_slice %arg7[%add3A_309, %dma_wait3A_312] : memref<320000x128xf32, #tpu.memory_space<hbm>> -> memref<80x128xf32, #tpu.memory_space<hbm>>
          tpu.wait_dma2 semaphore(%arg24 : memref<!tpu.dma_semaphore, #tpu.memory_space<semaphore_mem>>) src(%arg13 : memref<80x128xf32, #tpu.memory_space<vmem>>) dst(%dma_wait3A_313 : memref<80x128xf32, #tpu.memory_space<hbm>>)
        } else {
        }
        %add3A_289 = arith.constant 1 : i32
        %add3A_290 = arith.addi %add3A_233, %add3A_289 : i32
        %mul3A_291 = arith.constant 5000 : i32
        %mul3A_292 = arith.muli %add3A, %mul3A_291 : i32
        %mul3A_293 = arith.constant 40 : i32
        %mul3A_294 = arith.muli %add3A_290, %mul3A_293 : i32
        %add3A_295 = arith.addi %mul3A_292, %mul3A_294 : i32
        %dma_start3A_296 = arith.constant 0 : i32
        %dma_start3A_297 = arith.constant 0 : i32
        %dma_start3A_298 = tpu.memref_slice %arg2[%dma_start3A_296, %dma_start3A_297] : memref<10000x128xf32, #tpu.memory_space<hbm>> -> memref<10000x128xf32, #tpu.memory_space<hbm>>
        tpu.enqueue_indirect_dma source(%dma_start3A_298 : memref<10000x128xf32, #tpu.memory_space<hbm>>) target(%arg13 : memref<80x128xf32, #tpu.memory_space<vmem>>) offsets(%arg9 : memref<80xi32, #tpu.memory_space<vmem>>) semaphore(%arg22 : memref<!tpu.dma_semaphore, #tpu.memory_space<semaphore_mem>>)
        %dma_start3A_299 = arith.constant 0 : i32
        %dma_start3A_300 = arith.constant 0 : i32
        %dma_start3A_301 = tpu.memref_slice %arg3[%dma_start3A_299, %dma_start3A_300] : memref<10000x128xf32, #tpu.memory_space<hbm>> -> memref<10000x128xf32, #tpu.memory_space<hbm>>
        tpu.enqueue_indirect_dma source(%dma_start3A_301 : memref<10000x128xf32, #tpu.memory_space<hbm>>) target(%arg15 : memref<80x128xf32, #tpu.memory_space<vmem>>) offsets(%arg11 : memref<80xi32, #tpu.memory_space<vmem>>) semaphore(%arg22 : memref<!tpu.dma_semaphore, #tpu.memory_space<semaphore_mem>>)
        %dma_start3A_302 = arith.constant 0 : i32
        %dma_start3A_303 = tpu.memref_slice %arg4[%add3A_295, %dma_start3A_302] : memref<160000x128xi32, #tpu.memory_space<hbm>> -> memref<40x128xi32, #tpu.memory_space<hbm>>
        %dma_start3A_304 = arith.constant 0 : i32
        %dma_start3A_305 = tpu.memref_slice %arg4[%add3A_295, %dma_start3A_304] : memref<160000x128xi32, #tpu.memory_space<hbm>> -> memref<40x128xi32, #tpu.memory_space<hbm>>
        tpu.enqueue_dma source(%dma_start3A_305 : memref<40x128xi32, #tpu.memory_space<hbm>>) target(%arg17 : memref<40x128xi32, #tpu.memory_space<vmem>>) target_semaphore(%arg22 : memref<!tpu.dma_semaphore, #tpu.memory_space<semaphore_mem>>)
      } else {
      }
      %add3A_256 = arith.constant 2 : i32
      %add3A_257 = arith.addi %add3A_233, %add3A_256 : i32
      %lt3A_258 = arith.constant 125 : i32
      %lt3A_259 = arith.cmpi slt, %add3A_257, %lt3A_258 : i32
      %convert_element_type3A_260 = arith.extui %lt3A_259 : i1 to i32
      %cond3A_261 = arith.constant 0 : i32
      %cond3A_262 = arith.cmpi ne, %convert_element_type3A_260, %cond3A_261 : i32
      scf.if %cond3A_262 {
        %add3A_276 = arith.constant 2 : i32
        %add3A_277 = arith.addi %add3A_233, %add3A_276 : i32
        %mul3A_278 = arith.constant 80 : i32
        %mul3A_279 = arith.muli %add3A_277, %mul3A_278 : i32
        %add3A_280 = arith.addi %mul3A_2, %mul3A_279 : i32
        %dma_start3A_281 = tpu.memref_slice %arg5[%add3A_280] : memref<320000xi32, #tpu.memory_space<hbm>> -> memref<80xi32, #tpu.memory_space<hbm>>
        %dma_start3A_282 = tpu.memref_slice %arg5[%add3A_280] : memref<320000xi32, #tpu.memory_space<hbm>> -> memref<80xi32, #tpu.memory_space<hbm>>
        tpu.enqueue_dma source(%dma_start3A_282 : memref<80xi32, #tpu.memory_space<hbm>>) target(%arg10 : memref<80xi32, #tpu.memory_space<vmem>>) target_semaphore(%arg21 : memref<!tpu.dma_semaphore, #tpu.memory_space<semaphore_mem>>)
        %dma_start3A_283 = tpu.memref_slice %arg6[%add3A_280] : memref<320000xi32, #tpu.memory_space<hbm>> -> memref<80xi32, #tpu.memory_space<hbm>>
        %dma_start3A_284 = tpu.memref_slice %arg6[%add3A_280] : memref<320000xi32, #tpu.memory_space<hbm>> -> memref<80xi32, #tpu.memory_space<hbm>>
        tpu.enqueue_dma source(%dma_start3A_284 : memref<80xi32, #tpu.memory_space<hbm>>) target(%arg12 : memref<80xi32, #tpu.memory_space<vmem>>) target_semaphore(%arg21 : memref<!tpu.dma_semaphore, #tpu.memory_space<semaphore_mem>>)
      } else {
      }
      %scan3A_263 = arith.constant 0 : i32
      %scan3A_264 = arith.constant 40 : i32
      %scan3A_265 = arith.addi %scan3A_263, %scan3A_264 : i32
      %scan3A_266 = arith.constant 1 : i32
      %scan3A_267:16 = scf.for %scan3A_276 = %scan3A_263 to %scan3A_265 step %scan3A_266 iter_args(%scan3A_277 = %scan3A_221#0, %scan3A_278 = %scan3A_221#1, %scan3A_279 = %scan3A_221#2, %scan3A_280 = %scan3A_221#3, %scan3A_281 = %scan3A_221#4, %scan3A_282 = %scan3A_221#5, %scan3A_283 = %scan3A_221#6, %scan3A_284 = %scan3A_221#7, %scan3A_285 = %scan3A_221#8, %scan3A_286 = %scan3A_221#9, %scan3A_287 = %scan3A_221#10, %scan3A_288 = %scan3A_221#11, %scan3A_289 = %scan3A_221#12, %scan3A_290 = %scan3A_221#13, %scan3A_291 = %scan3A_221#14, %scan3A_292 = %scan3A_221#15) -> (vector<16xf32>, vector<16xf32>, vector<16xf32>, vector<16xf32>, vector<16xf32>, vector<16xf32>, vector<16xf32>, vector<16xf32>, vector<16xf32>, vector<16xf32>, vector<16xf32>, vector<16xf32>, vector<16xf32>, vector<16xf32>, vector<16xf32>, vector<16xf32>)  : i32 {
        %mul3A_293 = arith.constant 2 : i32
        %mul3A_294 = arith.muli %mul3A_293, %scan3A_276 : i32
        %add3A_295 = arith.constant 1 : i32
        %add3A_296 = arith.addi %mul3A_294, %add3A_295 : i32
        %get3A = arith.index_cast %scan3A_276 : i32 to index
        %get3A_297 = arith.constant 0 : index
        %get3A_298 = tpu.vector_load %arg18[%get3A, %get3A_297] {strides = array<i32>} : memref<40x128xi32, #tpu.memory_space<vmem>>, vector<1x16xi32>,
        %get3A_299 = vector.shape_cast %get3A_298 : vector<1x16xi32> to vector<16xi32>
        %shift_left3A = arith.constant 16 : i32
        %shift_left3A_300 = vector.broadcast %shift_left3A : i32 to vector<16xi32>
        %shift_left3A_301 = arith.shli %get3A_299, %shift_left3A_300 : vector<16xi32>
        %bitcast_convert_type3A = tpu.bitcast %shift_left3A_301 : vector<16xi32> -> vector<16xf32>
        %and3A = arith.constant -65536 : i32
        %and3A_302 = vector.broadcast %and3A : i32 to vector<16xi32>
        %and3A_303 = arith.andi %get3A_299, %and3A_302 : vector<16xi32>
        %bitcast_convert_type3A_304 = tpu.bitcast %and3A_303 : vector<16xi32> -> vector<16xf32>
        %get3A_305 = arith.index_cast %mul3A_294 : i32 to index
        %get3A_306 = arith.constant 0 : index
        %get3A_307 = tpu.vector_load %arg14[%get3A_305, %get3A_306] {strides = array<i32>} : memref<80x128xf32, #tpu.memory_space<vmem>>, vector<1x16xf32>,
        %get3A_308 = vector.shape_cast %get3A_307 : vector<1x16xf32> to vector<16xf32>
        %get3A_309 = arith.index_cast %mul3A_294 : i32 to index
        %get3A_310 = arith.constant 0 : index
        %get3A_311 = tpu.vector_load %arg16[%get3A_309, %get3A_310] {strides = array<i32>} : memref<80x128xf32, #tpu.memory_space<vmem>>, vector<1x16xf32>,
        %get3A_312 = vector.shape_cast %get3A_311 : vector<1x16xf32> to vector<16xf32>
        %add3A_313 = arith.addf %get3A_308, %get3A_312 : vector<16xf32>
        %add3A_314 = arith.addf %add3A_313, %bitcast_convert_type3A : vector<16xf32>
        %get3A_315 = arith.index_cast %add3A_296 : i32 to index
        %get3A_316 = arith.constant 0 : index
        %get3A_317 = tpu.vector_load %arg14[%get3A_315, %get3A_316] {strides = array<i32>} : memref<80x128xf32, #tpu.memory_space<vmem>>, vector<1x16xf32>,
        %get3A_318 = vector.shape_cast %get3A_317 : vector<1x16xf32> to vector<16xf32>
        %get3A_319 = arith.index_cast %add3A_296 : i32 to index
        %get3A_320 = arith.constant 0 : index
        %get3A_321 = tpu.vector_load %arg16[%get3A_319, %get3A_320] {strides = array<i32>} : memref<80x128xf32, #tpu.memory_space<vmem>>, vector<1x16xf32>,
        %get3A_322 = vector.shape_cast %get3A_321 : vector<1x16xf32> to vector<16xf32>
        %add3A_323 = arith.addf %get3A_318, %get3A_322 : vector<16xf32>
        %add3A_324 = arith.addf %add3A_323, %bitcast_convert_type3A_304 : vector<16xf32>
        %swap3A_325 = arith.index_cast %mul3A_294 : i32 to index
        %swap3A_326 = arith.constant 0 : index
        %swap3A_327 = tpu.vector_load %arg14[%swap3A_325, %swap3A_326] {strides = array<i32>} : memref<80x128xf32, #tpu.memory_space<vmem>>, vector<1x16xf32>,
        %swap3A_328 = vector.shape_cast %swap3A_327 : vector<1x16xf32> to vector<16xf32>
        %swap3A_329 = vector.shape_cast %add3A_314 : vector<16xf32> to vector<1x16xf32>
        tpu.vector_store %arg14[%swap3A_325, %swap3A_326], %swap3A_329 {strides = array<i32>} : memref<80x128xf32, #tpu.memory_space<vmem>>, vector<1x16xf32>,
        %swap3A_330 = arith.index_cast %add3A_296 : i32 to index
        %swap3A_331 = arith.constant 0 : index
        %swap3A_332 = tpu.vector_load %arg14[%swap3A_330, %swap3A_331] {strides = array<i32>} : memref<80x128xf32, #tpu.memory_space<vmem>>, vector<1x16xf32>,
        %swap3A_333 = vector.shape_cast %swap3A_332 : vector<1x16xf32> to vector<16xf32>
        %swap3A_334 = vector.shape_cast %add3A_324 : vector<16xf32> to vector<1x16xf32>
        tpu.vector_store %arg14[%swap3A_330, %swap3A_331], %swap3A_334 {strides = array<i32>} : memref<80x128xf32, #tpu.memory_space<vmem>>, vector<1x16xf32>,
        %add3A_335 = arith.addf %add3A_314, %add3A_324 : vector<16xf32>
        %add3A_336 = arith.addf %scan3A_277, %add3A_335 : vector<16xf32>
        %mul3A_337 = arith.mulf %add3A_314, %add3A_314 : vector<16xf32>
        %mul3A_338 = arith.mulf %add3A_324, %add3A_324 : vector<16xf32>
        %add3A_339 = arith.addf %mul3A_337, %mul3A_338 : vector<16xf32>
        %add3A_340 = arith.addf %scan3A_285, %add3A_339 : vector<16xf32>
        %get3A_341 = arith.index_cast %scan3A_276 : i32 to index
        %get3A_342 = arith.constant 16 : index
        %get3A_343 = tpu.vector_load %arg18[%get3A_341, %get3A_342] {strides = array<i32>} : memref<40x128xi32, #tpu.memory_space<vmem>>, vector<1x16xi32>,
        %get3A_344 = vector.shape_cast %get3A_343 : vector<1x16xi32> to vector<16xi32>
        %shift_left3A_345 = arith.constant 16 : i32
        %shift_left3A_346 = vector.broadcast %shift_left3A_345 : i32 to vector<16xi32>
        %shift_left3A_347 = arith.shli %get3A_344, %shift_left3A_346 : vector<16xi32>
        %bitcast_convert_type3A_348 = tpu.bitcast %shift_left3A_347 : vector<16xi32> -> vector<16xf32>
        %and3A_349 = arith.constant -65536 : i32
        %and3A_350 = vector.broadcast %and3A_349 : i32 to vector<16xi32>
        %and3A_351 = arith.andi %get3A_344, %and3A_350 : vector<16xi32>
        %bitcast_convert_type3A_352 = tpu.bitcast %and3A_351 : vector<16xi32> -> vector<16xf32>
        %get3A_353 = arith.index_cast %mul3A_294 : i32 to index
        %get3A_354 = arith.constant 16 : index
        %get3A_355 = tpu.vector_load %arg14[%get3A_353, %get3A_354] {strides = array<i32>} : memref<80x128xf32, #tpu.memory_space<vmem>>, vector<1x16xf32>,
        %get3A_356 = vector.shape_cast %get3A_355 : vector<1x16xf32> to vector<16xf32>
        %get3A_357 = arith.index_cast %mul3A_294 : i32 to index
        %get3A_358 = arith.constant 16 : index
        %get3A_359 = tpu.vector_load %arg16[%get3A_357, %get3A_358] {strides = array<i32>} : memref<80x128xf32, #tpu.memory_space<vmem>>, vector<1x16xf32>,
        %get3A_360 = vector.shape_cast %get3A_359 : vector<1x16xf32> to vector<16xf32>
        %add3A_361 = arith.addf %get3A_356, %get3A_360 : vector<16xf32>
        %add3A_362 = arith.addf %add3A_361, %bitcast_convert_type3A_348 : vector<16xf32>
        %get3A_363 = arith.index_cast %add3A_296 : i32 to index
        %get3A_364 = arith.constant 16 : index
        %get3A_365 = tpu.vector_load %arg14[%get3A_363, %get3A_364] {strides = array<i32>} : memref<80x128xf32, #tpu.memory_space<vmem>>, vector<1x16xf32>,
        %get3A_366 = vector.shape_cast %get3A_365 : vector<1x16xf32> to vector<16xf32>
        %get3A_367 = arith.index_cast %add3A_296 : i32 to index
        %get3A_368 = arith.constant 16 : index
        %get3A_369 = tpu.vector_load %arg16[%get3A_367, %get3A_368] {strides = array<i32>} : memref<80x128xf32, #tpu.memory_space<vmem>>, vector<1x16xf32>,
        %get3A_370 = vector.shape_cast %get3A_369 : vector<1x16xf32> to vector<16xf32>
        %add3A_371 = arith.addf %get3A_366, %get3A_370 : vector<16xf32>
        %add3A_372 = arith.addf %add3A_371, %bitcast_convert_type3A_352 : vector<16xf32>
        %swap3A_373 = arith.index_cast %mul3A_294 : i32 to index
        %swap3A_374 = arith.constant 16 : index
        %swap3A_375 = tpu.vector_load %arg14[%swap3A_373, %swap3A_374] {strides = array<i32>} : memref<80x128xf32, #tpu.memory_space<vmem>>, vector<1x16xf32>,
        %swap3A_376 = vector.shape_cast %swap3A_375 : vector<1x16xf32> to vector<16xf32>
        %swap3A_377 = vector.shape_cast %add3A_362 : vector<16xf32> to vector<1x16xf32>
        tpu.vector_store %arg14[%swap3A_373, %swap3A_374], %swap3A_377 {strides = array<i32>} : memref<80x128xf32, #tpu.memory_space<vmem>>, vector<1x16xf32>,
        %swap3A_378 = arith.index_cast %add3A_296 : i32 to index
        %swap3A_379 = arith.constant 16 : index
        %swap3A_380 = tpu.vector_load %arg14[%swap3A_378, %swap3A_379] {strides = array<i32>} : memref<80x128xf32, #tpu.memory_space<vmem>>, vector<1x16xf32>,
        %swap3A_381 = vector.shape_cast %swap3A_380 : vector<1x16xf32> to vector<16xf32>
        %swap3A_382 = vector.shape_cast %add3A_372 : vector<16xf32> to vector<1x16xf32>
        tpu.vector_store %arg14[%swap3A_378, %swap3A_379], %swap3A_382 {strides = array<i32>} : memref<80x128xf32, #tpu.memory_space<vmem>>, vector<1x16xf32>,
        %add3A_383 = arith.addf %add3A_362, %add3A_372 : vector<16xf32>
        %add3A_384 = arith.addf %scan3A_278, %add3A_383 : vector<16xf32>
        %mul3A_385 = arith.mulf %add3A_362, %add3A_362 : vector<16xf32>
        %mul3A_386 = arith.mulf %add3A_372, %add3A_372 : vector<16xf32>
        %add3A_387 = arith.addf %mul3A_385, %mul3A_386 : vector<16xf32>
        %add3A_388 = arith.addf %scan3A_286, %add3A_387 : vector<16xf32>
        %get3A_389 = arith.index_cast %scan3A_276 : i32 to index
        %get3A_390 = arith.constant 32 : index
        %get3A_391 = tpu.vector_load %arg18[%get3A_389, %get3A_390] {strides = array<i32>} : memref<40x128xi32, #tpu.memory_space<vmem>>, vector<1x16xi32>,
        %get3A_392 = vector.shape_cast %get3A_391 : vector<1x16xi32> to vector<16xi32>
        %shift_left3A_393 = arith.constant 16 : i32
        %shift_left3A_394 = vector.broadcast %shift_left3A_393 : i32 to vector<16xi32>
        %shift_left3A_395 = arith.shli %get3A_392, %shift_left3A_394 : vector<16xi32>
        %bitcast_convert_type3A_396 = tpu.bitcast %shift_left3A_395 : vector<16xi32> -> vector<16xf32>
        %and3A_397 = arith.constant -65536 : i32
        %and3A_398 = vector.broadcast %and3A_397 : i32 to vector<16xi32>
        %and3A_399 = arith.andi %get3A_392, %and3A_398 : vector<16xi32>
        %bitcast_convert_type3A_400 = tpu.bitcast %and3A_399 : vector<16xi32> -> vector<16xf32>
        %get3A_401 = arith.index_cast %mul3A_294 : i32 to index
        %get3A_402 = arith.constant 32 : index
        %get3A_403 = tpu.vector_load %arg14[%get3A_401, %get3A_402] {strides = array<i32>} : memref<80x128xf32, #tpu.memory_space<vmem>>, vector<1x16xf32>,
        %get3A_404 = vector.shape_cast %get3A_403 : vector<1x16xf32> to vector<16xf32>
        %get3A_405 = arith.index_cast %mul3A_294 : i32 to index
        %get3A_406 = arith.constant 32 : index
        %get3A_407 = tpu.vector_load %arg16[%get3A_405, %get3A_406] {strides = array<i32>} : memref<80x128xf32, #tpu.memory_space<vmem>>, vector<1x16xf32>,
        %get3A_408 = vector.shape_cast %get3A_407 : vector<1x16xf32> to vector<16xf32>
        %add3A_409 = arith.addf %get3A_404, %get3A_408 : vector<16xf32>
        %add3A_410 = arith.addf %add3A_409, %bitcast_convert_type3A_396 : vector<16xf32>
        %get3A_411 = arith.index_cast %add3A_296 : i32 to index
        %get3A_412 = arith.constant 32 : index
        %get3A_413 = tpu.vector_load %arg14[%get3A_411, %get3A_412] {strides = array<i32>} : memref<80x128xf32, #tpu.memory_space<vmem>>, vector<1x16xf32>,
        %get3A_414 = vector.shape_cast %get3A_413 : vector<1x16xf32> to vector<16xf32>
        %get3A_415 = arith.index_cast %add3A_296 : i32 to index
        %get3A_416 = arith.constant 32 : index
        %get3A_417 = tpu.vector_load %arg16[%get3A_415, %get3A_416] {strides = array<i32>} : memref<80x128xf32, #tpu.memory_space<vmem>>, vector<1x16xf32>,
        %get3A_418 = vector.shape_cast %get3A_417 : vector<1x16xf32> to vector<16xf32>
        %add3A_419 = arith.addf %get3A_414, %get3A_418 : vector<16xf32>
        %add3A_420 = arith.addf %add3A_419, %bitcast_convert_type3A_400 : vector<16xf32>
        %swap3A_421 = arith.index_cast %mul3A_294 : i32 to index
        %swap3A_422 = arith.constant 32 : index
        %swap3A_423 = tpu.vector_load %arg14[%swap3A_421, %swap3A_422] {strides = array<i32>} : memref<80x128xf32, #tpu.memory_space<vmem>>, vector<1x16xf32>,
        %swap3A_424 = vector.shape_cast %swap3A_423 : vector<1x16xf32> to vector<16xf32>
        %swap3A_425 = vector.shape_cast %add3A_410 : vector<16xf32> to vector<1x16xf32>
        tpu.vector_store %arg14[%swap3A_421, %swap3A_422], %swap3A_425 {strides = array<i32>} : memref<80x128xf32, #tpu.memory_space<vmem>>, vector<1x16xf32>,
        %swap3A_426 = arith.index_cast %add3A_296 : i32 to index
        %swap3A_427 = arith.constant 32 : index
        %swap3A_428 = tpu.vector_load %arg14[%swap3A_426, %swap3A_427] {strides = array<i32>} : memref<80x128xf32, #tpu.memory_space<vmem>>, vector<1x16xf32>,
        %swap3A_429 = vector.shape_cast %swap3A_428 : vector<1x16xf32> to vector<16xf32>
        %swap3A_430 = vector.shape_cast %add3A_420 : vector<16xf32> to vector<1x16xf32>
        tpu.vector_store %arg14[%swap3A_426, %swap3A_427], %swap3A_430 {strides = array<i32>} : memref<80x128xf32, #tpu.memory_space<vmem>>, vector<1x16xf32>,
        %add3A_431 = arith.addf %add3A_410, %add3A_420 : vector<16xf32>
        %add3A_432 = arith.addf %scan3A_279, %add3A_431 : vector<16xf32>
        %mul3A_433 = arith.mulf %add3A_410, %add3A_410 : vector<16xf32>
        %mul3A_434 = arith.mulf %add3A_420, %add3A_420 : vector<16xf32>
        %add3A_435 = arith.addf %mul3A_433, %mul3A_434 : vector<16xf32>
        %add3A_436 = arith.addf %scan3A_287, %add3A_435 : vector<16xf32>
        %get3A_437 = arith.index_cast %scan3A_276 : i32 to index
        %get3A_438 = arith.constant 48 : index
        %get3A_439 = tpu.vector_load %arg18[%get3A_437, %get3A_438] {strides = array<i32>} : memref<40x128xi32, #tpu.memory_space<vmem>>, vector<1x16xi32>,
        %get3A_440 = vector.shape_cast %get3A_439 : vector<1x16xi32> to vector<16xi32>
        %shift_left3A_441 = arith.constant 16 : i32
        %shift_left3A_442 = vector.broadcast %shift_left3A_441 : i32 to vector<16xi32>
        %shift_left3A_443 = arith.shli %get3A_440, %shift_left3A_442 : vector<16xi32>
        %bitcast_convert_type3A_444 = tpu.bitcast %shift_left3A_443 : vector<16xi32> -> vector<16xf32>
        %and3A_445 = arith.constant -65536 : i32
        %and3A_446 = vector.broadcast %and3A_445 : i32 to vector<16xi32>
        %and3A_447 = arith.andi %get3A_440, %and3A_446 : vector<16xi32>
        %bitcast_convert_type3A_448 = tpu.bitcast %and3A_447 : vector<16xi32> -> vector<16xf32>
        %get3A_449 = arith.index_cast %mul3A_294 : i32 to index
        %get3A_450 = arith.constant 48 : index
        %get3A_451 = tpu.vector_load %arg14[%get3A_449, %get3A_450] {strides = array<i32>} : memref<80x128xf32, #tpu.memory_space<vmem>>, vector<1x16xf32>,
        %get3A_452 = vector.shape_cast %get3A_451 : vector<1x16xf32> to vector<16xf32>
        %get3A_453 = arith.index_cast %mul3A_294 : i32 to index
        %get3A_454 = arith.constant 48 : index
        %get3A_455 = tpu.vector_load %arg16[%get3A_453, %get3A_454] {strides = array<i32>} : memref<80x128xf32, #tpu.memory_space<vmem>>, vector<1x16xf32>,
        %get3A_456 = vector.shape_cast %get3A_455 : vector<1x16xf32> to vector<16xf32>
        %add3A_457 = arith.addf %get3A_452, %get3A_456 : vector<16xf32>
        %add3A_458 = arith.addf %add3A_457, %bitcast_convert_type3A_444 : vector<16xf32>
        %get3A_459 = arith.index_cast %add3A_296 : i32 to index
        %get3A_460 = arith.constant 48 : index
        %get3A_461 = tpu.vector_load %arg14[%get3A_459, %get3A_460] {strides = array<i32>} : memref<80x128xf32, #tpu.memory_space<vmem>>, vector<1x16xf32>,
        %get3A_462 = vector.shape_cast %get3A_461 : vector<1x16xf32> to vector<16xf32>
        %get3A_463 = arith.index_cast %add3A_296 : i32 to index
        %get3A_464 = arith.constant 48 : index
        %get3A_465 = tpu.vector_load %arg16[%get3A_463, %get3A_464] {strides = array<i32>} : memref<80x128xf32, #tpu.memory_space<vmem>>, vector<1x16xf32>,
        %get3A_466 = vector.shape_cast %get3A_465 : vector<1x16xf32> to vector<16xf32>
        %add3A_467 = arith.addf %get3A_462, %get3A_466 : vector<16xf32>
        %add3A_468 = arith.addf %add3A_467, %bitcast_convert_type3A_448 : vector<16xf32>
        %swap3A_469 = arith.index_cast %mul3A_294 : i32 to index
        %swap3A_470 = arith.constant 48 : index
        %swap3A_471 = tpu.vector_load %arg14[%swap3A_469, %swap3A_470] {strides = array<i32>} : memref<80x128xf32, #tpu.memory_space<vmem>>, vector<1x16xf32>,
        %swap3A_472 = vector.shape_cast %swap3A_471 : vector<1x16xf32> to vector<16xf32>
        %swap3A_473 = vector.shape_cast %add3A_458 : vector<16xf32> to vector<1x16xf32>
        tpu.vector_store %arg14[%swap3A_469, %swap3A_470], %swap3A_473 {strides = array<i32>} : memref<80x128xf32, #tpu.memory_space<vmem>>, vector<1x16xf32>,
        %swap3A_474 = arith.index_cast %add3A_296 : i32 to index
        %swap3A_475 = arith.constant 48 : index
        %swap3A_476 = tpu.vector_load %arg14[%swap3A_474, %swap3A_475] {strides = array<i32>} : memref<80x128xf32, #tpu.memory_space<vmem>>, vector<1x16xf32>,
        %swap3A_477 = vector.shape_cast %swap3A_476 : vector<1x16xf32> to vector<16xf32>
        %swap3A_478 = vector.shape_cast %add3A_468 : vector<16xf32> to vector<1x16xf32>
        tpu.vector_store %arg14[%swap3A_474, %swap3A_475], %swap3A_478 {strides = array<i32>} : memref<80x128xf32, #tpu.memory_space<vmem>>, vector<1x16xf32>,
        %add3A_479 = arith.addf %add3A_458, %add3A_468 : vector<16xf32>
        %add3A_480 = arith.addf %scan3A_280, %add3A_479 : vector<16xf32>
        %mul3A_481 = arith.mulf %add3A_458, %add3A_458 : vector<16xf32>
        %mul3A_482 = arith.mulf %add3A_468, %add3A_468 : vector<16xf32>
        %add3A_483 = arith.addf %mul3A_481, %mul3A_482 : vector<16xf32>
        %add3A_484 = arith.addf %scan3A_288, %add3A_483 : vector<16xf32>
        %get3A_485 = arith.index_cast %scan3A_276 : i32 to index
        %get3A_486 = arith.constant 64 : index
        %get3A_487 = tpu.vector_load %arg18[%get3A_485, %get3A_486] {strides = array<i32>} : memref<40x128xi32, #tpu.memory_space<vmem>>, vector<1x16xi32>,
        %get3A_488 = vector.shape_cast %get3A_487 : vector<1x16xi32> to vector<16xi32>
        %shift_left3A_489 = arith.constant 16 : i32
        %shift_left3A_490 = vector.broadcast %shift_left3A_489 : i32 to vector<16xi32>
        %shift_left3A_491 = arith.shli %get3A_488, %shift_left3A_490 : vector<16xi32>
        %bitcast_convert_type3A_492 = tpu.bitcast %shift_left3A_491 : vector<16xi32> -> vector<16xf32>
        %and3A_493 = arith.constant -65536 : i32
        %and3A_494 = vector.broadcast %and3A_493 : i32 to vector<16xi32>
        %and3A_495 = arith.andi %get3A_488, %and3A_494 : vector<16xi32>
        %bitcast_convert_type3A_496 = tpu.bitcast %and3A_495 : vector<16xi32> -> vector<16xf32>
        %get3A_497 = arith.index_cast %mul3A_294 : i32 to index
        %get3A_498 = arith.constant 64 : index
        %get3A_499 = tpu.vector_load %arg14[%get3A_497, %get3A_498] {strides = array<i32>} : memref<80x128xf32, #tpu.memory_space<vmem>>, vector<1x16xf32>,
        %get3A_500 = vector.shape_cast %get3A_499 : vector<1x16xf32> to vector<16xf32>
        %get3A_501 = arith.index_cast %mul3A_294 : i32 to index
        %get3A_502 = arith.constant 64 : index
        %get3A_503 = tpu.vector_load %arg16[%get3A_501, %get3A_502] {strides = array<i32>} : memref<80x128xf32, #tpu.memory_space<vmem>>, vector<1x16xf32>,
        %get3A_504 = vector.shape_cast %get3A_503 : vector<1x16xf32> to vector<16xf32>
        %add3A_505 = arith.addf %get3A_500, %get3A_504 : vector<16xf32>
        %add3A_506 = arith.addf %add3A_505, %bitcast_convert_type3A_492 : vector<16xf32>
        %get3A_507 = arith.index_cast %add3A_296 : i32 to index
        %get3A_508 = arith.constant 64 : index
        %get3A_509 = tpu.vector_load %arg14[%get3A_507, %get3A_508] {strides = array<i32>} : memref<80x128xf32, #tpu.memory_space<vmem>>, vector<1x16xf32>,
        %get3A_510 = vector.shape_cast %get3A_509 : vector<1x16xf32> to vector<16xf32>
        %get3A_511 = arith.index_cast %add3A_296 : i32 to index
        %get3A_512 = arith.constant 64 : index
        %get3A_513 = tpu.vector_load %arg16[%get3A_511, %get3A_512] {strides = array<i32>} : memref<80x128xf32, #tpu.memory_space<vmem>>, vector<1x16xf32>,
        %get3A_514 = vector.shape_cast %get3A_513 : vector<1x16xf32> to vector<16xf32>
        %add3A_515 = arith.addf %get3A_510, %get3A_514 : vector<16xf32>
        %add3A_516 = arith.addf %add3A_515, %bitcast_convert_type3A_496 : vector<16xf32>
        %swap3A_517 = arith.index_cast %mul3A_294 : i32 to index
        %swap3A_518 = arith.constant 64 : index
        %swap3A_519 = tpu.vector_load %arg14[%swap3A_517, %swap3A_518] {strides = array<i32>} : memref<80x128xf32, #tpu.memory_space<vmem>>, vector<1x16xf32>,
        %swap3A_520 = vector.shape_cast %swap3A_519 : vector<1x16xf32> to vector<16xf32>
        %swap3A_521 = vector.shape_cast %add3A_506 : vector<16xf32> to vector<1x16xf32>
        tpu.vector_store %arg14[%swap3A_517, %swap3A_518], %swap3A_521 {strides = array<i32>} : memref<80x128xf32, #tpu.memory_space<vmem>>, vector<1x16xf32>,
        %swap3A_522 = arith.index_cast %add3A_296 : i32 to index
        %swap3A_523 = arith.constant 64 : index
        %swap3A_524 = tpu.vector_load %arg14[%swap3A_522, %swap3A_523] {strides = array<i32>} : memref<80x128xf32, #tpu.memory_space<vmem>>, vector<1x16xf32>,
        %swap3A_525 = vector.shape_cast %swap3A_524 : vector<1x16xf32> to vector<16xf32>
        %swap3A_526 = vector.shape_cast %add3A_516 : vector<16xf32> to vector<1x16xf32>
        tpu.vector_store %arg14[%swap3A_522, %swap3A_523], %swap3A_526 {strides = array<i32>} : memref<80x128xf32, #tpu.memory_space<vmem>>, vector<1x16xf32>,
        %add3A_527 = arith.addf %add3A_506, %add3A_516 : vector<16xf32>
        %add3A_528 = arith.addf %scan3A_281, %add3A_527 : vector<16xf32>
        %mul3A_529 = arith.mulf %add3A_506, %add3A_506 : vector<16xf32>
        %mul3A_530 = arith.mulf %add3A_516, %add3A_516 : vector<16xf32>
        %add3A_531 = arith.addf %mul3A_529, %mul3A_530 : vector<16xf32>
        %add3A_532 = arith.addf %scan3A_289, %add3A_531 : vector<16xf32>
        %get3A_533 = arith.index_cast %scan3A_276 : i32 to index
        %get3A_534 = arith.constant 80 : index
        %get3A_535 = tpu.vector_load %arg18[%get3A_533, %get3A_534] {strides = array<i32>} : memref<40x128xi32, #tpu.memory_space<vmem>>, vector<1x16xi32>,
        %get3A_536 = vector.shape_cast %get3A_535 : vector<1x16xi32> to vector<16xi32>
        %shift_left3A_537 = arith.constant 16 : i32
        %shift_left3A_538 = vector.broadcast %shift_left3A_537 : i32 to vector<16xi32>
        %shift_left3A_539 = arith.shli %get3A_536, %shift_left3A_538 : vector<16xi32>
        %bitcast_convert_type3A_540 = tpu.bitcast %shift_left3A_539 : vector<16xi32> -> vector<16xf32>
        %and3A_541 = arith.constant -65536 : i32
        %and3A_542 = vector.broadcast %and3A_541 : i32 to vector<16xi32>
        %and3A_543 = arith.andi %get3A_536, %and3A_542 : vector<16xi32>
        %bitcast_convert_type3A_544 = tpu.bitcast %and3A_543 : vector<16xi32> -> vector<16xf32>
        %get3A_545 = arith.index_cast %mul3A_294 : i32 to index
        %get3A_546 = arith.constant 80 : index
        %get3A_547 = tpu.vector_load %arg14[%get3A_545, %get3A_546] {strides = array<i32>} : memref<80x128xf32, #tpu.memory_space<vmem>>, vector<1x16xf32>,
        %get3A_548 = vector.shape_cast %get3A_547 : vector<1x16xf32> to vector<16xf32>
        %get3A_549 = arith.index_cast %mul3A_294 : i32 to index
        %get3A_550 = arith.constant 80 : index
        %get3A_551 = tpu.vector_load %arg16[%get3A_549, %get3A_550] {strides = array<i32>} : memref<80x128xf32, #tpu.memory_space<vmem>>, vector<1x16xf32>,
        %get3A_552 = vector.shape_cast %get3A_551 : vector<1x16xf32> to vector<16xf32>
        %add3A_553 = arith.addf %get3A_548, %get3A_552 : vector<16xf32>
        %add3A_554 = arith.addf %add3A_553, %bitcast_convert_type3A_540 : vector<16xf32>
        %get3A_555 = arith.index_cast %add3A_296 : i32 to index
        %get3A_556 = arith.constant 80 : index
        %get3A_557 = tpu.vector_load %arg14[%get3A_555, %get3A_556] {strides = array<i32>} : memref<80x128xf32, #tpu.memory_space<vmem>>, vector<1x16xf32>,
        %get3A_558 = vector.shape_cast %get3A_557 : vector<1x16xf32> to vector<16xf32>
        %get3A_559 = arith.index_cast %add3A_296 : i32 to index
        %get3A_560 = arith.constant 80 : index
        %get3A_561 = tpu.vector_load %arg16[%get3A_559, %get3A_560] {strides = array<i32>} : memref<80x128xf32, #tpu.memory_space<vmem>>, vector<1x16xf32>,
        %get3A_562 = vector.shape_cast %get3A_561 : vector<1x16xf32> to vector<16xf32>
        %add3A_563 = arith.addf %get3A_558, %get3A_562 : vector<16xf32>
        %add3A_564 = arith.addf %add3A_563, %bitcast_convert_type3A_544 : vector<16xf32>
        %swap3A_565 = arith.index_cast %mul3A_294 : i32 to index
        %swap3A_566 = arith.constant 80 : index
        %swap3A_567 = tpu.vector_load %arg14[%swap3A_565, %swap3A_566] {strides = array<i32>} : memref<80x128xf32, #tpu.memory_space<vmem>>, vector<1x16xf32>,
        %swap3A_568 = vector.shape_cast %swap3A_567 : vector<1x16xf32> to vector<16xf32>
        %swap3A_569 = vector.shape_cast %add3A_554 : vector<16xf32> to vector<1x16xf32>
        tpu.vector_store %arg14[%swap3A_565, %swap3A_566], %swap3A_569 {strides = array<i32>} : memref<80x128xf32, #tpu.memory_space<vmem>>, vector<1x16xf32>,
        %swap3A_570 = arith.index_cast %add3A_296 : i32 to index
        %swap3A_571 = arith.constant 80 : index
        %swap3A_572 = tpu.vector_load %arg14[%swap3A_570, %swap3A_571] {strides = array<i32>} : memref<80x128xf32, #tpu.memory_space<vmem>>, vector<1x16xf32>,
        %swap3A_573 = vector.shape_cast %swap3A_572 : vector<1x16xf32> to vector<16xf32>
        %swap3A_574 = vector.shape_cast %add3A_564 : vector<16xf32> to vector<1x16xf32>
        tpu.vector_store %arg14[%swap3A_570, %swap3A_571], %swap3A_574 {strides = array<i32>} : memref<80x128xf32, #tpu.memory_space<vmem>>, vector<1x16xf32>,
        %add3A_575 = arith.addf %add3A_554, %add3A_564 : vector<16xf32>
        %add3A_576 = arith.addf %scan3A_282, %add3A_575 : vector<16xf32>
        %mul3A_577 = arith.mulf %add3A_554, %add3A_554 : vector<16xf32>
        %mul3A_578 = arith.mulf %add3A_564, %add3A_564 : vector<16xf32>
        %add3A_579 = arith.addf %mul3A_577, %mul3A_578 : vector<16xf32>
        %add3A_580 = arith.addf %scan3A_290, %add3A_579 : vector<16xf32>
        %get3A_581 = arith.index_cast %scan3A_276 : i32 to index
        %get3A_582 = arith.constant 96 : index
        %get3A_583 = tpu.vector_load %arg18[%get3A_581, %get3A_582] {strides = array<i32>} : memref<40x128xi32, #tpu.memory_space<vmem>>, vector<1x16xi32>,
        %get3A_584 = vector.shape_cast %get3A_583 : vector<1x16xi32> to vector<16xi32>
        %shift_left3A_585 = arith.constant 16 : i32
        %shift_left3A_586 = vector.broadcast %shift_left3A_585 : i32 to vector<16xi32>
        %shift_left3A_587 = arith.shli %get3A_584, %shift_left3A_586 : vector<16xi32>
        %bitcast_convert_type3A_588 = tpu.bitcast %shift_left3A_587 : vector<16xi32> -> vector<16xf32>
        %and3A_589 = arith.constant -65536 : i32
        %and3A_590 = vector.broadcast %and3A_589 : i32 to vector<16xi32>
        %and3A_591 = arith.andi %get3A_584, %and3A_590 : vector<16xi32>
        %bitcast_convert_type3A_592 = tpu.bitcast %and3A_591 : vector<16xi32> -> vector<16xf32>
        %get3A_593 = arith.index_cast %mul3A_294 : i32 to index
        %get3A_594 = arith.constant 96 : index
        %get3A_595 = tpu.vector_load %arg14[%get3A_593, %get3A_594] {strides = array<i32>} : memref<80x128xf32, #tpu.memory_space<vmem>>, vector<1x16xf32>,
        %get3A_596 = vector.shape_cast %get3A_595 : vector<1x16xf32> to vector<16xf32>
        %get3A_597 = arith.index_cast %mul3A_294 : i32 to index
        %get3A_598 = arith.constant 96 : index
        %get3A_599 = tpu.vector_load %arg16[%get3A_597, %get3A_598] {strides = array<i32>} : memref<80x128xf32, #tpu.memory_space<vmem>>, vector<1x16xf32>,
        %get3A_600 = vector.shape_cast %get3A_599 : vector<1x16xf32> to vector<16xf32>
        %add3A_601 = arith.addf %get3A_596, %get3A_600 : vector<16xf32>
        %add3A_602 = arith.addf %add3A_601, %bitcast_convert_type3A_588 : vector<16xf32>
        %get3A_603 = arith.index_cast %add3A_296 : i32 to index
        %get3A_604 = arith.constant 96 : index
        %get3A_605 = tpu.vector_load %arg14[%get3A_603, %get3A_604] {strides = array<i32>} : memref<80x128xf32, #tpu.memory_space<vmem>>, vector<1x16xf32>,
        %get3A_606 = vector.shape_cast %get3A_605 : vector<1x16xf32> to vector<16xf32>
        %get3A_607 = arith.index_cast %add3A_296 : i32 to index
        %get3A_608 = arith.constant 96 : index
        %get3A_609 = tpu.vector_load %arg16[%get3A_607, %get3A_608] {strides = array<i32>} : memref<80x128xf32, #tpu.memory_space<vmem>>, vector<1x16xf32>,
        %get3A_610 = vector.shape_cast %get3A_609 : vector<1x16xf32> to vector<16xf32>
        %add3A_611 = arith.addf %get3A_606, %get3A_610 : vector<16xf32>
        %add3A_612 = arith.addf %add3A_611, %bitcast_convert_type3A_592 : vector<16xf32>
        %swap3A_613 = arith.index_cast %mul3A_294 : i32 to index
        %swap3A_614 = arith.constant 96 : index
        %swap3A_615 = tpu.vector_load %arg14[%swap3A_613, %swap3A_614] {strides = array<i32>} : memref<80x128xf32, #tpu.memory_space<vmem>>, vector<1x16xf32>,
        %swap3A_616 = vector.shape_cast %swap3A_615 : vector<1x16xf32> to vector<16xf32>
        %swap3A_617 = vector.shape_cast %add3A_602 : vector<16xf32> to vector<1x16xf32>
        tpu.vector_store %arg14[%swap3A_613, %swap3A_614], %swap3A_617 {strides = array<i32>} : memref<80x128xf32, #tpu.memory_space<vmem>>, vector<1x16xf32>,
        %swap3A_618 = arith.index_cast %add3A_296 : i32 to index
        %swap3A_619 = arith.constant 96 : index
        %swap3A_620 = tpu.vector_load %arg14[%swap3A_618, %swap3A_619] {strides = array<i32>} : memref<80x128xf32, #tpu.memory_space<vmem>>, vector<1x16xf32>,
        %swap3A_621 = vector.shape_cast %swap3A_620 : vector<1x16xf32> to vector<16xf32>
        %swap3A_622 = vector.shape_cast %add3A_612 : vector<16xf32> to vector<1x16xf32>
        tpu.vector_store %arg14[%swap3A_618, %swap3A_619], %swap3A_622 {strides = array<i32>} : memref<80x128xf32, #tpu.memory_space<vmem>>, vector<1x16xf32>,
        %add3A_623 = arith.addf %add3A_602, %add3A_612 : vector<16xf32>
        %add3A_624 = arith.addf %scan3A_283, %add3A_623 : vector<16xf32>
        %mul3A_625 = arith.mulf %add3A_602, %add3A_602 : vector<16xf32>
        %mul3A_626 = arith.mulf %add3A_612, %add3A_612 : vector<16xf32>
        %add3A_627 = arith.addf %mul3A_625, %mul3A_626 : vector<16xf32>
        %add3A_628 = arith.addf %scan3A_291, %add3A_627 : vector<16xf32>
        %get3A_629 = arith.index_cast %scan3A_276 : i32 to index
        %get3A_630 = arith.constant 112 : index
        %get3A_631 = tpu.vector_load %arg18[%get3A_629, %get3A_630] {strides = array<i32>} : memref<40x128xi32, #tpu.memory_space<vmem>>, vector<1x16xi32>,
        %get3A_632 = vector.shape_cast %get3A_631 : vector<1x16xi32> to vector<16xi32>
        %shift_left3A_633 = arith.constant 16 : i32
        %shift_left3A_634 = vector.broadcast %shift_left3A_633 : i32 to vector<16xi32>
        %shift_left3A_635 = arith.shli %get3A_632, %shift_left3A_634 : vector<16xi32>
        %bitcast_convert_type3A_636 = tpu.bitcast %shift_left3A_635 : vector<16xi32> -> vector<16xf32>
        %and3A_637 = arith.constant -65536 : i32
        %and3A_638 = vector.broadcast %and3A_637 : i32 to vector<16xi32>
        %and3A_639 = arith.andi %get3A_632, %and3A_638 : vector<16xi32>
        %bitcast_convert_type3A_640 = tpu.bitcast %and3A_639 : vector<16xi32> -> vector<16xf32>
        %get3A_641 = arith.index_cast %mul3A_294 : i32 to index
        %get3A_642 = arith.constant 112 : index
        %get3A_643 = tpu.vector_load %arg14[%get3A_641, %get3A_642] {strides = array<i32>} : memref<80x128xf32, #tpu.memory_space<vmem>>, vector<1x16xf32>,
        %get3A_644 = vector.shape_cast %get3A_643 : vector<1x16xf32> to vector<16xf32>
        %get3A_645 = arith.index_cast %mul3A_294 : i32 to index
        %get3A_646 = arith.constant 112 : index
        %get3A_647 = tpu.vector_load %arg16[%get3A_645, %get3A_646] {strides = array<i32>} : memref<80x128xf32, #tpu.memory_space<vmem>>, vector<1x16xf32>,
        %get3A_648 = vector.shape_cast %get3A_647 : vector<1x16xf32> to vector<16xf32>
        %add3A_649 = arith.addf %get3A_644, %get3A_648 : vector<16xf32>
        %add3A_650 = arith.addf %add3A_649, %bitcast_convert_type3A_636 : vector<16xf32>
        %get3A_651 = arith.index_cast %add3A_296 : i32 to index
        %get3A_652 = arith.constant 112 : index
        %get3A_653 = tpu.vector_load %arg14[%get3A_651, %get3A_652] {strides = array<i32>} : memref<80x128xf32, #tpu.memory_space<vmem>>, vector<1x16xf32>,
        %get3A_654 = vector.shape_cast %get3A_653 : vector<1x16xf32> to vector<16xf32>
        %get3A_655 = arith.index_cast %add3A_296 : i32 to index
        %get3A_656 = arith.constant 112 : index
        %get3A_657 = tpu.vector_load %arg16[%get3A_655, %get3A_656] {strides = array<i32>} : memref<80x128xf32, #tpu.memory_space<vmem>>, vector<1x16xf32>,
        %get3A_658 = vector.shape_cast %get3A_657 : vector<1x16xf32> to vector<16xf32>
        %add3A_659 = arith.addf %get3A_654, %get3A_658 : vector<16xf32>
        %add3A_660 = arith.addf %add3A_659, %bitcast_convert_type3A_640 : vector<16xf32>
        %swap3A_661 = arith.index_cast %mul3A_294 : i32 to index
        %swap3A_662 = arith.constant 112 : index
        %swap3A_663 = tpu.vector_load %arg14[%swap3A_661, %swap3A_662] {strides = array<i32>} : memref<80x128xf32, #tpu.memory_space<vmem>>, vector<1x16xf32>,
        %swap3A_664 = vector.shape_cast %swap3A_663 : vector<1x16xf32> to vector<16xf32>
        %swap3A_665 = vector.shape_cast %add3A_650 : vector<16xf32> to vector<1x16xf32>
        tpu.vector_store %arg14[%swap3A_661, %swap3A_662], %swap3A_665 {strides = array<i32>} : memref<80x128xf32, #tpu.memory_space<vmem>>, vector<1x16xf32>,
        %swap3A_666 = arith.index_cast %add3A_296 : i32 to index
        %swap3A_667 = arith.constant 112 : index
        %swap3A_668 = tpu.vector_load %arg14[%swap3A_666, %swap3A_667] {strides = array<i32>} : memref<80x128xf32, #tpu.memory_space<vmem>>, vector<1x16xf32>,
        %swap3A_669 = vector.shape_cast %swap3A_668 : vector<1x16xf32> to vector<16xf32>
        %swap3A_670 = vector.shape_cast %add3A_660 : vector<16xf32> to vector<1x16xf32>
        tpu.vector_store %arg14[%swap3A_666, %swap3A_667], %swap3A_670 {strides = array<i32>} : memref<80x128xf32, #tpu.memory_space<vmem>>, vector<1x16xf32>,
        %add3A_671 = arith.addf %add3A_650, %add3A_660 : vector<16xf32>
        %add3A_672 = arith.addf %scan3A_284, %add3A_671 : vector<16xf32>
        %mul3A_673 = arith.mulf %add3A_650, %add3A_650 : vector<16xf32>
        %mul3A_674 = arith.mulf %add3A_660, %add3A_660 : vector<16xf32>
        %add3A_675 = arith.addf %mul3A_673, %mul3A_674 : vector<16xf32>
        %add3A_676 = arith.addf %scan3A_292, %add3A_675 : vector<16xf32>
        scf.yield %add3A_336, %add3A_384, %add3A_432, %add3A_480, %add3A_528, %add3A_576, %add3A_624, %add3A_672, %add3A_340, %add3A_388, %add3A_436, %add3A_484, %add3A_532, %add3A_580, %add3A_628, %add3A_676 : vector<16xf32>, vector<16xf32>, vector<16xf32>, vector<16xf32>, vector<16xf32>, vector<16xf32>, vector<16xf32>, vector<16xf32>, vector<16xf32>, vector<16xf32>, vector<16xf32>, vector<16xf32>, vector<16xf32>, vector<16xf32>, vector<16xf32>, vector<16xf32>
      }
      %scan3A_268 = arith.constant 40 : i32
      %mul3A_269 = arith.constant 80 : i32
      %mul3A_270 = arith.muli %add3A_233, %mul3A_269 : i32
      %add3A_271 = arith.addi %mul3A_2, %mul3A_270 : i32
      %dma_start3A_272 = arith.constant 0 : i32
      %dma_start3A_273 = tpu.memref_slice %arg7[%add3A_271, %dma_start3A_272] : memref<320000x128xf32, #tpu.memory_space<hbm>> -> memref<80x128xf32, #tpu.memory_space<hbm>>
      %dma_start3A_274 = arith.constant 0 : i32
      %dma_start3A_275 = tpu.memref_slice %arg7[%add3A_271, %dma_start3A_274] : memref<320000x128xf32, #tpu.memory_space<hbm>> -> memref<80x128xf32, #tpu.memory_space<hbm>>
      tpu.enqueue_dma source(%arg14 : memref<80x128xf32, #tpu.memory_space<vmem>>) target(%dma_start3A_275 : memref<80x128xf32, #tpu.memory_space<hbm>>) target_semaphore(%arg25 : memref<!tpu.dma_semaphore, #tpu.memory_space<semaphore_mem>>)
      scf.yield %scan3A_267#0, %scan3A_267#1, %scan3A_267#2, %scan3A_267#3, %scan3A_267#4, %scan3A_267#5, %scan3A_267#6, %scan3A_267#7, %scan3A_267#8, %scan3A_267#9, %scan3A_267#10, %scan3A_267#11, %scan3A_267#12, %scan3A_267#13, %scan3A_267#14, %scan3A_267#15 : vector<16xf32>, vector<16xf32>, vector<16xf32>, vector<16xf32>, vector<16xf32>, vector<16xf32>, vector<16xf32>, vector<16xf32>, vector<16xf32>, vector<16xf32>, vector<16xf32>, vector<16xf32>, vector<16xf32>, vector<16xf32>, vector<16xf32>, vector<16xf32>
    }
    %scan3A_38 = arith.constant 62 : i32
    %mul3A_39 = arith.constant 5000 : i32
    %mul3A_40 = arith.muli %add3A, %mul3A_39 : i32
    %add3A_41 = arith.constant 4960 : i32
    %add3A_42 = arith.addi %mul3A_40, %add3A_41 : i32
    %dma_wait3A_43 = arith.constant 0 : i32
    %dma_wait3A_44 = arith.constant 0 : i32
    %dma_wait3A_45 = tpu.memref_slice %arg2[%dma_wait3A_43, %dma_wait3A_44] : memref<10000x128xf32, #tpu.memory_space<hbm>> -> memref<10000x128xf32, #tpu.memory_space<hbm>>
    tpu.wait_indirect_dma semaphore(%arg22 : memref<!tpu.dma_semaphore, #tpu.memory_space<semaphore_mem>>) src(%dma_wait3A_45 : memref<10000x128xf32, #tpu.memory_space<hbm>>) dst(%arg13 : memref<80x128xf32, #tpu.memory_space<vmem>>)
    %dma_wait3A_46 = arith.constant 0 : i32
    %dma_wait3A_47 = arith.constant 0 : i32
    %dma_wait3A_48 = tpu.memref_slice %arg3[%dma_wait3A_46, %dma_wait3A_47] : memref<10000x128xf32, #tpu.memory_space<hbm>> -> memref<10000x128xf32, #tpu.memory_space<hbm>>
    tpu.wait_indirect_dma semaphore(%arg22 : memref<!tpu.dma_semaphore, #tpu.memory_space<semaphore_mem>>) src(%dma_wait3A_48 : memref<10000x128xf32, #tpu.memory_space<hbm>>) dst(%arg15 : memref<80x128xf32, #tpu.memory_space<vmem>>)
    %dma_wait3A_49 = arith.constant 0 : i32
    %dma_wait3A_50 = tpu.memref_slice %arg4[%add3A_42, %dma_wait3A_49] : memref<160000x128xi32, #tpu.memory_space<hbm>> -> memref<40x128xi32, #tpu.memory_space<hbm>>
    %dma_wait3A_51 = arith.constant 0 : i32
    %dma_wait3A_52 = tpu.memref_slice %arg4[%add3A_42, %dma_wait3A_51] : memref<160000x128xi32, #tpu.memory_space<hbm>> -> memref<40x128xi32, #tpu.memory_space<hbm>>
    tpu.wait_dma2 semaphore(%arg22 : memref<!tpu.dma_semaphore, #tpu.memory_space<semaphore_mem>>) src(%dma_wait3A_52 : memref<40x128xi32, #tpu.memory_space<hbm>>) dst(%arg17 : memref<40x128xi32, #tpu.memory_space<vmem>>)
    %scan3A_53 = arith.constant 0 : i32
    %scan3A_54 = arith.constant 40 : i32
    %scan3A_55 = arith.addi %scan3A_53, %scan3A_54 : i32
    %scan3A_56 = arith.constant 1 : i32
    %scan3A_57:16 = scf.for %scan3A_172 = %scan3A_53 to %scan3A_55 step %scan3A_56 iter_args(%scan3A_173 = %scan3A_37#0, %scan3A_174 = %scan3A_37#1, %scan3A_175 = %scan3A_37#2, %scan3A_176 = %scan3A_37#3, %scan3A_177 = %scan3A_37#4, %scan3A_178 = %scan3A_37#5, %scan3A_179 = %scan3A_37#6, %scan3A_180 = %scan3A_37#7, %scan3A_181 = %scan3A_37#8, %scan3A_182 = %scan3A_37#9, %scan3A_183 = %scan3A_37#10, %scan3A_184 = %scan3A_37#11, %scan3A_185 = %scan3A_37#12, %scan3A_186 = %scan3A_37#13, %scan3A_187 = %scan3A_37#14, %scan3A_188 = %scan3A_37#15) -> (vector<16xf32>, vector<16xf32>, vector<16xf32>, vector<16xf32>, vector<16xf32>, vector<16xf32>, vector<16xf32>, vector<16xf32>, vector<16xf32>, vector<16xf32>, vector<16xf32>, vector<16xf32>, vector<16xf32>, vector<16xf32>, vector<16xf32>, vector<16xf32>)  : i32 {
      %mul3A_189 = arith.constant 2 : i32
      %mul3A_190 = arith.muli %mul3A_189, %scan3A_172 : i32
      %add3A_191 = arith.constant 1 : i32
      %add3A_192 = arith.addi %mul3A_190, %add3A_191 : i32
      %get3A = arith.index_cast %scan3A_172 : i32 to index
      %get3A_193 = arith.constant 0 : index
      %get3A_194 = tpu.vector_load %arg17[%get3A, %get3A_193] {strides = array<i32>} : memref<40x128xi32, #tpu.memory_space<vmem>>, vector<1x16xi32>,
      %get3A_195 = vector.shape_cast %get3A_194 : vector<1x16xi32> to vector<16xi32>
      %shift_left3A = arith.constant 16 : i32
      %shift_left3A_196 = vector.broadcast %shift_left3A : i32 to vector<16xi32>
      %shift_left3A_197 = arith.shli %get3A_195, %shift_left3A_196 : vector<16xi32>
      %bitcast_convert_type3A = tpu.bitcast %shift_left3A_197 : vector<16xi32> -> vector<16xf32>
      %and3A = arith.constant -65536 : i32
      %and3A_198 = vector.broadcast %and3A : i32 to vector<16xi32>
      %and3A_199 = arith.andi %get3A_195, %and3A_198 : vector<16xi32>
      %bitcast_convert_type3A_200 = tpu.bitcast %and3A_199 : vector<16xi32> -> vector<16xf32>
      %get3A_201 = arith.index_cast %mul3A_190 : i32 to index
      %get3A_202 = arith.constant 0 : index
      %get3A_203 = tpu.vector_load %arg13[%get3A_201, %get3A_202] {strides = array<i32>} : memref<80x128xf32, #tpu.memory_space<vmem>>, vector<1x16xf32>,
      %get3A_204 = vector.shape_cast %get3A_203 : vector<1x16xf32> to vector<16xf32>
      %get3A_205 = arith.index_cast %mul3A_190 : i32 to index
      %get3A_206 = arith.constant 0 : index
      %get3A_207 = tpu.vector_load %arg15[%get3A_205, %get3A_206] {strides = array<i32>} : memref<80x128xf32, #tpu.memory_space<vmem>>, vector<1x16xf32>,
      %get3A_208 = vector.shape_cast %get3A_207 : vector<1x16xf32> to vector<16xf32>
      %add3A_209 = arith.addf %get3A_204, %get3A_208 : vector<16xf32>
      %add3A_210 = arith.addf %add3A_209, %bitcast_convert_type3A : vector<16xf32>
      %get3A_211 = arith.index_cast %add3A_192 : i32 to index
      %get3A_212 = arith.constant 0 : index
      %get3A_213 = tpu.vector_load %arg13[%get3A_211, %get3A_212] {strides = array<i32>} : memref<80x128xf32, #tpu.memory_space<vmem>>, vector<1x16xf32>,
      %get3A_214 = vector.shape_cast %get3A_213 : vector<1x16xf32> to vector<16xf32>
      %get3A_215 = arith.index_cast %add3A_192 : i32 to index
      %get3A_216 = arith.constant 0 : index
      %get3A_217 = tpu.vector_load %arg15[%get3A_215, %get3A_216] {strides = array<i32>} : memref<80x128xf32, #tpu.memory_space<vmem>>, vector<1x16xf32>,
      %get3A_218 = vector.shape_cast %get3A_217 : vector<1x16xf32> to vector<16xf32>
      %add3A_219 = arith.addf %get3A_214, %get3A_218 : vector<16xf32>
      %add3A_220 = arith.addf %add3A_219, %bitcast_convert_type3A_200 : vector<16xf32>
      %swap3A_221 = arith.index_cast %mul3A_190 : i32 to index
      %swap3A_222 = arith.constant 0 : index
      %swap3A_223 = tpu.vector_load %arg13[%swap3A_221, %swap3A_222] {strides = array<i32>} : memref<80x128xf32, #tpu.memory_space<vmem>>, vector<1x16xf32>,
      %swap3A_224 = vector.shape_cast %swap3A_223 : vector<1x16xf32> to vector<16xf32>
      %swap3A_225 = vector.shape_cast %add3A_210 : vector<16xf32> to vector<1x16xf32>
      tpu.vector_store %arg13[%swap3A_221, %swap3A_222], %swap3A_225 {strides = array<i32>} : memref<80x128xf32, #tpu.memory_space<vmem>>, vector<1x16xf32>,
      %swap3A_226 = arith.index_cast %add3A_192 : i32 to index
      %swap3A_227 = arith.constant 0 : index
      %swap3A_228 = tpu.vector_load %arg13[%swap3A_226, %swap3A_227] {strides = array<i32>} : memref<80x128xf32, #tpu.memory_space<vmem>>, vector<1x16xf32>,
      %swap3A_229 = vector.shape_cast %swap3A_228 : vector<1x16xf32> to vector<16xf32>
      %swap3A_230 = vector.shape_cast %add3A_220 : vector<16xf32> to vector<1x16xf32>
      tpu.vector_store %arg13[%swap3A_226, %swap3A_227], %swap3A_230 {strides = array<i32>} : memref<80x128xf32, #tpu.memory_space<vmem>>, vector<1x16xf32>,
      %add3A_231 = arith.addf %add3A_210, %add3A_220 : vector<16xf32>
      %add3A_232 = arith.addf %scan3A_173, %add3A_231 : vector<16xf32>
      %mul3A_233 = arith.mulf %add3A_210, %add3A_210 : vector<16xf32>
      %mul3A_234 = arith.mulf %add3A_220, %add3A_220 : vector<16xf32>
      %add3A_235 = arith.addf %mul3A_233, %mul3A_234 : vector<16xf32>
      %add3A_236 = arith.addf %scan3A_181, %add3A_235 : vector<16xf32>
      %get3A_237 = arith.index_cast %scan3A_172 : i32 to index
      %get3A_238 = arith.constant 16 : index
      %get3A_239 = tpu.vector_load %arg17[%get3A_237, %get3A_238] {strides = array<i32>} : memref<40x128xi32, #tpu.memory_space<vmem>>, vector<1x16xi32>,
      %get3A_240 = vector.shape_cast %get3A_239 : vector<1x16xi32> to vector<16xi32>
      %shift_left3A_241 = arith.constant 16 : i32
      %shift_left3A_242 = vector.broadcast %shift_left3A_241 : i32 to vector<16xi32>
      %shift_left3A_243 = arith.shli %get3A_240, %shift_left3A_242 : vector<16xi32>
      %bitcast_convert_type3A_244 = tpu.bitcast %shift_left3A_243 : vector<16xi32> -> vector<16xf32>
      %and3A_245 = arith.constant -65536 : i32
      %and3A_246 = vector.broadcast %and3A_245 : i32 to vector<16xi32>
      %and3A_247 = arith.andi %get3A_240, %and3A_246 : vector<16xi32>
      %bitcast_convert_type3A_248 = tpu.bitcast %and3A_247 : vector<16xi32> -> vector<16xf32>
      %get3A_249 = arith.index_cast %mul3A_190 : i32 to index
      %get3A_250 = arith.constant 16 : index
      %get3A_251 = tpu.vector_load %arg13[%get3A_249, %get3A_250] {strides = array<i32>} : memref<80x128xf32, #tpu.memory_space<vmem>>, vector<1x16xf32>,
      %get3A_252 = vector.shape_cast %get3A_251 : vector<1x16xf32> to vector<16xf32>
      %get3A_253 = arith.index_cast %mul3A_190 : i32 to index
      %get3A_254 = arith.constant 16 : index
      %get3A_255 = tpu.vector_load %arg15[%get3A_253, %get3A_254] {strides = array<i32>} : memref<80x128xf32, #tpu.memory_space<vmem>>, vector<1x16xf32>,
      %get3A_256 = vector.shape_cast %get3A_255 : vector<1x16xf32> to vector<16xf32>
      %add3A_257 = arith.addf %get3A_252, %get3A_256 : vector<16xf32>
      %add3A_258 = arith.addf %add3A_257, %bitcast_convert_type3A_244 : vector<16xf32>
      %get3A_259 = arith.index_cast %add3A_192 : i32 to index
      %get3A_260 = arith.constant 16 : index
      %get3A_261 = tpu.vector_load %arg13[%get3A_259, %get3A_260] {strides = array<i32>} : memref<80x128xf32, #tpu.memory_space<vmem>>, vector<1x16xf32>,
      %get3A_262 = vector.shape_cast %get3A_261 : vector<1x16xf32> to vector<16xf32>
      %get3A_263 = arith.index_cast %add3A_192 : i32 to index
      %get3A_264 = arith.constant 16 : index
      %get3A_265 = tpu.vector_load %arg15[%get3A_263, %get3A_264] {strides = array<i32>} : memref<80x128xf32, #tpu.memory_space<vmem>>, vector<1x16xf32>,
      %get3A_266 = vector.shape_cast %get3A_265 : vector<1x16xf32> to vector<16xf32>
      %add3A_267 = arith.addf %get3A_262, %get3A_266 : vector<16xf32>
      %add3A_268 = arith.addf %add3A_267, %bitcast_convert_type3A_248 : vector<16xf32>
      %swap3A_269 = arith.index_cast %mul3A_190 : i32 to index
      %swap3A_270 = arith.constant 16 : index
      %swap3A_271 = tpu.vector_load %arg13[%swap3A_269, %swap3A_270] {strides = array<i32>} : memref<80x128xf32, #tpu.memory_space<vmem>>, vector<1x16xf32>,
      %swap3A_272 = vector.shape_cast %swap3A_271 : vector<1x16xf32> to vector<16xf32>
      %swap3A_273 = vector.shape_cast %add3A_258 : vector<16xf32> to vector<1x16xf32>
      tpu.vector_store %arg13[%swap3A_269, %swap3A_270], %swap3A_273 {strides = array<i32>} : memref<80x128xf32, #tpu.memory_space<vmem>>, vector<1x16xf32>,
      %swap3A_274 = arith.index_cast %add3A_192 : i32 to index
      %swap3A_275 = arith.constant 16 : index
      %swap3A_276 = tpu.vector_load %arg13[%swap3A_274, %swap3A_275] {strides = array<i32>} : memref<80x128xf32, #tpu.memory_space<vmem>>, vector<1x16xf32>,
      %swap3A_277 = vector.shape_cast %swap3A_276 : vector<1x16xf32> to vector<16xf32>
      %swap3A_278 = vector.shape_cast %add3A_268 : vector<16xf32> to vector<1x16xf32>
      tpu.vector_store %arg13[%swap3A_274, %swap3A_275], %swap3A_278 {strides = array<i32>} : memref<80x128xf32, #tpu.memory_space<vmem>>, vector<1x16xf32>,
      %add3A_279 = arith.addf %add3A_258, %add3A_268 : vector<16xf32>
      %add3A_280 = arith.addf %scan3A_174, %add3A_279 : vector<16xf32>
      %mul3A_281 = arith.mulf %add3A_258, %add3A_258 : vector<16xf32>
      %mul3A_282 = arith.mulf %add3A_268, %add3A_268 : vector<16xf32>
      %add3A_283 = arith.addf %mul3A_281, %mul3A_282 : vector<16xf32>
      %add3A_284 = arith.addf %scan3A_182, %add3A_283 : vector<16xf32>
      %get3A_285 = arith.index_cast %scan3A_172 : i32 to index
      %get3A_286 = arith.constant 32 : index
      %get3A_287 = tpu.vector_load %arg17[%get3A_285, %get3A_286] {strides = array<i32>} : memref<40x128xi32, #tpu.memory_space<vmem>>, vector<1x16xi32>,
      %get3A_288 = vector.shape_cast %get3A_287 : vector<1x16xi32> to vector<16xi32>
      %shift_left3A_289 = arith.constant 16 : i32
      %shift_left3A_290 = vector.broadcast %shift_left3A_289 : i32 to vector<16xi32>
      %shift_left3A_291 = arith.shli %get3A_288, %shift_left3A_290 : vector<16xi32>
      %bitcast_convert_type3A_292 = tpu.bitcast %shift_left3A_291 : vector<16xi32> -> vector<16xf32>
      %and3A_293 = arith.constant -65536 : i32
      %and3A_294 = vector.broadcast %and3A_293 : i32 to vector<16xi32>
      %and3A_295 = arith.andi %get3A_288, %and3A_294 : vector<16xi32>
      %bitcast_convert_type3A_296 = tpu.bitcast %and3A_295 : vector<16xi32> -> vector<16xf32>
      %get3A_297 = arith.index_cast %mul3A_190 : i32 to index
      %get3A_298 = arith.constant 32 : index
      %get3A_299 = tpu.vector_load %arg13[%get3A_297, %get3A_298] {strides = array<i32>} : memref<80x128xf32, #tpu.memory_space<vmem>>, vector<1x16xf32>,
      %get3A_300 = vector.shape_cast %get3A_299 : vector<1x16xf32> to vector<16xf32>
      %get3A_301 = arith.index_cast %mul3A_190 : i32 to index
      %get3A_302 = arith.constant 32 : index
      %get3A_303 = tpu.vector_load %arg15[%get3A_301, %get3A_302] {strides = array<i32>} : memref<80x128xf32, #tpu.memory_space<vmem>>, vector<1x16xf32>,
      %get3A_304 = vector.shape_cast %get3A_303 : vector<1x16xf32> to vector<16xf32>
      %add3A_305 = arith.addf %get3A_300, %get3A_304 : vector<16xf32>
      %add3A_306 = arith.addf %add3A_305, %bitcast_convert_type3A_292 : vector<16xf32>
      %get3A_307 = arith.index_cast %add3A_192 : i32 to index
      %get3A_308 = arith.constant 32 : index
      %get3A_309 = tpu.vector_load %arg13[%get3A_307, %get3A_308] {strides = array<i32>} : memref<80x128xf32, #tpu.memory_space<vmem>>, vector<1x16xf32>,
      %get3A_310 = vector.shape_cast %get3A_309 : vector<1x16xf32> to vector<16xf32>
      %get3A_311 = arith.index_cast %add3A_192 : i32 to index
      %get3A_312 = arith.constant 32 : index
      %get3A_313 = tpu.vector_load %arg15[%get3A_311, %get3A_312] {strides = array<i32>} : memref<80x128xf32, #tpu.memory_space<vmem>>, vector<1x16xf32>,
      %get3A_314 = vector.shape_cast %get3A_313 : vector<1x16xf32> to vector<16xf32>
      %add3A_315 = arith.addf %get3A_310, %get3A_314 : vector<16xf32>
      %add3A_316 = arith.addf %add3A_315, %bitcast_convert_type3A_296 : vector<16xf32>
      %swap3A_317 = arith.index_cast %mul3A_190 : i32 to index
      %swap3A_318 = arith.constant 32 : index
      %swap3A_319 = tpu.vector_load %arg13[%swap3A_317, %swap3A_318] {strides = array<i32>} : memref<80x128xf32, #tpu.memory_space<vmem>>, vector<1x16xf32>,
      %swap3A_320 = vector.shape_cast %swap3A_319 : vector<1x16xf32> to vector<16xf32>
      %swap3A_321 = vector.shape_cast %add3A_306 : vector<16xf32> to vector<1x16xf32>
      tpu.vector_store %arg13[%swap3A_317, %swap3A_318], %swap3A_321 {strides = array<i32>} : memref<80x128xf32, #tpu.memory_space<vmem>>, vector<1x16xf32>,
      %swap3A_322 = arith.index_cast %add3A_192 : i32 to index
      %swap3A_323 = arith.constant 32 : index
      %swap3A_324 = tpu.vector_load %arg13[%swap3A_322, %swap3A_323] {strides = array<i32>} : memref<80x128xf32, #tpu.memory_space<vmem>>, vector<1x16xf32>,
      %swap3A_325 = vector.shape_cast %swap3A_324 : vector<1x16xf32> to vector<16xf32>
      %swap3A_326 = vector.shape_cast %add3A_316 : vector<16xf32> to vector<1x16xf32>
      tpu.vector_store %arg13[%swap3A_322, %swap3A_323], %swap3A_326 {strides = array<i32>} : memref<80x128xf32, #tpu.memory_space<vmem>>, vector<1x16xf32>,
      %add3A_327 = arith.addf %add3A_306, %add3A_316 : vector<16xf32>
      %add3A_328 = arith.addf %scan3A_175, %add3A_327 : vector<16xf32>
      %mul3A_329 = arith.mulf %add3A_306, %add3A_306 : vector<16xf32>
      %mul3A_330 = arith.mulf %add3A_316, %add3A_316 : vector<16xf32>
      %add3A_331 = arith.addf %mul3A_329, %mul3A_330 : vector<16xf32>
      %add3A_332 = arith.addf %scan3A_183, %add3A_331 : vector<16xf32>
      %get3A_333 = arith.index_cast %scan3A_172 : i32 to index
      %get3A_334 = arith.constant 48 : index
      %get3A_335 = tpu.vector_load %arg17[%get3A_333, %get3A_334] {strides = array<i32>} : memref<40x128xi32, #tpu.memory_space<vmem>>, vector<1x16xi32>,
      %get3A_336 = vector.shape_cast %get3A_335 : vector<1x16xi32> to vector<16xi32>
      %shift_left3A_337 = arith.constant 16 : i32
      %shift_left3A_338 = vector.broadcast %shift_left3A_337 : i32 to vector<16xi32>
      %shift_left3A_339 = arith.shli %get3A_336, %shift_left3A_338 : vector<16xi32>
      %bitcast_convert_type3A_340 = tpu.bitcast %shift_left3A_339 : vector<16xi32> -> vector<16xf32>
      %and3A_341 = arith.constant -65536 : i32
      %and3A_342 = vector.broadcast %and3A_341 : i32 to vector<16xi32>
      %and3A_343 = arith.andi %get3A_336, %and3A_342 : vector<16xi32>
      %bitcast_convert_type3A_344 = tpu.bitcast %and3A_343 : vector<16xi32> -> vector<16xf32>
      %get3A_345 = arith.index_cast %mul3A_190 : i32 to index
      %get3A_346 = arith.constant 48 : index
      %get3A_347 = tpu.vector_load %arg13[%get3A_345, %get3A_346] {strides = array<i32>} : memref<80x128xf32, #tpu.memory_space<vmem>>, vector<1x16xf32>,
      %get3A_348 = vector.shape_cast %get3A_347 : vector<1x16xf32> to vector<16xf32>
      %get3A_349 = arith.index_cast %mul3A_190 : i32 to index
      %get3A_350 = arith.constant 48 : index
      %get3A_351 = tpu.vector_load %arg15[%get3A_349, %get3A_350] {strides = array<i32>} : memref<80x128xf32, #tpu.memory_space<vmem>>, vector<1x16xf32>,
      %get3A_352 = vector.shape_cast %get3A_351 : vector<1x16xf32> to vector<16xf32>
      %add3A_353 = arith.addf %get3A_348, %get3A_352 : vector<16xf32>
      %add3A_354 = arith.addf %add3A_353, %bitcast_convert_type3A_340 : vector<16xf32>
      %get3A_355 = arith.index_cast %add3A_192 : i32 to index
      %get3A_356 = arith.constant 48 : index
      %get3A_357 = tpu.vector_load %arg13[%get3A_355, %get3A_356] {strides = array<i32>} : memref<80x128xf32, #tpu.memory_space<vmem>>, vector<1x16xf32>,
      %get3A_358 = vector.shape_cast %get3A_357 : vector<1x16xf32> to vector<16xf32>
      %get3A_359 = arith.index_cast %add3A_192 : i32 to index
      %get3A_360 = arith.constant 48 : index
      %get3A_361 = tpu.vector_load %arg15[%get3A_359, %get3A_360] {strides = array<i32>} : memref<80x128xf32, #tpu.memory_space<vmem>>, vector<1x16xf32>,
      %get3A_362 = vector.shape_cast %get3A_361 : vector<1x16xf32> to vector<16xf32>
      %add3A_363 = arith.addf %get3A_358, %get3A_362 : vector<16xf32>
      %add3A_364 = arith.addf %add3A_363, %bitcast_convert_type3A_344 : vector<16xf32>
      %swap3A_365 = arith.index_cast %mul3A_190 : i32 to index
      %swap3A_366 = arith.constant 48 : index
      %swap3A_367 = tpu.vector_load %arg13[%swap3A_365, %swap3A_366] {strides = array<i32>} : memref<80x128xf32, #tpu.memory_space<vmem>>, vector<1x16xf32>,
      %swap3A_368 = vector.shape_cast %swap3A_367 : vector<1x16xf32> to vector<16xf32>
      %swap3A_369 = vector.shape_cast %add3A_354 : vector<16xf32> to vector<1x16xf32>
      tpu.vector_store %arg13[%swap3A_365, %swap3A_366], %swap3A_369 {strides = array<i32>} : memref<80x128xf32, #tpu.memory_space<vmem>>, vector<1x16xf32>,
      %swap3A_370 = arith.index_cast %add3A_192 : i32 to index
      %swap3A_371 = arith.constant 48 : index
      %swap3A_372 = tpu.vector_load %arg13[%swap3A_370, %swap3A_371] {strides = array<i32>} : memref<80x128xf32, #tpu.memory_space<vmem>>, vector<1x16xf32>,
      %swap3A_373 = vector.shape_cast %swap3A_372 : vector<1x16xf32> to vector<16xf32>
      %swap3A_374 = vector.shape_cast %add3A_364 : vector<16xf32> to vector<1x16xf32>
      tpu.vector_store %arg13[%swap3A_370, %swap3A_371], %swap3A_374 {strides = array<i32>} : memref<80x128xf32, #tpu.memory_space<vmem>>, vector<1x16xf32>,
      %add3A_375 = arith.addf %add3A_354, %add3A_364 : vector<16xf32>
      %add3A_376 = arith.addf %scan3A_176, %add3A_375 : vector<16xf32>
      %mul3A_377 = arith.mulf %add3A_354, %add3A_354 : vector<16xf32>
      %mul3A_378 = arith.mulf %add3A_364, %add3A_364 : vector<16xf32>
      %add3A_379 = arith.addf %mul3A_377, %mul3A_378 : vector<16xf32>
      %add3A_380 = arith.addf %scan3A_184, %add3A_379 : vector<16xf32>
      %get3A_381 = arith.index_cast %scan3A_172 : i32 to index
      %get3A_382 = arith.constant 64 : index
      %get3A_383 = tpu.vector_load %arg17[%get3A_381, %get3A_382] {strides = array<i32>} : memref<40x128xi32, #tpu.memory_space<vmem>>, vector<1x16xi32>,
      %get3A_384 = vector.shape_cast %get3A_383 : vector<1x16xi32> to vector<16xi32>
      %shift_left3A_385 = arith.constant 16 : i32
      %shift_left3A_386 = vector.broadcast %shift_left3A_385 : i32 to vector<16xi32>
      %shift_left3A_387 = arith.shli %get3A_384, %shift_left3A_386 : vector<16xi32>
      %bitcast_convert_type3A_388 = tpu.bitcast %shift_left3A_387 : vector<16xi32> -> vector<16xf32>
      %and3A_389 = arith.constant -65536 : i32
      %and3A_390 = vector.broadcast %and3A_389 : i32 to vector<16xi32>
      %and3A_391 = arith.andi %get3A_384, %and3A_390 : vector<16xi32>
      %bitcast_convert_type3A_392 = tpu.bitcast %and3A_391 : vector<16xi32> -> vector<16xf32>
      %get3A_393 = arith.index_cast %mul3A_190 : i32 to index
      %get3A_394 = arith.constant 64 : index
      %get3A_395 = tpu.vector_load %arg13[%get3A_393, %get3A_394] {strides = array<i32>} : memref<80x128xf32, #tpu.memory_space<vmem>>, vector<1x16xf32>,
      %get3A_396 = vector.shape_cast %get3A_395 : vector<1x16xf32> to vector<16xf32>
      %get3A_397 = arith.index_cast %mul3A_190 : i32 to index
      %get3A_398 = arith.constant 64 : index
      %get3A_399 = tpu.vector_load %arg15[%get3A_397, %get3A_398] {strides = array<i32>} : memref<80x128xf32, #tpu.memory_space<vmem>>, vector<1x16xf32>,
      %get3A_400 = vector.shape_cast %get3A_399 : vector<1x16xf32> to vector<16xf32>
      %add3A_401 = arith.addf %get3A_396, %get3A_400 : vector<16xf32>
      %add3A_402 = arith.addf %add3A_401, %bitcast_convert_type3A_388 : vector<16xf32>
      %get3A_403 = arith.index_cast %add3A_192 : i32 to index
      %get3A_404 = arith.constant 64 : index
      %get3A_405 = tpu.vector_load %arg13[%get3A_403, %get3A_404] {strides = array<i32>} : memref<80x128xf32, #tpu.memory_space<vmem>>, vector<1x16xf32>,
      %get3A_406 = vector.shape_cast %get3A_405 : vector<1x16xf32> to vector<16xf32>
      %get3A_407 = arith.index_cast %add3A_192 : i32 to index
      %get3A_408 = arith.constant 64 : index
      %get3A_409 = tpu.vector_load %arg15[%get3A_407, %get3A_408] {strides = array<i32>} : memref<80x128xf32, #tpu.memory_space<vmem>>, vector<1x16xf32>,
      %get3A_410 = vector.shape_cast %get3A_409 : vector<1x16xf32> to vector<16xf32>
      %add3A_411 = arith.addf %get3A_406, %get3A_410 : vector<16xf32>
      %add3A_412 = arith.addf %add3A_411, %bitcast_convert_type3A_392 : vector<16xf32>
      %swap3A_413 = arith.index_cast %mul3A_190 : i32 to index
      %swap3A_414 = arith.constant 64 : index
      %swap3A_415 = tpu.vector_load %arg13[%swap3A_413, %swap3A_414] {strides = array<i32>} : memref<80x128xf32, #tpu.memory_space<vmem>>, vector<1x16xf32>,
      %swap3A_416 = vector.shape_cast %swap3A_415 : vector<1x16xf32> to vector<16xf32>
      %swap3A_417 = vector.shape_cast %add3A_402 : vector<16xf32> to vector<1x16xf32>
      tpu.vector_store %arg13[%swap3A_413, %swap3A_414], %swap3A_417 {strides = array<i32>} : memref<80x128xf32, #tpu.memory_space<vmem>>, vector<1x16xf32>,
      %swap3A_418 = arith.index_cast %add3A_192 : i32 to index
      %swap3A_419 = arith.constant 64 : index
      %swap3A_420 = tpu.vector_load %arg13[%swap3A_418, %swap3A_419] {strides = array<i32>} : memref<80x128xf32, #tpu.memory_space<vmem>>, vector<1x16xf32>,
      %swap3A_421 = vector.shape_cast %swap3A_420 : vector<1x16xf32> to vector<16xf32>
      %swap3A_422 = vector.shape_cast %add3A_412 : vector<16xf32> to vector<1x16xf32>
      tpu.vector_store %arg13[%swap3A_418, %swap3A_419], %swap3A_422 {strides = array<i32>} : memref<80x128xf32, #tpu.memory_space<vmem>>, vector<1x16xf32>,
      %add3A_423 = arith.addf %add3A_402, %add3A_412 : vector<16xf32>
      %add3A_424 = arith.addf %scan3A_177, %add3A_423 : vector<16xf32>
      %mul3A_425 = arith.mulf %add3A_402, %add3A_402 : vector<16xf32>
      %mul3A_426 = arith.mulf %add3A_412, %add3A_412 : vector<16xf32>
      %add3A_427 = arith.addf %mul3A_425, %mul3A_426 : vector<16xf32>
      %add3A_428 = arith.addf %scan3A_185, %add3A_427 : vector<16xf32>
      %get3A_429 = arith.index_cast %scan3A_172 : i32 to index
      %get3A_430 = arith.constant 80 : index
      %get3A_431 = tpu.vector_load %arg17[%get3A_429, %get3A_430] {strides = array<i32>} : memref<40x128xi32, #tpu.memory_space<vmem>>, vector<1x16xi32>,
      %get3A_432 = vector.shape_cast %get3A_431 : vector<1x16xi32> to vector<16xi32>
      %shift_left3A_433 = arith.constant 16 : i32
      %shift_left3A_434 = vector.broadcast %shift_left3A_433 : i32 to vector<16xi32>
      %shift_left3A_435 = arith.shli %get3A_432, %shift_left3A_434 : vector<16xi32>
      %bitcast_convert_type3A_436 = tpu.bitcast %shift_left3A_435 : vector<16xi32> -> vector<16xf32>
      %and3A_437 = arith.constant -65536 : i32
      %and3A_438 = vector.broadcast %and3A_437 : i32 to vector<16xi32>
      %and3A_439 = arith.andi %get3A_432, %and3A_438 : vector<16xi32>
      %bitcast_convert_type3A_440 = tpu.bitcast %and3A_439 : vector<16xi32> -> vector<16xf32>
      %get3A_441 = arith.index_cast %mul3A_190 : i32 to index
      %get3A_442 = arith.constant 80 : index
      %get3A_443 = tpu.vector_load %arg13[%get3A_441, %get3A_442] {strides = array<i32>} : memref<80x128xf32, #tpu.memory_space<vmem>>, vector<1x16xf32>,
      %get3A_444 = vector.shape_cast %get3A_443 : vector<1x16xf32> to vector<16xf32>
      %get3A_445 = arith.index_cast %mul3A_190 : i32 to index
      %get3A_446 = arith.constant 80 : index
      %get3A_447 = tpu.vector_load %arg15[%get3A_445, %get3A_446] {strides = array<i32>} : memref<80x128xf32, #tpu.memory_space<vmem>>, vector<1x16xf32>,
      %get3A_448 = vector.shape_cast %get3A_447 : vector<1x16xf32> to vector<16xf32>
      %add3A_449 = arith.addf %get3A_444, %get3A_448 : vector<16xf32>
      %add3A_450 = arith.addf %add3A_449, %bitcast_convert_type3A_436 : vector<16xf32>
      %get3A_451 = arith.index_cast %add3A_192 : i32 to index
      %get3A_452 = arith.constant 80 : index
      %get3A_453 = tpu.vector_load %arg13[%get3A_451, %get3A_452] {strides = array<i32>} : memref<80x128xf32, #tpu.memory_space<vmem>>, vector<1x16xf32>,
      %get3A_454 = vector.shape_cast %get3A_453 : vector<1x16xf32> to vector<16xf32>
      %get3A_455 = arith.index_cast %add3A_192 : i32 to index
      %get3A_456 = arith.constant 80 : index
      %get3A_457 = tpu.vector_load %arg15[%get3A_455, %get3A_456] {strides = array<i32>} : memref<80x128xf32, #tpu.memory_space<vmem>>, vector<1x16xf32>,
      %get3A_458 = vector.shape_cast %get3A_457 : vector<1x16xf32> to vector<16xf32>
      %add3A_459 = arith.addf %get3A_454, %get3A_458 : vector<16xf32>
      %add3A_460 = arith.addf %add3A_459, %bitcast_convert_type3A_440 : vector<16xf32>
      %swap3A_461 = arith.index_cast %mul3A_190 : i32 to index
      %swap3A_462 = arith.constant 80 : index
      %swap3A_463 = tpu.vector_load %arg13[%swap3A_461, %swap3A_462] {strides = array<i32>} : memref<80x128xf32, #tpu.memory_space<vmem>>, vector<1x16xf32>,
      %swap3A_464 = vector.shape_cast %swap3A_463 : vector<1x16xf32> to vector<16xf32>
      %swap3A_465 = vector.shape_cast %add3A_450 : vector<16xf32> to vector<1x16xf32>
      tpu.vector_store %arg13[%swap3A_461, %swap3A_462], %swap3A_465 {strides = array<i32>} : memref<80x128xf32, #tpu.memory_space<vmem>>, vector<1x16xf32>,
      %swap3A_466 = arith.index_cast %add3A_192 : i32 to index
      %swap3A_467 = arith.constant 80 : index
      %swap3A_468 = tpu.vector_load %arg13[%swap3A_466, %swap3A_467] {strides = array<i32>} : memref<80x128xf32, #tpu.memory_space<vmem>>, vector<1x16xf32>,
      %swap3A_469 = vector.shape_cast %swap3A_468 : vector<1x16xf32> to vector<16xf32>
      %swap3A_470 = vector.shape_cast %add3A_460 : vector<16xf32> to vector<1x16xf32>
      tpu.vector_store %arg13[%swap3A_466, %swap3A_467], %swap3A_470 {strides = array<i32>} : memref<80x128xf32, #tpu.memory_space<vmem>>, vector<1x16xf32>,
      %add3A_471 = arith.addf %add3A_450, %add3A_460 : vector<16xf32>
      %add3A_472 = arith.addf %scan3A_178, %add3A_471 : vector<16xf32>
      %mul3A_473 = arith.mulf %add3A_450, %add3A_450 : vector<16xf32>
      %mul3A_474 = arith.mulf %add3A_460, %add3A_460 : vector<16xf32>
      %add3A_475 = arith.addf %mul3A_473, %mul3A_474 : vector<16xf32>
      %add3A_476 = arith.addf %scan3A_186, %add3A_475 : vector<16xf32>
      %get3A_477 = arith.index_cast %scan3A_172 : i32 to index
      %get3A_478 = arith.constant 96 : index
      %get3A_479 = tpu.vector_load %arg17[%get3A_477, %get3A_478] {strides = array<i32>} : memref<40x128xi32, #tpu.memory_space<vmem>>, vector<1x16xi32>,
      %get3A_480 = vector.shape_cast %get3A_479 : vector<1x16xi32> to vector<16xi32>
      %shift_left3A_481 = arith.constant 16 : i32
      %shift_left3A_482 = vector.broadcast %shift_left3A_481 : i32 to vector<16xi32>
      %shift_left3A_483 = arith.shli %get3A_480, %shift_left3A_482 : vector<16xi32>
      %bitcast_convert_type3A_484 = tpu.bitcast %shift_left3A_483 : vector<16xi32> -> vector<16xf32>
      %and3A_485 = arith.constant -65536 : i32
      %and3A_486 = vector.broadcast %and3A_485 : i32 to vector<16xi32>
      %and3A_487 = arith.andi %get3A_480, %and3A_486 : vector<16xi32>
      %bitcast_convert_type3A_488 = tpu.bitcast %and3A_487 : vector<16xi32> -> vector<16xf32>
      %get3A_489 = arith.index_cast %mul3A_190 : i32 to index
      %get3A_490 = arith.constant 96 : index
      %get3A_491 = tpu.vector_load %arg13[%get3A_489, %get3A_490] {strides = array<i32>} : memref<80x128xf32, #tpu.memory_space<vmem>>, vector<1x16xf32>,
      %get3A_492 = vector.shape_cast %get3A_491 : vector<1x16xf32> to vector<16xf32>
      %get3A_493 = arith.index_cast %mul3A_190 : i32 to index
      %get3A_494 = arith.constant 96 : index
      %get3A_495 = tpu.vector_load %arg15[%get3A_493, %get3A_494] {strides = array<i32>} : memref<80x128xf32, #tpu.memory_space<vmem>>, vector<1x16xf32>,
      %get3A_496 = vector.shape_cast %get3A_495 : vector<1x16xf32> to vector<16xf32>
      %add3A_497 = arith.addf %get3A_492, %get3A_496 : vector<16xf32>
      %add3A_498 = arith.addf %add3A_497, %bitcast_convert_type3A_484 : vector<16xf32>
      %get3A_499 = arith.index_cast %add3A_192 : i32 to index
      %get3A_500 = arith.constant 96 : index
      %get3A_501 = tpu.vector_load %arg13[%get3A_499, %get3A_500] {strides = array<i32>} : memref<80x128xf32, #tpu.memory_space<vmem>>, vector<1x16xf32>,
      %get3A_502 = vector.shape_cast %get3A_501 : vector<1x16xf32> to vector<16xf32>
      %get3A_503 = arith.index_cast %add3A_192 : i32 to index
      %get3A_504 = arith.constant 96 : index
      %get3A_505 = tpu.vector_load %arg15[%get3A_503, %get3A_504] {strides = array<i32>} : memref<80x128xf32, #tpu.memory_space<vmem>>, vector<1x16xf32>,
      %get3A_506 = vector.shape_cast %get3A_505 : vector<1x16xf32> to vector<16xf32>
      %add3A_507 = arith.addf %get3A_502, %get3A_506 : vector<16xf32>
      %add3A_508 = arith.addf %add3A_507, %bitcast_convert_type3A_488 : vector<16xf32>
      %swap3A_509 = arith.index_cast %mul3A_190 : i32 to index
      %swap3A_510 = arith.constant 96 : index
      %swap3A_511 = tpu.vector_load %arg13[%swap3A_509, %swap3A_510] {strides = array<i32>} : memref<80x128xf32, #tpu.memory_space<vmem>>, vector<1x16xf32>,
      %swap3A_512 = vector.shape_cast %swap3A_511 : vector<1x16xf32> to vector<16xf32>
      %swap3A_513 = vector.shape_cast %add3A_498 : vector<16xf32> to vector<1x16xf32>
      tpu.vector_store %arg13[%swap3A_509, %swap3A_510], %swap3A_513 {strides = array<i32>} : memref<80x128xf32, #tpu.memory_space<vmem>>, vector<1x16xf32>,
      %swap3A_514 = arith.index_cast %add3A_192 : i32 to index
      %swap3A_515 = arith.constant 96 : index
      %swap3A_516 = tpu.vector_load %arg13[%swap3A_514, %swap3A_515] {strides = array<i32>} : memref<80x128xf32, #tpu.memory_space<vmem>>, vector<1x16xf32>,
      %swap3A_517 = vector.shape_cast %swap3A_516 : vector<1x16xf32> to vector<16xf32>
      %swap3A_518 = vector.shape_cast %add3A_508 : vector<16xf32> to vector<1x16xf32>
      tpu.vector_store %arg13[%swap3A_514, %swap3A_515], %swap3A_518 {strides = array<i32>} : memref<80x128xf32, #tpu.memory_space<vmem>>, vector<1x16xf32>,
      %add3A_519 = arith.addf %add3A_498, %add3A_508 : vector<16xf32>
      %add3A_520 = arith.addf %scan3A_179, %add3A_519 : vector<16xf32>
      %mul3A_521 = arith.mulf %add3A_498, %add3A_498 : vector<16xf32>
      %mul3A_522 = arith.mulf %add3A_508, %add3A_508 : vector<16xf32>
      %add3A_523 = arith.addf %mul3A_521, %mul3A_522 : vector<16xf32>
      %add3A_524 = arith.addf %scan3A_187, %add3A_523 : vector<16xf32>
      %get3A_525 = arith.index_cast %scan3A_172 : i32 to index
      %get3A_526 = arith.constant 112 : index
      %get3A_527 = tpu.vector_load %arg17[%get3A_525, %get3A_526] {strides = array<i32>} : memref<40x128xi32, #tpu.memory_space<vmem>>, vector<1x16xi32>,
      %get3A_528 = vector.shape_cast %get3A_527 : vector<1x16xi32> to vector<16xi32>
      %shift_left3A_529 = arith.constant 16 : i32
      %shift_left3A_530 = vector.broadcast %shift_left3A_529 : i32 to vector<16xi32>
      %shift_left3A_531 = arith.shli %get3A_528, %shift_left3A_530 : vector<16xi32>
      %bitcast_convert_type3A_532 = tpu.bitcast %shift_left3A_531 : vector<16xi32> -> vector<16xf32>
      %and3A_533 = arith.constant -65536 : i32
      %and3A_534 = vector.broadcast %and3A_533 : i32 to vector<16xi32>
      %and3A_535 = arith.andi %get3A_528, %and3A_534 : vector<16xi32>
      %bitcast_convert_type3A_536 = tpu.bitcast %and3A_535 : vector<16xi32> -> vector<16xf32>
      %get3A_537 = arith.index_cast %mul3A_190 : i32 to index
      %get3A_538 = arith.constant 112 : index
      %get3A_539 = tpu.vector_load %arg13[%get3A_537, %get3A_538] {strides = array<i32>} : memref<80x128xf32, #tpu.memory_space<vmem>>, vector<1x16xf32>,
      %get3A_540 = vector.shape_cast %get3A_539 : vector<1x16xf32> to vector<16xf32>
      %get3A_541 = arith.index_cast %mul3A_190 : i32 to index
      %get3A_542 = arith.constant 112 : index
      %get3A_543 = tpu.vector_load %arg15[%get3A_541, %get3A_542] {strides = array<i32>} : memref<80x128xf32, #tpu.memory_space<vmem>>, vector<1x16xf32>,
      %get3A_544 = vector.shape_cast %get3A_543 : vector<1x16xf32> to vector<16xf32>
      %add3A_545 = arith.addf %get3A_540, %get3A_544 : vector<16xf32>
      %add3A_546 = arith.addf %add3A_545, %bitcast_convert_type3A_532 : vector<16xf32>
      %get3A_547 = arith.index_cast %add3A_192 : i32 to index
      %get3A_548 = arith.constant 112 : index
      %get3A_549 = tpu.vector_load %arg13[%get3A_547, %get3A_548] {strides = array<i32>} : memref<80x128xf32, #tpu.memory_space<vmem>>, vector<1x16xf32>,
      %get3A_550 = vector.shape_cast %get3A_549 : vector<1x16xf32> to vector<16xf32>
      %get3A_551 = arith.index_cast %add3A_192 : i32 to index
      %get3A_552 = arith.constant 112 : index
      %get3A_553 = tpu.vector_load %arg15[%get3A_551, %get3A_552] {strides = array<i32>} : memref<80x128xf32, #tpu.memory_space<vmem>>, vector<1x16xf32>,
      %get3A_554 = vector.shape_cast %get3A_553 : vector<1x16xf32> to vector<16xf32>
      %add3A_555 = arith.addf %get3A_550, %get3A_554 : vector<16xf32>
      %add3A_556 = arith.addf %add3A_555, %bitcast_convert_type3A_536 : vector<16xf32>
      %swap3A_557 = arith.index_cast %mul3A_190 : i32 to index
      %swap3A_558 = arith.constant 112 : index
      %swap3A_559 = tpu.vector_load %arg13[%swap3A_557, %swap3A_558] {strides = array<i32>} : memref<80x128xf32, #tpu.memory_space<vmem>>, vector<1x16xf32>,
      %swap3A_560 = vector.shape_cast %swap3A_559 : vector<1x16xf32> to vector<16xf32>
      %swap3A_561 = vector.shape_cast %add3A_546 : vector<16xf32> to vector<1x16xf32>
      tpu.vector_store %arg13[%swap3A_557, %swap3A_558], %swap3A_561 {strides = array<i32>} : memref<80x128xf32, #tpu.memory_space<vmem>>, vector<1x16xf32>,
      %swap3A_562 = arith.index_cast %add3A_192 : i32 to index
      %swap3A_563 = arith.constant 112 : index
      %swap3A_564 = tpu.vector_load %arg13[%swap3A_562, %swap3A_563] {strides = array<i32>} : memref<80x128xf32, #tpu.memory_space<vmem>>, vector<1x16xf32>,
      %swap3A_565 = vector.shape_cast %swap3A_564 : vector<1x16xf32> to vector<16xf32>
      %swap3A_566 = vector.shape_cast %add3A_556 : vector<16xf32> to vector<1x16xf32>
      tpu.vector_store %arg13[%swap3A_562, %swap3A_563], %swap3A_566 {strides = array<i32>} : memref<80x128xf32, #tpu.memory_space<vmem>>, vector<1x16xf32>,
      %add3A_567 = arith.addf %add3A_546, %add3A_556 : vector<16xf32>
      %add3A_568 = arith.addf %scan3A_180, %add3A_567 : vector<16xf32>
      %mul3A_569 = arith.mulf %add3A_546, %add3A_546 : vector<16xf32>
      %mul3A_570 = arith.mulf %add3A_556, %add3A_556 : vector<16xf32>
      %add3A_571 = arith.addf %mul3A_569, %mul3A_570 : vector<16xf32>
      %add3A_572 = arith.addf %scan3A_188, %add3A_571 : vector<16xf32>
      scf.yield %add3A_232, %add3A_280, %add3A_328, %add3A_376, %add3A_424, %add3A_472, %add3A_520, %add3A_568, %add3A_236, %add3A_284, %add3A_332, %add3A_380, %add3A_428, %add3A_476, %add3A_524, %add3A_572 : vector<16xf32>, vector<16xf32>, vector<16xf32>, vector<16xf32>, vector<16xf32>, vector<16xf32>, vector<16xf32>, vector<16xf32>, vector<16xf32>, vector<16xf32>, vector<16xf32>, vector<16xf32>, vector<16xf32>, vector<16xf32>, vector<16xf32>, vector<16xf32>
    }
    %scan3A_58 = arith.constant 40 : i32
    %add3A_59 = arith.constant 9920 : i32
    %add3A_60 = arith.addi %mul3A_2, %add3A_59 : i32
    %dma_start3A_61 = arith.constant 0 : i32
    %dma_start3A_62 = tpu.memref_slice %arg7[%add3A_60, %dma_start3A_61] : memref<320000x128xf32, #tpu.memory_space<hbm>> -> memref<80x128xf32, #tpu.memory_space<hbm>>
    %dma_start3A_63 = arith.constant 0 : i32
    %dma_start3A_64 = tpu.memref_slice %arg7[%add3A_60, %dma_start3A_63] : memref<320000x128xf32, #tpu.memory_space<hbm>> -> memref<80x128xf32, #tpu.memory_space<hbm>>
    tpu.enqueue_dma source(%arg13 : memref<80x128xf32, #tpu.memory_space<vmem>>) target(%dma_start3A_64 : memref<80x128xf32, #tpu.memory_space<hbm>>) target_semaphore(%arg24 : memref<!tpu.dma_semaphore, #tpu.memory_space<semaphore_mem>>)
    %add3A_65 = arith.constant 9840 : i32
    %add3A_66 = arith.addi %mul3A_2, %add3A_65 : i32
    %dma_wait3A_67 = arith.constant 0 : i32
    %dma_wait3A_68 = tpu.memref_slice %arg7[%add3A_66, %dma_wait3A_67] : memref<320000x128xf32, #tpu.memory_space<hbm>> -> memref<80x128xf32, #tpu.memory_space<hbm>>
    %dma_wait3A_69 = arith.constant 0 : i32
    %dma_wait3A_70 = tpu.memref_slice %arg7[%add3A_66, %dma_wait3A_69] : memref<320000x128xf32, #tpu.memory_space<hbm>> -> memref<80x128xf32, #tpu.memory_space<hbm>>
    tpu.wait_dma2 semaphore(%arg25 : memref<!tpu.dma_semaphore, #tpu.memory_space<semaphore_mem>>) src(%arg14 : memref<80x128xf32, #tpu.memory_space<vmem>>) dst(%dma_wait3A_70 : memref<80x128xf32, #tpu.memory_space<hbm>>)
    %add3A_71 = arith.constant 9920 : i32
    %add3A_72 = arith.addi %mul3A_2, %add3A_71 : i32
    %dma_wait3A_73 = arith.constant 0 : i32
    %dma_wait3A_74 = tpu.memref_slice %arg7[%add3A_72, %dma_wait3A_73] : memref<320000x128xf32, #tpu.memory_space<hbm>> -> memref<80x128xf32, #tpu.memory_space<hbm>>
    %dma_wait3A_75 = arith.constant 0 : i32
    %dma_wait3A_76 = tpu.memref_slice %arg7[%add3A_72, %dma_wait3A_75] : memref<320000x128xf32, #tpu.memory_space<hbm>> -> memref<80x128xf32, #tpu.memory_space<hbm>>
    tpu.wait_dma2 semaphore(%arg24 : memref<!tpu.dma_semaphore, #tpu.memory_space<semaphore_mem>>) src(%arg13 : memref<80x128xf32, #tpu.memory_space<vmem>>) dst(%dma_wait3A_76 : memref<80x128xf32, #tpu.memory_space<hbm>>)
    %swap3A = arith.constant 0 : i32
    %swap3A_77 = arith.index_cast %swap3A : i32 to index
    %swap3A_78 = arith.constant 0 : index
    %swap3A_79 = tpu.vector_load %arg19[%swap3A_77, %swap3A_78] {strides = array<i32>} : memref<2x128xf32, #tpu.memory_space<vmem>>, vector<1x16xf32>,
    %swap3A_80 = vector.shape_cast %swap3A_79 : vector<1x16xf32> to vector<16xf32>
    %swap3A_81 = vector.shape_cast %scan3A_57#0 : vector<16xf32> to vector<1x16xf32>
    tpu.vector_store %arg19[%swap3A_77, %swap3A_78], %swap3A_81 {strides = array<i32>} : memref<2x128xf32, #tpu.memory_space<vmem>>, vector<1x16xf32>,
    %swap3A_82 = arith.constant 1 : i32
    %swap3A_83 = arith.index_cast %swap3A_82 : i32 to index
    %swap3A_84 = arith.constant 0 : index
    %swap3A_85 = tpu.vector_load %arg19[%swap3A_83, %swap3A_84] {strides = array<i32>} : memref<2x128xf32, #tpu.memory_space<vmem>>, vector<1x16xf32>,
    %swap3A_86 = vector.shape_cast %swap3A_85 : vector<1x16xf32> to vector<16xf32>
    %swap3A_87 = vector.shape_cast %scan3A_57#8 : vector<16xf32> to vector<1x16xf32>
    tpu.vector_store %arg19[%swap3A_83, %swap3A_84], %swap3A_87 {strides = array<i32>} : memref<2x128xf32, #tpu.memory_space<vmem>>, vector<1x16xf32>,
    %swap3A_88 = arith.constant 0 : i32
    %swap3A_89 = arith.index_cast %swap3A_88 : i32 to index
    %swap3A_90 = arith.constant 16 : index
    %swap3A_91 = tpu.vector_load %arg19[%swap3A_89, %swap3A_90] {strides = array<i32>} : memref<2x128xf32, #tpu.memory_space<vmem>>, vector<1x16xf32>,
    %swap3A_92 = vector.shape_cast %swap3A_91 : vector<1x16xf32> to vector<16xf32>
    %swap3A_93 = vector.shape_cast %scan3A_57#1 : vector<16xf32> to vector<1x16xf32>
    tpu.vector_store %arg19[%swap3A_89, %swap3A_90], %swap3A_93 {strides = array<i32>} : memref<2x128xf32, #tpu.memory_space<vmem>>, vector<1x16xf32>,
    %swap3A_94 = arith.constant 1 : i32
    %swap3A_95 = arith.index_cast %swap3A_94 : i32 to index
    %swap3A_96 = arith.constant 16 : index
    %swap3A_97 = tpu.vector_load %arg19[%swap3A_95, %swap3A_96] {strides = array<i32>} : memref<2x128xf32, #tpu.memory_space<vmem>>, vector<1x16xf32>,
    %swap3A_98 = vector.shape_cast %swap3A_97 : vector<1x16xf32> to vector<16xf32>
    %swap3A_99 = vector.shape_cast %scan3A_57#9 : vector<16xf32> to vector<1x16xf32>
    tpu.vector_store %arg19[%swap3A_95, %swap3A_96], %swap3A_99 {strides = array<i32>} : memref<2x128xf32, #tpu.memory_space<vmem>>, vector<1x16xf32>,
    %swap3A_100 = arith.constant 0 : i32
    %swap3A_101 = arith.index_cast %swap3A_100 : i32 to index
    %swap3A_102 = arith.constant 32 : index
    %swap3A_103 = tpu.vector_load %arg19[%swap3A_101, %swap3A_102] {strides = array<i32>} : memref<2x128xf32, #tpu.memory_space<vmem>>, vector<1x16xf32>,
    %swap3A_104 = vector.shape_cast %swap3A_103 : vector<1x16xf32> to vector<16xf32>
    %swap3A_105 = vector.shape_cast %scan3A_57#2 : vector<16xf32> to vector<1x16xf32>
    tpu.vector_store %arg19[%swap3A_101, %swap3A_102], %swap3A_105 {strides = array<i32>} : memref<2x128xf32, #tpu.memory_space<vmem>>, vector<1x16xf32>,
    %swap3A_106 = arith.constant 1 : i32
    %swap3A_107 = arith.index_cast %swap3A_106 : i32 to index
    %swap3A_108 = arith.constant 32 : index
    %swap3A_109 = tpu.vector_load %arg19[%swap3A_107, %swap3A_108] {strides = array<i32>} : memref<2x128xf32, #tpu.memory_space<vmem>>, vector<1x16xf32>,
    %swap3A_110 = vector.shape_cast %swap3A_109 : vector<1x16xf32> to vector<16xf32>
    %swap3A_111 = vector.shape_cast %scan3A_57#10 : vector<16xf32> to vector<1x16xf32>
    tpu.vector_store %arg19[%swap3A_107, %swap3A_108], %swap3A_111 {strides = array<i32>} : memref<2x128xf32, #tpu.memory_space<vmem>>, vector<1x16xf32>,
    %swap3A_112 = arith.constant 0 : i32
    %swap3A_113 = arith.index_cast %swap3A_112 : i32 to index
    %swap3A_114 = arith.constant 48 : index
    %swap3A_115 = tpu.vector_load %arg19[%swap3A_113, %swap3A_114] {strides = array<i32>} : memref<2x128xf32, #tpu.memory_space<vmem>>, vector<1x16xf32>,
    %swap3A_116 = vector.shape_cast %swap3A_115 : vector<1x16xf32> to vector<16xf32>
    %swap3A_117 = vector.shape_cast %scan3A_57#3 : vector<16xf32> to vector<1x16xf32>
    tpu.vector_store %arg19[%swap3A_113, %swap3A_114], %swap3A_117 {strides = array<i32>} : memref<2x128xf32, #tpu.memory_space<vmem>>, vector<1x16xf32>,
    %swap3A_118 = arith.constant 1 : i32
    %swap3A_119 = arith.index_cast %swap3A_118 : i32 to index
    %swap3A_120 = arith.constant 48 : index
    %swap3A_121 = tpu.vector_load %arg19[%swap3A_119, %swap3A_120] {strides = array<i32>} : memref<2x128xf32, #tpu.memory_space<vmem>>, vector<1x16xf32>,
    %swap3A_122 = vector.shape_cast %swap3A_121 : vector<1x16xf32> to vector<16xf32>
    %swap3A_123 = vector.shape_cast %scan3A_57#11 : vector<16xf32> to vector<1x16xf32>
    tpu.vector_store %arg19[%swap3A_119, %swap3A_120], %swap3A_123 {strides = array<i32>} : memref<2x128xf32, #tpu.memory_space<vmem>>, vector<1x16xf32>,
    %swap3A_124 = arith.constant 0 : i32
    %swap3A_125 = arith.index_cast %swap3A_124 : i32 to index
    %swap3A_126 = arith.constant 64 : index
    %swap3A_127 = tpu.vector_load %arg19[%swap3A_125, %swap3A_126] {strides = array<i32>} : memref<2x128xf32, #tpu.memory_space<vmem>>, vector<1x16xf32>,
    %swap3A_128 = vector.shape_cast %swap3A_127 : vector<1x16xf32> to vector<16xf32>
    %swap3A_129 = vector.shape_cast %scan3A_57#4 : vector<16xf32> to vector<1x16xf32>
    tpu.vector_store %arg19[%swap3A_125, %swap3A_126], %swap3A_129 {strides = array<i32>} : memref<2x128xf32, #tpu.memory_space<vmem>>, vector<1x16xf32>,
    %swap3A_130 = arith.constant 1 : i32
    %swap3A_131 = arith.index_cast %swap3A_130 : i32 to index
    %swap3A_132 = arith.constant 64 : index
    %swap3A_133 = tpu.vector_load %arg19[%swap3A_131, %swap3A_132] {strides = array<i32>} : memref<2x128xf32, #tpu.memory_space<vmem>>, vector<1x16xf32>,
    %swap3A_134 = vector.shape_cast %swap3A_133 : vector<1x16xf32> to vector<16xf32>
    %swap3A_135 = vector.shape_cast %scan3A_57#12 : vector<16xf32> to vector<1x16xf32>
    tpu.vector_store %arg19[%swap3A_131, %swap3A_132], %swap3A_135 {strides = array<i32>} : memref<2x128xf32, #tpu.memory_space<vmem>>, vector<1x16xf32>,
    %swap3A_136 = arith.constant 0 : i32
    %swap3A_137 = arith.index_cast %swap3A_136 : i32 to index
    %swap3A_138 = arith.constant 80 : index
    %swap3A_139 = tpu.vector_load %arg19[%swap3A_137, %swap3A_138] {strides = array<i32>} : memref<2x128xf32, #tpu.memory_space<vmem>>, vector<1x16xf32>,
    %swap3A_140 = vector.shape_cast %swap3A_139 : vector<1x16xf32> to vector<16xf32>
    %swap3A_141 = vector.shape_cast %scan3A_57#5 : vector<16xf32> to vector<1x16xf32>
    tpu.vector_store %arg19[%swap3A_137, %swap3A_138], %swap3A_141 {strides = array<i32>} : memref<2x128xf32, #tpu.memory_space<vmem>>, vector<1x16xf32>,
    %swap3A_142 = arith.constant 1 : i32
    %swap3A_143 = arith.index_cast %swap3A_142 : i32 to index
    %swap3A_144 = arith.constant 80 : index
    %swap3A_145 = tpu.vector_load %arg19[%swap3A_143, %swap3A_144] {strides = array<i32>} : memref<2x128xf32, #tpu.memory_space<vmem>>, vector<1x16xf32>,
    %swap3A_146 = vector.shape_cast %swap3A_145 : vector<1x16xf32> to vector<16xf32>
    %swap3A_147 = vector.shape_cast %scan3A_57#13 : vector<16xf32> to vector<1x16xf32>
    tpu.vector_store %arg19[%swap3A_143, %swap3A_144], %swap3A_147 {strides = array<i32>} : memref<2x128xf32, #tpu.memory_space<vmem>>, vector<1x16xf32>,
    %swap3A_148 = arith.constant 0 : i32
    %swap3A_149 = arith.index_cast %swap3A_148 : i32 to index
    %swap3A_150 = arith.constant 96 : index
    %swap3A_151 = tpu.vector_load %arg19[%swap3A_149, %swap3A_150] {strides = array<i32>} : memref<2x128xf32, #tpu.memory_space<vmem>>, vector<1x16xf32>,
    %swap3A_152 = vector.shape_cast %swap3A_151 : vector<1x16xf32> to vector<16xf32>
    %swap3A_153 = vector.shape_cast %scan3A_57#6 : vector<16xf32> to vector<1x16xf32>
    tpu.vector_store %arg19[%swap3A_149, %swap3A_150], %swap3A_153 {strides = array<i32>} : memref<2x128xf32, #tpu.memory_space<vmem>>, vector<1x16xf32>,
    %swap3A_154 = arith.constant 1 : i32
    %swap3A_155 = arith.index_cast %swap3A_154 : i32 to index
    %swap3A_156 = arith.constant 96 : index
    %swap3A_157 = tpu.vector_load %arg19[%swap3A_155, %swap3A_156] {strides = array<i32>} : memref<2x128xf32, #tpu.memory_space<vmem>>, vector<1x16xf32>,
    %swap3A_158 = vector.shape_cast %swap3A_157 : vector<1x16xf32> to vector<16xf32>
    %swap3A_159 = vector.shape_cast %scan3A_57#14 : vector<16xf32> to vector<1x16xf32>
    tpu.vector_store %arg19[%swap3A_155, %swap3A_156], %swap3A_159 {strides = array<i32>} : memref<2x128xf32, #tpu.memory_space<vmem>>, vector<1x16xf32>,
    %swap3A_160 = arith.constant 0 : i32
    %swap3A_161 = arith.index_cast %swap3A_160 : i32 to index
    %swap3A_162 = arith.constant 112 : index
    %swap3A_163 = tpu.vector_load %arg19[%swap3A_161, %swap3A_162] {strides = array<i32>} : memref<2x128xf32, #tpu.memory_space<vmem>>, vector<1x16xf32>,
    %swap3A_164 = vector.shape_cast %swap3A_163 : vector<1x16xf32> to vector<16xf32>
    %swap3A_165 = vector.shape_cast %scan3A_57#7 : vector<16xf32> to vector<1x16xf32>
    tpu.vector_store %arg19[%swap3A_161, %swap3A_162], %swap3A_165 {strides = array<i32>} : memref<2x128xf32, #tpu.memory_space<vmem>>, vector<1x16xf32>,
    %swap3A_166 = arith.constant 1 : i32
    %swap3A_167 = arith.index_cast %swap3A_166 : i32 to index
    %swap3A_168 = arith.constant 112 : index
    %swap3A_169 = tpu.vector_load %arg19[%swap3A_167, %swap3A_168] {strides = array<i32>} : memref<2x128xf32, #tpu.memory_space<vmem>>, vector<1x16xf32>,
    %swap3A_170 = vector.shape_cast %swap3A_169 : vector<1x16xf32> to vector<16xf32>
    %swap3A_171 = vector.shape_cast %scan3A_57#15 : vector<16xf32> to vector<1x16xf32>
    tpu.vector_store %arg19[%swap3A_167, %swap3A_168], %swap3A_171 {strides = array<i32>} : memref<2x128xf32, #tpu.memory_space<vmem>>, vector<1x16xf32>,
    "tpu.region"() ({
      %run_scoped3A = tpu.sem_alloc : memref<!tpu.dma_semaphore, #tpu.memory_space<semaphore_mem>>
      %dma_start3A_172 = arith.constant 0 : i32
      %dma_start3A_173 = arith.constant 0 : i32
      %dma_start3A_174 = tpu.memref_slice %arg8[%add3A, %dma_start3A_172, %dma_start3A_173] : memref<32x2x128xf32, #tpu.memory_space<hbm>> -> memref<1x2x128xf32, #tpu.memory_space<hbm>>
      %dma_start3A_175 = tpu.memref_squeeze %dma_start3A_174 : memref<1x2x128xf32, #tpu.memory_space<hbm>> -> memref<2x128xf32, #tpu.memory_space<hbm>>
      %dma_start3A_176 = arith.constant 0 : i32
      %dma_start3A_177 = arith.constant 0 : i32
      %dma_start3A_178 = tpu.memref_slice %arg8[%add3A, %dma_start3A_176, %dma_start3A_177] : memref<32x2x128xf32, #tpu.memory_space<hbm>> -> memref<1x2x128xf32, #tpu.memory_space<hbm>>
      %dma_start3A_179 = tpu.memref_squeeze %dma_start3A_178 : memref<1x2x128xf32, #tpu.memory_space<hbm>> -> memref<2x128xf32, #tpu.memory_space<hbm>>
      tpu.enqueue_dma source(%arg19 : memref<2x128xf32, #tpu.memory_space<vmem>>) target(%dma_start3A_179 : memref<2x128xf32, #tpu.memory_space<hbm>>) target_semaphore(%run_scoped3A : memref<!tpu.dma_semaphore, #tpu.memory_space<semaphore_mem>>)
      %dma_wait3A_180 = arith.constant 0 : i32
      %dma_wait3A_181 = arith.constant 0 : i32
      %dma_wait3A_182 = tpu.memref_slice %arg8[%add3A, %dma_wait3A_180, %dma_wait3A_181] : memref<32x2x128xf32, #tpu.memory_space<hbm>> -> memref<1x2x128xf32, #tpu.memory_space<hbm>>
      %dma_wait3A_183 = tpu.memref_squeeze %dma_wait3A_182 : memref<1x2x128xf32, #tpu.memory_space<hbm>> -> memref<2x128xf32, #tpu.memory_space<hbm>>
      %dma_wait3A_184 = arith.constant 0 : i32
      %dma_wait3A_185 = arith.constant 0 : i32
      %dma_wait3A_186 = tpu.memref_slice %arg8[%add3A, %dma_wait3A_184, %dma_wait3A_185] : memref<32x2x128xf32, #tpu.memory_space<hbm>> -> memref<1x2x128xf32, #tpu.memory_space<hbm>>
      %dma_wait3A_187 = tpu.memref_squeeze %dma_wait3A_186 : memref<1x2x128xf32, #tpu.memory_space<hbm>> -> memref<2x128xf32, #tpu.memory_space<hbm>>
      tpu.wait_dma2 semaphore(%run_scoped3A : memref<!tpu.dma_semaphore, #tpu.memory_space<semaphore_mem>>) src(%arg19 : memref<2x128xf32, #tpu.memory_space<vmem>>) dst(%dma_wait3A_187 : memref<2x128xf32, #tpu.memory_space<hbm>>)
      tpu.yield
    }) : () -> ()
    return
  }
}

module attributes {stable_mosaic.version = 14 : i64} {
  func.func @_node_mm_body(%arg0: i32, %arg1: memref<2000x128xf32, #tpu.memory_space<vmem>>, %arg2: memref<128x128xf32, #tpu.memory_space<vmem>>, %arg3: memref<128x128xf32, #tpu.memory_space<vmem>>, %arg4: memref<2000x128xf32, #tpu.memory_space<vmem>>, %arg5: memref<2000x128xf32, #tpu.memory_space<vmem>>) attributes {dimension_semantics = [#tpu.dimension_semantics<arbitrary>], iteration_bounds = array<i64: 5>, scalar_prefetch = 0 : i64, scratch_operands = 0 : i64, tpu.core_type = #tpu.core_type<tc>, window_params = [{transform_indices = @transform_0, window_bounds = array<i64: 2000, 128>}, {pipeline_mode = #tpu.pipeline_mode<synchronous>, transform_indices = @transform_1, window_bounds = array<i64: 128, 128>}, {pipeline_mode = #tpu.pipeline_mode<synchronous>, transform_indices = @transform_2, window_bounds = array<i64: 128, 128>}, {transform_indices = @transform_3, window_bounds = array<i64: 2000, 128>}, {transform_indices = @transform_4, window_bounds = array<i64: 2000, 128>}]} {
    %get3A = arith.constant 0 : index
    %get3A_0 = arith.constant 0 : index
    %get3A_1 = vector.load %arg1[%get3A, %get3A_0] : memref<2000x128xf32, #tpu.memory_space<vmem>>, vector<2000x128xf32>
    %get3A_2 = arith.constant 0 : index
    %get3A_3 = arith.constant 0 : index
    %get3A_4 = vector.load %arg2[%get3A_2, %get3A_3] : memref<128x128xf32, #tpu.memory_space<vmem>>, vector<128x128xf32>
    %dot_general3A = arith.constant dense<0.000000e+00> : vector<2000x128xf32>
    %dot_general3A_5 = tpu.matmul %get3A_1, %get3A_4, %dot_general3A {dimension_numbers = #tpu.dot_dimension_numbers<[1], [0], [0], [1], [0, 0, 1, 1], [], []>, precision = #tpu.contract_precision<fp32>, transpose_lhs_hint = false} : vector<2000x128xf32>, vector<128x128xf32>, vector<2000x128xf32> -> vector<2000x128xf32>
    %swap3A = arith.constant 0 : index
    %swap3A_6 = arith.constant 0 : index
    %swap3A_7 = vector.load %arg4[%swap3A, %swap3A_6] : memref<2000x128xf32, #tpu.memory_space<vmem>>, vector<2000x128xf32>
    tpu.vector_store %arg4[%swap3A, %swap3A_6], %dot_general3A_5 {strides = array<i32>} : memref<2000x128xf32, #tpu.memory_space<vmem>>, vector<2000x128xf32>,
    %get3A_8 = arith.constant 0 : index
    %get3A_9 = arith.constant 0 : index
    %get3A_10 = vector.load %arg3[%get3A_8, %get3A_9] : memref<128x128xf32, #tpu.memory_space<vmem>>, vector<128x128xf32>
    %dot_general3A_11 = arith.constant dense<0.000000e+00> : vector<2000x128xf32>
    %dot_general3A_12 = tpu.matmul %get3A_1, %get3A_10, %dot_general3A_11 {dimension_numbers = #tpu.dot_dimension_numbers<[1], [0], [0], [1], [0, 0, 1, 1], [], []>, precision = #tpu.contract_precision<fp32>, transpose_lhs_hint = false} : vector<2000x128xf32>, vector<128x128xf32>, vector<2000x128xf32> -> vector<2000x128xf32>
    %swap3A_13 = arith.constant 0 : index
    %swap3A_14 = arith.constant 0 : index
    %swap3A_15 = vector.load %arg5[%swap3A_13, %swap3A_14] : memref<2000x128xf32, #tpu.memory_space<vmem>>, vector<2000x128xf32>
    tpu.vector_store %arg5[%swap3A_13, %swap3A_14], %dot_general3A_12 {strides = array<i32>} : memref<2000x128xf32, #tpu.memory_space<vmem>>, vector<2000x128xf32>,
    return
  }
  func.func @transform_0(%arg0: i32) -> (i32, i32) {
    %c0_i32 = arith.constant 0 : i32
    %c0_i32_0 = arith.constant 0 : i32
    return %arg0, %c0_i32 : i32, i32
  }
  func.func @transform_1(%arg0: i32) -> (i32, i32) {
    %c0_i32 = arith.constant 0 : i32
    %c0_i32_0 = arith.constant 0 : i32
    %c0_i32_1 = arith.constant 0 : i32
    return %c0_i32, %c0_i32_0 : i32, i32
  }
  func.func @transform_2(%arg0: i32) -> (i32, i32) {
    %c0_i32 = arith.constant 0 : i32
    %c0_i32_0 = arith.constant 0 : i32
    %c0_i32_1 = arith.constant 0 : i32
    return %c0_i32, %c0_i32_0 : i32, i32
  }
  func.func @transform_3(%arg0: i32) -> (i32, i32) {
    %c0_i32 = arith.constant 0 : i32
    %c0_i32_0 = arith.constant 0 : i32
    return %arg0, %c0_i32 : i32, i32
  }
  func.func @transform_4(%arg0: i32) -> (i32, i32) {
    %c0_i32 = arith.constant 0 : i32
    %c0_i32_0 = arith.constant 0 : i32
    return %arg0, %c0_i32 : i32, i32
  }
}

module attributes {stable_mosaic.version = 14 : i64} {
  func.func @_edge_mm_body(%arg0: i32, %arg1: memref<6400x128xf32, #tpu.memory_space<vmem>>, %arg2: memref<16x6400xf32, #tpu.memory_space<vmem>>, %arg3: memref<128x128xf32, #tpu.memory_space<vmem>>, %arg4: memref<16x128xf32, #tpu.memory_space<vmem>>, %arg5: memref<3200x128xi32, #tpu.memory_space<vmem>>) attributes {dimension_semantics = [#tpu.dimension_semantics<arbitrary>], iteration_bounds = array<i64: 50>, scalar_prefetch = 0 : i64, scratch_operands = 0 : i64, tpu.core_type = #tpu.core_type<tc>, window_params = [{transform_indices = @transform_0, window_bounds = array<i64: 6400, 128>}, {transform_indices = @transform_1, window_bounds = array<i64: 16, 6400>}, {pipeline_mode = #tpu.pipeline_mode<synchronous>, transform_indices = @transform_2, window_bounds = array<i64: 128, 128>}, {pipeline_mode = #tpu.pipeline_mode<synchronous>, transform_indices = @transform_3, window_bounds = array<i64: 16, 128>}, {transform_indices = @transform_4, window_bounds = array<i64: 3200, 128>}]} {
    %get3A = arith.constant 0 : index
    %get3A_0 = arith.constant 0 : index
    %get3A_1 = vector.load %arg2[%get3A, %get3A_0] : memref<16x6400xf32, #tpu.memory_space<vmem>>, vector<16x6400xf32>
    %get3A_2 = arith.constant 0 : index
    %get3A_3 = arith.constant 0 : index
    %get3A_4 = vector.load %arg4[%get3A_2, %get3A_3] : memref<16x128xf32, #tpu.memory_space<vmem>>, vector<16x128xf32>
    %dot_general3A = arith.constant dense<0.000000e+00> : vector<6400x128xf32>
    %dot_general3A_5 = tpu.matmul %get3A_1, %get3A_4, %dot_general3A {dimension_numbers = #tpu.dot_dimension_numbers<[0], [0], [1], [1], [0, 1, 1, 1], [], []>, transpose_lhs_hint = false} : vector<16x6400xf32>, vector<16x128xf32>, vector<6400x128xf32> -> vector<6400x128xf32>
    %get3A_6 = arith.constant 0 : index
    %get3A_7 = arith.constant 0 : index
    %get3A_8 = vector.load %arg1[%get3A_6, %get3A_7] : memref<6400x128xf32, #tpu.memory_space<vmem>>, vector<6400x128xf32>
    %get3A_9 = arith.constant 0 : index
    %get3A_10 = arith.constant 0 : index
    %get3A_11 = vector.load %arg3[%get3A_9, %get3A_10] : memref<128x128xf32, #tpu.memory_space<vmem>>, vector<128x128xf32>
    %dot_general3A_12 = arith.constant dense<0.000000e+00> : vector<6400x128xf32>
    %dot_general3A_13 = tpu.matmul %get3A_8, %get3A_11, %dot_general3A_12 {dimension_numbers = #tpu.dot_dimension_numbers<[1], [0], [0], [1], [0, 0, 1, 1], [], []>, transpose_lhs_hint = false} : vector<6400x128xf32>, vector<128x128xf32>, vector<6400x128xf32> -> vector<6400x128xf32>
    %add3A = arith.addf %dot_general3A_13, %dot_general3A_5 : vector<6400x128xf32>
    %reshape3A = vector.shape_cast %add3A : vector<6400x128xf32> to vector<3200x2x128xf32>
    %slice3A = vector.extract_strided_slice %reshape3A {offsets = [0, 0, 0], sizes = [3200, 1, 128], strides = [1, 1, 1]} : vector<3200x2x128xf32> to vector<3200x1x128xf32>
    %squeeze3A = vector.shape_cast %slice3A : vector<3200x1x128xf32> to vector<3200x128xf32>
    %convert_element_type3A = arith.truncf %squeeze3A : vector<3200x128xf32> to vector<3200x128xbf16>
    %bitcast_convert_type3A = tpu.bitcast %convert_element_type3A : vector<3200x128xbf16> -> vector<3200x128xi16>
    %slice3A_14 = vector.extract_strided_slice %reshape3A {offsets = [0, 1, 0], sizes = [3200, 1, 128], strides = [1, 1, 1]} : vector<3200x2x128xf32> to vector<3200x1x128xf32>
    %squeeze3A_15 = vector.shape_cast %slice3A_14 : vector<3200x1x128xf32> to vector<3200x128xf32>
    %convert_element_type3A_16 = arith.truncf %squeeze3A_15 : vector<3200x128xf32> to vector<3200x128xbf16>
    %bitcast_convert_type3A_17 = tpu.bitcast %convert_element_type3A_16 : vector<3200x128xbf16> -> vector<3200x128xi16>
    %convert_element_type3A_18 = arith.extui %bitcast_convert_type3A : vector<3200x128xi16> to vector<3200x128xi32>
    %convert_element_type3A_19 = arith.extui %bitcast_convert_type3A_17 : vector<3200x128xi16> to vector<3200x128xi32>
    %shift_left3A = arith.constant 16 : i32
    %shift_left3A_20 = vector.broadcast %shift_left3A : i32 to vector<3200x128xi32>
    %shift_left3A_21 = arith.shli %convert_element_type3A_19, %shift_left3A_20 : vector<3200x128xi32>
    %or3A = arith.ori %convert_element_type3A_18, %shift_left3A_21 : vector<3200x128xi32>
    %swap3A = arith.constant 0 : index
    %swap3A_22 = arith.constant 0 : index
    %swap3A_23 = vector.load %arg5[%swap3A, %swap3A_22] : memref<3200x128xi32, #tpu.memory_space<vmem>>, vector<3200x128xi32>
    tpu.vector_store %arg5[%swap3A, %swap3A_22], %or3A {strides = array<i32>} : memref<3200x128xi32, #tpu.memory_space<vmem>>, vector<3200x128xi32>,
    return
  }
  func.func @transform_0(%arg0: i32) -> (i32, i32) {
    %c0_i32 = arith.constant 0 : i32
    %c0_i32_0 = arith.constant 0 : i32
    return %arg0, %c0_i32 : i32, i32
  }
  func.func @transform_1(%arg0: i32) -> (i32, i32) {
    %c0_i32 = arith.constant 0 : i32
    %c0_i32_0 = arith.constant 0 : i32
    return %c0_i32, %arg0 : i32, i32
  }
  func.func @transform_2(%arg0: i32) -> (i32, i32) {
    %c0_i32 = arith.constant 0 : i32
    %c0_i32_0 = arith.constant 0 : i32
    %c0_i32_1 = arith.constant 0 : i32
    return %c0_i32, %c0_i32_0 : i32, i32
  }
  func.func @transform_3(%arg0: i32) -> (i32, i32) {
    %c0_i32 = arith.constant 0 : i32
    %c0_i32_0 = arith.constant 0 : i32
    %c0_i32_1 = arith.constant 0 : i32
    return %c0_i32, %c0_i32_0 : i32, i32
  }
  func.func @transform_4(%arg0: i32) -> (i32, i32) {
    %c0_i32 = arith.constant 0 : i32
    %c0_i32_0 = arith.constant 0 : i32
    return %arg0, %c0_i32 : i32, i32
  }
}

module attributes {stable_mosaic.version = 14 : i64} {
  func.func @_mlp_a_body(%arg0: i32, %arg1: memref<2x2000x128xf32, #tpu.memory_space<vmem>>, %arg2: memref<128x256xf32, #tpu.memory_space<vmem>>, %arg3: memref<2000x256xf32, #tpu.memory_space<vmem>>, %arg4: memref<1x2x256xf32, #tpu.memory_space<vmem>>) attributes {dimension_semantics = [#tpu.dimension_semantics<arbitrary>], iteration_bounds = array<i64: 5>, scalar_prefetch = 0 : i64, scratch_operands = 0 : i64, tpu.core_type = #tpu.core_type<tc>, window_params = [{transform_indices = @transform_0, window_bounds = array<i64: 2, 2000, 128>}, {pipeline_mode = #tpu.pipeline_mode<synchronous>, transform_indices = @transform_1, window_bounds = array<i64: 128, 256>}, {transform_indices = @transform_2, window_bounds = array<i64: 2000, 256>}, {transform_indices = @transform_3, window_bounds = array<i64: 1, 2, 256>}]} {
    %get3A = arith.constant 0 : index
    %get3A_0 = arith.constant 0 : index
    %get3A_1 = arith.constant 0 : index
    %get3A_2 = vector.load %arg1[%get3A, %get3A_0, %get3A_1] : memref<2x2000x128xf32, #tpu.memory_space<vmem>>, vector<1x2000x128xf32>
    %get3A_3 = vector.shape_cast %get3A_2 : vector<1x2000x128xf32> to vector<2000x128xf32>
    %get3A_4 = arith.constant 1 : index
    %get3A_5 = arith.constant 0 : index
    %get3A_6 = arith.constant 0 : index
    %get3A_7 = vector.load %arg1[%get3A_4, %get3A_5, %get3A_6] : memref<2x2000x128xf32, #tpu.memory_space<vmem>>, vector<1x2000x128xf32>
    %get3A_8 = vector.shape_cast %get3A_7 : vector<1x2000x128xf32> to vector<2000x128xf32>
    %add3A = arith.addf %get3A_3, %get3A_8 : vector<2000x128xf32>
    %get3A_9 = arith.constant 0 : index
    %get3A_10 = arith.constant 0 : index
    %get3A_11 = vector.load %arg2[%get3A_9, %get3A_10] : memref<128x256xf32, #tpu.memory_space<vmem>>, vector<128x256xf32>
    %dot_general3A = arith.constant dense<0.000000e+00> : vector<2000x256xf32>
    %dot_general3A_12 = tpu.matmul %add3A, %get3A_11, %dot_general3A {dimension_numbers = #tpu.dot_dimension_numbers<[1], [0], [0], [1], [0, 0, 1, 1], [], []>, precision = #tpu.contract_precision<fp32>, transpose_lhs_hint = false} : vector<2000x128xf32>, vector<128x256xf32>, vector<2000x256xf32> -> vector<2000x256xf32>
    %swap3A = arith.constant 0 : index
    %swap3A_13 = arith.constant 0 : index
    %swap3A_14 = vector.load %arg3[%swap3A, %swap3A_13] : memref<2000x256xf32, #tpu.memory_space<vmem>>, vector<2000x256xf32>
    tpu.vector_store %arg3[%swap3A, %swap3A_13], %dot_general3A_12 {strides = array<i32>} : memref<2000x256xf32, #tpu.memory_space<vmem>>, vector<2000x256xf32>,
    %reduce_sum3A = arith.constant dense<0.000000e+00> : vector<256xf32>
    %reduce_sum3A_15 = vector.multi_reduction <add>, %dot_general3A_12, %reduce_sum3A [0] : vector<2000x256xf32> to vector<256xf32>
    %broadcast_in_dim3A = vector.shape_cast %reduce_sum3A_15 : vector<256xf32> to vector<1x256xf32>
    %mul3A = arith.mulf %dot_general3A_12, %dot_general3A_12 : vector<2000x256xf32>
    %reduce_sum3A_16 = arith.constant dense<0.000000e+00> : vector<256xf32>
    %reduce_sum3A_17 = vector.multi_reduction <add>, %mul3A, %reduce_sum3A_16 [0] : vector<2000x256xf32> to vector<256xf32>
    %broadcast_in_dim3A_18 = vector.shape_cast %reduce_sum3A_17 : vector<256xf32> to vector<1x256xf32>
    %concatenate3A = tpu.concatenate %broadcast_in_dim3A, %broadcast_in_dim3A_18 in 0 : vector<1x256xf32>, vector<1x256xf32> -> vector<2x256xf32>
    %swap3A_19 = arith.constant 0 : index
    %swap3A_20 = arith.constant 0 : index
    %swap3A_21 = arith.constant 0 : index
    %swap3A_22 = vector.load %arg4[%swap3A_19, %swap3A_20, %swap3A_21] : memref<1x2x256xf32, #tpu.memory_space<vmem>>, vector<1x2x256xf32>
    %swap3A_23 = vector.shape_cast %swap3A_22 : vector<1x2x256xf32> to vector<2x256xf32>
    %swap3A_24 = vector.shape_cast %concatenate3A : vector<2x256xf32> to vector<1x2x256xf32>
    tpu.vector_store %arg4[%swap3A_19, %swap3A_20, %swap3A_21], %swap3A_24 {strides = array<i32>} : memref<1x2x256xf32, #tpu.memory_space<vmem>>, vector<1x2x256xf32>,
    return
  }
  func.func @transform_0(%arg0: i32) -> (i32, i32, i32) {
    %c0_i32 = arith.constant 0 : i32
    %c0_i32_0 = arith.constant 0 : i32
    %c0_i32_1 = arith.constant 0 : i32
    return %c0_i32, %arg0, %c0_i32_0 : i32, i32, i32
  }
  func.func @transform_1(%arg0: i32) -> (i32, i32) {
    %c0_i32 = arith.constant 0 : i32
    %c0_i32_0 = arith.constant 0 : i32
    %c0_i32_1 = arith.constant 0 : i32
    return %c0_i32, %c0_i32_0 : i32, i32
  }
  func.func @transform_2(%arg0: i32) -> (i32, i32) {
    %c0_i32 = arith.constant 0 : i32
    %c0_i32_0 = arith.constant 0 : i32
    return %arg0, %c0_i32 : i32, i32
  }
  func.func @transform_3(%arg0: i32) -> (i32, i32, i32) {
    %c0_i32 = arith.constant 0 : i32
    %c0_i32_0 = arith.constant 0 : i32
    %c0_i32_1 = arith.constant 0 : i32
    return %arg0, %c0_i32, %c0_i32_0 : i32, i32, i32
  }
}

module attributes {stable_mosaic.version = 14 : i64} {
  func.func @_mlp_b_body(%arg0: i32, %arg1: memref<2000x256xf32, #tpu.memory_space<vmem>>, %arg2: memref<256xf32, #tpu.memory_space<vmem>>, %arg3: memref<256xf32, #tpu.memory_space<vmem>>, %arg4: memref<256x256xf32, #tpu.memory_space<vmem>>, %arg5: memref<2000x256xf32, #tpu.memory_space<vmem>>, %arg6: memref<1x2x256xf32, #tpu.memory_space<vmem>>) attributes {dimension_semantics = [#tpu.dimension_semantics<arbitrary>], iteration_bounds = array<i64: 5>, scalar_prefetch = 0 : i64, scratch_operands = 0 : i64, tpu.core_type = #tpu.core_type<tc>, window_params = [{transform_indices = @transform_0, window_bounds = array<i64: 2000, 256>}, {pipeline_mode = #tpu.pipeline_mode<synchronous>, transform_indices = @transform_1, window_bounds = array<i64: 256>}, {pipeline_mode = #tpu.pipeline_mode<synchronous>, transform_indices = @transform_2, window_bounds = array<i64: 256>}, {pipeline_mode = #tpu.pipeline_mode<synchronous>, transform_indices = @transform_3, window_bounds = array<i64: 256, 256>}, {transform_indices = @transform_4, window_bounds = array<i64: 2000, 256>}, {transform_indices = @transform_5, window_bounds = array<i64: 1, 2, 256>}]} {
    %get3A = arith.constant 0 : index
    %get3A_0 = arith.constant 0 : index
    %get3A_1 = vector.load %arg1[%get3A, %get3A_0] : memref<2000x256xf32, #tpu.memory_space<vmem>>, vector<2000x256xf32>
    %get3A_2 = arith.constant 0 : index
    %get3A_3 = vector.load %arg2[%get3A_2] : memref<256xf32, #tpu.memory_space<vmem>>, vector<256xf32>
    %broadcast_in_dim3A = vector.shape_cast %get3A_3 : vector<256xf32> to vector<1x256xf32>
    %mul3A = vector.broadcast %broadcast_in_dim3A : vector<1x256xf32> to vector<2000x256xf32>
    %mul3A_4 = arith.mulf %get3A_1, %mul3A : vector<2000x256xf32>
    %get3A_5 = arith.constant 0 : index
    %get3A_6 = vector.load %arg3[%get3A_5] : memref<256xf32, #tpu.memory_space<vmem>>, vector<256xf32>
    %broadcast_in_dim3A_7 = vector.shape_cast %get3A_6 : vector<256xf32> to vector<1x256xf32>
    %add3A = vector.broadcast %broadcast_in_dim3A_7 : vector<1x256xf32> to vector<2000x256xf32>
    %add3A_8 = arith.addf %mul3A_4, %add3A : vector<2000x256xf32>
    %max3A = arith.constant 0.000000e+00 : f32
    %max3A_9 = vector.broadcast %max3A : f32 to vector<2000x256xf32>
    %max3A_10 = arith.maximumf %add3A_8, %max3A_9 : vector<2000x256xf32>
    %get3A_11 = arith.constant 0 : index
    %get3A_12 = arith.constant 0 : index
    %get3A_13 = vector.load %arg4[%get3A_11, %get3A_12] : memref<256x256xf32, #tpu.memory_space<vmem>>, vector<256x256xf32>
    %dot_general3A = arith.constant dense<0.000000e+00> : vector<2000x256xf32>
    %dot_general3A_14 = tpu.matmul %max3A_10, %get3A_13, %dot_general3A {dimension_numbers = #tpu.dot_dimension_numbers<[1], [0], [0], [1], [0, 0, 1, 1], [], []>, precision = #tpu.contract_precision<fp32>, transpose_lhs_hint = false} : vector<2000x256xf32>, vector<256x256xf32>, vector<2000x256xf32> -> vector<2000x256xf32>
    %swap3A = arith.constant 0 : index
    %swap3A_15 = arith.constant 0 : index
    %swap3A_16 = vector.load %arg5[%swap3A, %swap3A_15] : memref<2000x256xf32, #tpu.memory_space<vmem>>, vector<2000x256xf32>
    tpu.vector_store %arg5[%swap3A, %swap3A_15], %dot_general3A_14 {strides = array<i32>} : memref<2000x256xf32, #tpu.memory_space<vmem>>, vector<2000x256xf32>,
    %reduce_sum3A = arith.constant dense<0.000000e+00> : vector<256xf32>
    %reduce_sum3A_17 = vector.multi_reduction <add>, %dot_general3A_14, %reduce_sum3A [0] : vector<2000x256xf32> to vector<256xf32>
    %broadcast_in_dim3A_18 = vector.shape_cast %reduce_sum3A_17 : vector<256xf32> to vector<1x256xf32>
    %mul3A_19 = arith.mulf %dot_general3A_14, %dot_general3A_14 : vector<2000x256xf32>
    %reduce_sum3A_20 = arith.constant dense<0.000000e+00> : vector<256xf32>
    %reduce_sum3A_21 = vector.multi_reduction <add>, %mul3A_19, %reduce_sum3A_20 [0] : vector<2000x256xf32> to vector<256xf32>
    %broadcast_in_dim3A_22 = vector.shape_cast %reduce_sum3A_21 : vector<256xf32> to vector<1x256xf32>
    %concatenate3A = tpu.concatenate %broadcast_in_dim3A_18, %broadcast_in_dim3A_22 in 0 : vector<1x256xf32>, vector<1x256xf32> -> vector<2x256xf32>
    %swap3A_23 = arith.constant 0 : index
    %swap3A_24 = arith.constant 0 : index
    %swap3A_25 = arith.constant 0 : index
    %swap3A_26 = vector.load %arg6[%swap3A_23, %swap3A_24, %swap3A_25] : memref<1x2x256xf32, #tpu.memory_space<vmem>>, vector<1x2x256xf32>
    %swap3A_27 = vector.shape_cast %swap3A_26 : vector<1x2x256xf32> to vector<2x256xf32>
    %swap3A_28 = vector.shape_cast %concatenate3A : vector<2x256xf32> to vector<1x2x256xf32>
    tpu.vector_store %arg6[%swap3A_23, %swap3A_24, %swap3A_25], %swap3A_28 {strides = array<i32>} : memref<1x2x256xf32, #tpu.memory_space<vmem>>, vector<1x2x256xf32>,
    return
  }
  func.func @transform_0(%arg0: i32) -> (i32, i32) {
    %c0_i32 = arith.constant 0 : i32
    %c0_i32_0 = arith.constant 0 : i32
    return %arg0, %c0_i32 : i32, i32
  }
  func.func @transform_1(%arg0: i32) -> i32 {
    %c0_i32 = arith.constant 0 : i32
    %c0_i32_0 = arith.constant 0 : i32
    return %c0_i32 : i32
  }
  func.func @transform_2(%arg0: i32) -> i32 {
    %c0_i32 = arith.constant 0 : i32
    %c0_i32_0 = arith.constant 0 : i32
    return %c0_i32 : i32
  }
  func.func @transform_3(%arg0: i32) -> (i32, i32) {
    %c0_i32 = arith.constant 0 : i32
    %c0_i32_0 = arith.constant 0 : i32
    %c0_i32_1 = arith.constant 0 : i32
    return %c0_i32, %c0_i32_0 : i32, i32
  }
  func.func @transform_4(%arg0: i32) -> (i32, i32) {
    %c0_i32 = arith.constant 0 : i32
    %c0_i32_0 = arith.constant 0 : i32
    return %arg0, %c0_i32 : i32, i32
  }
  func.func @transform_5(%arg0: i32) -> (i32, i32, i32) {
    %c0_i32 = arith.constant 0 : i32
    %c0_i32_0 = arith.constant 0 : i32
    %c0_i32_1 = arith.constant 0 : i32
    return %arg0, %c0_i32, %c0_i32_0 : i32, i32, i32
  }
}

module attributes {stable_mosaic.version = 14 : i64} {
  func.func @_mlp_c_body(%arg0: i32, %arg1: memref<2000x256xf32, #tpu.memory_space<vmem>>, %arg2: memref<256xf32, #tpu.memory_space<vmem>>, %arg3: memref<256xf32, #tpu.memory_space<vmem>>, %arg4: memref<256x128xf32, #tpu.memory_space<vmem>>, %arg5: memref<128xf32, #tpu.memory_space<vmem>>, %arg6: memref<2000x128xf32, #tpu.memory_space<vmem>>) attributes {dimension_semantics = [#tpu.dimension_semantics<arbitrary>], iteration_bounds = array<i64: 5>, scalar_prefetch = 0 : i64, scratch_operands = 0 : i64, tpu.core_type = #tpu.core_type<tc>, window_params = [{transform_indices = @transform_0, window_bounds = array<i64: 2000, 256>}, {pipeline_mode = #tpu.pipeline_mode<synchronous>, transform_indices = @transform_1, window_bounds = array<i64: 256>}, {pipeline_mode = #tpu.pipeline_mode<synchronous>, transform_indices = @transform_2, window_bounds = array<i64: 256>}, {pipeline_mode = #tpu.pipeline_mode<synchronous>, transform_indices = @transform_3, window_bounds = array<i64: 256, 128>}, {pipeline_mode = #tpu.pipeline_mode<synchronous>, transform_indices = @transform_4, window_bounds = array<i64: 128>}, {transform_indices = @transform_5, window_bounds = array<i64: 2000, 128>}]} {
    %get3A = arith.constant 0 : index
    %get3A_0 = arith.constant 0 : index
    %get3A_1 = vector.load %arg1[%get3A, %get3A_0] : memref<2000x256xf32, #tpu.memory_space<vmem>>, vector<2000x256xf32>
    %get3A_2 = arith.constant 0 : index
    %get3A_3 = vector.load %arg2[%get3A_2] : memref<256xf32, #tpu.memory_space<vmem>>, vector<256xf32>
    %broadcast_in_dim3A = vector.shape_cast %get3A_3 : vector<256xf32> to vector<1x256xf32>
    %mul3A = vector.broadcast %broadcast_in_dim3A : vector<1x256xf32> to vector<2000x256xf32>
    %mul3A_4 = arith.mulf %get3A_1, %mul3A : vector<2000x256xf32>
    %get3A_5 = arith.constant 0 : index
    %get3A_6 = vector.load %arg3[%get3A_5] : memref<256xf32, #tpu.memory_space<vmem>>, vector<256xf32>
    %broadcast_in_dim3A_7 = vector.shape_cast %get3A_6 : vector<256xf32> to vector<1x256xf32>
    %add3A = vector.broadcast %broadcast_in_dim3A_7 : vector<1x256xf32> to vector<2000x256xf32>
    %add3A_8 = arith.addf %mul3A_4, %add3A : vector<2000x256xf32>
    %max3A = arith.constant 0.000000e+00 : f32
    %max3A_9 = vector.broadcast %max3A : f32 to vector<2000x256xf32>
    %max3A_10 = arith.maximumf %add3A_8, %max3A_9 : vector<2000x256xf32>
    %get3A_11 = arith.constant 0 : index
    %get3A_12 = arith.constant 0 : index
    %get3A_13 = vector.load %arg4[%get3A_11, %get3A_12] : memref<256x128xf32, #tpu.memory_space<vmem>>, vector<256x128xf32>
    %dot_general3A = arith.constant dense<0.000000e+00> : vector<2000x128xf32>
    %dot_general3A_14 = tpu.matmul %max3A_10, %get3A_13, %dot_general3A {dimension_numbers = #tpu.dot_dimension_numbers<[1], [0], [0], [1], [0, 0, 1, 1], [], []>, precision = #tpu.contract_precision<fp32>, transpose_lhs_hint = false} : vector<2000x256xf32>, vector<256x128xf32>, vector<2000x128xf32> -> vector<2000x128xf32>
    %get3A_15 = arith.constant 0 : index
    %get3A_16 = vector.load %arg5[%get3A_15] : memref<128xf32, #tpu.memory_space<vmem>>, vector<128xf32>
    %broadcast_in_dim3A_17 = vector.shape_cast %get3A_16 : vector<128xf32> to vector<1x128xf32>
    %add3A_18 = vector.broadcast %broadcast_in_dim3A_17 : vector<1x128xf32> to vector<2000x128xf32>
    %add3A_19 = arith.addf %dot_general3A_14, %add3A_18 : vector<2000x128xf32>
    %swap3A = arith.constant 0 : index
    %swap3A_20 = arith.constant 0 : index
    %swap3A_21 = vector.load %arg6[%swap3A, %swap3A_20] : memref<2000x128xf32, #tpu.memory_space<vmem>>, vector<2000x128xf32>
    tpu.vector_store %arg6[%swap3A, %swap3A_20], %add3A_19 {strides = array<i32>} : memref<2000x128xf32, #tpu.memory_space<vmem>>, vector<2000x128xf32>,
    return
  }
  func.func @transform_0(%arg0: i32) -> (i32, i32) {
    %c0_i32 = arith.constant 0 : i32
    %c0_i32_0 = arith.constant 0 : i32
    return %arg0, %c0_i32 : i32, i32
  }
  func.func @transform_1(%arg0: i32) -> i32 {
    %c0_i32 = arith.constant 0 : i32
    %c0_i32_0 = arith.constant 0 : i32
    return %c0_i32 : i32
  }
  func.func @transform_2(%arg0: i32) -> i32 {
    %c0_i32 = arith.constant 0 : i32
    %c0_i32_0 = arith.constant 0 : i32
    return %c0_i32 : i32
  }
  func.func @transform_3(%arg0: i32) -> (i32, i32) {
    %c0_i32 = arith.constant 0 : i32
    %c0_i32_0 = arith.constant 0 : i32
    %c0_i32_1 = arith.constant 0 : i32
    return %c0_i32, %c0_i32_0 : i32, i32
  }
  func.func @transform_4(%arg0: i32) -> i32 {
    %c0_i32 = arith.constant 0 : i32
    %c0_i32_0 = arith.constant 0 : i32
    return %c0_i32 : i32
  }
  func.func @transform_5(%arg0: i32) -> (i32, i32) {
    %c0_i32 = arith.constant 0 : i32
    %c0_i32_0 = arith.constant 0 : i32
    return %arg0, %c0_i32 : i32, i32
  }
}

</mosaic_0001>

<sc_bundles>
// kernel: kernel.12.cloned.1.call-start
scs
__scs_entry_jumppad:
0x0: {  	(pc) =	sbr.rel $0x88, $3  }
0x1: {  	(tag) =	ssettag $0x0;
	lr =	simm.s32 $0x1  }
0x2: {  	[smem:$0x3F8F] =	sst lr;
	_ =	strace $0xD0000000  }
0x3: {  	_ = 	snop  }
0x4: {  	_ = 	snop  }
0x5: {  	_ = 	snop  }
0x6: {  	_ = 	snop  }
0x7: {  	_ = 	snop  }
__scs_overlays_trampoline_lowered:
0x8: {  	[smem:$0x3F9E] =	sst s0  }
0x9: {  	[smem:$0x3F9F] =	sst s1  }
0xa: {  	[smem:$0x3FA0] =	sst s2  }
0xb: {  	[smem:$0x3FA1] =	sst s3  }
0xc: {  	[smem:$0x3FA2] =	sst s4  }
0xd: {  	[smem:$0x3FA3] =	sst s5  }
0xe: {  	[smem:$0x3FA4] =	sst s6  }
0xf: {  	[smem:$0x3FA5] =	sst s7  }
0x10: {  	[smem:$0x3FA6] =	sst s8  }
0x11: {  	[smem:$0x3FA7] =	sst s9;
	s0 =	simm.s32 @!p0 $0x0  }
0x12: {  	s1 =	sld [smem:$0x3F8D];
	s0 =	simm.s32 @p0 $0x1  }
0x13: {  	[smem:$0x3FA8] =	sst s0;
	s0 =	simm.s32 @!p1 $0x0  }
0x14: {  	s2 =	sld [smem:$0x3F8C];
	s0 =	simm.s32 @p1 $0x1  }
0x15: {  	[smem:$0x3FA9] =	sst s0;
	s0 =	simm.s32 @!p2 $0x0  }
0x16: {  	s3 =	sld [smem:$0x3FDB];
	s0 =	simm.s32 @p2 $0x1  }
0x17: {  	s4 =	simm.s32 $0x1BF5;
	[smem:$0x3FAB] =	sst s0  }
0x18: {  	s0 =	sld [smem:$0x3F8E];
	_ =	swait.ge [sflag:s4], $0x0  }
0x19: {  	s7 =	sld [smem:$0x3F8F]  }
0x1a: {  	s8 =	sadd.s32 $0xFFFFE003, lr  }
0x1b: {  	s9 =	sadd.s32 $0xFFFFFEF7, lr;
	s5 =	simm.s32 $0xFFFFFFFF;
	p2 =	slt.u32 s8, $0xFFFFF086  }
0x1c: {  	p1 =	slt.u32 s9, $0xF7A;
	s5 =	simm.s32 @!p2 $0x0  }
0x1d: {  	s5 =	simm.s32 @p1 $0x1;
	p0 =	seq.s32 s7, s2  }
0x1e: {  	s7 =	smul.u32 @!p0 $0xF7A, s2;
	p2 =	seq.s32 @!p0 s5, $0x0  }
0x1f: {  	s9 =	smul.u32 $0xF7A, s1;
	s8 =	simm.s32 @!p0 $0x1BF5;
	p2 =	por !p2, p0  }
0x20: {  	[sflag:s8] =	ssyncset.s32 @!p0 $0xFFFFF086;
	s6 =	sadd.s32 @!p0 s3, s7;
	s7 =	simm.s32 @!p0 $0x108  }
0x21: {  	s3 =	sadd.s32 s3, s9;
	s6 =	sadd.s32 @!p0 $0x88, s6;
	s7 =	simm.s32 @p2 $0x1082  }
0x22: {  	[simem:s7], [sflag:s8] =	dma.local @!p0 [hbm:s6], $0xF7A  }
0x23: {  	s9 =	sor.u32 $0xD0000000, s2;
	s6 =	simm.s32 $0x108;
	_ =	swait.ge @!p0 [sflag:s8], $0x0  }
0x24: {  	s3 =	sadd.s32 $0x88, s3;
	s6 =	simm.s32 @!p1 $0x1082;
	[sflag:s4] =	ssyncset.s32 $0xFFFFF086  }
0x25: {  	[simem:s6], [sflag:s4] =	dma.local [hbm:s3], $0xF7A  }
0x26: {  	[smem:$0x3F8F] =	sst s1;
	(tag) =	ssettag s2;
	_ =	strace s9  }
0x27: {  	s1 =	sld [smem:$0x3F9F]  }
0x28: {  	s2 =	sld [smem:$0x3FA0]  }
0x29: {  	s4 =	sld [smem:$0x3FA2]  }
0x2a: {  	p0 =	seq.s32 s5, $0x0;
	s5 =	sld [smem:$0x3FA3]  }
0x2b: {  	s6 =	sld [smem:$0x3FA4]  }
0x2c: {  	s7 =	sld [smem:$0x3FA5]  }
0x2d: {  	s3 =	simm.s32 $0x108;
	s8 =	sld [smem:$0x3FA6]  }
0x2e: {  	s3 =	simm.s32 @!p0 $0x1082;
	s9 =	sld [smem:$0x3FA7]  }
0x2f: {  	lr =	sadd.s32 s0, s3;
	s0 =	sld [smem:$0x3F9E]  }
0x30: {  	s3 =	sld [smem:$0x3FA1]  }
0x31: {  	[smem:$0x3FAA] =	sst s10  }
0x32: {  	s10 =	sld [smem:$0x3FA8];
	_ =	sdelay $0x3  }
0x33: {  	p0 =	seq.s32 s10, $0x1;
	s10 =	sld [smem:$0x3FAA];
	_ =	sdelay $0x3  }
0x34: {  	[smem:$0x3FAA] =	sst s10  }
0x35: {  	s10 =	sld [smem:$0x3FA9];
	_ =	sdelay $0x3  }
0x36: {  	p1 =	seq.s32 s10, $0x1;
	s10 =	sld [smem:$0x3FAA];
	_ =	sdelay $0x3  }
0x37: {  	[smem:$0x3FAA] =	sst s10  }
0x38: {  	s10 =	sld [smem:$0x3FAB]  }
0x39: {  	_ = 	snop;
	(pc) =	sbr.ind lr, $3  }
0x3a: {  	_ = 	snop  }
0x3b: {  	_ = 	snop  }
0x3c: {  	p2 =	seq.s32 s10, $0x1;
	s10 =	sld [smem:$0x3FAA]  }
0x3d: {  	_ =	shalt  }
0x3e: {  	_ =	shalt  }
0x3f: {  	_ =	shalt  }
0x40: {  	_ =	shalt  }
0x41: {  	_ =	shalt  }
0x42: {  	_ =	shalt  }
0x43: {  	_ =	shalt  }
0x44: {  	_ =	shalt  }
0x45: {  	_ =	shalt  }
0x46: {  	_ =	shalt  }
0x47: {  	_ =	shalt  }
0x48: {  	_ =	shalt  }
0x49: {  	_ =	shalt  }
0x4a: {  	_ =	shalt  }
0x4b: {  	_ =	shalt  }
0x4c: {  	_ =	shalt  }
0x4d: {  	_ =	shalt  }
0x4e: {  	_ =	shalt  }
0x4f: {  	_ =	shalt  }
0x50: {  	_ =	shalt  }
0x51: {  	_ =	shalt  }
0x52: {  	_ =	shalt  }
0x53: {  	_ =	shalt  }
0x54: {  	_ =	shalt  }
0x55: {  	_ =	shalt  }
0x56: {  	_ =	shalt  }
0x57: {  	_ =	shalt  }
0x58: {  	_ =	shalt  }
0x59: {  	_ =	shalt  }
0x5a: {  	_ =	shalt  }
0x5b: {  	_ =	shalt  }
0x5c: {  	_ =	shalt  }
0x5d: {  	_ =	shalt  }
0x5e: {  	_ =	shalt  }
0x5f: {  	_ =	shalt  }
0x60: {  	_ =	shalt  }
0x61: {  	_ =	shalt  }
0x62: {  	_ =	shalt  }
0x63: {  	_ =	shalt  }
0x64: {  	_ =	shalt  }
0x65: {  	_ =	shalt  }
0x66: {  	_ =	shalt  }
0x67: {  	_ =	shalt  }
0x68: {  	_ =	shalt  }
0x69: {  	_ =	shalt  }
0x6a: {  	_ =	shalt  }
0x6b: {  	_ =	shalt  }
0x6c: {  	_ =	shalt  }
0x6d: {  	_ =	shalt  }
0x6e: {  	_ =	shalt  }
0x6f: {  	_ =	shalt  }
0x70: {  	_ =	shalt  }
0x71: {  	_ =	shalt  }
0x72: {  	_ =	shalt  }
0x73: {  	_ =	shalt  }
0x74: {  	_ =	shalt  }
0x75: {  	_ =	shalt  }
0x76: {  	_ =	shalt  }
0x77: {  	_ =	shalt  }
0x78: {  	_ =	shalt  }
0x79: {  	_ =	shalt  }
0x7a: {  	_ =	shalt  }
0x7b: {  	_ =	shalt  }
0x7c: {  	_ =	shalt  }
0x7d: {  	_ =	shalt  }
0x7e: {  	_ =	shalt  }
0x7f: {  	_ =	shalt  }
0x80: {  	_ =	shalt  }
0x81: {  	_ =	shalt  }
0x82: {  	_ =	shalt  }
0x83: {  	_ =	shalt  }
0x84: {  	_ =	shalt  }
0x85: {  	_ =	shalt  }
0x86: {  	_ =	shalt  }
0x87: {  	_ =	shalt  }
.Lfunc_end0:
.L_simem_size_0:
called_computation.1_lowered:
.L_overlay_start_0:
0x88: {  	s2 =	sld [smem:$0x3FD9]  }
0x89: {  	s3 =	sld [smem:$0x3FFE];
	_ =	sdelay $0x1  }
0x8a: {  	s1 =	srdreg.scid  }
0x8b: {  	s0 =	sand.u32 $0x1, s1  }
0x8c: {  	s17 =	sshll.u32 s0, $0xA;
	s2 =	sadd.s32 s3, s2  }
0x8d: {  	s2 =	sadd.s32 s2, s17  }
0x8e: {  	[smem:$0x3FB6] =	sst s2  }
0x8f: {  	_ = 	snop  }
0x90: {  	s2 =	sld [smem:$0x3FD0];
	(tm) =	ssettm $0x1  }
0x91: {  	s18 =	sld [smem:$0x3FFB];
	_ =	sdelay $0x3  }
0x92: {  	_ =	strace s18  }
0x93: {  	s3 =	sld [smem:$0x3FFC];
	_ =	sdelay $0x3  }
0x94: {  	_ =	strace s3  }
0x95: {  	s3 =	sld [smem:$0x3FFD];
	_ =	sdelay $0x3  }
0x96: {  	_ =	strace s3  }
0x97: {  	_ =	strace $0x8FFFFFFF  }
0x98: {  	s19 =	sld [smem:$0x3FDB];
	_ =	sdelay $0x1  }
0x99: {  	s4 =	simm.s32 $_scs_section_size  }
0x9a: {  	s5 =	simm.s32 $_size__tile_overlayer_lowered;
	s6 =	simm.s32 $_tile_overlayer_lowered  }
0x9b: {  	s22 =	simm.s32 $0x1BFF;
	s21 =	sshll.u32 s6, $0x1;
	s3 =	sadd.s32 s4, s19  }
0x9c: {  	s7 =	simm.s32 $0x0;
	s20 =	sshll.u32 s5, $0x1;
	s5 =	sadd.s32 s21, s3  }
0x9d: {  	[timem:s7], [sflag:s22] =	dma.local [hbm:s5], s20  }
0x9e: {  	_ =	swait.ge [sflag:s22], s20  }
0x9f: {  	s4 =	ssub.s32 $0x0, s20;
	[sflag:s22] =	ssyncset.done $0x0  }
0xa0: {  	[sflag:s22] =	ssyncadd.s32 s4;
	_ =	sdelay $0x1  }
0xa1: {  	s23 =	simm.s32 $0x1B8B  }
0xa2: {  	_ =	swait.ge [sflag:s23], $0x1  }
0xa3: {  	[sflag:s23] =	ssyncset.done $0x0  }
0xa4: {  	s25 =	simm.s32 $0x1B8E;
	s24 =	sld [smem:$0x3FFE];
	[sflag:s23] =	ssyncadd.s32 $0xFFFFFFFF  }
0xa5: {  	s26 =	simm.s32 $execute0_lowered;
	[smem:$0x3FD2] =	sst s25  }
0xa6: {  	s5 =	sshll.u32 s26, $0x1;
	_ =	strace $0x80000049;
	[dreg:$0x1] =	wrdreg $0xFFFFFFFF  }
0xa7: {  	s28 =	simm.s32 $_size_execute0_lowered;
	s3 =	sadd.s32 s3, s5;
	[dreg:$0x0] =	wrdreg $0x0  }
0xa8: {  	s5 =	sshll.u32 s28, $0x1;
	[dreg:$0x2] =	wrdreg s3  }
0xa9: {  	[dreg:$0x3] =	wrdreg s5  }
0xaa: {  	[dreg:$0x4] =	wrdreg $0xC0  }
0xab: {  	_ =	task [dreg:s7], $0x5FFFF  }
0xac: {  	[dreg:$0x1] =	wrdreg $0xFFFFFFFF  }
0xad: {  	[dreg:$0x0] =	wrdreg $0x60  }
0xae: {  	[dreg:$0x2] =	wrdreg s24  }
0xaf: {  	[dreg:$0x3] =	wrdreg s2  }
0xb0: {  	[dreg:$0x4] =	wrdreg $0xAE800  }
0xb1: {  	[dreg:$0x5] =	wrdreg $0x9  }
0xb2: {  	_ =	task.clear_ibuf [dreg:s7], $0x6FFFF;
	_ =	strace $0x90000049  }
0xb3: {  	s29 =	simm.s32 $0x9;
	_ =	strace $0x8000004B  }
0xb4: {  	_ =	swait.ge [sflag:s29], $0x1  }
0xb5: {  	[sflag:s29] =	ssyncadd.s32 $0xFFFFFFFF  }
0xb6: {  	_ =	strace $0x9000004B  }
0xb7: {  	_ =	sfence  }
0xb8: {  	s30 =	sld [smem:$0x0];
	_ =	sdelay $0x2  }
0xb9: {  	s31 =	sshll.u32 s1, $0xD;
	s1 =	sshrl.u32 s1, $0x2  }
0xba: {  	s3 =	sand.u32 $0x4000, s31;
	s1 =	sadd.s32 s1, s30  }
0xbb: {  	s0 =	sor.u32 s3, s0;
	s1 =	sshll.u32 s1, $0x11  }
0xbc: {  	s0 =	sor.u32 s1, s0  }
0xbd: {  	s0 =	sadd.s32 $0x8F2B, s0  }
0xbe: {  	[sflag:s0] =	ssyncadd.remote.s32 $0x1  }
0xbf: {  	_ =	sfence.sel $0xFFFF  }
0xc0: {  	[dreg:$0x0] =	wrdreg $0xFFFFFFFF;
	(pc) =	sbr.abs _section_cstart, $3  }
0xc1: {  	[dreg:$0x1] =	wrdreg $0xFFFFFFFF  }
0xc2: {  	_ =	task.clear_ibuf [dreg:s7], $0x2FFFF;
	_ =	strace $0x9FFFFFFF  }
0xc3: {  	(tm) =	ssettm $0x7FFFFFFF  }
tec
execute0_lowered:
.L_overlay_start_1:
0x0: {  	(tag) =	ssettag $0x1  }
0x1: {  	s0 =	rddreg [dreg:$0x0]  }
0x2: {  	s3 =	rddreg [dreg:$0x2];
	s4 =	simm.s32 $0x0;
	s1 =	srdreg.scid  }
0x3: {  	s15 =	stileid.u32;
	s28 =	simm.s32 $0x180;
	s29 =	simm.s32 $0x80  }
0x4: {  	s30 =	simm.s32 $0x2980;
	s31 =	simm.s32 $0x1;
	[smem:$0x7FF] =	sst s4  }
0x5: {  	s1 =	sand.u32 $0x1, s1;
	s2 =	sshll.u32 s15, $0x1;
	s5 =	sadd.s32 $0x2ADA00, s0  }
0x6: {  	s6 =	sadd.s32 $0xB600, s0;
	s0 =	sadd.s32 $0x15400, s0;
	s20 =	smul.u32 $0x13800, s15  }
0x7: {  	s21 =	smul.u32 $0x4E000, s15;
	p0 =	sne.s32 s15, $0xF;
	s15 =	simm.s32 $0x0  }
0x8: {  	s2 =	sor.u32 s1, s2;
	s7 =	ssub.s32 $0x2, s1;
	s1 =	smul.u32 $0x138800, s1  }
0x9: {  	_ =	strace $0x8000004A;
	s8 =	smul.u32 $0x2710, s2;
	s9 =	sshrl.u32 s7, $0x1  }
0xa: {  	s2 =	smul.u32 $0x27100, s2;
	s9 =	ssub.s32 s7, s9;
	s7 =	sadd.s32 $0x138000, s3  }
0xb: {  	s22 =	sadd.s32 s20, s1;
	s1 =	sshrl.u32 s1, $0x3;
	s10 =	sshrl.u32 s8, $0x3  }
0xc: {  	s11 =	sadd.s32 $0x50, s8;
	s2 =	sadd.s32 s5, s2;
	s12 =	sadd.s32 $0xA0, s8  }
0xd: {  	s13 =	sadd.s32 $0xF0, s8;
	s14 =	sadd.s32 $0x140, s8;
	s8 =	sshrl.u32 s22, $0x3  }
0xe: {  	s23 =	smax.u32 s9, $0x1;
	s9 =	simm.s32 $0x3;
	[dreg:$0x5] =	wrdreg s2  }
0xf: {  	s10 =	sadd.s32 s6, s10;
	s18 =	sshrl.u32 s11, $0x3;
	[dreg:$0xa] =	wrdreg s23  }
0x10: {  	s19 =	sshll.u32 s11, $0x4;
	s8 =	sadd.s32 s0, s8;
	[dreg:$0x4] =	wrdreg s10  }
0x11: {  	s0 =	sadd.s32 s0, s1;
	s2 =	sadd.s32 s6, s18;
	[dreg:$0x8] =	wrdreg s8  }
0x12: {  	s1 =	simm.s32 $0x5180;
	[dreg:$0x6] =	wrdreg s2;
	s2 =	sadd.s32 s5, s19  }
0x13: {  	s11 =	simm.s32 $0x6;
	[dreg:$0x7] =	wrdreg s2;
	s2 =	sshrl.u32 s21, $0x2  }
0x14: {  	s0 =	sadd.s32 $0x27000, s0;
	s8 =	simm.s32 $0x4;
	s16 =	sadd.s32 s2, s3  }
0x15: {  	s10 =	simm.s32 $0x5;
	[dreg:$0x9] =	wrdreg s0;
	s24 =	sadd.s32 $0x3400, s16  }
0x16: {  	s0 =	simm.s32 $0x100;
	s25 =	sadd.s32 $0x6800, s16;
	[dreg:$0xb] =	wrdreg s24  }
0x17: {  	s2 =	simm.s32 $0x2;
	s26 =	sadd.s32 $0x9C00, s16;
	[dreg:$0xc] =	wrdreg s25  }
0x18: {  	s22 =	sadd.s32 $0xD000, s16;
	s23 =	sadd.s32 $0x10400, s16;
	[dreg:$0xd] =	wrdreg s26  }
0x19: {  	v0 =	vimm.f32 $0.0e+00;
	s25 =	simm.s32 $0x7;
	s26 =	simm.s32 $0x7A80;
	s24 =	simm.s32 $0x50  }
.LBB2_1:
0x1a: {  	s17 =	rddreg [dreg:$0x1];
	s18 =	simm.s32 $0x7980  }
0x1b: {  	[tilespmem:s18], [sflag:$0x7] =	stream.linear.gather [hbm4b:s17+s4], $0x100, $0x38;
	[tilespmem:$0x1E700] =	vst v63  }
0x1c: {  	_ =	swait.ge [sflag:s25], $0x100  }
0x1d: {  	[sflag:s25] =	ssyncset.done $0x0  }
0x1e: {  	[sflag:s25] =	ssyncadd.s32 $0xFFFFFF00  }
0x1f: {  	v12 =	vld [tilespmem:$0x7980]  }
0x20: {  	v13 =	vld [tilespmem:$0x7990]  }
0x21: {  	v10 =	vld [tilespmem:$0x79A0]  }
0x22: {  	v9 =	vld [tilespmem:$0x79B0]  }
0x23: {  	v7 =	vld [tilespmem:$0x79C0]  }
0x24: {  	v5 =	vld [tilespmem:$0x79D0]  }
0x25: {  	v3 =	vld [tilespmem:$0x79E0]  }
0x26: {  	v1 =	vld [tilespmem:$0x79F0]  }
0x27: {  	v16 =	vld [tilespmem:$0x7A00]  }
0x28: {  	v15 =	vld [tilespmem:$0x7A10]  }
0x29: {  	v14 =	vld [tilespmem:$0x7A20]  }
0x2a: {  	v11 =	vld [tilespmem:$0x7A30]  }
0x2b: {  	v8 =	vld [tilespmem:$0x7A40]  }
0x2c: {  	v6 =	vld [tilespmem:$0x7A50]  }
0x2d: {  	v4 =	vld [tilespmem:$0x7A60]  }
0x2e: {  	s17 =	simm.s32 $0x0;
	s18 =	simm.s32 $0x200;
	v2 =	vld [tilespmem:$0x7A70]  }
.LBB2_2:
0x2f: {  	p1 =	sne.s32 s18, $0xCE00;
	[tilespmem:s17+$0x7AF0] =	vst v0  }
0x30: {  	[tilespmem:s17+$0x7A80] =	vst v0  }
0x31: {  	[tilespmem:s17+$0x7A90] =	vst v0  }
.Ltmp0:
0x32: {  	[tilespmem:s17+$0x7AA0] =	vst v0;
	(pc) =	sbr.rel @p1 .LBB2_2-.Ltmp0, $4  }
0x33: {  	[tilespmem:s17+$0x7AB0] =	vst v0  }
0x34: {  	[tilespmem:s17+$0x7AC0] =	vst v0  }
0x35: {  	[tilespmem:s17+$0x7AD0] =	vst v0  }
0x36: {  	[tilespmem:s17+$0x7AE0] =	vst v0;
	s17 =	sshra.s32 s18, $0x2;
	s18 =	sadd.s32 $0x200, s18  }
0x37: {  	[tilespmem:s17+$0x7AF0] =	vst v0  }
0x38: {  	[tilespmem:s17+$0x7A80] =	vst v0  }
0x39: {  	[tilespmem:s17+$0x7A90] =	vst v0  }
0x3a: {  	[tilespmem:s17+$0x7AA0] =	vst v0  }
0x3b: {  	[tilespmem:s17+$0x7AB0] =	vst v0  }
0x3c: {  	[tilespmem:s17+$0x7AC0] =	vst v0  }
0x3d: {  	[tilespmem:s17+$0x7AD0] =	vst v0  }
0x3e: {  	[tilespmem:s17+$0x7AE0] =	vst v0  }
0x3f: {  	[spmem:s16] =	stream.linear.scatter [tilespmem:s26], [sflag:$0x7], $0x3400, $0x38;
	[tilespmem:$0x1E700] =	vst v63  }
0x40: {  	_ =	swait.ge [sflag:s25], $0x3400  }
0x41: {  	[sflag:s25] =	ssyncset.done $0x0  }
0x42: {  	s20 =	rddreg [dreg:$0xb];
	[sflag:s25] =	ssyncadd.s32 $0xFFFFCC00  }
0x43: {  	[spmem:s20] =	stream.linear.scatter [tilespmem:s26], [sflag:$0x7], $0x3400, $0x38;
	[tilespmem:$0x1E700] =	vst v63  }
0x44: {  	_ =	swait.ge [sflag:s25], $0x3400  }
0x45: {  	[sflag:s25] =	ssyncset.done $0x0  }
0x46: {  	s21 =	rddreg [dreg:$0xc];
	[sflag:s25] =	ssyncadd.s32 $0xFFFFCC00  }
0x47: {  	[spmem:s21] =	stream.linear.scatter [tilespmem:s26], [sflag:$0x7], $0x3400, $0x38;
	[tilespmem:$0x1E700] =	vst v63  }
0x48: {  	_ =	swait.ge [sflag:s25], $0x3400  }
0x49: {  	[sflag:s25] =	ssyncset.done $0x0  }
0x4a: {  	s18 =	rddreg [dreg:$0xd];
	[sflag:s25] =	ssyncadd.s32 $0xFFFFCC00  }
0x4b: {  	[spmem:s18] =	stream.linear.scatter [tilespmem:s26], [sflag:$0x7], $0x3400, $0x38;
	[tilespmem:$0x1E700] =	vst v63  }
0x4c: {  	_ =	swait.ge [sflag:s25], $0x3400  }
0x4d: {  	[sflag:s25] =	ssyncset.done $0x0  }
0x4e: {  	[sflag:s25] =	ssyncadd.s32 $0xFFFFCC00  }
0x4f: {  	[spmem:s22] =	stream.linear.scatter [tilespmem:s26], [sflag:$0x7], $0x3400, $0x38;
	[tilespmem:$0x1E700] =	vst v63  }
0x50: {  	_ =	swait.ge [sflag:s25], $0x3400  }
0x51: {  	[sflag:s25] =	ssyncset.done $0x0  }
0x52: {  	[sflag:s25] =	ssyncadd.s32 $0xFFFFCC00  }
0x53: {  	[spmem:s23] =	stream.linear.scatter [tilespmem:s26], [sflag:$0x7], $0x3400, $0x38;
	[tilespmem:$0x1E700] =	vst v63  }
0x54: {  	_ =	swait.ge [sflag:s25], $0x3400  }
0x55: {  	[sflag:s25] =	ssyncset.done $0x0  }
0x56: {  	s17 =	simm.s32 @!p0 $0x7A80;
	[sflag:s25] =	ssyncadd.s32 $0xFFFFCC00  }
0x57: {  	[spmem:s7] =	stream.linear.scatter @!p0 [tilespmem:s17], [sflag:$0x7], $0x800, $0x38;
	[tilespmem:$0x1E700] =	vst v63  }
0x58: {  	s17 =	simm.s32 @!p0 $0x7  }
0x59: {  	_ =	swait.ge @!p0 [sflag:s17], $0x800  }
0x5a: {  	[sflag:s17] =	ssyncset.done @!p0 $0x0  }
0x5b: {  	[sflag:s17] =	ssyncadd.s32 @!p0 $0xFFFFF800  }
0x5c: {  	[bflag:$0x0] =	sbarrier.arrive $0xFFFF  }
0x5d: {  	s17 =	simm.s32 $0x0;
	s18 =	rddreg [dreg:$0x4]  }
0x5e: {  	[tilespmem:s17], [sflag:$0x1] =	stream.linear.gather [hbm4b:s18+s17], $0x50, $0x38;
	[tilespmem:$0x1E700] =	vst v63  }
0x5f: {  	s19 =	rddreg [dreg:$0x5]  }
0x60: {  	[tilespmem:s28], [sflag:$0x1] =	stream.linear.gather [hbm4b:s19+s17], $0x2800, $0x38;
	[tilespmem:$0x1E700] =	vst v63  }
0x61: {  	s20 =	rddreg [dreg:$0x6]  }
0x62: {  	[tilespmem:s29], [sflag:$0x2] =	stream.linear.gather [hbm4b:s20+s17], $0x50, $0x38;
	[tilespmem:$0x1E700] =	vst v63  }
0x63: {  	s21 =	rddreg [dreg:$0x7]  }
0x64: {  	[tilespmem:s30], [sflag:$0x2] =	stream.linear.gather [hbm4b:s21+s17], $0x2800, $0x38;
	[tilespmem:$0x1E700] =	vst v63  }
.LBB2_4:
0x65: {  	_ =	swait.ge [sflag:s31], $0x50  }
0x66: {  	[sflag:s31] =	ssyncset.done $0x0  }
0x67: {  	[sflag:s31] =	ssyncadd.s32 $0xFFFFFFB0  }
0x68: {  	_ =	swait.ge [sflag:s31], $0x2800  }
0x69: {  	[sflag:s31] =	ssyncset.done $0x0  }
0x6a: {  	s19 =	simm.s32 $0x0;
	[sflag:s31] =	ssyncadd.s32 $0xFFFFD800  }
0x6b: {  	v17 =	vld [tilespmem:s19+$0x180]  }
0x6c: {  	v22 =	vld [tilespmem:s19+$0x190]  }
0x6d: {  	v21 =	vld [tilespmem:s19+$0x1A0]  }
0x6e: {  	v20 =	vld [tilespmem:s19+$0x1B0]  }
0x6f: {  	v19 =	vld [tilespmem:s19+$0x1C0]  }
0x70: {  	v18 =	vld [tilespmem:s19+$0x1D0];
	v23 =	vmul.f32 v17, v12  }
0x71: {  	s18 =	simm.s32 $0x200;
	v22 =	vmul.f32 v22, v13;
	v17 =	vld [tilespmem:s19+$0x1E0]  }
.LBB2_5:
0x72: {  	p1 =	sne.s32 s18, $0x9E00;
	v23 =	vadd.f32 v23, v16;
	v21 =	vmul.f32 v21, v10;
	v24 =	vld [tilespmem:s19+$0x1F0]  }
0x73: {  	v22 =	vadd.f32 v22, v15;
	v20 =	vmul.f32 v20, v9  }
0x74: {  	v23 =	vmax.f32 v23, $0.0e+00;
	v21 =	vadd.f32 v21, v14;
	v19 =	vmul.f32 v19, v7  }
0x75: {  	s20 =	sshra.s32 s18, $0x2;
	[tilespmem:s19+$0x180] =	vst v23;
	v22 =	vmax.f32 v22, $0.0e+00;
	v20 =	vadd.f32 v20, v11;
	v18 =	vmul.f32 v18, v5  }
0x76: {  	v23 =	vld [tilespmem:s20+$0x180];
	[tilespmem:s19+$0x190] =	vst v22;
	v21 =	vmax.f32 v21, $0.0e+00;
	v19 =	vadd.f32 v19, v8;
	v17 =	vmul.f32 v17, v3  }
0x77: {  	v22 =	vld [tilespmem:s20+$0x190];
	[tilespmem:s19+$0x1A0] =	vst v21;
	v20 =	vmax.f32 v20, $0.0e+00;
	v18 =	vadd.f32 v18, v6;
	v24 =	vmul.f32 v24, v1  }
.Ltmp1:
0x78: {  	v21 =	vld [tilespmem:s20+$0x1A0];
	[tilespmem:s19+$0x1B0] =	vst v20;
	v19 =	vmax.f32 v19, $0.0e+00;
	v17 =	vadd.f32 v17, v4;
	(pc) =	sbr.rel @p1 .LBB2_5-.Ltmp1, $4  }
0x79: {  	v20 =	vld [tilespmem:s20+$0x1B0];
	[tilespmem:s19+$0x1C0] =	vst v19;
	v18 =	vmax.f32 v18, $0.0e+00;
	v24 =	vadd.f32 v24, v2  }
0x7a: {  	v19 =	vld [tilespmem:s20+$0x1C0];
	[tilespmem:s19+$0x1D0] =	vst v18;
	v17 =	vmax.f32 v17, $0.0e+00  }
0x7b: {  	v23 =	vmul.f32 v23, v12;
	v18 =	vld [tilespmem:s20+$0x1D0];
	[tilespmem:s19+$0x1E0] =	vst v17;
	v24 =	vmax.f32 v24, $0.0e+00  }
0x7c: {  	s18 =	sadd.s32 $0x200, s18;
	v22 =	vmul.f32 v22, v13;
	v17 =	vld [tilespmem:s20+$0x1E0];
	[tilespmem:s19+$0x1F0] =	vst v24;
	s19 =	smov.u32 s20  }
0x7d: {  	v23 =	vadd.f32 v23, v16;
	v21 =	vmul.f32 v21, v10;
	v24 =	vld [tilespmem:s19+$0x1F0]  }
0x7e: {  	v22 =	vadd.f32 v22, v15;
	v20 =	vmul.f32 v20, v9  }
0x7f: {  	v23 =	vmax.f32 v23, $0.0e+00;
	v21 =	vadd.f32 v21, v14;
	v19 =	vmul.f32 v19, v7  }
0x80: {  	[tilespmem:s19+$0x180] =	vst v23;
	v22 =	vmax.f32 v22, $0.0e+00;
	v20 =	vadd.f32 v20, v11;
	v18 =	vmul.f32 v18, v5  }
0x81: {  	[tilespmem:s19+$0x190] =	vst v22;
	v21 =	vmax.f32 v21, $0.0e+00;
	v19 =	vadd.f32 v19, v8;
	v17 =	vmul.f32 v17, v3  }
0x82: {  	[tilespmem:s19+$0x1A0] =	vst v21;
	v20 =	vmax.f32 v20, $0.0e+00;
	v18 =	vadd.f32 v18, v6;
	v21 =	vmul.f32 v24, v1  }
0x83: {  	[tilespmem:s19+$0x1B0] =	vst v20;
	v19 =	vmax.f32 v19, $0.0e+00;
	v17 =	vadd.f32 v17, v4  }
0x84: {  	[tilespmem:s19+$0x1C0] =	vst v19;
	v18 =	vmax.f32 v18, $0.0e+00;
	v19 =	vadd.f32 v21, v2  }
0x85: {  	[tilespmem:s19+$0x1D0] =	vst v18;
	v17 =	vmax.f32 v17, $0.0e+00  }
0x86: {  	p1 =	seq.s32 s17, $0x0;
	s18 =	smul.u32 $0xF0, s17;
	[tilespmem:s19+$0x1E0] =	vst v17;
	v17 =	vmax.f32 v19, $0.0e+00  }
0x87: {  	[tilespmem:s19+$0x1F0] =	vst v17;
	s19 =	simm.s32 @!p1 $0x6  }
0x88: {  	s20 =	sadd.s32 s18, s12;
	_ =	swait.ge @!p1 [sflag:s19], $0x2800  }
0x89: {  	s21 =	sshrl.u32 s20, $0x3;
	s20 =	sshll.u32 s20, $0x4;
	[sflag:s19] =	ssyncset.done @!p1 $0x0  }
0x8a: {  	[sflag:s19] =	ssyncadd.s32 @!p1 $0xFFFFD800;
	s19 =	sadd.s32 s6, s21;
	s21 =	simm.s32 $0x0  }
0x8b: {  	[tilespmem:s0], [sflag:$0x3] =	stream.linear.gather [hbm4b:s19+s21], $0x50, $0x38;
	[tilespmem:$0x1E700] =	vst v63  }
0x8c: {  	s19 =	sadd.s32 s5, s20  }
0x8d: {  	[tilespmem:s1], [sflag:$0x3] =	stream.linear.gather [hbm4b:s19+s21], $0x2800, $0x38;
	[tilespmem:$0x1E700] =	vst v63  }
0x8e: {  	_ = 	snop  }
0x8f: {  	[spmem:s3] =	stream.indirect.scatter.add.f32 [tilespmem:s28], [sflag:$0x4], $0x80, s21, s24, $0xb8;
	[tilespmem:$0x1E700] =	vst v63  }
0x90: {  	_ =	swait.ge [sflag:s2], $0x50  }
0x91: {  	[sflag:s2] =	ssyncset.done $0x0  }
0x92: {  	[sflag:s2] =	ssyncadd.s32 $0xFFFFFFB0  }
0x93: {  	_ =	swait.ge [sflag:s2], $0x2800  }
0x94: {  	[sflag:s2] =	ssyncset.done $0x0  }
0x95: {  	s19 =	simm.s32 $0x0;
	[sflag:s2] =	ssyncadd.s32 $0xFFFFD800  }
0x96: {  	v17 =	vld [tilespmem:s19+$0x2980]  }
0x97: {  	v22 =	vld [tilespmem:s19+$0x2990]  }
0x98: {  	v21 =	vld [tilespmem:s19+$0x29A0]  }
0x99: {  	v20 =	vld [tilespmem:s19+$0x29B0]  }
0x9a: {  	v19 =	vld [tilespmem:s19+$0x29C0]  }
0x9b: {  	v18 =	vld [tilespmem:s19+$0x29D0];
	v23 =	vmul.f32 v17, v12  }
0x9c: {  	s20 =	simm.s32 $0x200;
	v22 =	vmul.f32 v22, v13;
	v17 =	vld [tilespmem:s19+$0x29E0]  }
.LBB2_7:
0x9d: {  	p1 =	sne.s32 s20, $0x9E00;
	v23 =	vadd.f32 v23, v16;
	v21 =	vmul.f32 v21, v10;
	v24 =	vld [tilespmem:s19+$0x29F0]  }
0x9e: {  	v22 =	vadd.f32 v22, v15;
	v20 =	vmul.f32 v20, v9  }
0x9f: {  	v23 =	vmax.f32 v23, $0.0e+00;
	v21 =	vadd.f32 v21, v14;
	v19 =	vmul.f32 v19, v7  }
0xa0: {  	s21 =	sshra.s32 s20, $0x2;
	[tilespmem:s19+$0x2980] =	vst v23;
	v22 =	vmax.f32 v22, $0.0e+00;
	v20 =	vadd.f32 v20, v11;
	v18 =	vmul.f32 v18, v5  }
0xa1: {  	v23 =	vld [tilespmem:s21+$0x2980];
	[tilespmem:s19+$0x2990] =	vst v22;
	v21 =	vmax.f32 v21, $0.0e+00;
	v19 =	vadd.f32 v19, v8;
	v17 =	vmul.f32 v17, v3  }
0xa2: {  	v22 =	vld [tilespmem:s21+$0x2990];
	[tilespmem:s19+$0x29A0] =	vst v21;
	v20 =	vmax.f32 v20, $0.0e+00;
	v18 =	vadd.f32 v18, v6;
	v24 =	vmul.f32 v24, v1  }
.Ltmp2:
0xa3: {  	v21 =	vld [tilespmem:s21+$0x29A0];
	[tilespmem:s19+$0x29B0] =	vst v20;
	v19 =	vmax.f32 v19, $0.0e+00;
	v17 =	vadd.f32 v17, v4;
	(pc) =	sbr.rel @p1 .LBB2_7-.Ltmp2, $4  }
0xa4: {  	v20 =	vld [tilespmem:s21+$0x29B0];
	[tilespmem:s19+$0x29C0] =	vst v19;
	v18 =	vmax.f32 v18, $0.0e+00;
	v24 =	vadd.f32 v24, v2  }
0xa5: {  	v19 =	vld [tilespmem:s21+$0x29C0];
	[tilespmem:s19+$0x29D0] =	vst v18;
	v17 =	vmax.f32 v17, $0.0e+00  }
0xa6: {  	v23 =	vmul.f32 v23, v12;
	v18 =	vld [tilespmem:s21+$0x29D0];
	[tilespmem:s19+$0x29E0] =	vst v17;
	v24 =	vmax.f32 v24, $0.0e+00  }
0xa7: {  	s20 =	sadd.s32 $0x200, s20;
	v22 =	vmul.f32 v22, v13;
	v17 =	vld [tilespmem:s21+$0x29E0];
	[tilespmem:s19+$0x29F0] =	vst v24;
	s19 =	smov.u32 s21  }
0xa8: {  	v23 =	vadd.f32 v23, v16;
	v21 =	vmul.f32 v21, v10;
	v24 =	vld [tilespmem:s19+$0x29F0]  }
0xa9: {  	v22 =	vadd.f32 v22, v15;
	v20 =	vmul.f32 v20, v9  }
0xaa: {  	v23 =	vmax.f32 v23, $0.0e+00;
	v21 =	vadd.f32 v21, v14;
	v19 =	vmul.f32 v19, v7  }
0xab: {  	[tilespmem:s19+$0x2980] =	vst v23;
	v22 =	vmax.f32 v22, $0.0e+00;
	v20 =	vadd.f32 v20, v11;
	v18 =	vmul.f32 v18, v5  }
0xac: {  	[tilespmem:s19+$0x2990] =	vst v22;
	v21 =	vmax.f32 v21, $0.0e+00;
	v19 =	vadd.f32 v19, v8;
	v17 =	vmul.f32 v17, v3  }
0xad: {  	[tilespmem:s19+$0x29A0] =	vst v21;
	v20 =	vmax.f32 v20, $0.0e+00;
	v18 =	vadd.f32 v18, v6;
	v21 =	vmul.f32 v24, v1  }
0xae: {  	[tilespmem:s19+$0x29B0] =	vst v20;
	v19 =	vmax.f32 v19, $0.0e+00;
	v17 =	vadd.f32 v17, v4  }
0xaf: {  	[tilespmem:s19+$0x29C0] =	vst v19;
	v18 =	vmax.f32 v18, $0.0e+00;
	v19 =	vadd.f32 v21, v2  }
0xb0: {  	[tilespmem:s19+$0x29D0] =	vst v18;
	v17 =	vmax.f32 v17, $0.0e+00  }
0xb1: {  	[tilespmem:s19+$0x29E0] =	vst v17;
	v17 =	vmax.f32 v19, $0.0e+00  }
0xb2: {  	[tilespmem:s19+$0x29F0] =	vst v17  }
0xb3: {  	s19 =	sadd.s32 s18, s13;
	_ =	swait.ge [sflag:s8], $0x2800  }
0xb4: {  	s21 =	simm.s32 $0x0;
	s20 =	sshrl.u32 s19, $0x3;
	[sflag:s8] =	ssyncset.done $0x0  }
0xb5: {  	s19 =	sshll.u32 s19, $0x4;
	s20 =	sadd.s32 s6, s20;
	[sflag:s8] =	ssyncadd.s32 $0xFFFFD800  }
0xb6: {  	[tilespmem:s21], [sflag:$0x1] =	stream.linear.gather [hbm4b:s20+s21], $0x50, $0x38;
	[tilespmem:$0x1E700] =	vst v63  }
0xb7: {  	s19 =	sadd.s32 s5, s19  }
0xb8: {  	[tilespmem:s28], [sflag:$0x1] =	stream.linear.gather [hbm4b:s19+s21], $0x2800, $0x38;
	[tilespmem:$0x1E700] =	vst v63  }
0xb9: {  	_ = 	snop  }
0xba: {  	[spmem:s3] =	stream.indirect.scatter.add.f32 [tilespmem:s30], [sflag:$0x5], $0x80, s29, s24, $0xb8;
	[tilespmem:$0x1E700] =	vst v63  }
0xbb: {  	_ =	swait.ge [sflag:s9], $0x50  }
0xbc: {  	[sflag:s9] =	ssyncset.done $0x0  }
0xbd: {  	[sflag:s9] =	ssyncadd.s32 $0xFFFFFFB0  }
0xbe: {  	_ =	swait.ge [sflag:s9], $0x2800  }
0xbf: {  	[sflag:s9] =	ssyncset.done $0x0  }
0xc0: {  	s19 =	simm.s32 $0x0;
	[sflag:s9] =	ssyncadd.s32 $0xFFFFD800  }
0xc1: {  	v17 =	vld [tilespmem:s19+$0x5180]  }
0xc2: {  	v22 =	vld [tilespmem:s19+$0x5190]  }
0xc3: {  	v21 =	vld [tilespmem:s19+$0x51A0]  }
0xc4: {  	v20 =	vld [tilespmem:s19+$0x51B0]  }
0xc5: {  	v19 =	vld [tilespmem:s19+$0x51C0]  }
0xc6: {  	v18 =	vld [tilespmem:s19+$0x51D0];
	v23 =	vmul.f32 v17, v12  }
0xc7: {  	s20 =	simm.s32 $0x200;
	v22 =	vmul.f32 v22, v13;
	v17 =	vld [tilespmem:s19+$0x51E0]  }
.LBB2_9:
0xc8: {  	p1 =	sne.s32 s20, $0x9E00;
	v23 =	vadd.f32 v23, v16;
	v21 =	vmul.f32 v21, v10;
	v24 =	vld [tilespmem:s19+$0x51F0]  }
0xc9: {  	v22 =	vadd.f32 v22, v15;
	v20 =	vmul.f32 v20, v9  }
0xca: {  	v23 =	vmax.f32 v23, $0.0e+00;
	v21 =	vadd.f32 v21, v14;
	v19 =	vmul.f32 v19, v7  }
0xcb: {  	s21 =	sshra.s32 s20, $0x2;
	[tilespmem:s19+$0x5180] =	vst v23;
	v22 =	vmax.f32 v22, $0.0e+00;
	v20 =	vadd.f32 v20, v11;
	v18 =	vmul.f32 v18, v5  }
0xcc: {  	v23 =	vld [tilespmem:s21+$0x5180];
	[tilespmem:s19+$0x5190] =	vst v22;
	v21 =	vmax.f32 v21, $0.0e+00;
	v19 =	vadd.f32 v19, v8;
	v17 =	vmul.f32 v17, v3  }
0xcd: {  	v22 =	vld [tilespmem:s21+$0x5190];
	[tilespmem:s19+$0x51A0] =	vst v21;
	v20 =	vmax.f32 v20, $0.0e+00;
	v18 =	vadd.f32 v18, v6;
	v24 =	vmul.f32 v24, v1  }
.Ltmp3:
0xce: {  	v21 =	vld [tilespmem:s21+$0x51A0];
	[tilespmem:s19+$0x51B0] =	vst v20;
	v19 =	vmax.f32 v19, $0.0e+00;
	v17 =	vadd.f32 v17, v4;
	(pc) =	sbr.rel @p1 .LBB2_9-.Ltmp3, $4  }
0xcf: {  	v20 =	vld [tilespmem:s21+$0x51B0];
	[tilespmem:s19+$0x51C0] =	vst v19;
	v18 =	vmax.f32 v18, $0.0e+00;
	v24 =	vadd.f32 v24, v2  }
0xd0: {  	v19 =	vld [tilespmem:s21+$0x51C0];
	[tilespmem:s19+$0x51D0] =	vst v18;
	v17 =	vmax.f32 v17, $0.0e+00  }
0xd1: {  	v23 =	vmul.f32 v23, v12;
	v18 =	vld [tilespmem:s21+$0x51D0];
	[tilespmem:s19+$0x51E0] =	vst v17;
	v24 =	vmax.f32 v24, $0.0e+00  }
0xd2: {  	s20 =	sadd.s32 $0x200, s20;
	v22 =	vmul.f32 v22, v13;
	v17 =	vld [tilespmem:s21+$0x51E0];
	[tilespmem:s19+$0x51F0] =	vst v24;
	s19 =	smov.u32 s21  }
0xd3: {  	v23 =	vadd.f32 v23, v16;
	v21 =	vmul.f32 v21, v10;
	v24 =	vld [tilespmem:s19+$0x51F0]  }
0xd4: {  	v22 =	vadd.f32 v22, v15;
	v20 =	vmul.f32 v20, v9  }
0xd5: {  	v23 =	vmax.f32 v23, $0.0e+00;
	v21 =	vadd.f32 v21, v14;
	v19 =	vmul.f32 v19, v7  }
0xd6: {  	[tilespmem:s19+$0x5180] =	vst v23;
	v22 =	vmax.f32 v22, $0.0e+00;
	v20 =	vadd.f32 v20, v11;
	v18 =	vmul.f32 v18, v5  }
0xd7: {  	[tilespmem:s19+$0x5190] =	vst v22;
	v21 =	vmax.f32 v21, $0.0e+00;
	v19 =	vadd.f32 v19, v8;
	v17 =	vmul.f32 v17, v3  }
0xd8: {  	[tilespmem:s19+$0x51A0] =	vst v21;
	v20 =	vmax.f32 v20, $0.0e+00;
	v18 =	vadd.f32 v18, v6;
	v63 =	vmul.f32 v24, v1  }
0xd9: {  	[tilespmem:s19+$0x51B0] =	vst v20;
	v19 =	vmax.f32 v19, $0.0e+00;
	v17 =	vadd.f32 v17, v4  }
0xda: {  	[tilespmem:s19+$0x51C0] =	vst v19;
	v18 =	vmax.f32 v18, $0.0e+00;
	v19 =	vadd.f32 v63, v2  }
0xdb: {  	[tilespmem:s19+$0x51D0] =	vst v18;
	v17 =	vmax.f32 v17, $0.0e+00  }
0xdc: {  	[tilespmem:s19+$0x51E0] =	vst v17;
	v17 =	vmax.f32 v19, $0.0e+00  }
0xdd: {  	[tilespmem:s19+$0x51F0] =	vst v17  }
0xde: {  	s18 =	sadd.s32 s18, s14;
	_ =	swait.ge [sflag:s10], $0x2800  }
0xdf: {  	s17 =	sadd.s32 $0x1, s17;
	s21 =	sshrl.u32 s18, $0x3;
	[sflag:s10] =	ssyncset.done $0x0  }
0xe0: {  	p1 =	sne.s32 s17, $0x29;
	s19 =	sadd.s32 s6, s21;
	[sflag:s10] =	ssyncadd.s32 $0xFFFFD800  }
0xe1: {  	[tilespmem:s29], [sflag:$0x2] =	stream.linear.gather [hbm4b:s19+s4], $0x50, $0x38;
	[tilespmem:$0x1E700] =	vst v63  }
.Ltmp4:
0xe2: {  	s18 =	sshll.u32 s18, $0x4;
	(pc) =	sbr.rel @p1 .LBB2_4-.Ltmp4, $4  }
0xe3: {  	s18 =	sadd.s32 s5, s18  }
0xe4: {  	[tilespmem:s30], [sflag:$0x2] =	stream.linear.gather [hbm4b:s18+s4], $0x2800, $0x38;
	[tilespmem:$0x1E700] =	vst v63  }
0xe5: {  	_ = 	snop  }
0xe6: {  	[spmem:s3] =	stream.indirect.scatter.add.f32 [tilespmem:s1], [sflag:$0x6], $0x80, s0, s24, $0xb8;
	[tilespmem:$0x1E700] =	vst v63  }
0xe7: {  	_ =	swait.ge [sflag:s31], $0x50  }
0xe8: {  	[sflag:s31] =	ssyncset.done $0x0  }
0xe9: {  	[sflag:s31] =	ssyncadd.s32 $0xFFFFFFB0  }
0xea: {  	_ =	swait.ge [sflag:s31], $0x2800  }
0xeb: {  	[sflag:s31] =	ssyncset.done $0x0  }
0xec: {  	s17 =	simm.s32 $0x0;
	[sflag:s31] =	ssyncadd.s32 $0xFFFFD800  }
0xed: {  	v17 =	vld [tilespmem:s17+$0x180]  }
0xee: {  	v22 =	vld [tilespmem:s17+$0x190]  }
0xef: {  	v21 =	vld [tilespmem:s17+$0x1A0]  }
0xf0: {  	v20 =	vld [tilespmem:s17+$0x1B0]  }
0xf1: {  	v19 =	vld [tilespmem:s17+$0x1C0]  }
0xf2: {  	v18 =	vld [tilespmem:s17+$0x1D0];
	v23 =	vmul.f32 v17, v12  }
0xf3: {  	s18 =	simm.s32 $0x200;
	v22 =	vmul.f32 v22, v13;
	v17 =	vld [tilespmem:s17+$0x1E0]  }
.LBB2_12:
0xf4: {  	p1 =	sne.s32 s18, $0x9E00;
	v23 =	vadd.f32 v23, v16;
	v21 =	vmul.f32 v21, v10;
	v24 =	vld [tilespmem:s17+$0x1F0]  }
0xf5: {  	v22 =	vadd.f32 v22, v15;
	v20 =	vmul.f32 v20, v9  }
0xf6: {  	v23 =	vmax.f32 v23, $0.0e+00;
	v21 =	vadd.f32 v21, v14;
	v19 =	vmul.f32 v19, v7  }
0xf7: {  	s19 =	sshra.s32 s18, $0x2;
	[tilespmem:s17+$0x180] =	vst v23;
	v22 =	vmax.f32 v22, $0.0e+00;
	v20 =	vadd.f32 v20, v11;
	v18 =	vmul.f32 v18, v5  }
0xf8: {  	v23 =	vld [tilespmem:s19+$0x180];
	[tilespmem:s17+$0x190] =	vst v22;
	v21 =	vmax.f32 v21, $0.0e+00;
	v19 =	vadd.f32 v19, v8;
	v17 =	vmul.f32 v17, v3  }
0xf9: {  	v22 =	vld [tilespmem:s19+$0x190];
	[tilespmem:s17+$0x1A0] =	vst v21;
	v20 =	vmax.f32 v20, $0.0e+00;
	v18 =	vadd.f32 v18, v6;
	v24 =	vmul.f32 v24, v1  }
.Ltmp5:
0xfa: {  	v21 =	vld [tilespmem:s19+$0x1A0];
	[tilespmem:s17+$0x1B0] =	vst v20;
	v19 =	vmax.f32 v19, $0.0e+00;
	v17 =	vadd.f32 v17, v4;
	(pc) =	sbr.rel @p1 .LBB2_12-.Ltmp5, $4  }
0xfb: {  	v20 =	vld [tilespmem:s19+$0x1B0];
	[tilespmem:s17+$0x1C0] =	vst v19;
	v18 =	vmax.f32 v18, $0.0e+00;
	v24 =	vadd.f32 v24, v2  }
0xfc: {  	v19 =	vld [tilespmem:s19+$0x1C0];
	[tilespmem:s17+$0x1D0] =	vst v18;
	v17 =	vmax.f32 v17, $0.0e+00  }
0xfd: {  	v23 =	vmul.f32 v23, v12;
	v18 =	vld [tilespmem:s19+$0x1D0];
	[tilespmem:s17+$0x1E0] =	vst v17;
	v24 =	vmax.f32 v24, $0.0e+00  }
0xfe: {  	s18 =	sadd.s32 $0x200, s18;
	v22 =	vmul.f32 v22, v13;
	v17 =	vld [tilespmem:s19+$0x1E0];
	[tilespmem:s17+$0x1F0] =	vst v24;
	s17 =	smov.u32 s19  }
0xff: {  	v23 =	vadd.f32 v23, v16;
	v21 =	vmul.f32 v21, v10;
	v24 =	vld [tilespmem:s17+$0x1F0]  }
0x100: {  	v22 =	vadd.f32 v22, v15;
	v20 =	vmul.f32 v20, v9  }
0x101: {  	v23 =	vmax.f32 v23, $0.0e+00;
	v21 =	vadd.f32 v21, v14;
	v19 =	vmul.f32 v19, v7  }
0x102: {  	[tilespmem:s17+$0x180] =	vst v23;
	v22 =	vmax.f32 v22, $0.0e+00;
	v20 =	vadd.f32 v20, v11;
	v18 =	vmul.f32 v18, v5  }
0x103: {  	[tilespmem:s17+$0x190] =	vst v22;
	v21 =	vmax.f32 v21, $0.0e+00;
	v19 =	vadd.f32 v19, v8;
	v17 =	vmul.f32 v17, v3  }
0x104: {  	[tilespmem:s17+$0x1A0] =	vst v21;
	v20 =	vmax.f32 v20, $0.0e+00;
	v18 =	vadd.f32 v18, v6;
	v21 =	vmul.f32 v24, v1  }
0x105: {  	[tilespmem:s17+$0x1B0] =	vst v20;
	v19 =	vmax.f32 v19, $0.0e+00;
	v17 =	vadd.f32 v17, v4  }
0x106: {  	[tilespmem:s17+$0x1C0] =	vst v19;
	v18 =	vmax.f32 v18, $0.0e+00;
	v19 =	vadd.f32 v21, v2  }
0x107: {  	[tilespmem:s17+$0x1D0] =	vst v18;
	v17 =	vmax.f32 v17, $0.0e+00  }
0x108: {  	[tilespmem:s17+$0x1E0] =	vst v17;
	v17 =	vmax.f32 v19, $0.0e+00  }
0x109: {  	[tilespmem:s17+$0x1F0] =	vst v17  }
0x10a: {  	_ =	swait.ge [sflag:s11], $0x2800  }
0x10b: {  	[sflag:s11] =	ssyncset.done $0x0  }
0x10c: {  	s21 =	simm.s32 $0x0;
	[sflag:s11] =	ssyncadd.s32 $0xFFFFD800  }
0x10d: {  	[spmem:s3] =	stream.indirect.scatter.add.f32 [tilespmem:s28], [sflag:$0x4], $0x80, s21, s24, $0xb8;
	[tilespmem:$0x1E700] =	vst v63  }
0x10e: {  	_ =	swait.ge [sflag:s2], $0x50  }
0x10f: {  	[sflag:s2] =	ssyncset.done $0x0  }
0x110: {  	[sflag:s2] =	ssyncadd.s32 $0xFFFFFFB0  }
0x111: {  	_ =	swait.ge [sflag:s2], $0x2800  }
0x112: {  	[sflag:s2] =	ssyncset.done $0x0  }
0x113: {  	s17 =	simm.s32 $0x0;
	[sflag:s2] =	ssyncadd.s32 $0xFFFFD800  }
0x114: {  	v17 =	vld [tilespmem:s17+$0x2980]  }
0x115: {  	v22 =	vld [tilespmem:s17+$0x2990]  }
0x116: {  	v21 =	vld [tilespmem:s17+$0x29A0]  }
0x117: {  	v20 =	vld [tilespmem:s17+$0x29B0]  }
0x118: {  	v19 =	vld [tilespmem:s17+$0x29C0]  }
0x119: {  	v18 =	vld [tilespmem:s17+$0x29D0];
	v23 =	vmul.f32 v17, v12  }
0x11a: {  	s18 =	simm.s32 $0x200;
	v22 =	vmul.f32 v22, v13;
	v17 =	vld [tilespmem:s17+$0x29E0]  }
.LBB2_14:
0x11b: {  	p1 =	sne.s32 s18, $0x9E00;
	v23 =	vadd.f32 v23, v16;
	v21 =	vmul.f32 v21, v10;
	v24 =	vld [tilespmem:s17+$0x29F0]  }
0x11c: {  	v22 =	vadd.f32 v22, v15;
	v20 =	vmul.f32 v20, v9  }
0x11d: {  	v23 =	vmax.f32 v23, $0.0e+00;
	v21 =	vadd.f32 v21, v14;
	v19 =	vmul.f32 v19, v7  }
0x11e: {  	s19 =	sshra.s32 s18, $0x2;
	[tilespmem:s17+$0x2980] =	vst v23;
	v22 =	vmax.f32 v22, $0.0e+00;
	v20 =	vadd.f32 v20, v11;
	v18 =	vmul.f32 v18, v5  }
0x11f: {  	v23 =	vld [tilespmem:s19+$0x2980];
	[tilespmem:s17+$0x2990] =	vst v22;
	v21 =	vmax.f32 v21, $0.0e+00;
	v19 =	vadd.f32 v19, v8;
	v17 =	vmul.f32 v17, v3  }
0x120: {  	v22 =	vld [tilespmem:s19+$0x2990];
	[tilespmem:s17+$0x29A0] =	vst v21;
	v20 =	vmax.f32 v20, $0.0e+00;
	v18 =	vadd.f32 v18, v6;
	v24 =	vmul.f32 v24, v1  }
.Ltmp6:
0x121: {  	v21 =	vld [tilespmem:s19+$0x29A0];
	[tilespmem:s17+$0x29B0] =	vst v20;
	v19 =	vmax.f32 v19, $0.0e+00;
	v17 =	vadd.f32 v17, v4;
	(pc) =	sbr.rel @p1 .LBB2_14-.Ltmp6, $4  }
0x122: {  	v20 =	vld [tilespmem:s19+$0x29B0];
	[tilespmem:s17+$0x29C0] =	vst v19;
	v18 =	vmax.f32 v18, $0.0e+00;
	v24 =	vadd.f32 v24, v2  }
0x123: {  	v19 =	vld [tilespmem:s19+$0x29C0];
	[tilespmem:s17+$0x29D0] =	vst v18;
	v17 =	vmax.f32 v17, $0.0e+00  }
0x124: {  	v23 =	vmul.f32 v23, v12;
	v18 =	vld [tilespmem:s19+$0x29D0];
	[tilespmem:s17+$0x29E0] =	vst v17;
	v24 =	vmax.f32 v24, $0.0e+00  }
0x125: {  	s18 =	sadd.s32 $0x200, s18;
	v22 =	vmul.f32 v22, v13;
	v17 =	vld [tilespmem:s19+$0x29E0];
	[tilespmem:s17+$0x29F0] =	vst v24;
	s17 =	smov.u32 s19  }
0x126: {  	v12 =	vadd.f32 v23, v16;
	v10 =	vmul.f32 v21, v10;
	v13 =	vld [tilespmem:s17+$0x29F0]  }
0x127: {  	v15 =	vadd.f32 v22, v15;
	v9 =	vmul.f32 v20, v9  }
0x128: {  	v12 =	vmax.f32 v12, $0.0e+00;
	v10 =	vadd.f32 v10, v14;
	v7 =	vmul.f32 v19, v7  }
0x129: {  	[tilespmem:s17+$0x2980] =	vst v12;
	v60 =	vmax.f32 v15, $0.0e+00;
	v9 =	vadd.f32 v9, v11;
	v5 =	vmul.f32 v18, v5  }
0x12a: {  	[tilespmem:s17+$0x2990] =	vst v60;
	v10 =	vmax.f32 v10, $0.0e+00;
	v7 =	vadd.f32 v7, v8;
	v3 =	vmul.f32 v17, v3  }
0x12b: {  	[tilespmem:s17+$0x29A0] =	vst v10;
	v61 =	vmax.f32 v9, $0.0e+00;
	v5 =	vadd.f32 v5, v6;
	v1 =	vmul.f32 v13, v1  }
0x12c: {  	[tilespmem:s17+$0x29B0] =	vst v61;
	v62 =	vmax.f32 v7, $0.0e+00;
	v3 =	vadd.f32 v3, v4  }
0x12d: {  	[tilespmem:s17+$0x29C0] =	vst v62;
	v63 =	vmax.f32 v5, $0.0e+00;
	v1 =	vadd.f32 v1, v2  }
0x12e: {  	[tilespmem:s17+$0x29D0] =	vst v63;
	v2 =	vmax.f32 v3, $0.0e+00  }
0x12f: {  	[tilespmem:s17+$0x29E0] =	vst v2;
	v1 =	vmax.f32 v1, $0.0e+00  }
0x130: {  	[tilespmem:s17+$0x29F0] =	vst v1  }
0x131: {  	_ =	swait.ge [sflag:s8], $0x2800  }
0x132: {  	[sflag:s8] =	ssyncset.done $0x0  }
0x133: {  	[sflag:s8] =	ssyncadd.s32 $0xFFFFD800  }
0x134: {  	[spmem:s3] =	stream.indirect.scatter.add.f32 [tilespmem:s30], [sflag:$0x5], $0x80, s29, s24, $0xb8;
	[tilespmem:$0x1E700] =	vst v63  }
0x135: {  	_ =	swait.ge [sflag:s10], $0x2800  }
0x136: {  	[sflag:s10] =	ssyncset.done $0x0  }
0x137: {  	s20 =	stileid.u32;
	[sflag:s10] =	ssyncadd.s32 $0xFFFFD800  }
0x138: {  	s17 =	sshll.u32 s20, $0x6;
	[bflag:$0x0] =	sbarrier.arrive $0xFFFF  }
0x139: {  	s18 =	sshrl.u32 s16, $0x3;
	s17 =	sor.u32 $0x1C07, s17;
	s19 =	rddreg [dreg:$0x8]  }
0x13a: {  	[hbm:s19], [sflag:s17] =	dma.local [spmem:s18], $0x2700  }
0x13b: {  	_ =	swait.ge [sflag:s25], $0x2700  }
0x13c: {  	[sflag:s25] =	ssyncset.done $0x0  }
0x13d: {  	s18 =	sshrl.u32 @!p0 s7, $0x3;
	s19 =	rddreg [dreg:$0x9];
	[sflag:s25] =	ssyncadd.s32 $0xFFFFD900  }
0x13e: {  	[hbm:s19], [sflag:s17] =	dma.local @!p0 [spmem:s18], $0x100  }
0x13f: {  	s17 =	simm.s32 @!p0 $0x7  }
0x140: {  	_ =	swait.ge @!p0 [sflag:s17], $0x100  }
0x141: {  	s15 =	sadd.s32 $0x1, s15;
	s21 =	rddreg [dreg:$0xa]  }
0x142: {  	p1 =	sne.s32 s15, s21  }
.Ltmp7:
0x143: {  	_ = 	snop;
	(pc) =	sbr.rel @p1 .LBB2_1-.Ltmp7, $3  }
0x144: {  	_ =	sdelay $0x1  }
0x145: {  	[sflag:s17] =	ssyncset.done @!p0 $0x0  }
0x146: {  	[sflag:s17] =	ssyncadd.s32 @!p0 $0xFFFFFF00  }
0x147: {  	_ =	sfence.sel $0x180000  }
0x148: {  	[bflag:$0x0] =	sbarrier.arrive $0xFFFF  }
0x149: {  	_ =	strace $0x9000004A  }
0x14a: {  	s0 =	stileid.u32;
	[bflag:$0x2] =	sbarrier.arrive $0xFFFF  }
0x14b: {  	p0 =	sne.s32 s0, $0x0;
	s0 =	rddreg [dreg:$0x3]  }
0x14c: {  	s0 =	sadd.s32 @!p0 $0x100000, s0  }
0x14d: {  	[sflag:s0] =	ssyncadd.tile.s32 @!p0 $0x1;
	_ =	shalt  }
.Lfunc_end2:
_tile_overlayer_lowered:
.L_overlay_start_2:
0x14e: {  	(tag) =	ssettag $0x2  }
0x14f: {  	s0 =	rddreg [dreg:$0x0];
	s2 =	stileid.u32  }
0x150: {  	s1 =	rddreg [dreg:$0x1];
	p0 =	sne.s32 s2, $0x0  }
0x151: {  	s3 =	rddreg [dreg:$0x2];
	[bflag:$0x3] =	sbarrier.arrive $0xFFFF;
	s2 =	simm.s32 @!p0 $0x1C07  }
0x152: {  	[timem:s3], [sflag:s2] =	dma.local @!p0 [hbm:s0], s1  }
0x153: {  	s0 =	simm.s32 @!p0 $0x7  }
0x154: {  	_ =	swait.ge @!p0 [sflag:s0], s1  }
0x155: {  	s1 =	ssub.s32 @!p0 $0x0, s1;
	[sflag:s0] =	ssyncset.done @!p0 $0x0  }
0x156: {  	[sflag:s0] =	ssyncadd.s32 @!p0 s1  }
0x157: {  	[bflag:$0x3] =	sbarrier.arrive $0xFFFF  }
0x158: {  	_ =	shalt  }

// kernel: kernel.9.cloned.1.call-start
scs
__scs_entry_jumppad:
0x0: {  	(pc) =	sbr.rel $0x88, $3  }
0x1: {  	(tag) =	ssettag $0x0;
	lr =	simm.s32 $0x1  }
0x2: {  	[smem:$0x3F8F] =	sst lr;
	_ =	strace $0xD0000000  }
0x3: {  	_ = 	snop  }
0x4: {  	_ = 	snop  }
0x5: {  	_ = 	snop  }
0x6: {  	_ = 	snop  }
0x7: {  	_ = 	snop  }
__scs_overlays_trampoline_lowered:
0x8: {  	[smem:$0x3F9E] =	sst s0  }
0x9: {  	[smem:$0x3F9F] =	sst s1  }
0xa: {  	[smem:$0x3FA0] =	sst s2  }
0xb: {  	[smem:$0x3FA1] =	sst s3  }
0xc: {  	[smem:$0x3FA2] =	sst s4  }
0xd: {  	[smem:$0x3FA3] =	sst s5  }
0xe: {  	[smem:$0x3FA4] =	sst s6  }
0xf: {  	[smem:$0x3FA5] =	sst s7  }
0x10: {  	[smem:$0x3FA6] =	sst s8  }
0x11: {  	[smem:$0x3FA7] =	sst s9;
	s0 =	simm.s32 @!p0 $0x0  }
0x12: {  	s1 =	sld [smem:$0x3F8D];
	s0 =	simm.s32 @p0 $0x1  }
0x13: {  	[smem:$0x3FA8] =	sst s0;
	s0 =	simm.s32 @!p1 $0x0  }
0x14: {  	s2 =	sld [smem:$0x3F8C];
	s0 =	simm.s32 @p1 $0x1  }
0x15: {  	[smem:$0x3FA9] =	sst s0;
	s0 =	simm.s32 @!p2 $0x0  }
0x16: {  	s3 =	sld [smem:$0x3FDB];
	s0 =	simm.s32 @p2 $0x1  }
0x17: {  	s4 =	simm.s32 $0x1BF5;
	[smem:$0x3FAB] =	sst s0  }
0x18: {  	s0 =	sld [smem:$0x3F8E];
	_ =	swait.ge [sflag:s4], $0x0  }
0x19: {  	s7 =	sld [smem:$0x3F8F]  }
0x1a: {  	s8 =	sadd.s32 $0xFFFFE003, lr  }
0x1b: {  	s9 =	sadd.s32 $0xFFFFFEF7, lr;
	s5 =	simm.s32 $0xFFFFFFFF;
	p2 =	slt.u32 s8, $0xFFFFF086  }
0x1c: {  	p1 =	slt.u32 s9, $0xF7A;
	s5 =	simm.s32 @!p2 $0x0  }
0x1d: {  	s5 =	simm.s32 @p1 $0x1;
	p0 =	seq.s32 s7, s2  }
0x1e: {  	s7 =	smul.u32 @!p0 $0xF7A, s2;
	p2 =	seq.s32 @!p0 s5, $0x0  }
0x1f: {  	s9 =	smul.u32 $0xF7A, s1;
	s8 =	simm.s32 @!p0 $0x1BF5;
	p2 =	por !p2, p0  }
0x20: {  	[sflag:s8] =	ssyncset.s32 @!p0 $0xFFFFF086;
	s6 =	sadd.s32 @!p0 s3, s7;
	s7 =	simm.s32 @!p0 $0x108  }
0x21: {  	s3 =	sadd.s32 s3, s9;
	s6 =	sadd.s32 @!p0 $0x88, s6;
	s7 =	simm.s32 @p2 $0x1082  }
0x22: {  	[simem:s7], [sflag:s8] =	dma.local @!p0 [hbm:s6], $0xF7A  }
0x23: {  	s9 =	sor.u32 $0xD0000000, s2;
	s6 =	simm.s32 $0x108;
	_ =	swait.ge @!p0 [sflag:s8], $0x0  }
0x24: {  	s3 =	sadd.s32 $0x88, s3;
	s6 =	simm.s32 @!p1 $0x1082;
	[sflag:s4] =	ssyncset.s32 $0xFFFFF086  }
0x25: {  	[simem:s6], [sflag:s4] =	dma.local [hbm:s3], $0xF7A  }
0x26: {  	[smem:$0x3F8F] =	sst s1;
	(tag) =	ssettag s2;
	_ =	strace s9  }
0x27: {  	s1 =	sld [smem:$0x3F9F]  }
0x28: {  	s2 =	sld [smem:$0x3FA0]  }
0x29: {  	s4 =	sld [smem:$0x3FA2]  }
0x2a: {  	p0 =	seq.s32 s5, $0x0;
	s5 =	sld [smem:$0x3FA3]  }
0x2b: {  	s6 =	sld [smem:$0x3FA4]  }
0x2c: {  	s7 =	sld [smem:$0x3FA5]  }
0x2d: {  	s3 =	simm.s32 $0x108;
	s8 =	sld [smem:$0x3FA6]  }
0x2e: {  	s3 =	simm.s32 @!p0 $0x1082;
	s9 =	sld [smem:$0x3FA7]  }
0x2f: {  	lr =	sadd.s32 s0, s3;
	s0 =	sld [smem:$0x3F9E]  }
0x30: {  	s3 =	sld [smem:$0x3FA1]  }
0x31: {  	[smem:$0x3FAA] =	sst s10  }
0x32: {  	s10 =	sld [smem:$0x3FA8];
	_ =	sdelay $0x3  }
0x33: {  	p0 =	seq.s32 s10, $0x1;
	s10 =	sld [smem:$0x3FAA];
	_ =	sdelay $0x3  }
0x34: {  	[smem:$0x3FAA] =	sst s10  }
0x35: {  	s10 =	sld [smem:$0x3FA9];
	_ =	sdelay $0x3  }
0x36: {  	p1 =	seq.s32 s10, $0x1;
	s10 =	sld [smem:$0x3FAA];
	_ =	sdelay $0x3  }
0x37: {  	[smem:$0x3FAA] =	sst s10  }
0x38: {  	s10 =	sld [smem:$0x3FAB]  }
0x39: {  	_ = 	snop;
	(pc) =	sbr.ind lr, $3  }
0x3a: {  	_ = 	snop  }
0x3b: {  	_ = 	snop  }
0x3c: {  	p2 =	seq.s32 s10, $0x1;
	s10 =	sld [smem:$0x3FAA]  }
0x3d: {  	_ =	shalt  }
0x3e: {  	_ =	shalt  }
0x3f: {  	_ =	shalt  }
0x40: {  	_ =	shalt  }
0x41: {  	_ =	shalt  }
0x42: {  	_ =	shalt  }
0x43: {  	_ =	shalt  }
0x44: {  	_ =	shalt  }
0x45: {  	_ =	shalt  }
0x46: {  	_ =	shalt  }
0x47: {  	_ =	shalt  }
0x48: {  	_ =	shalt  }
0x49: {  	_ =	shalt  }
0x4a: {  	_ =	shalt  }
0x4b: {  	_ =	shalt  }
0x4c: {  	_ =	shalt  }
0x4d: {  	_ =	shalt  }
0x4e: {  	_ =	shalt  }
0x4f: {  	_ =	shalt  }
0x50: {  	_ =	shalt  }
0x51: {  	_ =	shalt  }
0x52: {  	_ =	shalt  }
0x53: {  	_ =	shalt  }
0x54: {  	_ =	shalt  }
0x55: {  	_ =	shalt  }
0x56: {  	_ =	shalt  }
0x57: {  	_ =	shalt  }
0x58: {  	_ =	shalt  }
0x59: {  	_ =	shalt  }
0x5a: {  	_ =	shalt  }
0x5b: {  	_ =	shalt  }
0x5c: {  	_ =	shalt  }
0x5d: {  	_ =	shalt  }
0x5e: {  	_ =	shalt  }
0x5f: {  	_ =	shalt  }
0x60: {  	_ =	shalt  }
0x61: {  	_ =	shalt  }
0x62: {  	_ =	shalt  }
0x63: {  	_ =	shalt  }
0x64: {  	_ =	shalt  }
0x65: {  	_ =	shalt  }
0x66: {  	_ =	shalt  }
0x67: {  	_ =	shalt  }
0x68: {  	_ =	shalt  }
0x69: {  	_ =	shalt  }
0x6a: {  	_ =	shalt  }
0x6b: {  	_ =	shalt  }
0x6c: {  	_ =	shalt  }
0x6d: {  	_ =	shalt  }
0x6e: {  	_ =	shalt  }
0x6f: {  	_ =	shalt  }
0x70: {  	_ =	shalt  }
0x71: {  	_ =	shalt  }
0x72: {  	_ =	shalt  }
0x73: {  	_ =	shalt  }
0x74: {  	_ =	shalt  }
0x75: {  	_ =	shalt  }
0x76: {  	_ =	shalt  }
0x77: {  	_ =	shalt  }
0x78: {  	_ =	shalt  }
0x79: {  	_ =	shalt  }
0x7a: {  	_ =	shalt  }
0x7b: {  	_ =	shalt  }
0x7c: {  	_ =	shalt  }
0x7d: {  	_ =	shalt  }
0x7e: {  	_ =	shalt  }
0x7f: {  	_ =	shalt  }
0x80: {  	_ =	shalt  }
0x81: {  	_ =	shalt  }
0x82: {  	_ =	shalt  }
0x83: {  	_ =	shalt  }
0x84: {  	_ =	shalt  }
0x85: {  	_ =	shalt  }
0x86: {  	_ =	shalt  }
0x87: {  	_ =	shalt  }
.Lfunc_end0:
.L_simem_size_0:
called_computation_lowered:
.L_overlay_start_0:
0x88: {  	s2 =	sld [smem:$0x3FD9]  }
0x89: {  	s3 =	sld [smem:$0x3FFE];
	_ =	sdelay $0x1  }
0x8a: {  	s1 =	srdreg.scid  }
0x8b: {  	s0 =	sand.u32 $0x1, s1  }
0x8c: {  	s17 =	sshll.u32 s0, $0xA;
	s2 =	sadd.s32 s3, s2  }
0x8d: {  	s2 =	sadd.s32 s2, s17  }
0x8e: {  	[smem:$0x3FB6] =	sst s2  }
0x8f: {  	_ = 	snop  }
0x90: {  	s2 =	sld [smem:$0x3FD0];
	(tm) =	ssettm $0x1  }
0x91: {  	s18 =	sld [smem:$0x3FFB];
	_ =	sdelay $0x3  }
0x92: {  	_ =	strace s18  }
0x93: {  	s3 =	sld [smem:$0x3FFC];
	_ =	sdelay $0x3  }
0x94: {  	_ =	strace s3  }
0x95: {  	s3 =	sld [smem:$0x3FFD];
	_ =	sdelay $0x3  }
0x96: {  	_ =	strace s3  }
0x97: {  	_ =	strace $0x8FFFFFFF  }
0x98: {  	s19 =	sld [smem:$0x3FDB];
	_ =	sdelay $0x1  }
0x99: {  	s4 =	simm.s32 $_scs_section_size  }
0x9a: {  	s5 =	simm.s32 $_size__tile_overlayer_lowered;
	s6 =	simm.s32 $_tile_overlayer_lowered  }
0x9b: {  	s22 =	simm.s32 $0x1BFF;
	s21 =	sshll.u32 s6, $0x1;
	s3 =	sadd.s32 s4, s19  }
0x9c: {  	s7 =	simm.s32 $0x0;
	s20 =	sshll.u32 s5, $0x1;
	s5 =	sadd.s32 s21, s3  }
0x9d: {  	[timem:s7], [sflag:s22] =	dma.local [hbm:s5], s20  }
0x9e: {  	_ =	swait.ge [sflag:s22], s20  }
0x9f: {  	s4 =	ssub.s32 $0x0, s20;
	[sflag:s22] =	ssyncset.done $0x0  }
0xa0: {  	[sflag:s22] =	ssyncadd.s32 s4;
	_ =	sdelay $0x1  }
0xa1: {  	s23 =	simm.s32 $0x1B8B  }
0xa2: {  	_ =	swait.ge [sflag:s23], $0x1  }
0xa3: {  	[sflag:s23] =	ssyncset.done $0x0  }
0xa4: {  	s25 =	simm.s32 $0x1B8E;
	s24 =	sld [smem:$0x3FFE];
	[sflag:s23] =	ssyncadd.s32 $0xFFFFFFFF  }
0xa5: {  	s26 =	simm.s32 $execute0_lowered;
	[smem:$0x3FD2] =	sst s25  }
0xa6: {  	s5 =	sshll.u32 s26, $0x1;
	_ =	strace $0x80000046;
	[dreg:$0x1] =	wrdreg $0xFFFFFFFF  }
0xa7: {  	s28 =	simm.s32 $_size_execute0_lowered;
	s3 =	sadd.s32 s3, s5;
	[dreg:$0x0] =	wrdreg $0x0  }
0xa8: {  	s5 =	sshll.u32 s28, $0x1;
	[dreg:$0x2] =	wrdreg s3  }
0xa9: {  	[dreg:$0x3] =	wrdreg s5  }
0xaa: {  	[dreg:$0x4] =	wrdreg $0xC0  }
0xab: {  	_ =	task [dreg:s7], $0x5FFFF  }
0xac: {  	[dreg:$0x1] =	wrdreg $0xFFFFFFFF  }
0xad: {  	[dreg:$0x0] =	wrdreg $0x60  }
0xae: {  	[dreg:$0x2] =	wrdreg s2  }
0xaf: {  	[dreg:$0x3] =	wrdreg s24  }
0xb0: {  	[dreg:$0x4] =	wrdreg $0x9  }
0xb1: {  	_ =	task.clear_ibuf [dreg:s7], $0x5FFFF;
	_ =	strace $0x90000046  }
0xb2: {  	s29 =	simm.s32 $0x9;
	_ =	strace $0x80000048  }
0xb3: {  	_ =	swait.ge [sflag:s29], $0x1  }
0xb4: {  	[sflag:s29] =	ssyncadd.s32 $0xFFFFFFFF  }
0xb5: {  	_ =	strace $0x90000048  }
0xb6: {  	_ =	sfence  }
0xb7: {  	s30 =	sld [smem:$0x0];
	_ =	sdelay $0x2  }
0xb8: {  	s31 =	sshll.u32 s1, $0xD;
	s1 =	sshrl.u32 s1, $0x2  }
0xb9: {  	s3 =	sand.u32 $0x4000, s31;
	s1 =	sadd.s32 s1, s30  }
0xba: {  	s0 =	sor.u32 s3, s0;
	s1 =	sshll.u32 s1, $0x11  }
0xbb: {  	s0 =	sor.u32 s1, s0  }
0xbc: {  	s0 =	sadd.s32 $0x8F2B, s0  }
0xbd: {  	[sflag:s0] =	ssyncadd.remote.s32 $0x1  }
0xbe: {  	_ =	sfence.sel $0xFFFF  }
0xbf: {  	[dreg:$0x0] =	wrdreg $0xFFFFFFFF;
	(pc) =	sbr.abs _section_cstart, $3  }
0xc0: {  	[dreg:$0x1] =	wrdreg $0xFFFFFFFF  }
0xc1: {  	_ =	task.clear_ibuf [dreg:s7], $0x2FFFF;
	_ =	strace $0x9FFFFFFF  }
0xc2: {  	(tm) =	ssettm $0x7FFFFFFF  }
0xc3: {  	_ =	shalt  }
tec
execute0_lowered:
.L_overlay_start_1:
0x0: {  	(tag) =	ssettag $0x1  }
0x1: {  	s1 =	rddreg [dreg:$0x0]  }
0x2: {  	s0 =	rddreg [dreg:$0x1];
	s2 =	simm.s32 $0x0  }
0x3: {  	s3 =	srdreg.scid;
	s6 =	stileid.u32;
	s28 =	simm.s32 $0xA200  }
0x4: {  	s29 =	simm.s32 $0x3;
	s31 =	simm.s32 $0x2A00;
	[smem:$0x7FF] =	sst s2  }
0x5: {  	s4 =	sadd.s32 $0x15400, s0;
	s3 =	sand.u32 $0x1, s3;
	s8 =	sshll.u32 s6, $0x1  }
0x6: {  	s5 =	sadd.s32 $0x3C600, s0;
	s6 =	sadd.s32 $0x1800, s0;
	s10 =	sor.u32 s3, s8  }
0x7: {  	s7 =	sadd.s32 $0xB600, s0;
	s9 =	sadd.s32 $0x2ADA00, s0;
	s8 =	smul.u32 $0x2710, s10  }
0x8: {  	s30 =	simm.s32 $0x2;
	_ =	strace $0x80000047;
	s12 =	smul.u32 $0x138800, s10  }
0x9: {  	s3 =	ssub.s32 $0x2, s3;
	s11 =	sshll.u32 s10, $0x5;
	s23 =	smul.u32 $0x13880, s10  }
0xa: {  	s19 =	sshrl.u32 s3, $0x1;
	s14 =	smul.u32 $0x1388, s10;
	s0 =	sadd.s32 s11, s0  }
0xb: {  	s3 =	ssub.s32 s3, s19;
	s20 =	sshrl.u32 s8, $0x3;
	s12 =	sshrl.u32 s12, $0x3  }
0xc: {  	s25 =	sadd.s32 s5, s23;
	s16 =	sadd.s32 $0xF0, s8;
	s0 =	sadd.s32 $0x2AD600, s0  }
0xd: {  	s26 =	smax.u32 s3, $0x1;
	s23 =	simm.s32 $0x1;
	[dreg:$0x7] =	wrdreg s25  }
0xe: {  	s3 =	simm.s32 $0xB600;
	s13 =	sadd.s32 s6, s20;
	[dreg:$0x9] =	wrdreg s0  }
0xf: {  	s21 =	sadd.s32 s7, s20;
	s11 =	sadd.s32 $0xA, s20;
	[dreg:$0xa] =	wrdreg s26  }
0x10: {  	s24 =	sadd.s32 s9, s12;
	s20 =	simm.s32 $0x100;
	[dreg:$0x3] =	wrdreg s13  }
0x11: {  	s25 =	simm.s32 $0x200;
	[dreg:$0x4] =	wrdreg s21;
	s22 =	sadd.s32 s6, s11  }
0x12: {  	s26 =	simm.s32 $0x5200;
	s11 =	sadd.s32 s7, s11;
	[dreg:$0x5] =	wrdreg s22  }
0x13: {  	s10 =	sadd.s32 $0x26C00, s24;
	s21 =	simm.s32 $0x80;
	[dreg:$0x6] =	wrdreg s11  }
0x14: {  	s24 =	simm.s32 $0x50;
	s13 =	simm.s32 $0x0;
	[dreg:$0x8] =	wrdreg s10  }
0x15: {  	s22 =	simm.s32 $0x180;
	s10 =	simm.s32 $0x4;
	s11 =	simm.s32 $0x5  }
.LBB2_1:
0x16: {  	[dreg:$0xb] =	wrdreg s13  }
0x17: {  	s0 =	rddreg [dreg:$0x3]  }
0x18: {  	[tilespmem:s2], [sflag:$0x1] =	stream.linear.gather [hbm4b:s0+s2], $0x50, $0x38;
	[tilespmem:$0xCB00] =	vst v63  }
0x19: {  	s15 =	rddreg [dreg:$0x4]  }
0x1a: {  	[tilespmem:s20], [sflag:$0x1] =	stream.linear.gather [hbm4b:s15+s2], $0x50, $0x38;
	[tilespmem:$0xCB00] =	vst v63  }
0x1b: {  	s17 =	rddreg [dreg:$0x5]  }
0x1c: {  	[tilespmem:s21], [sflag:$0x2] =	stream.linear.gather [hbm4b:s17+s2], $0x50, $0x38;
	[tilespmem:$0xCB00] =	vst v63  }
0x1d: {  	s18 =	rddreg [dreg:$0x6]  }
0x1e: {  	[tilespmem:s22], [sflag:$0x2] =	stream.linear.gather [hbm4b:s18+s2], $0x50, $0x38;
	[tilespmem:$0xCB00] =	vst v63  }
0x1f: {  	_ =	swait.ge [sflag:s23], $0x50  }
0x20: {  	[sflag:s23] =	ssyncset.done $0x0  }
0x21: {  	[sflag:s23] =	ssyncadd.s32 $0xFFFFFFB0  }
0x22: {  	_ =	swait.ge [sflag:s23], $0x50  }
0x23: {  	[sflag:s23] =	ssyncset.done $0x0  }
0x24: {  	v0 =	vimm.f32 $0.0e+00;
	[sflag:s23] =	ssyncadd.s32 $0xFFFFFFB0  }
0x25: {  	v2 =	vimm.f32 $0.0e+00;
	v3 =	vimm.f32 $0.0e+00;
	v6 =	vimm.f32 $0.0e+00;
	[tilespmem:s25], [sflag:$0x3] =	stream.indirect.gather [hbm4b:s1+s24], $0x80, s2, s24, $0xb8;
	[tilespmem:$0xCB00] =	vst v63  }
0x26: {  	v7 =	vimm.f32 $0.0e+00;
	v9 =	vimm.f32 $0.0e+00;
	v11 =	vimm.f32 $0.0e+00  }
0x27: {  	v14 =	vimm.f32 $0.0e+00;
	v1 =	vimm.f32 $0.0e+00;
	v4 =	vimm.f32 $0.0e+00;
	[tilespmem:s26], [sflag:$0x3] =	stream.indirect.gather [hbm4b:s4+s24], $0x80, s20, s24, $0xb8;
	[tilespmem:$0xCB00] =	vst v63  }
0x28: {  	v5 =	vimm.f32 $0.0e+00;
	v8 =	vimm.f32 $0.0e+00;
	v10 =	vimm.f32 $0.0e+00;
	s17 =	simm.s32 $0x0;
	s19 =	rddreg [dreg:$0x7]  }
0x29: {  	v12 =	vimm.f32 $0.0e+00;
	v13 =	vimm.f32 $0.0e+00;
	v15 =	vimm.f32 $0.0e+00;
	[tilespmem:s28], [sflag:$0x3] =	stream.linear.gather [hbm4b:s19+s2], $0x1400, $0x38;
	[tilespmem:$0xCB00] =	vst v63  }
.LBB2_2:
0x2a: {  	_ =	swait.ge [sflag:s29], $0x2800  }
0x2b: {  	[sflag:s29] =	ssyncset.done $0x0  }
0x2c: {  	[sflag:s29] =	ssyncadd.s32 $0xFFFFD800  }
0x2d: {  	_ =	swait.ge [sflag:s29], $0x2800  }
0x2e: {  	[sflag:s29] =	ssyncset.done $0x0  }
0x2f: {  	[sflag:s29] =	ssyncadd.s32 $0xFFFFD800  }
0x30: {  	_ =	swait.ge [sflag:s29], $0x1400  }
0x31: {  	[sflag:s29] =	ssyncset.done $0x0  }
0x32: {  	[sflag:s29] =	ssyncadd.s32 $0xFFFFEC00  }
0x33: {  	_ =	swait.ge [sflag:s30], $0x50  }
0x34: {  	[sflag:s30] =	ssyncset.done $0x0  }
0x35: {  	[sflag:s30] =	ssyncadd.s32 $0xFFFFFFB0  }
0x36: {  	_ =	swait.ge [sflag:s30], $0x50  }
0x37: {  	p0 =	seq.s32 s17, $0x0;
	[sflag:s30] =	ssyncset.done $0x0  }
0x38: {  	s18 =	sshllo.u32 s17, $0x1;
	s12 =	simm.s32 @!p0 $0x6;
	[sflag:s30] =	ssyncadd.s32 $0xFFFFFFB0  }
0x39: {  	s19 =	smul.u32 $0x28, s18;
	_ =	swait.ge @!p0 [sflag:s12], $0x2800  }
0x3a: {  	s13 =	sshll.u32 s17, $0x1;
	[sflag:s12] =	ssyncset.done @!p0 $0x0  }
0x3b: {  	[sflag:s12] =	ssyncadd.s32 @!p0 $0xFFFFD800;
	s12 =	sadd.s32 s14, s19;
	s19 =	sadd.s32 $0x2, s13  }
0x3c: {  	[tilespmem:s31], [sflag:$0x4] =	stream.indirect.gather [hbm4b:s1+s24], $0x80, s21, s24, $0xb8;
	[tilespmem:$0xCB00] =	vst v63  }
0x3d: {  	s0 =	simm.s32 $0x7A00;
	s12 =	sshll.u32 s12, $0x4;
	s13 =	smul.u32 $0x50, s19  }
0x3e: {  	[tilespmem:s0], [sflag:$0x4] =	stream.indirect.gather [hbm4b:s4+s24], $0x80, s22, s24, $0xb8;
	[tilespmem:$0xCB00] =	vst v63  }
0x3f: {  	s12 =	sadd.s32 s5, s12;
	s13 =	sadd.s32 s8, s13  }
0x40: {  	[tilespmem:s3], [sflag:$0x4] =	stream.linear.gather [hbm4b:s12+s2], $0x1400, $0x38;
	[tilespmem:$0xCB00] =	vst v63  }
0x41: {  	s12 =	sshrl.u32 s13, $0x3  }
0x42: {  	s15 =	sadd.s32 s6, s12  }
0x43: {  	[tilespmem:s2], [sflag:$0x1] =	stream.linear.gather [hbm4b:s15+s2], $0x50, $0x38;
	[tilespmem:$0xCB00] =	vst v63  }
0x44: {  	s12 =	sadd.s32 s7, s12  }
0x45: {  	[tilespmem:s20], [sflag:$0x1] =	stream.linear.gather [hbm4b:s12+s2], $0x50, $0x38;
	[tilespmem:$0xCB00] =	vst v63  }
0x46: {  	s12 =	simm.s32 $0xF0  }
0x47: {  	v16 =	vld [tilespmem:s12+$0x5190]  }
0x48: {  	v17 =	vld [tilespmem:s12+$0x110]  }
0x49: {  	v18 =	vld [tilespmem:s12+$0x190]  }
0x4a: {  	s13 =	simm.s32 $0xA240;
	v20 =	vld [tilespmem:s12+$0x5110]  }
0x4b: {  	v21 =	vld [tilespmem:s13+$0xFFFFFFC0];
	_ =	sdelay $0x3  }
0x4c: {  	v17 =	vadd.f32 v20, v17  }
0x4d: {  	v25 =	vshll.u32 v21, $0x10;
	v16 =	vadd.f32 v16, v18  }
0x4e: {  	v19 =	vld [tilespmem:s12+$0x5120];
	v21 =	vand.u32 $0xFFFF0000, v21;
	v17 =	vadd.f32 v25, v17  }
0x4f: {  	v63 =	vld [tilespmem:s12+$0x51A0];
	v16 =	vadd.f32 v21, v16  }
0x50: {  	v27 =	vld [tilespmem:s12+$0x120];
	[tilespmem:s12+$0x110] =	vst v17  }
0x51: {  	v21 =	vld [tilespmem:s12+$0x1A0];
	[tilespmem:s12+$0x190] =	vst v16  }
0x52: {  	v28 =	vld [tilespmem:s13+$0xFFFFFFD0];
	_ =	sdelay $0x3  }
0x53: {  	v19 =	vadd.f32 v19, v27  }
0x54: {  	v21 =	vadd.f32 v63, v21;
	v32 =	vshll.u32 v28, $0x10  }
0x55: {  	v22 =	vld [tilespmem:s12+$0x5130];
	v33 =	vand.u32 $0xFFFF0000, v28;
	v19 =	vadd.f32 v32, v19  }
0x56: {  	v34 =	vld [tilespmem:s12+$0x51B0];
	v21 =	vadd.f32 v33, v21  }
0x57: {  	v35 =	vld [tilespmem:s12+$0x1B0];
	[tilespmem:s12+$0x120] =	vst v19  }
0x58: {  	v36 =	vld [tilespmem:s12+$0x130];
	[tilespmem:s12+$0x1A0] =	vst v21  }
0x59: {  	v29 =	vld [tilespmem:s13+$0xFFFFFFE0];
	_ =	sdelay $0x3  }
0x5a: {  	v22 =	vadd.f32 v22, v36  }
0x5b: {  	v25 =	vadd.f32 v34, v35;
	v37 =	vshll.u32 v29, $0x10  }
0x5c: {  	v23 =	vld [tilespmem:s12+$0x5140];
	v38 =	vand.u32 $0xFFFF0000, v29;
	v22 =	vadd.f32 v37, v22  }
0x5d: {  	v24 =	vld [tilespmem:s12+$0x51C0];
	v25 =	vadd.f32 v38, v25  }
0x5e: {  	v39 =	vld [tilespmem:s12+$0x1C0];
	[tilespmem:s12+$0x130] =	vst v22  }
0x5f: {  	v40 =	vld [tilespmem:s12+$0x140];
	[tilespmem:s12+$0x1B0] =	vst v25  }
0x60: {  	v41 =	vld [tilespmem:s13+$0xFFFFFFF0];
	_ =	sdelay $0x3  }
0x61: {  	v23 =	vadd.f32 v23, v40  }
0x62: {  	v24 =	vadd.f32 v24, v39;
	v42 =	vshll.u32 v41, $0x10  }
0x63: {  	v44 =	vld [tilespmem:s12+$0x51D0];
	v43 =	vand.u32 $0xFFFF0000, v41;
	v23 =	vadd.f32 v42, v23  }
0x64: {  	v45 =	vld [tilespmem:s12+$0x1D0];
	v24 =	vadd.f32 v43, v24  }
0x65: {  	v46 =	vld [tilespmem:s12+$0x150];
	[tilespmem:s12+$0x140] =	vst v23  }
0x66: {  	v20 =	vld [tilespmem:s12+$0x5150];
	[tilespmem:s12+$0x1C0] =	vst v24  }
0x67: {  	v30 =	vld [tilespmem:s13+$0x0];
	_ =	sdelay $0x3  }
0x68: {  	v31 =	vmul.f32 v17, v17;
	v20 =	vadd.f32 v20, v46;
	v32 =	vmul.f32 v16, v16  }
0x69: {  	v49 =	vld [tilespmem:s12+$0x51E0];
	v27 =	vadd.f32 v44, v45;
	v16 =	vadd.f32 v16, v17;
	v47 =	vshll.u32 v30, $0x10  }
0x6a: {  	v50 =	vld [tilespmem:s12+$0x1E0];
	v17 =	vadd.f32 v32, v31;
	v48 =	vand.u32 $0xFFFF0000, v30;
	v20 =	vadd.f32 v47, v20  }
0x6b: {  	v27 =	vadd.f32 v48, v27  }
0x6c: {  	v26 =	vld [tilespmem:s12+$0x5160];
	v52 =	vmul.f32 v21, v21;
	v14 =	vadd.f32 v17, v14;
	v17 =	vmul.f32 v19, v19;
	[tilespmem:s12+$0x150] =	vst v20  }
0x6d: {  	v51 =	vld [tilespmem:s12+$0x160];
	[tilespmem:s12+$0x1D0] =	vst v27  }
0x6e: {  	v19 =	vadd.f32 v21, v19;
	v17 =	vadd.f32 v52, v17;
	v33 =	vld [tilespmem:s13+$0x10]  }
0x6f: {  	v28 =	vadd.f32 v49, v50;
	v55 =	vmul.f32 v22, v22;
	v56 =	vmul.f32 v25, v25  }
0x70: {  	v13 =	vadd.f32 v19, v13;
	v11 =	vadd.f32 v17, v11  }
0x71: {  	v19 =	vadd.f32 v25, v22;
	v17 =	vadd.f32 v56, v55  }
0x72: {  	v15 =	vadd.f32 v16, v15;
	v16 =	vadd.f32 v26, v51  }
0x73: {  	v12 =	vadd.f32 v19, v12;
	v9 =	vadd.f32 v17, v9;
	v53 =	vshll.u32 v33, $0x10  }
0x74: {  	v54 =	vld [tilespmem:s12+$0x1F0];
	v19 =	vmul.f32 v23, v23;
	v21 =	vand.u32 $0xFFFF0000, v33;
	v16 =	vadd.f32 v53, v16  }
0x75: {  	v58 =	vld [tilespmem:s12+$0x170];
	v57 =	vmul.f32 v24, v24;
	v17 =	vadd.f32 v24, v23;
	v21 =	vadd.f32 v21, v28  }
0x76: {  	v18 =	vld [tilespmem:s12+$0x51F0];
	[tilespmem:s12+$0x160] =	vst v16  }
0x77: {  	v22 =	vld [tilespmem:s12+$0x5170];
	v19 =	vadd.f32 v57, v19;
	v10 =	vadd.f32 v17, v10;
	[tilespmem:s12+$0x1E0] =	vst v21  }
0x78: {  	v59 =	vadd.f32 v27, v20;
	v17 =	vmul.f32 v20, v20;
	v20 =	vmul.f32 v27, v27;
	v23 =	vld [tilespmem:s13+$0x20];
	_ =	sdelay $0x1  }
0x79: {  	v7 =	vadd.f32 v19, v7;
	v19 =	vadd.f32 v20, v17  }
0x7a: {  	v60 =	vadd.f32 v18, v54;
	v8 =	vadd.f32 v59, v8  }
0x7b: {  	v20 =	vadd.f32 v22, v58;
	v6 =	vadd.f32 v19, v6;
	v22 =	vmul.f32 v16, v16  }
0x7c: {  	v61 =	vmul.f32 v21, v21;
	v18 =	vshll.u32 v23, $0x10;
	v23 =	vand.u32 $0xFFFF0000, v23  }
0x7d: {  	v17 =	vld [tilespmem:s12+$0x5200];
	v20 =	vadd.f32 v18, v20;
	v23 =	vadd.f32 v23, v60  }
0x7e: {  	v19 =	vld [tilespmem:s12+$0x180];
	v16 =	vadd.f32 v21, v16;
	v21 =	vadd.f32 v61, v22  }
0x7f: {  	v18 =	vld [tilespmem:s12+$0x5180];
	[tilespmem:s12+$0x170] =	vst v20;
	v22 =	vadd.f32 v23, v20;
	v62 =	vmul.f32 v20, v20;
	v63 =	vmul.f32 v23, v23  }
0x80: {  	v5 =	vadd.f32 v16, v5;
	v3 =	vadd.f32 v21, v3;
	v20 =	vld [tilespmem:s12+$0x200];
	[tilespmem:s12+$0x1F0] =	vst v23  }
0x81: {  	s15 =	simm.s32 $0x7C0;
	v21 =	vld [tilespmem:s13+$0x30];
	v4 =	vadd.f32 v22, v4;
	v16 =	vadd.f32 v63, v62  }
.LBB2_3:
0x82: {  	p0 =	sne.s32 s15, $0x9FC0  }
0x83: {  	s13 =	sadd.s32 $0x80, s13;
	s0 =	smov.u32 s15;
	s15 =	sadd.s32 $0x400, s15  }
0x84: {  	v2 =	vadd.f32 v16, v2  }
0x85: {  	v16 =	vadd.f32 v18, v19;
	v17 =	vadd.f32 v17, v20  }
0x86: {  	s0 =	sshra.s32 s0, $0x2  }
0x87: {  	v18 =	vld [tilespmem:s0+$0x5190];
	v19 =	vshll.u32 v21, $0x10;
	v20 =	vand.u32 $0xFFFF0000, v21  }
0x88: {  	v21 =	vld [tilespmem:s0+$0x110];
	v16 =	vadd.f32 v19, v16;
	v17 =	vadd.f32 v20, v17  }
0x89: {  	v19 =	vld [tilespmem:s0+$0x190]  }
0x8a: {  	v20 =	vld [tilespmem:s0+$0x5120];
	[tilespmem:s12+$0x180] =	vst v16;
	v22 =	vadd.f32 v17, v16;
	v16 =	vmul.f32 v16, v16;
	v23 =	vmul.f32 v17, v17  }
0x8b: {  	v24 =	vld [tilespmem:s0+$0x5110];
	[tilespmem:s12+$0x200] =	vst v17;
	s12 =	smov.u32 s0  }
0x8c: {  	v17 =	vld [tilespmem:s13+$0xFFFFFFC0];
	v1 =	vadd.f32 v22, v1;
	v16 =	vadd.f32 v23, v16  }
0x8d: {  	v22 =	vld [tilespmem:s12+$0x5130]  }
0x8e: {  	v18 =	vadd.f32 v18, v19;
	v19 =	vld [tilespmem:s12+$0x5140];
	v0 =	vadd.f32 v16, v0  }
0x8f: {  	v23 =	vld [tilespmem:s12+$0x51C0]  }
0x90: {  	v16 =	vadd.f32 v24, v21;
	v21 =	vld [tilespmem:s12+$0x5150]  }
0x91: {  	v24 =	vshll.u32 v17, $0x10;
	v25 =	vand.u32 $0xFFFF0000, v17;
	v17 =	vld [tilespmem:s12+$0x5160]  }
0x92: {  	v24 =	vadd.f32 v24, v16;
	v18 =	vadd.f32 v25, v18;
	v16 =	vld [tilespmem:s12+$0x51F0]  }
0x93: {  	v25 =	vld [tilespmem:s12+$0x51A0]  }
0x94: {  	[tilespmem:s12+$0x110] =	vst v24;
	v26 =	vadd.f32 v18, v24;
	v24 =	vmul.f32 v24, v24;
	v27 =	vmul.f32 v18, v18;
	v28 =	vld [tilespmem:s12+$0x1A0]  }
0x95: {  	[tilespmem:s12+$0x190] =	vst v18;
	v18 =	vld [tilespmem:s12+$0x120]  }
0x96: {  	v15 =	vadd.f32 v26, v15;
	v24 =	vadd.f32 v27, v24;
	v26 =	vld [tilespmem:s13+$0xFFFFFFD0];
	_ =	sdelay $0x1  }
0x97: {  	v14 =	vadd.f32 v24, v14;
	_ =	sdelay $0x1  }
0x98: {  	v18 =	vadd.f32 v20, v18;
	v20 =	vadd.f32 v25, v28  }
0x99: {  	v24 =	vshll.u32 v26, $0x10;
	v25 =	vand.u32 $0xFFFF0000, v26  }
0x9a: {  	v18 =	vadd.f32 v24, v18;
	v20 =	vadd.f32 v25, v20  }
0x9b: {  	v24 =	vld [tilespmem:s12+$0x51B0]  }
0x9c: {  	[tilespmem:s12+$0x120] =	vst v18;
	v25 =	vadd.f32 v20, v18;
	v18 =	vmul.f32 v18, v18;
	v26 =	vmul.f32 v20, v20;
	v27 =	vld [tilespmem:s12+$0x1B0]  }
0x9d: {  	[tilespmem:s12+$0x1A0] =	vst v20;
	v20 =	vld [tilespmem:s12+$0x130]  }
0x9e: {  	v13 =	vadd.f32 v25, v13;
	v18 =	vadd.f32 v26, v18;
	v25 =	vld [tilespmem:s13+$0xFFFFFFE0];
	_ =	sdelay $0x1  }
0x9f: {  	v11 =	vadd.f32 v18, v11;
	_ =	sdelay $0x1  }
0xa0: {  	v18 =	vadd.f32 v22, v20;
	v20 =	vadd.f32 v24, v27  }
0xa1: {  	v22 =	vshll.u32 v25, $0x10;
	v24 =	vand.u32 $0xFFFF0000, v25  }
0xa2: {  	v18 =	vadd.f32 v22, v18;
	v20 =	vadd.f32 v24, v20;
	_ =	sdelay $0x1  }
0xa3: {  	[tilespmem:s12+$0x130] =	vst v18;
	v22 =	vadd.f32 v20, v18;
	v18 =	vmul.f32 v18, v18;
	v24 =	vmul.f32 v20, v20;
	v25 =	vld [tilespmem:s12+$0x1C0]  }
0xa4: {  	[tilespmem:s12+$0x1B0] =	vst v20;
	v20 =	vld [tilespmem:s12+$0x140]  }
0xa5: {  	v12 =	vadd.f32 v22, v12;
	v18 =	vadd.f32 v24, v18;
	v22 =	vld [tilespmem:s13+$0xFFFFFFF0];
	_ =	sdelay $0x1  }
0xa6: {  	v9 =	vadd.f32 v18, v9  }
0xa7: {  	v18 =	vadd.f32 v23, v25  }
0xa8: {  	v19 =	vadd.f32 v19, v20  }
0xa9: {  	v20 =	vshll.u32 v22, $0x10;
	v22 =	vand.u32 $0xFFFF0000, v22  }
0xaa: {  	v19 =	vadd.f32 v20, v19;
	v18 =	vadd.f32 v22, v18  }
0xab: {  	v20 =	vld [tilespmem:s12+$0x51D0]  }
0xac: {  	[tilespmem:s12+$0x140] =	vst v19;
	v22 =	vadd.f32 v18, v19;
	v19 =	vmul.f32 v19, v19;
	v23 =	vmul.f32 v18, v18;
	v24 =	vld [tilespmem:s12+$0x1D0]  }
0xad: {  	[tilespmem:s12+$0x1C0] =	vst v18;
	v18 =	vld [tilespmem:s12+$0x150]  }
0xae: {  	v10 =	vadd.f32 v22, v10;
	v19 =	vadd.f32 v23, v19;
	v22 =	vld [tilespmem:s13+$0x0];
	_ =	sdelay $0x1  }
0xaf: {  	v7 =	vadd.f32 v19, v7;
	_ =	sdelay $0x1  }
0xb0: {  	v19 =	vadd.f32 v20, v24;
	v18 =	vadd.f32 v21, v18  }
0xb1: {  	v20 =	vshll.u32 v22, $0x10;
	v21 =	vand.u32 $0xFFFF0000, v22  }
0xb2: {  	v18 =	vadd.f32 v20, v18;
	v19 =	vadd.f32 v21, v19  }
0xb3: {  	v20 =	vld [tilespmem:s12+$0x51E0]  }
0xb4: {  	[tilespmem:s12+$0x150] =	vst v18;
	v21 =	vadd.f32 v19, v18;
	v18 =	vmul.f32 v18, v18;
	v22 =	vmul.f32 v19, v19;
	v23 =	vld [tilespmem:s12+$0x1E0]  }
0xb5: {  	[tilespmem:s12+$0x1D0] =	vst v19;
	v19 =	vld [tilespmem:s12+$0x160]  }
0xb6: {  	v8 =	vadd.f32 v21, v8;
	v18 =	vadd.f32 v22, v18;
	v21 =	vld [tilespmem:s13+$0x10];
	_ =	sdelay $0x1  }
0xb7: {  	v6 =	vadd.f32 v18, v6;
	_ =	sdelay $0x1  }
0xb8: {  	v18 =	vadd.f32 v20, v23;
	v17 =	vadd.f32 v17, v19  }
0xb9: {  	v19 =	vshll.u32 v21, $0x10;
	v20 =	vand.u32 $0xFFFF0000, v21  }
0xba: {  	v17 =	vadd.f32 v19, v17;
	v18 =	vadd.f32 v20, v18  }
0xbb: {  	v19 =	vld [tilespmem:s12+$0x1F0]  }
0xbc: {  	[tilespmem:s12+$0x160] =	vst v17;
	v20 =	vadd.f32 v18, v17;
	v17 =	vmul.f32 v17, v17;
	v21 =	vmul.f32 v18, v18;
	v22 =	vld [tilespmem:s12+$0x5170]  }
0xbd: {  	[tilespmem:s12+$0x1E0] =	vst v18;
	v18 =	vld [tilespmem:s12+$0x170]  }
0xbe: {  	v5 =	vadd.f32 v20, v5;
	v17 =	vadd.f32 v21, v17;
	v20 =	vld [tilespmem:s13+$0x20];
	_ =	sdelay $0x1  }
0xbf: {  	v3 =	vadd.f32 v17, v3;
	v16 =	vadd.f32 v16, v19;
	_ =	sdelay $0x1  }
0xc0: {  	v18 =	vadd.f32 v22, v18  }
0xc1: {  	v19 =	vshll.u32 v20, $0x10;
	v20 =	vand.u32 $0xFFFF0000, v20;
	v17 =	vld [tilespmem:s12+$0x5200]  }
.Ltmp0:
0xc2: {  	v21 =	vadd.f32 v19, v18;
	v16 =	vadd.f32 v20, v16;
	v18 =	vld [tilespmem:s12+$0x5180];
	(pc) =	sbr.rel @p0 .LBB2_3-.Ltmp0, $4  }
0xc3: {  	v19 =	vld [tilespmem:s12+$0x180]  }
0xc4: {  	[tilespmem:s12+$0x170] =	vst v21;
	v22 =	vadd.f32 v16, v21;
	v21 =	vmul.f32 v21, v21;
	v23 =	vmul.f32 v16, v16;
	v20 =	vld [tilespmem:s12+$0x200]  }
0xc5: {  	[tilespmem:s12+$0x1F0] =	vst v16  }
0xc6: {  	v4 =	vadd.f32 v22, v4;
	v16 =	vadd.f32 v23, v21;
	v21 =	vld [tilespmem:s13+$0x30]  }
0xc7: {  	_ =	sdelay $0x2  }
0xc8: {  	v18 =	vadd.f32 v18, v19  }
0xc9: {  	s0 =	smul.u32 $0xA0, s17;
	v17 =	vadd.f32 v17, v20;
	v19 =	vshll.u32 v21, $0x10  }
0xca: {  	v20 =	vand.u32 $0xFFFF0000, v21;
	v18 =	vadd.f32 v19, v18  }
0xcb: {  	s13 =	sadd.s32 s8, s0;
	v17 =	vadd.f32 v20, v17  }
0xcc: {  	s13 =	sshll.u32 s13, $0x4;
	[tilespmem:s12+$0x180] =	vst v18  }
0xcd: {  	s15 =	sadd.s32 s9, s13;
	[tilespmem:s12+$0x200] =	vst v17  }
0xce: {  	[hbm4b:s15+s2] =	stream.linear.scatter [tilespmem:s25], [sflag:$0x5], $0x2800, $0x38;
	[tilespmem:$0xCB00] =	vst v63  }
0xcf: {  	_ =	swait.ge [sflag:s10], $0x2800  }
0xd0: {  	[sflag:s10] =	ssyncset.done $0x0  }
0xd1: {  	[sflag:s10] =	ssyncadd.s32 $0xFFFFD800  }
0xd2: {  	_ =	swait.ge [sflag:s10], $0x2800  }
0xd3: {  	[sflag:s10] =	ssyncset.done $0x0  }
0xd4: {  	[sflag:s10] =	ssyncadd.s32 $0xFFFFD800  }
0xd5: {  	_ =	swait.ge [sflag:s10], $0x1400  }
0xd6: {  	[sflag:s10] =	ssyncset.done $0x0  }
0xd7: {  	[sflag:s10] =	ssyncadd.s32 $0xFFFFEC00  }
0xd8: {  	_ =	swait.ge [sflag:s23], $0x50  }
0xd9: {  	[sflag:s23] =	ssyncset.done $0x0  }
0xda: {  	[sflag:s23] =	ssyncadd.s32 $0xFFFFFFB0  }
0xdb: {  	_ =	swait.ge [sflag:s23], $0x50  }
0xdc: {  	[sflag:s23] =	ssyncset.done $0x0  }
0xdd: {  	[sflag:s23] =	ssyncadd.s32 $0xFFFFFFB0  }
0xde: {  	s19 =	smul.u32 $0x28, s19;
	_ =	swait.ge [sflag:s11], $0x2800  }
0xdf: {  	[sflag:s11] =	ssyncset.done $0x0  }
0xe0: {  	p0 =	seq.s32 s17, $0x3D;
	s12 =	sadd.s32 s14, s19;
	[sflag:s11] =	ssyncadd.s32 $0xFFFFD800  }
0xe1: {  	[tilespmem:s25], [sflag:$0x3] =	stream.indirect.gather [hbm4b:s1+s24], $0x80, s2, s24, $0xb8;
	[tilespmem:$0xCB00] =	vst v63  }
0xe2: {  	s0 =	sadd.s32 @!p0 s0, s16;
	s12 =	sshll.u32 s12, $0x4  }
0xe3: {  	[tilespmem:s26], [sflag:$0x3] =	stream.indirect.gather [hbm4b:s4+s24], $0x80, s20, s24, $0xb8;
	[tilespmem:$0xCB00] =	vst v63  }
0xe4: {  	s0 =	sshrl.u32 @!p0 s0, $0x3;
	s12 =	sadd.s32 s5, s12  }
0xe5: {  	[tilespmem:s28], [sflag:$0x3] =	stream.linear.gather [hbm4b:s12+s2], $0x1400, $0x38;
	[tilespmem:$0xCB00] =	vst v63  }
0xe6: {  	s13 =	simm.s32 @!p0 $0x0;
	s15 =	simm.s32 @!p0 $0x80;
	s12 =	sadd.s32 @!p0 s6, s0  }
0xe7: {  	[tilespmem:s15], [sflag:$0x2] =	stream.linear.gather @!p0 [hbm4b:s12+s13], $0x50, $0x38;
	[tilespmem:$0xCB00] =	vst v63  }
0xe8: {  	s19 =	simm.s32 $0xF0;
	s0 =	sadd.s32 @!p0 s7, s0;
	s12 =	simm.s32 @!p0 $0x180  }
0xe9: {  	[tilespmem:s12], [sflag:$0x2] =	stream.linear.gather @!p0 [hbm4b:s0+s13], $0x50, $0x38;
	[tilespmem:$0xCB00] =	vst v63  }
0xea: {  	v19 =	vld [tilespmem:s19+$0x7990]  }
0xeb: {  	v20 =	vld [tilespmem:s19+$0x2910]  }
0xec: {  	v21 =	vld [tilespmem:s19+$0x2990]  }
0xed: {  	s12 =	simm.s32 $0xB640;
	v23 =	vld [tilespmem:s19+$0x7910]  }
0xee: {  	v24 =	vld [tilespmem:s12+$0xFFFFFFC0];
	_ =	sdelay $0x3  }
0xef: {  	v20 =	vadd.f32 v23, v20  }
0xf0: {  	v28 =	vshll.u32 v24, $0x10;
	v19 =	vadd.f32 v19, v21  }
0xf1: {  	v22 =	vld [tilespmem:s19+$0x7920];
	v24 =	vand.u32 $0xFFFF0000, v24;
	v20 =	vadd.f32 v28, v20  }
0xf2: {  	v35 =	vld [tilespmem:s19+$0x79A0];
	v19 =	vadd.f32 v24, v19  }
0xf3: {  	v36 =	vld [tilespmem:s19+$0x29A0];
	[tilespmem:s19+$0x2910] =	vst v20  }
0xf4: {  	v30 =	vld [tilespmem:s19+$0x2920];
	[tilespmem:s19+$0x2990] =	vst v19  }
0xf5: {  	v31 =	vld [tilespmem:s12+$0xFFFFFFD0];
	_ =	sdelay $0x3  }
0xf6: {  	v22 =	vadd.f32 v22, v30  }
0xf7: {  	v24 =	vadd.f32 v35, v36;
	v37 =	vshll.u32 v31, $0x10  }
0xf8: {  	v25 =	vld [tilespmem:s19+$0x7930];
	v38 =	vand.u32 $0xFFFF0000, v31;
	v22 =	vadd.f32 v37, v22  }
0xf9: {  	v39 =	vld [tilespmem:s19+$0x79B0];
	v24 =	vadd.f32 v38, v24  }
0xfa: {  	v40 =	vld [tilespmem:s19+$0x29B0];
	[tilespmem:s19+$0x2920] =	vst v22  }
0xfb: {  	v41 =	vld [tilespmem:s19+$0x2930];
	[tilespmem:s19+$0x29A0] =	vst v24  }
0xfc: {  	v32 =	vld [tilespmem:s12+$0xFFFFFFE0];
	_ =	sdelay $0x3  }
0xfd: {  	v25 =	vadd.f32 v25, v41  }
0xfe: {  	v28 =	vadd.f32 v39, v40;
	v42 =	vshll.u32 v32, $0x10  }
0xff: {  	v26 =	vld [tilespmem:s19+$0x7940];
	v43 =	vand.u32 $0xFFFF0000, v32;
	v25 =	vadd.f32 v42, v25  }
0x100: {  	v27 =	vld [tilespmem:s19+$0x79C0];
	v28 =	vadd.f32 v43, v28  }
0x101: {  	v44 =	vld [tilespmem:s19+$0x29C0];
	[tilespmem:s19+$0x2930] =	vst v25  }
0x102: {  	v45 =	vld [tilespmem:s19+$0x2940];
	[tilespmem:s19+$0x29B0] =	vst v28  }
0x103: {  	v46 =	vld [tilespmem:s12+$0xFFFFFFF0];
	_ =	sdelay $0x3  }
0x104: {  	v26 =	vadd.f32 v26, v45  }
0x105: {  	v27 =	vadd.f32 v27, v44;
	v47 =	vshll.u32 v46, $0x10  }
0x106: {  	v49 =	vld [tilespmem:s19+$0x79D0];
	v48 =	vand.u32 $0xFFFF0000, v46;
	v26 =	vadd.f32 v47, v26  }
0x107: {  	v50 =	vld [tilespmem:s19+$0x29D0];
	v27 =	vadd.f32 v48, v27  }
0x108: {  	v51 =	vld [tilespmem:s19+$0x2950];
	[tilespmem:s19+$0x2940] =	vst v26  }
0x109: {  	v23 =	vld [tilespmem:s19+$0x7950];
	[tilespmem:s19+$0x29C0] =	vst v27  }
0x10a: {  	v33 =	vld [tilespmem:s12+$0x0];
	_ =	sdelay $0x3  }
0x10b: {  	v23 =	vadd.f32 v23, v51  }
0x10c: {  	v30 =	vadd.f32 v49, v50;
	v52 =	vshll.u32 v33, $0x10  }
0x10d: {  	v29 =	vld [tilespmem:s19+$0x7960];
	v53 =	vand.u32 $0xFFFF0000, v33;
	v23 =	vadd.f32 v52, v23  }
0x10e: {  	v54 =	vld [tilespmem:s19+$0x79E0];
	v30 =	vadd.f32 v53, v30  }
0x10f: {  	v2 =	vadd.f32 v16, v2;
	v16 =	vmul.f32 v18, v18;
	v56 =	vmul.f32 v17, v17;
	v55 =	vld [tilespmem:s19+$0x29E0];
	[tilespmem:s19+$0x2950] =	vst v23  }
0x110: {  	v17 =	vadd.f32 v17, v18;
	v34 =	vld [tilespmem:s19+$0x2960];
	v18 =	vmul.f32 v20, v20;
	v35 =	vmul.f32 v19, v19;
	[tilespmem:s19+$0x29D0] =	vst v30  }
0x111: {  	v16 =	vadd.f32 v56, v16;
	v36 =	vld [tilespmem:s12+$0x10]  }
0x112: {  	v1 =	vadd.f32 v17, v1;
	v17 =	vadd.f32 v35, v18  }
0x113: {  	v0 =	vadd.f32 v16, v0;
	v19 =	vadd.f32 v19, v20  }
0x114: {  	v14 =	vadd.f32 v17, v14;
	v17 =	vmul.f32 v22, v22;
	v18 =	vmul.f32 v24, v24  }
0x115: {  	v16 =	vadd.f32 v29, v34;
	v20 =	vadd.f32 v54, v55  }
0x116: {  	v15 =	vadd.f32 v19, v15;
	v17 =	vadd.f32 v18, v17;
	v19 =	vshll.u32 v36, $0x10  }
0x117: {  	v21 =	vld [tilespmem:s19+$0x79F0];
	v18 =	vand.u32 $0xFFFF0000, v36;
	v19 =	vadd.f32 v19, v16;
	v16 =	vadd.f32 v24, v22  }
0x118: {  	v57 =	vmul.f32 v25, v25;
	v22 =	vld [tilespmem:s19+$0x29F0];
	v20 =	vadd.f32 v18, v20;
	v18 =	vmul.f32 v28, v28  }
0x119: {  	v11 =	vadd.f32 v17, v11;
	v13 =	vadd.f32 v16, v13  }
0x11a: {  	v16 =	vadd.f32 v28, v25;
	v17 =	vadd.f32 v18, v57  }
0x11b: {  	v58 =	vld [tilespmem:s19+$0x7970];
	[tilespmem:s19+$0x2960] =	vst v19;
	v18 =	vmul.f32 v27, v27  }
0x11c: {  	v59 =	vld [tilespmem:s19+$0x2970];
	[tilespmem:s19+$0x29E0] =	vst v20;
	v12 =	vadd.f32 v16, v12;
	v16 =	vmul.f32 v26, v26;
	v9 =	vadd.f32 v17, v9  }
0x11d: {  	v60 =	vld [tilespmem:s12+$0x20];
	v17 =	vadd.f32 v27, v26;
	v21 =	vadd.f32 v21, v22  }
0x11e: {  	v16 =	vadd.f32 v18, v16;
	v18 =	vadd.f32 v30, v23  }
0x11f: {  	v10 =	vadd.f32 v17, v10;
	v17 =	vmul.f32 v23, v23;
	v23 =	vmul.f32 v30, v30  }
0x120: {  	v61 =	vmul.f32 v20, v20;
	v7 =	vadd.f32 v16, v7;
	v8 =	vadd.f32 v18, v8  }
0x121: {  	v18 =	vadd.f32 v23, v17;
	v17 =	vadd.f32 v58, v59;
	v23 =	vmul.f32 v19, v19  }
0x122: {  	v22 =	vshll.u32 v60, $0x10;
	v62 =	vand.u32 $0xFFFF0000, v60;
	v19 =	vadd.f32 v20, v19  }
0x123: {  	v16 =	vld [tilespmem:s19+$0x7A00];
	v21 =	vadd.f32 v62, v21;
	v22 =	vadd.f32 v22, v17  }
0x124: {  	v20 =	vld [tilespmem:s19+$0x2A00];
	v6 =	vadd.f32 v18, v6;
	v23 =	vadd.f32 v61, v23  }
0x125: {  	v17 =	vld [tilespmem:s19+$0x7980];
	v25 =	vmul.f32 v21, v21;
	[tilespmem:s19+$0x2970] =	vst v22;
	v63 =	vadd.f32 v21, v22;
	v22 =	vmul.f32 v22, v22  }
0x126: {  	v18 =	vld [tilespmem:s19+$0x2980];
	v5 =	vadd.f32 v19, v5;
	[tilespmem:s19+$0x29F0] =	vst v21;
	v3 =	vadd.f32 v23, v3  }
0x127: {  	s13 =	simm.s32 $0x7C0;
	v21 =	vld [tilespmem:s12+$0x30];
	v4 =	vadd.f32 v63, v4;
	v19 =	vadd.f32 v25, v22  }
.LBB2_5:
0x128: {  	p0 =	sne.s32 s13, $0x9FC0  }
0x129: {  	s12 =	sadd.s32 $0x80, s12;
	s0 =	smov.u32 s13;
	s13 =	sadd.s32 $0x400, s13  }
0x12a: {  	v2 =	vadd.f32 v19, v2  }
0x12b: {  	v17 =	vadd.f32 v17, v18;
	v16 =	vadd.f32 v16, v20  }
0x12c: {  	s0 =	sshra.s32 s0, $0x2  }
0x12d: {  	v18 =	vld [tilespmem:s0+$0x7990];
	v19 =	vshll.u32 v21, $0x10;
	v20 =	vand.u32 $0xFFFF0000, v21  }
0x12e: {  	v21 =	vld [tilespmem:s0+$0x2910];
	v17 =	vadd.f32 v19, v17;
	v16 =	vadd.f32 v20, v16  }
0x12f: {  	v19 =	vld [tilespmem:s0+$0x2990]  }
0x130: {  	v20 =	vld [tilespmem:s0+$0x7920];
	[tilespmem:s19+$0x2980] =	vst v17;
	v22 =	vadd.f32 v16, v17;
	v17 =	vmul.f32 v17, v17;
	v23 =	vmul.f32 v16, v16  }
0x131: {  	v24 =	vld [tilespmem:s0+$0x7910];
	[tilespmem:s19+$0x2A00] =	vst v16;
	s19 =	smov.u32 s0  }
0x132: {  	v16 =	vld [tilespmem:s12+$0xFFFFFFC0];
	v1 =	vadd.f32 v22, v1;
	v17 =	vadd.f32 v23, v17  }
0x133: {  	v22 =	vld [tilespmem:s19+$0x7930]  }
0x134: {  	v18 =	vadd.f32 v18, v19;
	v19 =	vld [tilespmem:s19+$0x7940];
	v0 =	vadd.f32 v17, v0  }
0x135: {  	v23 =	vld [tilespmem:s19+$0x79C0]  }
0x136: {  	v21 =	vadd.f32 v24, v21;
	v24 =	vld [tilespmem:s19+$0x7950]  }
0x137: {  	v25 =	vshll.u32 v16, $0x10;
	v16 =	vand.u32 $0xFFFF0000, v16;
	v17 =	vld [tilespmem:s19+$0x7960]  }
0x138: {  	v21 =	vadd.f32 v25, v21;
	v18 =	vadd.f32 v16, v18;
	v16 =	vld [tilespmem:s19+$0x79F0]  }
0x139: {  	v25 =	vld [tilespmem:s19+$0x79A0]  }
0x13a: {  	[tilespmem:s19+$0x2910] =	vst v21;
	v26 =	vadd.f32 v18, v21;
	v21 =	vmul.f32 v21, v21;
	v27 =	vmul.f32 v18, v18;
	v28 =	vld [tilespmem:s19+$0x29A0]  }
0x13b: {  	[tilespmem:s19+$0x2990] =	vst v18;
	v18 =	vld [tilespmem:s19+$0x2920]  }
0x13c: {  	v15 =	vadd.f32 v26, v15;
	v21 =	vadd.f32 v27, v21;
	v26 =	vld [tilespmem:s12+$0xFFFFFFD0];
	_ =	sdelay $0x1  }
0x13d: {  	v14 =	vadd.f32 v21, v14;
	_ =	sdelay $0x1  }
0x13e: {  	v18 =	vadd.f32 v20, v18;
	v20 =	vadd.f32 v25, v28  }
0x13f: {  	v21 =	vshll.u32 v26, $0x10;
	v25 =	vand.u32 $0xFFFF0000, v26  }
0x140: {  	v18 =	vadd.f32 v21, v18;
	v20 =	vadd.f32 v25, v20  }
0x141: {  	v21 =	vld [tilespmem:s19+$0x79B0]  }
0x142: {  	[tilespmem:s19+$0x2920] =	vst v18;
	v25 =	vadd.f32 v20, v18;
	v18 =	vmul.f32 v18, v18;
	v26 =	vmul.f32 v20, v20;
	v27 =	vld [tilespmem:s19+$0x29B0]  }
0x143: {  	[tilespmem:s19+$0x29A0] =	vst v20;
	v20 =	vld [tilespmem:s19+$0x2930]  }
0x144: {  	v13 =	vadd.f32 v25, v13;
	v18 =	vadd.f32 v26, v18;
	v25 =	vld [tilespmem:s12+$0xFFFFFFE0];
	_ =	sdelay $0x1  }
0x145: {  	v11 =	vadd.f32 v18, v11;
	_ =	sdelay $0x1  }
0x146: {  	v18 =	vadd.f32 v22, v20;
	v20 =	vadd.f32 v21, v27  }
0x147: {  	v21 =	vshll.u32 v25, $0x10;
	v22 =	vand.u32 $0xFFFF0000, v25  }
0x148: {  	v18 =	vadd.f32 v21, v18;
	v20 =	vadd.f32 v22, v20;
	_ =	sdelay $0x1  }
0x149: {  	[tilespmem:s19+$0x2930] =	vst v18;
	v21 =	vadd.f32 v20, v18;
	v18 =	vmul.f32 v18, v18;
	v22 =	vmul.f32 v20, v20;
	v25 =	vld [tilespmem:s19+$0x29C0]  }
0x14a: {  	[tilespmem:s19+$0x29B0] =	vst v20;
	v20 =	vld [tilespmem:s19+$0x2940]  }
0x14b: {  	v12 =	vadd.f32 v21, v12;
	v18 =	vadd.f32 v22, v18;
	v21 =	vld [tilespmem:s12+$0xFFFFFFF0];
	_ =	sdelay $0x1  }
0x14c: {  	v9 =	vadd.f32 v18, v9  }
0x14d: {  	v18 =	vadd.f32 v23, v25  }
0x14e: {  	v19 =	vadd.f32 v19, v20  }
0x14f: {  	v20 =	vshll.u32 v21, $0x10;
	v21 =	vand.u32 $0xFFFF0000, v21  }
0x150: {  	v19 =	vadd.f32 v20, v19;
	v18 =	vadd.f32 v21, v18  }
0x151: {  	v20 =	vld [tilespmem:s19+$0x79D0]  }
0x152: {  	[tilespmem:s19+$0x2940] =	vst v19;
	v21 =	vadd.f32 v18, v19;
	v19 =	vmul.f32 v19, v19;
	v22 =	vmul.f32 v18, v18;
	v23 =	vld [tilespmem:s19+$0x29D0]  }
0x153: {  	[tilespmem:s19+$0x29C0] =	vst v18;
	v18 =	vld [tilespmem:s19+$0x2950]  }
0x154: {  	v10 =	vadd.f32 v21, v10;
	v19 =	vadd.f32 v22, v19;
	v21 =	vld [tilespmem:s12+$0x0];
	_ =	sdelay $0x1  }
0x155: {  	v7 =	vadd.f32 v19, v7;
	_ =	sdelay $0x1  }
0x156: {  	v19 =	vadd.f32 v20, v23;
	v18 =	vadd.f32 v24, v18  }
0x157: {  	v20 =	vshll.u32 v21, $0x10;
	v21 =	vand.u32 $0xFFFF0000, v21  }
0x158: {  	v18 =	vadd.f32 v20, v18;
	v19 =	vadd.f32 v21, v19  }
0x159: {  	v20 =	vld [tilespmem:s19+$0x79E0]  }
0x15a: {  	[tilespmem:s19+$0x2950] =	vst v18;
	v21 =	vadd.f32 v19, v18;
	v18 =	vmul.f32 v18, v18;
	v22 =	vmul.f32 v19, v19;
	v23 =	vld [tilespmem:s19+$0x29E0]  }
0x15b: {  	[tilespmem:s19+$0x29D0] =	vst v19;
	v19 =	vld [tilespmem:s19+$0x2960]  }
0x15c: {  	v8 =	vadd.f32 v21, v8;
	v18 =	vadd.f32 v22, v18;
	v21 =	vld [tilespmem:s12+$0x10];
	_ =	sdelay $0x1  }
0x15d: {  	v6 =	vadd.f32 v18, v6;
	_ =	sdelay $0x1  }
0x15e: {  	v18 =	vadd.f32 v20, v23;
	v17 =	vadd.f32 v17, v19  }
0x15f: {  	v19 =	vshll.u32 v21, $0x10;
	v20 =	vand.u32 $0xFFFF0000, v21  }
0x160: {  	v17 =	vadd.f32 v19, v17;
	v18 =	vadd.f32 v20, v18  }
0x161: {  	v19 =	vld [tilespmem:s19+$0x29F0]  }
0x162: {  	[tilespmem:s19+$0x2960] =	vst v17;
	v20 =	vadd.f32 v18, v17;
	v17 =	vmul.f32 v17, v17;
	v21 =	vmul.f32 v18, v18;
	v22 =	vld [tilespmem:s19+$0x7970]  }
0x163: {  	[tilespmem:s19+$0x29E0] =	vst v18;
	v18 =	vld [tilespmem:s19+$0x2970]  }
0x164: {  	v5 =	vadd.f32 v20, v5;
	v17 =	vadd.f32 v21, v17;
	v20 =	vld [tilespmem:s12+$0x20];
	_ =	sdelay $0x1  }
0x165: {  	v3 =	vadd.f32 v17, v3;
	v17 =	vadd.f32 v16, v19;
	_ =	sdelay $0x1  }
0x166: {  	v18 =	vadd.f32 v22, v18  }
0x167: {  	v19 =	vshll.u32 v20, $0x10;
	v20 =	vand.u32 $0xFFFF0000, v20;
	v16 =	vld [tilespmem:s19+$0x7A00]  }
.Ltmp1:
0x168: {  	v19 =	vadd.f32 v19, v18;
	v21 =	vadd.f32 v20, v17;
	v17 =	vld [tilespmem:s19+$0x7980];
	(pc) =	sbr.rel @p0 .LBB2_5-.Ltmp1, $4  }
0x169: {  	v18 =	vld [tilespmem:s19+$0x2980]  }
0x16a: {  	[tilespmem:s19+$0x2970] =	vst v19;
	v22 =	vadd.f32 v21, v19;
	v19 =	vmul.f32 v19, v19;
	v23 =	vmul.f32 v21, v21;
	v20 =	vld [tilespmem:s19+$0x2A00]  }
0x16b: {  	[tilespmem:s19+$0x29F0] =	vst v21  }
0x16c: {  	v4 =	vadd.f32 v22, v4;
	v19 =	vadd.f32 v23, v19;
	v21 =	vld [tilespmem:s12+$0x30]  }
0x16d: {  	_ =	sdelay $0x2  }
0x16e: {  	v17 =	vadd.f32 v17, v18;
	v16 =	vadd.f32 v16, v20  }
0x16f: {  	v62 =	vshll.u32 v21, $0x10;
	v63 =	vand.u32 $0xFFFF0000, v21  }
0x170: {  	s17 =	sadd.s32 $0x1, s17;
	v17 =	vadd.f32 v62, v17;
	v16 =	vadd.f32 v63, v16  }
0x171: {  	s0 =	smul.u32 $0x50, s18;
	p0 =	sne.s32 s17, $0x3E  }
.Ltmp2:
0x172: {  	v18 =	vmul.f32 v17, v17;
	v20 =	vmul.f32 v16, v16;
	(pc) =	sbr.rel @p0 .LBB2_2-.Ltmp2, $4  }
0x173: {  	s0 =	sadd.s32 s8, s0;
	[tilespmem:s19+$0x2980] =	vst v17  }
0x174: {  	s0 =	sshll.u32 s0, $0x4;
	[tilespmem:s19+$0x2A00] =	vst v16;
	v16 =	vadd.f32 v16, v17;
	v17 =	vadd.f32 v20, v18  }
0x175: {  	v2 =	vadd.f32 v19, v2;
	s0 =	sadd.s32 s9, s0  }
0x176: {  	[hbm4b:s0+s2] =	stream.linear.scatter [tilespmem:s31], [sflag:$0x6], $0x2800, $0x38;
	v1 =	vadd.f32 v16, v1;
	v0 =	vadd.f32 v17, v0;
	[tilespmem:$0xCB00] =	vst v63  }
0x177: {  	_ =	swait.ge [sflag:s29], $0x2800  }
0x178: {  	[sflag:s29] =	ssyncset.done $0x0  }
0x179: {  	[sflag:s29] =	ssyncadd.s32 $0xFFFFD800  }
0x17a: {  	_ =	swait.ge [sflag:s29], $0x2800  }
0x17b: {  	[sflag:s29] =	ssyncset.done $0x0  }
0x17c: {  	[sflag:s29] =	ssyncadd.s32 $0xFFFFD800  }
0x17d: {  	_ =	swait.ge [sflag:s29], $0x1400  }
0x17e: {  	[sflag:s29] =	ssyncset.done $0x0  }
0x17f: {  	s12 =	simm.s32 $0xF0;
	[sflag:s29] =	ssyncadd.s32 $0xFFFFEC00  }
0x180: {  	v16 =	vld [tilespmem:s12+$0x5190]  }
0x181: {  	v17 =	vld [tilespmem:s12+$0x110]  }
0x182: {  	v18 =	vld [tilespmem:s12+$0x190]  }
0x183: {  	s13 =	simm.s32 $0xA240;
	v20 =	vld [tilespmem:s12+$0x5110]  }
0x184: {  	v21 =	vld [tilespmem:s13+$0xFFFFFFC0];
	_ =	sdelay $0x3  }
0x185: {  	v17 =	vadd.f32 v20, v17  }
0x186: {  	v25 =	vshll.u32 v21, $0x10;
	v16 =	vadd.f32 v16, v18  }
0x187: {  	v19 =	vld [tilespmem:s12+$0x5120];
	v21 =	vand.u32 $0xFFFF0000, v21;
	v17 =	vadd.f32 v25, v17  }
0x188: {  	v36 =	vld [tilespmem:s12+$0x51A0];
	v16 =	vadd.f32 v21, v16  }
0x189: {  	v27 =	vld [tilespmem:s12+$0x120];
	[tilespmem:s12+$0x110] =	vst v17  }
0x18a: {  	v21 =	vld [tilespmem:s12+$0x1A0];
	[tilespmem:s12+$0x190] =	vst v16  }
0x18b: {  	v28 =	vld [tilespmem:s13+$0xFFFFFFD0];
	_ =	sdelay $0x3  }
0x18c: {  	v19 =	vadd.f32 v19, v27  }
0x18d: {  	v21 =	vadd.f32 v36, v21;
	v37 =	vshll.u32 v28, $0x10  }
0x18e: {  	v22 =	vld [tilespmem:s12+$0x5130];
	v38 =	vand.u32 $0xFFFF0000, v28;
	v19 =	vadd.f32 v37, v19  }
0x18f: {  	v39 =	vld [tilespmem:s12+$0x51B0];
	v21 =	vadd.f32 v38, v21  }
0x190: {  	v40 =	vld [tilespmem:s12+$0x1B0];
	[tilespmem:s12+$0x120] =	vst v19  }
0x191: {  	v41 =	vld [tilespmem:s12+$0x130];
	[tilespmem:s12+$0x1A0] =	vst v21  }
0x192: {  	v29 =	vld [tilespmem:s13+$0xFFFFFFE0];
	_ =	sdelay $0x3  }
0x193: {  	v22 =	vadd.f32 v22, v41  }
0x194: {  	v25 =	vadd.f32 v39, v40;
	v42 =	vshll.u32 v29, $0x10  }
0x195: {  	v23 =	vld [tilespmem:s12+$0x5140];
	v43 =	vand.u32 $0xFFFF0000, v29;
	v22 =	vadd.f32 v42, v22  }
0x196: {  	v24 =	vld [tilespmem:s12+$0x51C0];
	v25 =	vadd.f32 v43, v25  }
0x197: {  	v44 =	vld [tilespmem:s12+$0x1C0];
	[tilespmem:s12+$0x130] =	vst v22  }
0x198: {  	v45 =	vld [tilespmem:s12+$0x140];
	[tilespmem:s12+$0x1B0] =	vst v25  }
0x199: {  	v46 =	vld [tilespmem:s13+$0xFFFFFFF0];
	_ =	sdelay $0x3  }
0x19a: {  	v23 =	vadd.f32 v23, v45  }
0x19b: {  	v24 =	vadd.f32 v24, v44;
	v47 =	vshll.u32 v46, $0x10  }
0x19c: {  	v49 =	vld [tilespmem:s12+$0x51D0];
	v48 =	vand.u32 $0xFFFF0000, v46;
	v23 =	vadd.f32 v47, v23  }
0x19d: {  	v50 =	vld [tilespmem:s12+$0x1D0];
	v24 =	vadd.f32 v48, v24  }
0x19e: {  	v51 =	vld [tilespmem:s12+$0x150];
	[tilespmem:s12+$0x140] =	vst v23  }
0x19f: {  	v20 =	vld [tilespmem:s12+$0x5150];
	[tilespmem:s12+$0x1C0] =	vst v24  }
0x1a0: {  	v30 =	vld [tilespmem:s13+$0x0];
	_ =	sdelay $0x3  }
0x1a1: {  	v20 =	vadd.f32 v20, v51  }
0x1a2: {  	v27 =	vadd.f32 v49, v50;
	v52 =	vshll.u32 v30, $0x10  }
0x1a3: {  	v26 =	vld [tilespmem:s12+$0x5160];
	v53 =	vand.u32 $0xFFFF0000, v30;
	v20 =	vadd.f32 v52, v20  }
0x1a4: {  	v54 =	vld [tilespmem:s12+$0x51E0];
	v27 =	vadd.f32 v53, v27  }
0x1a5: {  	v55 =	vld [tilespmem:s12+$0x1E0];
	[tilespmem:s12+$0x150] =	vst v20  }
0x1a6: {  	v56 =	vld [tilespmem:s12+$0x160];
	v31 =	vmul.f32 v17, v17;
	v32 =	vmul.f32 v16, v16;
	[tilespmem:s12+$0x1D0] =	vst v27  }
0x1a7: {  	v33 =	vld [tilespmem:s13+$0x10]  }
0x1a8: {  	v16 =	vadd.f32 v16, v17;
	v17 =	vadd.f32 v32, v31;
	_ =	sdelay $0x1  }
0x1a9: {  	v14 =	vadd.f32 v17, v14;
	v17 =	vmul.f32 v19, v19;
	v57 =	vmul.f32 v21, v21  }
0x1aa: {  	v15 =	vadd.f32 v16, v15;
	v16 =	vadd.f32 v26, v56  }
0x1ab: {  	v28 =	vadd.f32 v54, v55;
	v17 =	vadd.f32 v57, v17;
	v58 =	vshll.u32 v33, $0x10  }
0x1ac: {  	v59 =	vadd.f32 v58, v16;
	v16 =	vadd.f32 v21, v19;
	v19 =	vand.u32 $0xFFFF0000, v33  }
0x1ad: {  	v61 =	vld [tilespmem:s12+$0x170];
	v60 =	vmul.f32 v22, v22;
	v28 =	vadd.f32 v19, v28;
	v19 =	vmul.f32 v25, v25  }
0x1ae: {  	v18 =	vld [tilespmem:s12+$0x51F0];
	v13 =	vadd.f32 v16, v13;
	v16 =	vadd.f32 v25, v22  }
0x1af: {  	v11 =	vadd.f32 v17, v11;
	v21 =	vld [tilespmem:s12+$0x1F0];
	[tilespmem:s12+$0x160] =	vst v59;
	v17 =	vadd.f32 v19, v60  }
0x1b0: {  	v22 =	vld [tilespmem:s12+$0x5170];
	[tilespmem:s12+$0x1E0] =	vst v28;
	v19 =	vmul.f32 v24, v24;
	v12 =	vadd.f32 v16, v12;
	v16 =	vmul.f32 v23, v23  }
0x1b1: {  	v9 =	vadd.f32 v17, v9;
	v17 =	vadd.f32 v24, v23;
	v23 =	vld [tilespmem:s13+$0x20]  }
0x1b2: {  	v16 =	vadd.f32 v19, v16;
	v19 =	vadd.f32 v27, v20  }
0x1b3: {  	v10 =	vadd.f32 v17, v10;
	v17 =	vmul.f32 v20, v20;
	v20 =	vmul.f32 v27, v27  }
0x1b4: {  	v18 =	vadd.f32 v18, v21;
	v8 =	vadd.f32 v19, v8  }
0x1b5: {  	v19 =	vadd.f32 v20, v17;
	v17 =	vadd.f32 v22, v61  }
0x1b6: {  	v7 =	vadd.f32 v16, v7;
	v20 =	vmul.f32 v59, v59;
	v21 =	vshll.u32 v23, $0x10  }
0x1b7: {  	v22 =	vmul.f32 v28, v28;
	v23 =	vand.u32 $0xFFFF0000, v23;
	v21 =	vadd.f32 v21, v17  }
0x1b8: {  	v16 =	vld [tilespmem:s12+$0x5200];
	v6 =	vadd.f32 v19, v6;
	v18 =	vadd.f32 v23, v18  }
0x1b9: {  	v17 =	vld [tilespmem:s12+$0x5180];
	v23 =	vadd.f32 v28, v59;
	v22 =	vadd.f32 v22, v20  }
0x1ba: {  	v19 =	vld [tilespmem:s12+$0x180];
	[tilespmem:s12+$0x170] =	vst v21;
	v62 =	vadd.f32 v18, v21;
	v21 =	vmul.f32 v21, v21;
	v63 =	vmul.f32 v18, v18  }
0x1bb: {  	v20 =	vld [tilespmem:s12+$0x200];
	v5 =	vadd.f32 v23, v5;
	v3 =	vadd.f32 v22, v3;
	[tilespmem:s12+$0x1F0] =	vst v18  }
0x1bc: {  	s15 =	simm.s32 $0x7C0;
	v4 =	vadd.f32 v62, v4;
	v18 =	vadd.f32 v63, v21;
	v21 =	vld [tilespmem:s13+$0x30]  }
.LBB2_8:
0x1bd: {  	p0 =	sne.s32 s15, $0x9FC0  }
0x1be: {  	s13 =	sadd.s32 $0x80, s13;
	s0 =	smov.u32 s15;
	s15 =	sadd.s32 $0x400, s15  }
0x1bf: {  	v2 =	vadd.f32 v18, v2  }
0x1c0: {  	v17 =	vadd.f32 v17, v19;
	v16 =	vadd.f32 v16, v20  }
0x1c1: {  	s0 =	sshra.s32 s0, $0x2  }
0x1c2: {  	v18 =	vld [tilespmem:s0+$0x5190];
	v19 =	vshll.u32 v21, $0x10;
	v20 =	vand.u32 $0xFFFF0000, v21  }
0x1c3: {  	v21 =	vld [tilespmem:s0+$0x110];
	v17 =	vadd.f32 v19, v17;
	v16 =	vadd.f32 v20, v16  }
0x1c4: {  	v19 =	vld [tilespmem:s0+$0x190]  }
0x1c5: {  	v20 =	vld [tilespmem:s0+$0x5120];
	[tilespmem:s12+$0x180] =	vst v17;
	v22 =	vadd.f32 v16, v17;
	v17 =	vmul.f32 v17, v17;
	v23 =	vmul.f32 v16, v16  }
0x1c6: {  	v24 =	vld [tilespmem:s0+$0x5110];
	[tilespmem:s12+$0x200] =	vst v16;
	s12 =	smov.u32 s0  }
0x1c7: {  	v16 =	vld [tilespmem:s13+$0xFFFFFFC0];
	v1 =	vadd.f32 v22, v1;
	v17 =	vadd.f32 v23, v17  }
0x1c8: {  	v22 =	vld [tilespmem:s12+$0x5130]  }
0x1c9: {  	v18 =	vadd.f32 v18, v19;
	v19 =	vld [tilespmem:s12+$0x5140];
	v0 =	vadd.f32 v17, v0  }
0x1ca: {  	v23 =	vld [tilespmem:s12+$0x51C0]  }
0x1cb: {  	v21 =	vadd.f32 v24, v21;
	v24 =	vld [tilespmem:s12+$0x5150]  }
0x1cc: {  	v25 =	vshll.u32 v16, $0x10;
	v16 =	vand.u32 $0xFFFF0000, v16;
	v17 =	vld [tilespmem:s12+$0x5160]  }
0x1cd: {  	v21 =	vadd.f32 v25, v21;
	v18 =	vadd.f32 v16, v18;
	v16 =	vld [tilespmem:s12+$0x51F0]  }
0x1ce: {  	v25 =	vld [tilespmem:s12+$0x51A0]  }
0x1cf: {  	[tilespmem:s12+$0x110] =	vst v21;
	v26 =	vadd.f32 v18, v21;
	v21 =	vmul.f32 v21, v21;
	v27 =	vmul.f32 v18, v18;
	v28 =	vld [tilespmem:s12+$0x1A0]  }
0x1d0: {  	[tilespmem:s12+$0x190] =	vst v18;
	v18 =	vld [tilespmem:s12+$0x120]  }
0x1d1: {  	v15 =	vadd.f32 v26, v15;
	v21 =	vadd.f32 v27, v21;
	v26 =	vld [tilespmem:s13+$0xFFFFFFD0];
	_ =	sdelay $0x1  }
0x1d2: {  	v14 =	vadd.f32 v21, v14;
	_ =	sdelay $0x1  }
0x1d3: {  	v18 =	vadd.f32 v20, v18;
	v20 =	vadd.f32 v25, v28  }
0x1d4: {  	v21 =	vshll.u32 v26, $0x10;
	v25 =	vand.u32 $0xFFFF0000, v26  }
0x1d5: {  	v18 =	vadd.f32 v21, v18;
	v20 =	vadd.f32 v25, v20  }
0x1d6: {  	v21 =	vld [tilespmem:s12+$0x51B0]  }
0x1d7: {  	[tilespmem:s12+$0x120] =	vst v18;
	v25 =	vadd.f32 v20, v18;
	v18 =	vmul.f32 v18, v18;
	v26 =	vmul.f32 v20, v20;
	v27 =	vld [tilespmem:s12+$0x1B0]  }
0x1d8: {  	[tilespmem:s12+$0x1A0] =	vst v20;
	v20 =	vld [tilespmem:s12+$0x130]  }
0x1d9: {  	v13 =	vadd.f32 v25, v13;
	v18 =	vadd.f32 v26, v18;
	v25 =	vld [tilespmem:s13+$0xFFFFFFE0];
	_ =	sdelay $0x1  }
0x1da: {  	v11 =	vadd.f32 v18, v11;
	_ =	sdelay $0x1  }
0x1db: {  	v18 =	vadd.f32 v22, v20;
	v20 =	vadd.f32 v21, v27  }
0x1dc: {  	v21 =	vshll.u32 v25, $0x10;
	v22 =	vand.u32 $0xFFFF0000, v25  }
0x1dd: {  	v18 =	vadd.f32 v21, v18;
	v20 =	vadd.f32 v22, v20;
	_ =	sdelay $0x1  }
0x1de: {  	[tilespmem:s12+$0x130] =	vst v18;
	v21 =	vadd.f32 v20, v18;
	v18 =	vmul.f32 v18, v18;
	v22 =	vmul.f32 v20, v20;
	v25 =	vld [tilespmem:s12+$0x1C0]  }
0x1df: {  	[tilespmem:s12+$0x1B0] =	vst v20;
	v20 =	vld [tilespmem:s12+$0x140]  }
0x1e0: {  	v12 =	vadd.f32 v21, v12;
	v18 =	vadd.f32 v22, v18;
	v21 =	vld [tilespmem:s13+$0xFFFFFFF0];
	_ =	sdelay $0x1  }
0x1e1: {  	v9 =	vadd.f32 v18, v9  }
0x1e2: {  	v18 =	vadd.f32 v23, v25  }
0x1e3: {  	v19 =	vadd.f32 v19, v20  }
0x1e4: {  	v20 =	vshll.u32 v21, $0x10;
	v21 =	vand.u32 $0xFFFF0000, v21  }
0x1e5: {  	v19 =	vadd.f32 v20, v19;
	v18 =	vadd.f32 v21, v18  }
0x1e6: {  	v20 =	vld [tilespmem:s12+$0x51D0]  }
0x1e7: {  	[tilespmem:s12+$0x140] =	vst v19;
	v21 =	vadd.f32 v18, v19;
	v19 =	vmul.f32 v19, v19;
	v22 =	vmul.f32 v18, v18;
	v23 =	vld [tilespmem:s12+$0x1D0]  }
0x1e8: {  	[tilespmem:s12+$0x1C0] =	vst v18;
	v18 =	vld [tilespmem:s12+$0x150]  }
0x1e9: {  	v10 =	vadd.f32 v21, v10;
	v19 =	vadd.f32 v22, v19;
	v21 =	vld [tilespmem:s13+$0x0];
	_ =	sdelay $0x1  }
0x1ea: {  	v7 =	vadd.f32 v19, v7;
	_ =	sdelay $0x1  }
0x1eb: {  	v19 =	vadd.f32 v20, v23;
	v18 =	vadd.f32 v24, v18  }
0x1ec: {  	v20 =	vshll.u32 v21, $0x10;
	v21 =	vand.u32 $0xFFFF0000, v21  }
0x1ed: {  	v18 =	vadd.f32 v20, v18;
	v19 =	vadd.f32 v21, v19  }
0x1ee: {  	v20 =	vld [tilespmem:s12+$0x51E0]  }
0x1ef: {  	[tilespmem:s12+$0x150] =	vst v18;
	v21 =	vadd.f32 v19, v18;
	v18 =	vmul.f32 v18, v18;
	v22 =	vmul.f32 v19, v19;
	v23 =	vld [tilespmem:s12+$0x1E0]  }
0x1f0: {  	[tilespmem:s12+$0x1D0] =	vst v19;
	v19 =	vld [tilespmem:s12+$0x160]  }
0x1f1: {  	v8 =	vadd.f32 v21, v8;
	v18 =	vadd.f32 v22, v18;
	v21 =	vld [tilespmem:s13+$0x10];
	_ =	sdelay $0x1  }
0x1f2: {  	v6 =	vadd.f32 v18, v6;
	_ =	sdelay $0x1  }
0x1f3: {  	v18 =	vadd.f32 v20, v23;
	v17 =	vadd.f32 v17, v19  }
0x1f4: {  	v19 =	vshll.u32 v21, $0x10;
	v20 =	vand.u32 $0xFFFF0000, v21  }
0x1f5: {  	v17 =	vadd.f32 v19, v17;
	v18 =	vadd.f32 v20, v18  }
0x1f6: {  	v19 =	vld [tilespmem:s12+$0x1F0]  }
0x1f7: {  	[tilespmem:s12+$0x160] =	vst v17;
	v20 =	vadd.f32 v18, v17;
	v17 =	vmul.f32 v17, v17;
	v21 =	vmul.f32 v18, v18;
	v22 =	vld [tilespmem:s12+$0x5170]  }
0x1f8: {  	[tilespmem:s12+$0x1E0] =	vst v18;
	v18 =	vld [tilespmem:s12+$0x170]  }
0x1f9: {  	v5 =	vadd.f32 v20, v5;
	v17 =	vadd.f32 v21, v17;
	v20 =	vld [tilespmem:s13+$0x20];
	_ =	sdelay $0x1  }
0x1fa: {  	v3 =	vadd.f32 v17, v3;
	v17 =	vadd.f32 v16, v19;
	_ =	sdelay $0x1  }
0x1fb: {  	v18 =	vadd.f32 v22, v18  }
0x1fc: {  	v19 =	vshll.u32 v20, $0x10;
	v20 =	vand.u32 $0xFFFF0000, v20;
	v16 =	vld [tilespmem:s12+$0x5200]  }
.Ltmp3:
0x1fd: {  	v18 =	vadd.f32 v19, v18;
	v21 =	vadd.f32 v20, v17;
	v17 =	vld [tilespmem:s12+$0x5180];
	(pc) =	sbr.rel @p0 .LBB2_8-.Ltmp3, $4  }
0x1fe: {  	v19 =	vld [tilespmem:s12+$0x180]  }
0x1ff: {  	[tilespmem:s12+$0x170] =	vst v18;
	v22 =	vadd.f32 v21, v18;
	v18 =	vmul.f32 v18, v18;
	v23 =	vmul.f32 v21, v21;
	v20 =	vld [tilespmem:s12+$0x200]  }
0x200: {  	[tilespmem:s12+$0x1F0] =	vst v21  }
0x201: {  	v4 =	vadd.f32 v22, v4;
	v18 =	vadd.f32 v23, v18;
	v21 =	vld [tilespmem:s13+$0x30]  }
0x202: {  	_ =	sdelay $0x2  }
0x203: {  	v17 =	vadd.f32 v17, v19  }
0x204: {  	v16 =	vadd.f32 v16, v20;
	v58 =	vshll.u32 v21, $0x10  }
0x205: {  	v59 =	vand.u32 $0xFFFF0000, v21;
	v17 =	vadd.f32 v58, v17  }
0x206: {  	v16 =	vadd.f32 v59, v16  }
0x207: {  	[tilespmem:s12+$0x180] =	vst v17  }
0x208: {  	s0 =	rddreg [dreg:$0x8];
	s13 =	simm.s32 $0x6;
	[tilespmem:s12+$0x200] =	vst v16  }
0x209: {  	[hbm4b:s0+s2] =	stream.linear.scatter [tilespmem:s25], [sflag:$0x5], $0x2800, $0x38;
	[tilespmem:$0xCB00] =	vst v63  }
0x20a: {  	_ =	swait.ge [sflag:s13], $0x2800  }
0x20b: {  	[sflag:s13] =	ssyncset.done $0x0  }
0x20c: {  	[sflag:s13] =	ssyncadd.s32 $0xFFFFD800  }
0x20d: {  	_ =	swait.ge [sflag:s11], $0x2800  }
0x20e: {  	[sflag:s11] =	ssyncset.done $0x0  }
0x20f: {  	[sflag:s11] =	ssyncadd.s32 $0xFFFFD800  }
0x210: {  	[tilespmem:$0xCA00] =	vst v15  }
0x211: {  	[tilespmem:$0xCA80] =	vst v14  }
0x212: {  	[tilespmem:$0xCA10] =	vst v13  }
0x213: {  	[tilespmem:$0xCA90] =	vst v11  }
0x214: {  	[tilespmem:$0xCA20] =	vst v12  }
0x215: {  	[tilespmem:$0xCAA0] =	vst v9  }
0x216: {  	[tilespmem:$0xCA30] =	vst v10  }
0x217: {  	[tilespmem:$0xCAB0] =	vst v7  }
0x218: {  	[tilespmem:$0xCA40] =	vst v8  }
0x219: {  	v60 =	vmul.f32 v17, v17;
	v61 =	vmul.f32 v16, v16;
	[tilespmem:$0xCAC0] =	vst v6  }
0x21a: {  	v62 =	vadd.f32 v16, v17;
	[tilespmem:$0xCA50] =	vst v5  }
0x21b: {  	v2 =	vadd.f32 v18, v2;
	v63 =	vadd.f32 v61, v60;
	[tilespmem:$0xCAD0] =	vst v3  }
0x21c: {  	v1 =	vadd.f32 v62, v1;
	[tilespmem:$0xCA60] =	vst v4  }
0x21d: {  	v0 =	vadd.f32 v63, v0;
	[tilespmem:$0xCAE0] =	vst v2  }
0x21e: {  	[tilespmem:$0xCA70] =	vst v1  }
0x21f: {  	s17 =	simm.s32 $0xCA00;
	s18 =	simm.s32 $0x7;
	s15 =	rddreg [dreg:$0x9];
	[tilespmem:$0xCAF0] =	vst v0  }
0x220: {  	[hbm4b:s15+s2] =	stream.linear.scatter [tilespmem:s17], [sflag:$0x7], $0x100, $0x38;
	[tilespmem:$0xCB00] =	vst v63  }
0x221: {  	_ =	swait.ge [sflag:s18], $0x100  }
0x222: {  	s13 =	rddreg [dreg:$0xb]  }
0x223: {  	s19 =	rddreg [dreg:$0xa];
	s13 =	sadd.s32 $0x1, s13  }
0x224: {  	p0 =	sne.s32 s13, s19  }
.Ltmp4:
0x225: {  	_ = 	snop;
	(pc) =	sbr.rel @p0 .LBB2_1-.Ltmp4, $3  }
0x226: {  	_ =	sdelay $0x1  }
0x227: {  	[sflag:s18] =	ssyncset.done $0x0  }
0x228: {  	[sflag:s18] =	ssyncadd.s32 $0xFFFFFF00  }
0x229: {  	_ =	sfence.sel $0x180000  }
0x22a: {  	[bflag:$0x0] =	sbarrier.arrive $0xFFFF  }
0x22b: {  	_ =	strace $0x90000047  }
0x22c: {  	s0 =	stileid.u32;
	[bflag:$0x2] =	sbarrier.arrive $0xFFFF  }
0x22d: {  	p0 =	sne.s32 s0, $0x0;
	s0 =	rddreg [dreg:$0x2]  }
0x22e: {  	s0 =	sadd.s32 @!p0 $0x100000, s0  }
0x22f: {  	[sflag:s0] =	ssyncadd.tile.s32 @!p0 $0x1;
	_ =	shalt  }
.Lfunc_end2:
_tile_overlayer_lowered:
.L_overlay_start_2:
0x230: {  	(tag) =	ssettag $0x2  }
0x231: {  	s0 =	rddreg [dreg:$0x0];
	s2 =	stileid.u32  }
0x232: {  	s1 =	rddreg [dreg:$0x1];
	p0 =	sne.s32 s2, $0x0  }
0x233: {  	s3 =	rddreg [dreg:$0x2];
	[bflag:$0x3] =	sbarrier.arrive $0xFFFF;
	s2 =	simm.s32 @!p0 $0x1C07  }
0x234: {  	[timem:s3], [sflag:s2] =	dma.local @!p0 [hbm:s0], s1  }
0x235: {  	s0 =	simm.s32 @!p0 $0x7  }
0x236: {  	_ =	swait.ge @!p0 [sflag:s0], s1  }
0x237: {  	s1 =	ssub.s32 @!p0 $0x0, s1;
	[sflag:s0] =	ssyncset.done @!p0 $0x0  }
0x238: {  	[sflag:s0] =	ssyncadd.s32 @!p0 s1  }
0x239: {  	[bflag:$0x3] =	sbarrier.arrive $0xFFFF  }
0x23a: {  	_ =	shalt  }

</sc_bundles>
